<compile_context>
chip_gen: v7x
topology: tpu7x:2x2x1
jax: 0.10.2.dev20260603
libtpu: 0.0.44.dev20260713+nightly
codegen_flags: <defaults>
</compile_context>

<pallas_src>
import functools

import jax
import jax.numpy as jnp
from jax import lax
from jax.experimental import pallas as pl
from jax.experimental.pallas import tpu as pltpu
from jax.experimental.pallas import tpu_sc as plsc

B = 16384
D = 128
NC = 2
NS = 16
NW = NC * NS
BPW = B // NW
C = 64
NCH = BPW // C
NB = 4
LANES = 16


def _body(heads_hbm, rels_hbm, tails_hbm, ent_hbm, rel_hbm, out_hbm,
          hidx, ridx, tidx, ob, rb, tb, rel_sh,
          sem_g0, sem_g1, sem_g2, sem_g3,
          sem_r0, sem_r1, sem_r2, sem_r3,
          sem_o0, sem_o1, sem_o2, sem_o3):
    sid = lax.axis_index("s")
    wid = sid * NC + lax.axis_index("c")
    base = wid * BPW

    @pl.when(sid == 0)
    def _():
        pltpu.sync_copy(rel_hbm, rel_sh)

    pltpu.sync_copy(heads_hbm.at[pl.ds(base, BPW)], hidx)
    pltpu.sync_copy(rels_hbm.at[pl.ds(base, BPW)], ridx)
    pltpu.sync_copy(tails_hbm.at[pl.ds(base, BPW)], tidx)

    sg = (sem_g0, sem_g1, sem_g2, sem_g3)
    sr = (sem_r0, sem_r1, sem_r2, sem_r3)
    so = (sem_o0, sem_o1, sem_o2, sem_o3)

    def start_gather(g):
        p = g % NB
        off = g * C
        rel_src = rel_hbm if g == 0 else rel_sh
        return (
            pltpu.async_copy(ent_hbm.at[hidx.at[pl.ds(off, C)]], ob.at[p], sg[p]),
            pltpu.async_copy(rel_src.at[ridx.at[pl.ds(off, C)]], rb.at[p], sr[p]),
            pltpu.async_copy(ent_hbm.at[tidx.at[pl.ds(off, C)]], tb.at[p], sg[p]),
        )

    inflight = [None] * NB
    outflight = [None] * NB
    inflight[0] = start_gather(0)
    plsc.subcore_barrier()
    for g in range(1, min(NB - 1, NCH)):
        inflight[g % NB] = start_gather(g)

    for g in range(NCH):
        p = g % NB
        for cp in inflight[p]:
            cp.wait()

        rp, tp, op = rb.at[p], tb.at[p], ob.at[p]

        def row(r2, rc):
            for u in range(2):
                r = r2 * 2 + u
                for d in range(D // LANES):
                    sl = pl.ds(d * LANES, LANES)
                    plsc.addupdate(op.at[r, sl], rp[r, sl] - tp[r, sl])
            return rc

        lax.fori_loop(0, C // 2, row, 0)
        outflight[p] = pltpu.async_copy(
            op, out_hbm.at[pl.ds(base + g * C, C)], so[p])

        gn = g + NB - 1
        if gn < NCH:
            pn = gn % NB
            if outflight[pn] is not None:
                outflight[pn].wait()
            inflight[pn] = start_gather(gn)

    for p in range(NB):
        if outflight[p] is not None:
            outflight[p].wait()


def kernel(heads, relations, tails, entity_table, relation_table):
    mesh = plsc.VectorSubcoreMesh(core_axis_name="c", subcore_axis_name="s")
    k = functools.partial(
        pl.kernel,
        mesh=mesh,
        out_type=jax.ShapeDtypeStruct((B, D), jnp.float32),
        scratch_types=[
            pltpu.VMEM((BPW,), jnp.int32),
            pltpu.VMEM((BPW,), jnp.int32),
            pltpu.VMEM((BPW,), jnp.int32),
            pltpu.VMEM((NB, C, D), jnp.float32),
            pltpu.VMEM((NB, C, D), jnp.float32),
            pltpu.VMEM((NB, C, D), jnp.float32),
            pltpu.VMEM_SHARED((1000, D), jnp.float32),
            pltpu.SemaphoreType.DMA,
            pltpu.SemaphoreType.DMA,
            pltpu.SemaphoreType.DMA,
            pltpu.SemaphoreType.DMA,
            pltpu.SemaphoreType.DMA,
            pltpu.SemaphoreType.DMA,
            pltpu.SemaphoreType.DMA,
            pltpu.SemaphoreType.DMA,
            pltpu.SemaphoreType.DMA,
            pltpu.SemaphoreType.DMA,
            pltpu.SemaphoreType.DMA,
            pltpu.SemaphoreType.DMA,
        ],
    )(_body)
    return k(heads.astype(jnp.int32), relations.astype(jnp.int32),
             tails.astype(jnp.int32), entity_table, relation_table)

# --- scband reference (transcript-rebuilt; emitter-appended) ---
"""Pipeline reference for scband-trans-emodel-56573309224583 (READ-ONLY COPY).

The authoritative reference and input builder live on the scoring server;
editing this copy changes nothing except your own understanding.
"""

import jax, jax.numpy as jnp
import numpy as np

NUM_ENTITIES = 100000
NUM_RELATIONS = 1000
EMBED_DIM = 128
BATCH = 16384

def setup_inputs(seed: int = 0) -> dict:
    key = jax.random.key(seed)
    k1, k2, k3, k4, k5 = jax.random.split(key, 5)
    heads = jax.random.randint(k1, (BATCH,), 0, NUM_ENTITIES, dtype=jnp.int64 if jax.config.jax_enable_x64 else jnp.int32)
    relations = jax.random.randint(k2, (BATCH,), 0, NUM_RELATIONS, dtype=jnp.int64 if jax.config.jax_enable_x64 else jnp.int32)
    tails = jax.random.randint(k3, (BATCH,), 0, NUM_ENTITIES, dtype=jnp.int64 if jax.config.jax_enable_x64 else jnp.int32)
    entity_table = jax.random.normal(k4, (NUM_ENTITIES, EMBED_DIM), dtype=jnp.float32)
    relation_table = jax.random.normal(k5, (NUM_RELATIONS, EMBED_DIM), dtype=jnp.float32)
    return {"heads": heads, "relations": relations, "tails": tails, "entity_table": entity_table, "relation_table": relation_table}

def reference(heads, relations, tails, entity_table, relation_table):
    head_embeddings = jnp.take(entity_table, heads, axis=0)
    relation_embeddings = jnp.take(relation_table, relations, axis=0)
    tail_embeddings = jnp.take(entity_table, tails, axis=0)
    return head_embeddings + relation_embeddings - tail_embeddings

if __name__ == "__main__":
    import jax
    _d = setup_inputs()
    print(jax.jit(kernel)(*tuple(_d.values())))

</pallas_src>

<mosaic_0001>
#map = affine_map<(d0, d1) -> (0)>
#map1 = affine_map<(d0, d1) -> (0, 0)>
module attributes {stable_mosaic.version = 14 : i64} {
  func.func @_body(%arg0: i32, %arg1: i32, %arg2: memref<16384xi32, #tpu.memory_space<hbm>>, %arg3: memref<16384xi32, #tpu.memory_space<hbm>>, %arg4: memref<16384xi32, #tpu.memory_space<hbm>>, %arg5: memref<100000x128xf32, #tpu.memory_space<hbm>>, %arg6: memref<1000x128xf32, #tpu.memory_space<hbm>>, %arg7: memref<16384x128xf32, #tpu.memory_space<hbm>>, %arg8: memref<512xi32, #tpu.memory_space<vmem>>, %arg9: memref<512xi32, #tpu.memory_space<vmem>>, %arg10: memref<512xi32, #tpu.memory_space<vmem>>, %arg11: memref<4x64x128xf32, #tpu.memory_space<vmem>>, %arg12: memref<4x64x128xf32, #tpu.memory_space<vmem>>, %arg13: memref<4x64x128xf32, #tpu.memory_space<vmem>>, %arg14: memref<1000x128xf32, #tpu.memory_space<vmem_shared>>, %arg15: memref<!tpu.dma_semaphore, #tpu.memory_space<semaphore_mem>>, %arg16: memref<!tpu.dma_semaphore, #tpu.memory_space<semaphore_mem>>, %arg17: memref<!tpu.dma_semaphore, #tpu.memory_space<semaphore_mem>>, %arg18: memref<!tpu.dma_semaphore, #tpu.memory_space<semaphore_mem>>, %arg19: memref<!tpu.dma_semaphore, #tpu.memory_space<semaphore_mem>>, %arg20: memref<!tpu.dma_semaphore, #tpu.memory_space<semaphore_mem>>, %arg21: memref<!tpu.dma_semaphore, #tpu.memory_space<semaphore_mem>>, %arg22: memref<!tpu.dma_semaphore, #tpu.memory_space<semaphore_mem>>, %arg23: memref<!tpu.dma_semaphore, #tpu.memory_space<semaphore_mem>>, %arg24: memref<!tpu.dma_semaphore, #tpu.memory_space<semaphore_mem>>, %arg25: memref<!tpu.dma_semaphore, #tpu.memory_space<semaphore_mem>>, %arg26: memref<!tpu.dma_semaphore, #tpu.memory_space<semaphore_mem>>) attributes {dimension_semantics = [#tpu.dimension_semantics<core_parallel>, #tpu.dimension_semantics<subcore_parallel>], iteration_bounds = array<i64: 2, 16>, scalar_prefetch = 0 : i64, scratch_operands = 19 : i64, tpu.core_type = #tpu.core_type<sc_vector_subcore>, window_params = [{transform_indices = #map}, {transform_indices = #map}, {transform_indices = #map}, {transform_indices = #map1}, {transform_indices = #map1}, {transform_indices = #map1}]} {
    %mul3A = arith.constant 2 : i32
    %mul3A_0 = arith.muli %arg1, %mul3A : i32
    %add3A = arith.addi %mul3A_0, %arg0 : i32
    %mul3A_1 = arith.constant 512 : i32
    %mul3A_2 = arith.muli %add3A, %mul3A_1 : i32
    %eq3A = arith.constant 0 : i32
    %eq3A_3 = arith.cmpi eq, %arg1, %eq3A : i32
    %convert_element_type3A = arith.extui %eq3A_3 : i1 to i32
    %cond3A = arith.constant 0 : i32
    %cond3A_4 = arith.cmpi ne, %convert_element_type3A, %cond3A : i32
    scf.if %cond3A_4 {
      "tpu.region"() ({
        %run_scoped3A = tpu.sem_alloc : memref<!tpu.dma_semaphore, #tpu.memory_space<semaphore_mem>>
        tpu.enqueue_dma source(%arg6 : memref<1000x128xf32, #tpu.memory_space<hbm>>) target(%arg14 : memref<1000x128xf32, #tpu.memory_space<vmem_shared>>) target_semaphore(%run_scoped3A : memref<!tpu.dma_semaphore, #tpu.memory_space<semaphore_mem>>)
        tpu.wait_dma2 semaphore(%run_scoped3A : memref<!tpu.dma_semaphore, #tpu.memory_space<semaphore_mem>>) src(%arg6 : memref<1000x128xf32, #tpu.memory_space<hbm>>) dst(%arg14 : memref<1000x128xf32, #tpu.memory_space<vmem_shared>>)
        tpu.yield
      }) : () -> ()
    } else {
    }
    "tpu.region"() ({
      %run_scoped3A = tpu.sem_alloc : memref<!tpu.dma_semaphore, #tpu.memory_space<semaphore_mem>>
      %dma_start3A_778 = tpu.memref_slice %arg2[%mul3A_2] : memref<16384xi32, #tpu.memory_space<hbm>> -> memref<512xi32, #tpu.memory_space<hbm>>
      %dma_start3A_779 = tpu.memref_slice %arg2[%mul3A_2] : memref<16384xi32, #tpu.memory_space<hbm>> -> memref<512xi32, #tpu.memory_space<hbm>>
      tpu.enqueue_dma source(%dma_start3A_779 : memref<512xi32, #tpu.memory_space<hbm>>) target(%arg8 : memref<512xi32, #tpu.memory_space<vmem>>) target_semaphore(%run_scoped3A : memref<!tpu.dma_semaphore, #tpu.memory_space<semaphore_mem>>)
      %dma_wait3A_780 = tpu.memref_slice %arg2[%mul3A_2] : memref<16384xi32, #tpu.memory_space<hbm>> -> memref<512xi32, #tpu.memory_space<hbm>>
      %dma_wait3A_781 = tpu.memref_slice %arg2[%mul3A_2] : memref<16384xi32, #tpu.memory_space<hbm>> -> memref<512xi32, #tpu.memory_space<hbm>>
      tpu.wait_dma2 semaphore(%run_scoped3A : memref<!tpu.dma_semaphore, #tpu.memory_space<semaphore_mem>>) src(%dma_wait3A_781 : memref<512xi32, #tpu.memory_space<hbm>>) dst(%arg8 : memref<512xi32, #tpu.memory_space<vmem>>)
      tpu.yield
    }) : () -> ()
    "tpu.region"() ({
      %run_scoped3A = tpu.sem_alloc : memref<!tpu.dma_semaphore, #tpu.memory_space<semaphore_mem>>
      %dma_start3A_778 = tpu.memref_slice %arg3[%mul3A_2] : memref<16384xi32, #tpu.memory_space<hbm>> -> memref<512xi32, #tpu.memory_space<hbm>>
      %dma_start3A_779 = tpu.memref_slice %arg3[%mul3A_2] : memref<16384xi32, #tpu.memory_space<hbm>> -> memref<512xi32, #tpu.memory_space<hbm>>
      tpu.enqueue_dma source(%dma_start3A_779 : memref<512xi32, #tpu.memory_space<hbm>>) target(%arg9 : memref<512xi32, #tpu.memory_space<vmem>>) target_semaphore(%run_scoped3A : memref<!tpu.dma_semaphore, #tpu.memory_space<semaphore_mem>>)
      %dma_wait3A_780 = tpu.memref_slice %arg3[%mul3A_2] : memref<16384xi32, #tpu.memory_space<hbm>> -> memref<512xi32, #tpu.memory_space<hbm>>
      %dma_wait3A_781 = tpu.memref_slice %arg3[%mul3A_2] : memref<16384xi32, #tpu.memory_space<hbm>> -> memref<512xi32, #tpu.memory_space<hbm>>
      tpu.wait_dma2 semaphore(%run_scoped3A : memref<!tpu.dma_semaphore, #tpu.memory_space<semaphore_mem>>) src(%dma_wait3A_781 : memref<512xi32, #tpu.memory_space<hbm>>) dst(%arg9 : memref<512xi32, #tpu.memory_space<vmem>>)
      tpu.yield
    }) : () -> ()
    "tpu.region"() ({
      %run_scoped3A = tpu.sem_alloc : memref<!tpu.dma_semaphore, #tpu.memory_space<semaphore_mem>>
      %dma_start3A_778 = tpu.memref_slice %arg4[%mul3A_2] : memref<16384xi32, #tpu.memory_space<hbm>> -> memref<512xi32, #tpu.memory_space<hbm>>
      %dma_start3A_779 = tpu.memref_slice %arg4[%mul3A_2] : memref<16384xi32, #tpu.memory_space<hbm>> -> memref<512xi32, #tpu.memory_space<hbm>>
      tpu.enqueue_dma source(%dma_start3A_779 : memref<512xi32, #tpu.memory_space<hbm>>) target(%arg10 : memref<512xi32, #tpu.memory_space<vmem>>) target_semaphore(%run_scoped3A : memref<!tpu.dma_semaphore, #tpu.memory_space<semaphore_mem>>)
      %dma_wait3A_780 = tpu.memref_slice %arg4[%mul3A_2] : memref<16384xi32, #tpu.memory_space<hbm>> -> memref<512xi32, #tpu.memory_space<hbm>>
      %dma_wait3A_781 = tpu.memref_slice %arg4[%mul3A_2] : memref<16384xi32, #tpu.memory_space<hbm>> -> memref<512xi32, #tpu.memory_space<hbm>>
      tpu.wait_dma2 semaphore(%run_scoped3A : memref<!tpu.dma_semaphore, #tpu.memory_space<semaphore_mem>>) src(%dma_wait3A_781 : memref<512xi32, #tpu.memory_space<hbm>>) dst(%arg10 : memref<512xi32, #tpu.memory_space<vmem>>)
      tpu.yield
    }) : () -> ()
    %dma_start3A = arith.constant 0 : i32
    %dma_start3A_5 = arith.constant 0 : i32
    %dma_start3A_6 = arith.constant 0 : i32
    %dma_start3A_7 = tpu.memref_slice %arg11[%dma_start3A, %dma_start3A_5, %dma_start3A_6] : memref<4x64x128xf32, #tpu.memory_space<vmem>> -> memref<1x64x128xf32, #tpu.memory_space<vmem>>
    %dma_start3A_8 = tpu.memref_squeeze %dma_start3A_7 : memref<1x64x128xf32, #tpu.memory_space<vmem>> -> memref<64x128xf32, #tpu.memory_space<vmem>>
    %dma_start3A_9 = arith.constant 0 : i32
    %dma_start3A_10 = tpu.memref_slice %arg8[%dma_start3A_9] : memref<512xi32, #tpu.memory_space<vmem>> -> memref<64xi32, #tpu.memory_space<vmem>>
    %dma_start3A_11 = arith.constant 0 : i32
    %dma_start3A_12 = arith.constant 0 : i32
    %dma_start3A_13 = tpu.memref_slice %arg5[%dma_start3A_11, %dma_start3A_12] : memref<100000x128xf32, #tpu.memory_space<hbm>> -> memref<100000x128xf32, #tpu.memory_space<hbm>>
    tpu.enqueue_indirect_dma source(%dma_start3A_13 : memref<100000x128xf32, #tpu.memory_space<hbm>>) target(%dma_start3A_8 : memref<64x128xf32, #tpu.memory_space<vmem>>) offsets(%dma_start3A_10 : memref<64xi32, #tpu.memory_space<vmem>>) semaphore(%arg15 : memref<!tpu.dma_semaphore, #tpu.memory_space<semaphore_mem>>)
    %dma_start3A_14 = arith.constant 0 : i32
    %dma_start3A_15 = arith.constant 0 : i32
    %dma_start3A_16 = arith.constant 0 : i32
    %dma_start3A_17 = tpu.memref_slice %arg12[%dma_start3A_14, %dma_start3A_15, %dma_start3A_16] : memref<4x64x128xf32, #tpu.memory_space<vmem>> -> memref<1x64x128xf32, #tpu.memory_space<vmem>>
    %dma_start3A_18 = tpu.memref_squeeze %dma_start3A_17 : memref<1x64x128xf32, #tpu.memory_space<vmem>> -> memref<64x128xf32, #tpu.memory_space<vmem>>
    %dma_start3A_19 = arith.constant 0 : i32
    %dma_start3A_20 = tpu.memref_slice %arg9[%dma_start3A_19] : memref<512xi32, #tpu.memory_space<vmem>> -> memref<64xi32, #tpu.memory_space<vmem>>
    %dma_start3A_21 = arith.constant 0 : i32
    %dma_start3A_22 = arith.constant 0 : i32
    %dma_start3A_23 = tpu.memref_slice %arg6[%dma_start3A_21, %dma_start3A_22] : memref<1000x128xf32, #tpu.memory_space<hbm>> -> memref<1000x128xf32, #tpu.memory_space<hbm>>
    tpu.enqueue_indirect_dma source(%dma_start3A_23 : memref<1000x128xf32, #tpu.memory_space<hbm>>) target(%dma_start3A_18 : memref<64x128xf32, #tpu.memory_space<vmem>>) offsets(%dma_start3A_20 : memref<64xi32, #tpu.memory_space<vmem>>) semaphore(%arg19 : memref<!tpu.dma_semaphore, #tpu.memory_space<semaphore_mem>>)
    %dma_start3A_24 = arith.constant 0 : i32
    %dma_start3A_25 = arith.constant 0 : i32
    %dma_start3A_26 = arith.constant 0 : i32
    %dma_start3A_27 = tpu.memref_slice %arg13[%dma_start3A_24, %dma_start3A_25, %dma_start3A_26] : memref<4x64x128xf32, #tpu.memory_space<vmem>> -> memref<1x64x128xf32, #tpu.memory_space<vmem>>
    %dma_start3A_28 = tpu.memref_squeeze %dma_start3A_27 : memref<1x64x128xf32, #tpu.memory_space<vmem>> -> memref<64x128xf32, #tpu.memory_space<vmem>>
    %dma_start3A_29 = arith.constant 0 : i32
    %dma_start3A_30 = tpu.memref_slice %arg10[%dma_start3A_29] : memref<512xi32, #tpu.memory_space<vmem>> -> memref<64xi32, #tpu.memory_space<vmem>>
    %dma_start3A_31 = arith.constant 0 : i32
    %dma_start3A_32 = arith.constant 0 : i32
    %dma_start3A_33 = tpu.memref_slice %arg5[%dma_start3A_31, %dma_start3A_32] : memref<100000x128xf32, #tpu.memory_space<hbm>> -> memref<100000x128xf32, #tpu.memory_space<hbm>>
    tpu.enqueue_indirect_dma source(%dma_start3A_33 : memref<100000x128xf32, #tpu.memory_space<hbm>>) target(%dma_start3A_28 : memref<64x128xf32, #tpu.memory_space<vmem>>) offsets(%dma_start3A_30 : memref<64xi32, #tpu.memory_space<vmem>>) semaphore(%arg15 : memref<!tpu.dma_semaphore, #tpu.memory_space<semaphore_mem>>)
    %barrier3A = arith.constant 0 : index
    tpu.barrier barrier_id(%barrier3A)
    %dma_start3A_34 = arith.constant 1 : i32
    %dma_start3A_35 = arith.constant 0 : i32
    %dma_start3A_36 = arith.constant 0 : i32
    %dma_start3A_37 = tpu.memref_slice %arg11[%dma_start3A_34, %dma_start3A_35, %dma_start3A_36] : memref<4x64x128xf32, #tpu.memory_space<vmem>> -> memref<1x64x128xf32, #tpu.memory_space<vmem>>
    %dma_start3A_38 = tpu.memref_squeeze %dma_start3A_37 : memref<1x64x128xf32, #tpu.memory_space<vmem>> -> memref<64x128xf32, #tpu.memory_space<vmem>>
    %dma_start3A_39 = arith.constant 64 : i32
    %dma_start3A_40 = tpu.memref_slice %arg8[%dma_start3A_39] : memref<512xi32, #tpu.memory_space<vmem>> -> memref<64xi32, #tpu.memory_space<vmem>>
    %dma_start3A_41 = arith.constant 0 : i32
    %dma_start3A_42 = arith.constant 0 : i32
    %dma_start3A_43 = tpu.memref_slice %arg5[%dma_start3A_41, %dma_start3A_42] : memref<100000x128xf32, #tpu.memory_space<hbm>> -> memref<100000x128xf32, #tpu.memory_space<hbm>>
    tpu.enqueue_indirect_dma source(%dma_start3A_43 : memref<100000x128xf32, #tpu.memory_space<hbm>>) target(%dma_start3A_38 : memref<64x128xf32, #tpu.memory_space<vmem>>) offsets(%dma_start3A_40 : memref<64xi32, #tpu.memory_space<vmem>>) semaphore(%arg16 : memref<!tpu.dma_semaphore, #tpu.memory_space<semaphore_mem>>)
    %dma_start3A_44 = arith.constant 1 : i32
    %dma_start3A_45 = arith.constant 0 : i32
    %dma_start3A_46 = arith.constant 0 : i32
    %dma_start3A_47 = tpu.memref_slice %arg12[%dma_start3A_44, %dma_start3A_45, %dma_start3A_46] : memref<4x64x128xf32, #tpu.memory_space<vmem>> -> memref<1x64x128xf32, #tpu.memory_space<vmem>>
    %dma_start3A_48 = tpu.memref_squeeze %dma_start3A_47 : memref<1x64x128xf32, #tpu.memory_space<vmem>> -> memref<64x128xf32, #tpu.memory_space<vmem>>
    %dma_start3A_49 = arith.constant 64 : i32
    %dma_start3A_50 = tpu.memref_slice %arg9[%dma_start3A_49] : memref<512xi32, #tpu.memory_space<vmem>> -> memref<64xi32, #tpu.memory_space<vmem>>
    %dma_start3A_51 = arith.constant 0 : i32
    %dma_start3A_52 = arith.constant 0 : i32
    %dma_start3A_53 = tpu.memref_slice %arg14[%dma_start3A_51, %dma_start3A_52] : memref<1000x128xf32, #tpu.memory_space<vmem_shared>> -> memref<1000x128xf32, #tpu.memory_space<vmem_shared>>
    tpu.enqueue_indirect_dma source(%dma_start3A_53 : memref<1000x128xf32, #tpu.memory_space<vmem_shared>>) target(%dma_start3A_48 : memref<64x128xf32, #tpu.memory_space<vmem>>) offsets(%dma_start3A_50 : memref<64xi32, #tpu.memory_space<vmem>>) semaphore(%arg20 : memref<!tpu.dma_semaphore, #tpu.memory_space<semaphore_mem>>)
    %dma_start3A_54 = arith.constant 1 : i32
    %dma_start3A_55 = arith.constant 0 : i32
    %dma_start3A_56 = arith.constant 0 : i32
    %dma_start3A_57 = tpu.memref_slice %arg13[%dma_start3A_54, %dma_start3A_55, %dma_start3A_56] : memref<4x64x128xf32, #tpu.memory_space<vmem>> -> memref<1x64x128xf32, #tpu.memory_space<vmem>>
    %dma_start3A_58 = tpu.memref_squeeze %dma_start3A_57 : memref<1x64x128xf32, #tpu.memory_space<vmem>> -> memref<64x128xf32, #tpu.memory_space<vmem>>
    %dma_start3A_59 = arith.constant 64 : i32
    %dma_start3A_60 = tpu.memref_slice %arg10[%dma_start3A_59] : memref<512xi32, #tpu.memory_space<vmem>> -> memref<64xi32, #tpu.memory_space<vmem>>
    %dma_start3A_61 = arith.constant 0 : i32
    %dma_start3A_62 = arith.constant 0 : i32
    %dma_start3A_63 = tpu.memref_slice %arg5[%dma_start3A_61, %dma_start3A_62] : memref<100000x128xf32, #tpu.memory_space<hbm>> -> memref<100000x128xf32, #tpu.memory_space<hbm>>
    tpu.enqueue_indirect_dma source(%dma_start3A_63 : memref<100000x128xf32, #tpu.memory_space<hbm>>) target(%dma_start3A_58 : memref<64x128xf32, #tpu.memory_space<vmem>>) offsets(%dma_start3A_60 : memref<64xi32, #tpu.memory_space<vmem>>) semaphore(%arg16 : memref<!tpu.dma_semaphore, #tpu.memory_space<semaphore_mem>>)
    %dma_start3A_64 = arith.constant 2 : i32
    %dma_start3A_65 = arith.constant 0 : i32
    %dma_start3A_66 = arith.constant 0 : i32
    %dma_start3A_67 = tpu.memref_slice %arg11[%dma_start3A_64, %dma_start3A_65, %dma_start3A_66] : memref<4x64x128xf32, #tpu.memory_space<vmem>> -> memref<1x64x128xf32, #tpu.memory_space<vmem>>
    %dma_start3A_68 = tpu.memref_squeeze %dma_start3A_67 : memref<1x64x128xf32, #tpu.memory_space<vmem>> -> memref<64x128xf32, #tpu.memory_space<vmem>>
    %dma_start3A_69 = arith.constant 128 : i32
    %dma_start3A_70 = tpu.memref_slice %arg8[%dma_start3A_69] : memref<512xi32, #tpu.memory_space<vmem>> -> memref<64xi32, #tpu.memory_space<vmem>>
    %dma_start3A_71 = arith.constant 0 : i32
    %dma_start3A_72 = arith.constant 0 : i32
    %dma_start3A_73 = tpu.memref_slice %arg5[%dma_start3A_71, %dma_start3A_72] : memref<100000x128xf32, #tpu.memory_space<hbm>> -> memref<100000x128xf32, #tpu.memory_space<hbm>>
    tpu.enqueue_indirect_dma source(%dma_start3A_73 : memref<100000x128xf32, #tpu.memory_space<hbm>>) target(%dma_start3A_68 : memref<64x128xf32, #tpu.memory_space<vmem>>) offsets(%dma_start3A_70 : memref<64xi32, #tpu.memory_space<vmem>>) semaphore(%arg17 : memref<!tpu.dma_semaphore, #tpu.memory_space<semaphore_mem>>)
    %dma_start3A_74 = arith.constant 2 : i32
    %dma_start3A_75 = arith.constant 0 : i32
    %dma_start3A_76 = arith.constant 0 : i32
    %dma_start3A_77 = tpu.memref_slice %arg12[%dma_start3A_74, %dma_start3A_75, %dma_start3A_76] : memref<4x64x128xf32, #tpu.memory_space<vmem>> -> memref<1x64x128xf32, #tpu.memory_space<vmem>>
    %dma_start3A_78 = tpu.memref_squeeze %dma_start3A_77 : memref<1x64x128xf32, #tpu.memory_space<vmem>> -> memref<64x128xf32, #tpu.memory_space<vmem>>
    %dma_start3A_79 = arith.constant 128 : i32
    %dma_start3A_80 = tpu.memref_slice %arg9[%dma_start3A_79] : memref<512xi32, #tpu.memory_space<vmem>> -> memref<64xi32, #tpu.memory_space<vmem>>
    %dma_start3A_81 = arith.constant 0 : i32
    %dma_start3A_82 = arith.constant 0 : i32
    %dma_start3A_83 = tpu.memref_slice %arg14[%dma_start3A_81, %dma_start3A_82] : memref<1000x128xf32, #tpu.memory_space<vmem_shared>> -> memref<1000x128xf32, #tpu.memory_space<vmem_shared>>
    tpu.enqueue_indirect_dma source(%dma_start3A_83 : memref<1000x128xf32, #tpu.memory_space<vmem_shared>>) target(%dma_start3A_78 : memref<64x128xf32, #tpu.memory_space<vmem>>) offsets(%dma_start3A_80 : memref<64xi32, #tpu.memory_space<vmem>>) semaphore(%arg21 : memref<!tpu.dma_semaphore, #tpu.memory_space<semaphore_mem>>)
    %dma_start3A_84 = arith.constant 2 : i32
    %dma_start3A_85 = arith.constant 0 : i32
    %dma_start3A_86 = arith.constant 0 : i32
    %dma_start3A_87 = tpu.memref_slice %arg13[%dma_start3A_84, %dma_start3A_85, %dma_start3A_86] : memref<4x64x128xf32, #tpu.memory_space<vmem>> -> memref<1x64x128xf32, #tpu.memory_space<vmem>>
    %dma_start3A_88 = tpu.memref_squeeze %dma_start3A_87 : memref<1x64x128xf32, #tpu.memory_space<vmem>> -> memref<64x128xf32, #tpu.memory_space<vmem>>
    %dma_start3A_89 = arith.constant 128 : i32
    %dma_start3A_90 = tpu.memref_slice %arg10[%dma_start3A_89] : memref<512xi32, #tpu.memory_space<vmem>> -> memref<64xi32, #tpu.memory_space<vmem>>
    %dma_start3A_91 = arith.constant 0 : i32
    %dma_start3A_92 = arith.constant 0 : i32
    %dma_start3A_93 = tpu.memref_slice %arg5[%dma_start3A_91, %dma_start3A_92] : memref<100000x128xf32, #tpu.memory_space<hbm>> -> memref<100000x128xf32, #tpu.memory_space<hbm>>
    tpu.enqueue_indirect_dma source(%dma_start3A_93 : memref<100000x128xf32, #tpu.memory_space<hbm>>) target(%dma_start3A_88 : memref<64x128xf32, #tpu.memory_space<vmem>>) offsets(%dma_start3A_90 : memref<64xi32, #tpu.memory_space<vmem>>) semaphore(%arg17 : memref<!tpu.dma_semaphore, #tpu.memory_space<semaphore_mem>>)
    %dma_wait3A = arith.constant 0 : i32
    %dma_wait3A_94 = arith.constant 0 : i32
    %dma_wait3A_95 = arith.constant 0 : i32
    %dma_wait3A_96 = tpu.memref_slice %arg11[%dma_wait3A, %dma_wait3A_94, %dma_wait3A_95] : memref<4x64x128xf32, #tpu.memory_space<vmem>> -> memref<1x64x128xf32, #tpu.memory_space<vmem>>
    %dma_wait3A_97 = tpu.memref_squeeze %dma_wait3A_96 : memref<1x64x128xf32, #tpu.memory_space<vmem>> -> memref<64x128xf32, #tpu.memory_space<vmem>>
    %dma_wait3A_98 = arith.constant 0 : i32
    %dma_wait3A_99 = tpu.memref_slice %arg8[%dma_wait3A_98] : memref<512xi32, #tpu.memory_space<vmem>> -> memref<64xi32, #tpu.memory_space<vmem>>
    %dma_wait3A_100 = arith.constant 0 : i32
    %dma_wait3A_101 = arith.constant 0 : i32
    %dma_wait3A_102 = tpu.memref_slice %arg5[%dma_wait3A_100, %dma_wait3A_101] : memref<100000x128xf32, #tpu.memory_space<hbm>> -> memref<100000x128xf32, #tpu.memory_space<hbm>>
    tpu.wait_indirect_dma semaphore(%arg15 : memref<!tpu.dma_semaphore, #tpu.memory_space<semaphore_mem>>) src(%dma_wait3A_102 : memref<100000x128xf32, #tpu.memory_space<hbm>>) dst(%dma_wait3A_97 : memref<64x128xf32, #tpu.memory_space<vmem>>)
    %dma_wait3A_103 = arith.constant 0 : i32
    %dma_wait3A_104 = arith.constant 0 : i32
    %dma_wait3A_105 = arith.constant 0 : i32
    %dma_wait3A_106 = tpu.memref_slice %arg12[%dma_wait3A_103, %dma_wait3A_104, %dma_wait3A_105] : memref<4x64x128xf32, #tpu.memory_space<vmem>> -> memref<1x64x128xf32, #tpu.memory_space<vmem>>
    %dma_wait3A_107 = tpu.memref_squeeze %dma_wait3A_106 : memref<1x64x128xf32, #tpu.memory_space<vmem>> -> memref<64x128xf32, #tpu.memory_space<vmem>>
    %dma_wait3A_108 = arith.constant 0 : i32
    %dma_wait3A_109 = tpu.memref_slice %arg9[%dma_wait3A_108] : memref<512xi32, #tpu.memory_space<vmem>> -> memref<64xi32, #tpu.memory_space<vmem>>
    %dma_wait3A_110 = arith.constant 0 : i32
    %dma_wait3A_111 = arith.constant 0 : i32
    %dma_wait3A_112 = tpu.memref_slice %arg6[%dma_wait3A_110, %dma_wait3A_111] : memref<1000x128xf32, #tpu.memory_space<hbm>> -> memref<1000x128xf32, #tpu.memory_space<hbm>>
    tpu.wait_indirect_dma semaphore(%arg19 : memref<!tpu.dma_semaphore, #tpu.memory_space<semaphore_mem>>) src(%dma_wait3A_112 : memref<1000x128xf32, #tpu.memory_space<hbm>>) dst(%dma_wait3A_107 : memref<64x128xf32, #tpu.memory_space<vmem>>)
    %dma_wait3A_113 = arith.constant 0 : i32
    %dma_wait3A_114 = arith.constant 0 : i32
    %dma_wait3A_115 = arith.constant 0 : i32
    %dma_wait3A_116 = tpu.memref_slice %arg13[%dma_wait3A_113, %dma_wait3A_114, %dma_wait3A_115] : memref<4x64x128xf32, #tpu.memory_space<vmem>> -> memref<1x64x128xf32, #tpu.memory_space<vmem>>
    %dma_wait3A_117 = tpu.memref_squeeze %dma_wait3A_116 : memref<1x64x128xf32, #tpu.memory_space<vmem>> -> memref<64x128xf32, #tpu.memory_space<vmem>>
    %dma_wait3A_118 = arith.constant 0 : i32
    %dma_wait3A_119 = tpu.memref_slice %arg10[%dma_wait3A_118] : memref<512xi32, #tpu.memory_space<vmem>> -> memref<64xi32, #tpu.memory_space<vmem>>
    %dma_wait3A_120 = arith.constant 0 : i32
    %dma_wait3A_121 = arith.constant 0 : i32
    %dma_wait3A_122 = tpu.memref_slice %arg5[%dma_wait3A_120, %dma_wait3A_121] : memref<100000x128xf32, #tpu.memory_space<hbm>> -> memref<100000x128xf32, #tpu.memory_space<hbm>>
    tpu.wait_indirect_dma semaphore(%arg15 : memref<!tpu.dma_semaphore, #tpu.memory_space<semaphore_mem>>) src(%dma_wait3A_122 : memref<100000x128xf32, #tpu.memory_space<hbm>>) dst(%dma_wait3A_117 : memref<64x128xf32, #tpu.memory_space<vmem>>)
    %scan3A = arith.constant 0 : i32
    %scan3A_123 = arith.constant 0 : i32
    %scan3A_124 = arith.constant 0 : i32
    %scan3A_125 = arith.constant 0 : i32
    %scan3A_126 = arith.constant 0 : i32
    %scan3A_127 = arith.constant 32 : i32
    %scan3A_128 = arith.addi %scan3A_126, %scan3A_127 : i32
    %scan3A_129 = arith.constant 1 : i32
    scf.for %scan3A_778 = %scan3A_126 to %scan3A_128 step %scan3A_129  : i32 {
      %mul3A_779 = arith.constant 2 : i32
      %mul3A_780 = arith.muli %scan3A_778, %mul3A_779 : i32
      %add3A_781 = arith.constant 0 : i32
      %add3A_782 = arith.addi %mul3A_780, %add3A_781 : i32
      %get3A = arith.constant 0 : i32
      %get3A_783 = arith.constant 0 : i32
      %get3A_784 = tpu.memref_slice %arg12[%scan3A_123, %get3A, %get3A_783] : memref<4x64x128xf32, #tpu.memory_space<vmem>> -> memref<1x64x128xf32, #tpu.memory_space<vmem>>
      %get3A_785 = tpu.memref_squeeze %get3A_784 : memref<1x64x128xf32, #tpu.memory_space<vmem>> -> memref<64x128xf32, #tpu.memory_space<vmem>>
      %get3A_786 = arith.index_cast %add3A_782 : i32 to index
      %get3A_787 = arith.constant 0 : index
      %get3A_788 = tpu.vector_load %get3A_785[%get3A_786, %get3A_787] {strides = array<i32>} : memref<64x128xf32, #tpu.memory_space<vmem>>, vector<1x16xf32>,
      %get3A_789 = vector.shape_cast %get3A_788 : vector<1x16xf32> to vector<16xf32>
      %get3A_790 = arith.constant 0 : i32
      %get3A_791 = arith.constant 0 : i32
      %get3A_792 = tpu.memref_slice %arg13[%scan3A_124, %get3A_790, %get3A_791] : memref<4x64x128xf32, #tpu.memory_space<vmem>> -> memref<1x64x128xf32, #tpu.memory_space<vmem>>
      %get3A_793 = tpu.memref_squeeze %get3A_792 : memref<1x64x128xf32, #tpu.memory_space<vmem>> -> memref<64x128xf32, #tpu.memory_space<vmem>>
      %get3A_794 = arith.index_cast %add3A_782 : i32 to index
      %get3A_795 = arith.constant 0 : index
      %get3A_796 = tpu.vector_load %get3A_793[%get3A_794, %get3A_795] {strides = array<i32>} : memref<64x128xf32, #tpu.memory_space<vmem>>, vector<1x16xf32>,
      %get3A_797 = vector.shape_cast %get3A_796 : vector<1x16xf32> to vector<16xf32>
      %sub3A = arith.subf %get3A_789, %get3A_797 : vector<16xf32>
      %swap3A = arith.constant 0 : i32
      %swap3A_798 = arith.constant 0 : i32
      %swap3A_799 = tpu.memref_slice %arg11[%scan3A_125, %swap3A, %swap3A_798] : memref<4x64x128xf32, #tpu.memory_space<vmem>> -> memref<1x64x128xf32, #tpu.memory_space<vmem>>
      %swap3A_800 = tpu.memref_squeeze %swap3A_799 : memref<1x64x128xf32, #tpu.memory_space<vmem>> -> memref<64x128xf32, #tpu.memory_space<vmem>>
      %swap3A_801 = arith.index_cast %add3A_782 : i32 to index
      %swap3A_802 = arith.constant 0 : index
      %swap3A_803 = tpu.vector_load %swap3A_800[%swap3A_801, %swap3A_802] {strides = array<i32>} : memref<64x128xf32, #tpu.memory_space<vmem>>, vector<1x16xf32>,
      %swap3A_804 = vector.shape_cast %swap3A_803 : vector<1x16xf32> to vector<16xf32>
      %swap3A_805 = vector.shape_cast %sub3A : vector<16xf32> to vector<1x16xf32>
      tpu.vector_store %swap3A_800[%swap3A_801, %swap3A_802], %swap3A_805 {add = true, strides = array<i32>} : memref<64x128xf32, #tpu.memory_space<vmem>>, vector<1x16xf32>,
      %get3A_806 = arith.constant 0 : i32
      %get3A_807 = arith.constant 0 : i32
      %get3A_808 = tpu.memref_slice %arg12[%scan3A_123, %get3A_806, %get3A_807] : memref<4x64x128xf32, #tpu.memory_space<vmem>> -> memref<1x64x128xf32, #tpu.memory_space<vmem>>
      %get3A_809 = tpu.memref_squeeze %get3A_808 : memref<1x64x128xf32, #tpu.memory_space<vmem>> -> memref<64x128xf32, #tpu.memory_space<vmem>>
      %get3A_810 = arith.index_cast %add3A_782 : i32 to index
      %get3A_811 = arith.constant 16 : index
      %get3A_812 = tpu.vector_load %get3A_809[%get3A_810, %get3A_811] {strides = array<i32>} : memref<64x128xf32, #tpu.memory_space<vmem>>, vector<1x16xf32>,
      %get3A_813 = vector.shape_cast %get3A_812 : vector<1x16xf32> to vector<16xf32>
      %get3A_814 = arith.constant 0 : i32
      %get3A_815 = arith.constant 0 : i32
      %get3A_816 = tpu.memref_slice %arg13[%scan3A_124, %get3A_814, %get3A_815] : memref<4x64x128xf32, #tpu.memory_space<vmem>> -> memref<1x64x128xf32, #tpu.memory_space<vmem>>
      %get3A_817 = tpu.memref_squeeze %get3A_816 : memref<1x64x128xf32, #tpu.memory_space<vmem>> -> memref<64x128xf32, #tpu.memory_space<vmem>>
      %get3A_818 = arith.index_cast %add3A_782 : i32 to index
      %get3A_819 = arith.constant 16 : index
      %get3A_820 = tpu.vector_load %get3A_817[%get3A_818, %get3A_819] {strides = array<i32>} : memref<64x128xf32, #tpu.memory_space<vmem>>, vector<1x16xf32>,
      %get3A_821 = vector.shape_cast %get3A_820 : vector<1x16xf32> to vector<16xf32>
      %sub3A_822 = arith.subf %get3A_813, %get3A_821 : vector<16xf32>
      %swap3A_823 = arith.constant 0 : i32
      %swap3A_824 = arith.constant 0 : i32
      %swap3A_825 = tpu.memref_slice %arg11[%scan3A_125, %swap3A_823, %swap3A_824] : memref<4x64x128xf32, #tpu.memory_space<vmem>> -> memref<1x64x128xf32, #tpu.memory_space<vmem>>
      %swap3A_826 = tpu.memref_squeeze %swap3A_825 : memref<1x64x128xf32, #tpu.memory_space<vmem>> -> memref<64x128xf32, #tpu.memory_space<vmem>>
      %swap3A_827 = arith.index_cast %add3A_782 : i32 to index
      %swap3A_828 = arith.constant 16 : index
      %swap3A_829 = tpu.vector_load %swap3A_826[%swap3A_827, %swap3A_828] {strides = array<i32>} : memref<64x128xf32, #tpu.memory_space<vmem>>, vector<1x16xf32>,
      %swap3A_830 = vector.shape_cast %swap3A_829 : vector<1x16xf32> to vector<16xf32>
      %swap3A_831 = vector.shape_cast %sub3A_822 : vector<16xf32> to vector<1x16xf32>
      tpu.vector_store %swap3A_826[%swap3A_827, %swap3A_828], %swap3A_831 {add = true, strides = array<i32>} : memref<64x128xf32, #tpu.memory_space<vmem>>, vector<1x16xf32>,
      %get3A_832 = arith.constant 0 : i32
      %get3A_833 = arith.constant 0 : i32
      %get3A_834 = tpu.memref_slice %arg12[%scan3A_123, %get3A_832, %get3A_833] : memref<4x64x128xf32, #tpu.memory_space<vmem>> -> memref<1x64x128xf32, #tpu.memory_space<vmem>>
      %get3A_835 = tpu.memref_squeeze %get3A_834 : memref<1x64x128xf32, #tpu.memory_space<vmem>> -> memref<64x128xf32, #tpu.memory_space<vmem>>
      %get3A_836 = arith.index_cast %add3A_782 : i32 to index
      %get3A_837 = arith.constant 32 : index
      %get3A_838 = tpu.vector_load %get3A_835[%get3A_836, %get3A_837] {strides = array<i32>} : memref<64x128xf32, #tpu.memory_space<vmem>>, vector<1x16xf32>,
      %get3A_839 = vector.shape_cast %get3A_838 : vector<1x16xf32> to vector<16xf32>
      %get3A_840 = arith.constant 0 : i32
      %get3A_841 = arith.constant 0 : i32
      %get3A_842 = tpu.memref_slice %arg13[%scan3A_124, %get3A_840, %get3A_841] : memref<4x64x128xf32, #tpu.memory_space<vmem>> -> memref<1x64x128xf32, #tpu.memory_space<vmem>>
      %get3A_843 = tpu.memref_squeeze %get3A_842 : memref<1x64x128xf32, #tpu.memory_space<vmem>> -> memref<64x128xf32, #tpu.memory_space<vmem>>
      %get3A_844 = arith.index_cast %add3A_782 : i32 to index
      %get3A_845 = arith.constant 32 : index
      %get3A_846 = tpu.vector_load %get3A_843[%get3A_844, %get3A_845] {strides = array<i32>} : memref<64x128xf32, #tpu.memory_space<vmem>>, vector<1x16xf32>,
      %get3A_847 = vector.shape_cast %get3A_846 : vector<1x16xf32> to vector<16xf32>
      %sub3A_848 = arith.subf %get3A_839, %get3A_847 : vector<16xf32>
      %swap3A_849 = arith.constant 0 : i32
      %swap3A_850 = arith.constant 0 : i32
      %swap3A_851 = tpu.memref_slice %arg11[%scan3A_125, %swap3A_849, %swap3A_850] : memref<4x64x128xf32, #tpu.memory_space<vmem>> -> memref<1x64x128xf32, #tpu.memory_space<vmem>>
      %swap3A_852 = tpu.memref_squeeze %swap3A_851 : memref<1x64x128xf32, #tpu.memory_space<vmem>> -> memref<64x128xf32, #tpu.memory_space<vmem>>
      %swap3A_853 = arith.index_cast %add3A_782 : i32 to index
      %swap3A_854 = arith.constant 32 : index
      %swap3A_855 = tpu.vector_load %swap3A_852[%swap3A_853, %swap3A_854] {strides = array<i32>} : memref<64x128xf32, #tpu.memory_space<vmem>>, vector<1x16xf32>,
      %swap3A_856 = vector.shape_cast %swap3A_855 : vector<1x16xf32> to vector<16xf32>
      %swap3A_857 = vector.shape_cast %sub3A_848 : vector<16xf32> to vector<1x16xf32>
      tpu.vector_store %swap3A_852[%swap3A_853, %swap3A_854], %swap3A_857 {add = true, strides = array<i32>} : memref<64x128xf32, #tpu.memory_space<vmem>>, vector<1x16xf32>,
      %get3A_858 = arith.constant 0 : i32
      %get3A_859 = arith.constant 0 : i32
      %get3A_860 = tpu.memref_slice %arg12[%scan3A_123, %get3A_858, %get3A_859] : memref<4x64x128xf32, #tpu.memory_space<vmem>> -> memref<1x64x128xf32, #tpu.memory_space<vmem>>
      %get3A_861 = tpu.memref_squeeze %get3A_860 : memref<1x64x128xf32, #tpu.memory_space<vmem>> -> memref<64x128xf32, #tpu.memory_space<vmem>>
      %get3A_862 = arith.index_cast %add3A_782 : i32 to index
      %get3A_863 = arith.constant 48 : index
      %get3A_864 = tpu.vector_load %get3A_861[%get3A_862, %get3A_863] {strides = array<i32>} : memref<64x128xf32, #tpu.memory_space<vmem>>, vector<1x16xf32>,
      %get3A_865 = vector.shape_cast %get3A_864 : vector<1x16xf32> to vector<16xf32>
      %get3A_866 = arith.constant 0 : i32
      %get3A_867 = arith.constant 0 : i32
      %get3A_868 = tpu.memref_slice %arg13[%scan3A_124, %get3A_866, %get3A_867] : memref<4x64x128xf32, #tpu.memory_space<vmem>> -> memref<1x64x128xf32, #tpu.memory_space<vmem>>
      %get3A_869 = tpu.memref_squeeze %get3A_868 : memref<1x64x128xf32, #tpu.memory_space<vmem>> -> memref<64x128xf32, #tpu.memory_space<vmem>>
      %get3A_870 = arith.index_cast %add3A_782 : i32 to index
      %get3A_871 = arith.constant 48 : index
      %get3A_872 = tpu.vector_load %get3A_869[%get3A_870, %get3A_871] {strides = array<i32>} : memref<64x128xf32, #tpu.memory_space<vmem>>, vector<1x16xf32>,
      %get3A_873 = vector.shape_cast %get3A_872 : vector<1x16xf32> to vector<16xf32>
      %sub3A_874 = arith.subf %get3A_865, %get3A_873 : vector<16xf32>
      %swap3A_875 = arith.constant 0 : i32
      %swap3A_876 = arith.constant 0 : i32
      %swap3A_877 = tpu.memref_slice %arg11[%scan3A_125, %swap3A_875, %swap3A_876] : memref<4x64x128xf32, #tpu.memory_space<vmem>> -> memref<1x64x128xf32, #tpu.memory_space<vmem>>
      %swap3A_878 = tpu.memref_squeeze %swap3A_877 : memref<1x64x128xf32, #tpu.memory_space<vmem>> -> memref<64x128xf32, #tpu.memory_space<vmem>>
      %swap3A_879 = arith.index_cast %add3A_782 : i32 to index
      %swap3A_880 = arith.constant 48 : index
      %swap3A_881 = tpu.vector_load %swap3A_878[%swap3A_879, %swap3A_880] {strides = array<i32>} : memref<64x128xf32, #tpu.memory_space<vmem>>, vector<1x16xf32>,
      %swap3A_882 = vector.shape_cast %swap3A_881 : vector<1x16xf32> to vector<16xf32>
      %swap3A_883 = vector.shape_cast %sub3A_874 : vector<16xf32> to vector<1x16xf32>
      tpu.vector_store %swap3A_878[%swap3A_879, %swap3A_880], %swap3A_883 {add = true, strides = array<i32>} : memref<64x128xf32, #tpu.memory_space<vmem>>, vector<1x16xf32>,
      %get3A_884 = arith.constant 0 : i32
      %get3A_885 = arith.constant 0 : i32
      %get3A_886 = tpu.memref_slice %arg12[%scan3A_123, %get3A_884, %get3A_885] : memref<4x64x128xf32, #tpu.memory_space<vmem>> -> memref<1x64x128xf32, #tpu.memory_space<vmem>>
      %get3A_887 = tpu.memref_squeeze %get3A_886 : memref<1x64x128xf32, #tpu.memory_space<vmem>> -> memref<64x128xf32, #tpu.memory_space<vmem>>
      %get3A_888 = arith.index_cast %add3A_782 : i32 to index
      %get3A_889 = arith.constant 64 : index
      %get3A_890 = tpu.vector_load %get3A_887[%get3A_888, %get3A_889] {strides = array<i32>} : memref<64x128xf32, #tpu.memory_space<vmem>>, vector<1x16xf32>,
      %get3A_891 = vector.shape_cast %get3A_890 : vector<1x16xf32> to vector<16xf32>
      %get3A_892 = arith.constant 0 : i32
      %get3A_893 = arith.constant 0 : i32
      %get3A_894 = tpu.memref_slice %arg13[%scan3A_124, %get3A_892, %get3A_893] : memref<4x64x128xf32, #tpu.memory_space<vmem>> -> memref<1x64x128xf32, #tpu.memory_space<vmem>>
      %get3A_895 = tpu.memref_squeeze %get3A_894 : memref<1x64x128xf32, #tpu.memory_space<vmem>> -> memref<64x128xf32, #tpu.memory_space<vmem>>
      %get3A_896 = arith.index_cast %add3A_782 : i32 to index
      %get3A_897 = arith.constant 64 : index
      %get3A_898 = tpu.vector_load %get3A_895[%get3A_896, %get3A_897] {strides = array<i32>} : memref<64x128xf32, #tpu.memory_space<vmem>>, vector<1x16xf32>,
      %get3A_899 = vector.shape_cast %get3A_898 : vector<1x16xf32> to vector<16xf32>
      %sub3A_900 = arith.subf %get3A_891, %get3A_899 : vector<16xf32>
      %swap3A_901 = arith.constant 0 : i32
      %swap3A_902 = arith.constant 0 : i32
      %swap3A_903 = tpu.memref_slice %arg11[%scan3A_125, %swap3A_901, %swap3A_902] : memref<4x64x128xf32, #tpu.memory_space<vmem>> -> memref<1x64x128xf32, #tpu.memory_space<vmem>>
      %swap3A_904 = tpu.memref_squeeze %swap3A_903 : memref<1x64x128xf32, #tpu.memory_space<vmem>> -> memref<64x128xf32, #tpu.memory_space<vmem>>
      %swap3A_905 = arith.index_cast %add3A_782 : i32 to index
      %swap3A_906 = arith.constant 64 : index
      %swap3A_907 = tpu.vector_load %swap3A_904[%swap3A_905, %swap3A_906] {strides = array<i32>} : memref<64x128xf32, #tpu.memory_space<vmem>>, vector<1x16xf32>,
      %swap3A_908 = vector.shape_cast %swap3A_907 : vector<1x16xf32> to vector<16xf32>
      %swap3A_909 = vector.shape_cast %sub3A_900 : vector<16xf32> to vector<1x16xf32>
      tpu.vector_store %swap3A_904[%swap3A_905, %swap3A_906], %swap3A_909 {add = true, strides = array<i32>} : memref<64x128xf32, #tpu.memory_space<vmem>>, vector<1x16xf32>,
      %get3A_910 = arith.constant 0 : i32
      %get3A_911 = arith.constant 0 : i32
      %get3A_912 = tpu.memref_slice %arg12[%scan3A_123, %get3A_910, %get3A_911] : memref<4x64x128xf32, #tpu.memory_space<vmem>> -> memref<1x64x128xf32, #tpu.memory_space<vmem>>
      %get3A_913 = tpu.memref_squeeze %get3A_912 : memref<1x64x128xf32, #tpu.memory_space<vmem>> -> memref<64x128xf32, #tpu.memory_space<vmem>>
      %get3A_914 = arith.index_cast %add3A_782 : i32 to index
      %get3A_915 = arith.constant 80 : index
      %get3A_916 = tpu.vector_load %get3A_913[%get3A_914, %get3A_915] {strides = array<i32>} : memref<64x128xf32, #tpu.memory_space<vmem>>, vector<1x16xf32>,
      %get3A_917 = vector.shape_cast %get3A_916 : vector<1x16xf32> to vector<16xf32>
      %get3A_918 = arith.constant 0 : i32
      %get3A_919 = arith.constant 0 : i32
      %get3A_920 = tpu.memref_slice %arg13[%scan3A_124, %get3A_918, %get3A_919] : memref<4x64x128xf32, #tpu.memory_space<vmem>> -> memref<1x64x128xf32, #tpu.memory_space<vmem>>
      %get3A_921 = tpu.memref_squeeze %get3A_920 : memref<1x64x128xf32, #tpu.memory_space<vmem>> -> memref<64x128xf32, #tpu.memory_space<vmem>>
      %get3A_922 = arith.index_cast %add3A_782 : i32 to index
      %get3A_923 = arith.constant 80 : index
      %get3A_924 = tpu.vector_load %get3A_921[%get3A_922, %get3A_923] {strides = array<i32>} : memref<64x128xf32, #tpu.memory_space<vmem>>, vector<1x16xf32>,
      %get3A_925 = vector.shape_cast %get3A_924 : vector<1x16xf32> to vector<16xf32>
      %sub3A_926 = arith.subf %get3A_917, %get3A_925 : vector<16xf32>
      %swap3A_927 = arith.constant 0 : i32
      %swap3A_928 = arith.constant 0 : i32
      %swap3A_929 = tpu.memref_slice %arg11[%scan3A_125, %swap3A_927, %swap3A_928] : memref<4x64x128xf32, #tpu.memory_space<vmem>> -> memref<1x64x128xf32, #tpu.memory_space<vmem>>
      %swap3A_930 = tpu.memref_squeeze %swap3A_929 : memref<1x64x128xf32, #tpu.memory_space<vmem>> -> memref<64x128xf32, #tpu.memory_space<vmem>>
      %swap3A_931 = arith.index_cast %add3A_782 : i32 to index
      %swap3A_932 = arith.constant 80 : index
      %swap3A_933 = tpu.vector_load %swap3A_930[%swap3A_931, %swap3A_932] {strides = array<i32>} : memref<64x128xf32, #tpu.memory_space<vmem>>, vector<1x16xf32>,
      %swap3A_934 = vector.shape_cast %swap3A_933 : vector<1x16xf32> to vector<16xf32>
      %swap3A_935 = vector.shape_cast %sub3A_926 : vector<16xf32> to vector<1x16xf32>
      tpu.vector_store %swap3A_930[%swap3A_931, %swap3A_932], %swap3A_935 {add = true, strides = array<i32>} : memref<64x128xf32, #tpu.memory_space<vmem>>, vector<1x16xf32>,
      %get3A_936 = arith.constant 0 : i32
      %get3A_937 = arith.constant 0 : i32
      %get3A_938 = tpu.memref_slice %arg12[%scan3A_123, %get3A_936, %get3A_937] : memref<4x64x128xf32, #tpu.memory_space<vmem>> -> memref<1x64x128xf32, #tpu.memory_space<vmem>>
      %get3A_939 = tpu.memref_squeeze %get3A_938 : memref<1x64x128xf32, #tpu.memory_space<vmem>> -> memref<64x128xf32, #tpu.memory_space<vmem>>
      %get3A_940 = arith.index_cast %add3A_782 : i32 to index
      %get3A_941 = arith.constant 96 : index
      %get3A_942 = tpu.vector_load %get3A_939[%get3A_940, %get3A_941] {strides = array<i32>} : memref<64x128xf32, #tpu.memory_space<vmem>>, vector<1x16xf32>,
      %get3A_943 = vector.shape_cast %get3A_942 : vector<1x16xf32> to vector<16xf32>
      %get3A_944 = arith.constant 0 : i32
      %get3A_945 = arith.constant 0 : i32
      %get3A_946 = tpu.memref_slice %arg13[%scan3A_124, %get3A_944, %get3A_945] : memref<4x64x128xf32, #tpu.memory_space<vmem>> -> memref<1x64x128xf32, #tpu.memory_space<vmem>>
      %get3A_947 = tpu.memref_squeeze %get3A_946 : memref<1x64x128xf32, #tpu.memory_space<vmem>> -> memref<64x128xf32, #tpu.memory_space<vmem>>
      %get3A_948 = arith.index_cast %add3A_782 : i32 to index
      %get3A_949 = arith.constant 96 : index
      %get3A_950 = tpu.vector_load %get3A_947[%get3A_948, %get3A_949] {strides = array<i32>} : memref<64x128xf32, #tpu.memory_space<vmem>>, vector<1x16xf32>,
      %get3A_951 = vector.shape_cast %get3A_950 : vector<1x16xf32> to vector<16xf32>
      %sub3A_952 = arith.subf %get3A_943, %get3A_951 : vector<16xf32>
      %swap3A_953 = arith.constant 0 : i32
      %swap3A_954 = arith.constant 0 : i32
      %swap3A_955 = tpu.memref_slice %arg11[%scan3A_125, %swap3A_953, %swap3A_954] : memref<4x64x128xf32, #tpu.memory_space<vmem>> -> memref<1x64x128xf32, #tpu.memory_space<vmem>>
      %swap3A_956 = tpu.memref_squeeze %swap3A_955 : memref<1x64x128xf32, #tpu.memory_space<vmem>> -> memref<64x128xf32, #tpu.memory_space<vmem>>
      %swap3A_957 = arith.index_cast %add3A_782 : i32 to index
      %swap3A_958 = arith.constant 96 : index
      %swap3A_959 = tpu.vector_load %swap3A_956[%swap3A_957, %swap3A_958] {strides = array<i32>} : memref<64x128xf32, #tpu.memory_space<vmem>>, vector<1x16xf32>,
      %swap3A_960 = vector.shape_cast %swap3A_959 : vector<1x16xf32> to vector<16xf32>
      %swap3A_961 = vector.shape_cast %sub3A_952 : vector<16xf32> to vector<1x16xf32>
      tpu.vector_store %swap3A_956[%swap3A_957, %swap3A_958], %swap3A_961 {add = true, strides = array<i32>} : memref<64x128xf32, #tpu.memory_space<vmem>>, vector<1x16xf32>,
      %get3A_962 = arith.constant 0 : i32
      %get3A_963 = arith.constant 0 : i32
      %get3A_964 = tpu.memref_slice %arg12[%scan3A_123, %get3A_962, %get3A_963] : memref<4x64x128xf32, #tpu.memory_space<vmem>> -> memref<1x64x128xf32, #tpu.memory_space<vmem>>
      %get3A_965 = tpu.memref_squeeze %get3A_964 : memref<1x64x128xf32, #tpu.memory_space<vmem>> -> memref<64x128xf32, #tpu.memory_space<vmem>>
      %get3A_966 = arith.index_cast %add3A_782 : i32 to index
      %get3A_967 = arith.constant 112 : index
      %get3A_968 = tpu.vector_load %get3A_965[%get3A_966, %get3A_967] {strides = array<i32>} : memref<64x128xf32, #tpu.memory_space<vmem>>, vector<1x16xf32>,
      %get3A_969 = vector.shape_cast %get3A_968 : vector<1x16xf32> to vector<16xf32>
      %get3A_970 = arith.constant 0 : i32
      %get3A_971 = arith.constant 0 : i32
      %get3A_972 = tpu.memref_slice %arg13[%scan3A_124, %get3A_970, %get3A_971] : memref<4x64x128xf32, #tpu.memory_space<vmem>> -> memref<1x64x128xf32, #tpu.memory_space<vmem>>
      %get3A_973 = tpu.memref_squeeze %get3A_972 : memref<1x64x128xf32, #tpu.memory_space<vmem>> -> memref<64x128xf32, #tpu.memory_space<vmem>>
      %get3A_974 = arith.index_cast %add3A_782 : i32 to index
      %get3A_975 = arith.constant 112 : index
      %get3A_976 = tpu.vector_load %get3A_973[%get3A_974, %get3A_975] {strides = array<i32>} : memref<64x128xf32, #tpu.memory_space<vmem>>, vector<1x16xf32>,
      %get3A_977 = vector.shape_cast %get3A_976 : vector<1x16xf32> to vector<16xf32>
      %sub3A_978 = arith.subf %get3A_969, %get3A_977 : vector<16xf32>
      %swap3A_979 = arith.constant 0 : i32
      %swap3A_980 = arith.constant 0 : i32
      %swap3A_981 = tpu.memref_slice %arg11[%scan3A_125, %swap3A_979, %swap3A_980] : memref<4x64x128xf32, #tpu.memory_space<vmem>> -> memref<1x64x128xf32, #tpu.memory_space<vmem>>
      %swap3A_982 = tpu.memref_squeeze %swap3A_981 : memref<1x64x128xf32, #tpu.memory_space<vmem>> -> memref<64x128xf32, #tpu.memory_space<vmem>>
      %swap3A_983 = arith.index_cast %add3A_782 : i32 to index
      %swap3A_984 = arith.constant 112 : index
      %swap3A_985 = tpu.vector_load %swap3A_982[%swap3A_983, %swap3A_984] {strides = array<i32>} : memref<64x128xf32, #tpu.memory_space<vmem>>, vector<1x16xf32>,
      %swap3A_986 = vector.shape_cast %swap3A_985 : vector<1x16xf32> to vector<16xf32>
      %swap3A_987 = vector.shape_cast %sub3A_978 : vector<16xf32> to vector<1x16xf32>
      tpu.vector_store %swap3A_982[%swap3A_983, %swap3A_984], %swap3A_987 {add = true, strides = array<i32>} : memref<64x128xf32, #tpu.memory_space<vmem>>, vector<1x16xf32>,
      %mul3A_988 = arith.constant 2 : i32
      %mul3A_989 = arith.muli %scan3A_778, %mul3A_988 : i32
      %add3A_990 = arith.constant 1 : i32
      %add3A_991 = arith.addi %mul3A_989, %add3A_990 : i32
      %get3A_992 = arith.constant 0 : i32
      %get3A_993 = arith.constant 0 : i32
      %get3A_994 = tpu.memref_slice %arg12[%scan3A_123, %get3A_992, %get3A_993] : memref<4x64x128xf32, #tpu.memory_space<vmem>> -> memref<1x64x128xf32, #tpu.memory_space<vmem>>
      %get3A_995 = tpu.memref_squeeze %get3A_994 : memref<1x64x128xf32, #tpu.memory_space<vmem>> -> memref<64x128xf32, #tpu.memory_space<vmem>>
      %get3A_996 = arith.index_cast %add3A_991 : i32 to index
      %get3A_997 = arith.constant 0 : index
      %get3A_998 = tpu.vector_load %get3A_995[%get3A_996, %get3A_997] {strides = array<i32>} : memref<64x128xf32, #tpu.memory_space<vmem>>, vector<1x16xf32>,
      %get3A_999 = vector.shape_cast %get3A_998 : vector<1x16xf32> to vector<16xf32>
      %get3A_1000 = arith.constant 0 : i32
      %get3A_1001 = arith.constant 0 : i32
      %get3A_1002 = tpu.memref_slice %arg13[%scan3A_124, %get3A_1000, %get3A_1001] : memref<4x64x128xf32, #tpu.memory_space<vmem>> -> memref<1x64x128xf32, #tpu.memory_space<vmem>>
      %get3A_1003 = tpu.memref_squeeze %get3A_1002 : memref<1x64x128xf32, #tpu.memory_space<vmem>> -> memref<64x128xf32, #tpu.memory_space<vmem>>
      %get3A_1004 = arith.index_cast %add3A_991 : i32 to index
      %get3A_1005 = arith.constant 0 : index
      %get3A_1006 = tpu.vector_load %get3A_1003[%get3A_1004, %get3A_1005] {strides = array<i32>} : memref<64x128xf32, #tpu.memory_space<vmem>>, vector<1x16xf32>,
      %get3A_1007 = vector.shape_cast %get3A_1006 : vector<1x16xf32> to vector<16xf32>
      %sub3A_1008 = arith.subf %get3A_999, %get3A_1007 : vector<16xf32>
      %swap3A_1009 = arith.constant 0 : i32
      %swap3A_1010 = arith.constant 0 : i32
      %swap3A_1011 = tpu.memref_slice %arg11[%scan3A_125, %swap3A_1009, %swap3A_1010] : memref<4x64x128xf32, #tpu.memory_space<vmem>> -> memref<1x64x128xf32, #tpu.memory_space<vmem>>
      %swap3A_1012 = tpu.memref_squeeze %swap3A_1011 : memref<1x64x128xf32, #tpu.memory_space<vmem>> -> memref<64x128xf32, #tpu.memory_space<vmem>>
      %swap3A_1013 = arith.index_cast %add3A_991 : i32 to index
      %swap3A_1014 = arith.constant 0 : index
      %swap3A_1015 = tpu.vector_load %swap3A_1012[%swap3A_1013, %swap3A_1014] {strides = array<i32>} : memref<64x128xf32, #tpu.memory_space<vmem>>, vector<1x16xf32>,
      %swap3A_1016 = vector.shape_cast %swap3A_1015 : vector<1x16xf32> to vector<16xf32>
      %swap3A_1017 = vector.shape_cast %sub3A_1008 : vector<16xf32> to vector<1x16xf32>
      tpu.vector_store %swap3A_1012[%swap3A_1013, %swap3A_1014], %swap3A_1017 {add = true, strides = array<i32>} : memref<64x128xf32, #tpu.memory_space<vmem>>, vector<1x16xf32>,
      %get3A_1018 = arith.constant 0 : i32
      %get3A_1019 = arith.constant 0 : i32
      %get3A_1020 = tpu.memref_slice %arg12[%scan3A_123, %get3A_1018, %get3A_1019] : memref<4x64x128xf32, #tpu.memory_space<vmem>> -> memref<1x64x128xf32, #tpu.memory_space<vmem>>
      %get3A_1021 = tpu.memref_squeeze %get3A_1020 : memref<1x64x128xf32, #tpu.memory_space<vmem>> -> memref<64x128xf32, #tpu.memory_space<vmem>>
      %get3A_1022 = arith.index_cast %add3A_991 : i32 to index
      %get3A_1023 = arith.constant 16 : index
      %get3A_1024 = tpu.vector_load %get3A_1021[%get3A_1022, %get3A_1023] {strides = array<i32>} : memref<64x128xf32, #tpu.memory_space<vmem>>, vector<1x16xf32>,
      %get3A_1025 = vector.shape_cast %get3A_1024 : vector<1x16xf32> to vector<16xf32>
      %get3A_1026 = arith.constant 0 : i32
      %get3A_1027 = arith.constant 0 : i32
      %get3A_1028 = tpu.memref_slice %arg13[%scan3A_124, %get3A_1026, %get3A_1027] : memref<4x64x128xf32, #tpu.memory_space<vmem>> -> memref<1x64x128xf32, #tpu.memory_space<vmem>>
      %get3A_1029 = tpu.memref_squeeze %get3A_1028 : memref<1x64x128xf32, #tpu.memory_space<vmem>> -> memref<64x128xf32, #tpu.memory_space<vmem>>
      %get3A_1030 = arith.index_cast %add3A_991 : i32 to index
      %get3A_1031 = arith.constant 16 : index
      %get3A_1032 = tpu.vector_load %get3A_1029[%get3A_1030, %get3A_1031] {strides = array<i32>} : memref<64x128xf32, #tpu.memory_space<vmem>>, vector<1x16xf32>,
      %get3A_1033 = vector.shape_cast %get3A_1032 : vector<1x16xf32> to vector<16xf32>
      %sub3A_1034 = arith.subf %get3A_1025, %get3A_1033 : vector<16xf32>
      %swap3A_1035 = arith.constant 0 : i32
      %swap3A_1036 = arith.constant 0 : i32
      %swap3A_1037 = tpu.memref_slice %arg11[%scan3A_125, %swap3A_1035, %swap3A_1036] : memref<4x64x128xf32, #tpu.memory_space<vmem>> -> memref<1x64x128xf32, #tpu.memory_space<vmem>>
      %swap3A_1038 = tpu.memref_squeeze %swap3A_1037 : memref<1x64x128xf32, #tpu.memory_space<vmem>> -> memref<64x128xf32, #tpu.memory_space<vmem>>
      %swap3A_1039 = arith.index_cast %add3A_991 : i32 to index
      %swap3A_1040 = arith.constant 16 : index
      %swap3A_1041 = tpu.vector_load %swap3A_1038[%swap3A_1039, %swap3A_1040] {strides = array<i32>} : memref<64x128xf32, #tpu.memory_space<vmem>>, vector<1x16xf32>,
      %swap3A_1042 = vector.shape_cast %swap3A_1041 : vector<1x16xf32> to vector<16xf32>
      %swap3A_1043 = vector.shape_cast %sub3A_1034 : vector<16xf32> to vector<1x16xf32>
      tpu.vector_store %swap3A_1038[%swap3A_1039, %swap3A_1040], %swap3A_1043 {add = true, strides = array<i32>} : memref<64x128xf32, #tpu.memory_space<vmem>>, vector<1x16xf32>,
      %get3A_1044 = arith.constant 0 : i32
      %get3A_1045 = arith.constant 0 : i32
      %get3A_1046 = tpu.memref_slice %arg12[%scan3A_123, %get3A_1044, %get3A_1045] : memref<4x64x128xf32, #tpu.memory_space<vmem>> -> memref<1x64x128xf32, #tpu.memory_space<vmem>>
      %get3A_1047 = tpu.memref_squeeze %get3A_1046 : memref<1x64x128xf32, #tpu.memory_space<vmem>> -> memref<64x128xf32, #tpu.memory_space<vmem>>
      %get3A_1048 = arith.index_cast %add3A_991 : i32 to index
      %get3A_1049 = arith.constant 32 : index
      %get3A_1050 = tpu.vector_load %get3A_1047[%get3A_1048, %get3A_1049] {strides = array<i32>} : memref<64x128xf32, #tpu.memory_space<vmem>>, vector<1x16xf32>,
      %get3A_1051 = vector.shape_cast %get3A_1050 : vector<1x16xf32> to vector<16xf32>
      %get3A_1052 = arith.constant 0 : i32
      %get3A_1053 = arith.constant 0 : i32
      %get3A_1054 = tpu.memref_slice %arg13[%scan3A_124, %get3A_1052, %get3A_1053] : memref<4x64x128xf32, #tpu.memory_space<vmem>> -> memref<1x64x128xf32, #tpu.memory_space<vmem>>
      %get3A_1055 = tpu.memref_squeeze %get3A_1054 : memref<1x64x128xf32, #tpu.memory_space<vmem>> -> memref<64x128xf32, #tpu.memory_space<vmem>>
      %get3A_1056 = arith.index_cast %add3A_991 : i32 to index
      %get3A_1057 = arith.constant 32 : index
      %get3A_1058 = tpu.vector_load %get3A_1055[%get3A_1056, %get3A_1057] {strides = array<i32>} : memref<64x128xf32, #tpu.memory_space<vmem>>, vector<1x16xf32>,
      %get3A_1059 = vector.shape_cast %get3A_1058 : vector<1x16xf32> to vector<16xf32>
      %sub3A_1060 = arith.subf %get3A_1051, %get3A_1059 : vector<16xf32>
      %swap3A_1061 = arith.constant 0 : i32
      %swap3A_1062 = arith.constant 0 : i32
      %swap3A_1063 = tpu.memref_slice %arg11[%scan3A_125, %swap3A_1061, %swap3A_1062] : memref<4x64x128xf32, #tpu.memory_space<vmem>> -> memref<1x64x128xf32, #tpu.memory_space<vmem>>
      %swap3A_1064 = tpu.memref_squeeze %swap3A_1063 : memref<1x64x128xf32, #tpu.memory_space<vmem>> -> memref<64x128xf32, #tpu.memory_space<vmem>>
      %swap3A_1065 = arith.index_cast %add3A_991 : i32 to index
      %swap3A_1066 = arith.constant 32 : index
      %swap3A_1067 = tpu.vector_load %swap3A_1064[%swap3A_1065, %swap3A_1066] {strides = array<i32>} : memref<64x128xf32, #tpu.memory_space<vmem>>, vector<1x16xf32>,
      %swap3A_1068 = vector.shape_cast %swap3A_1067 : vector<1x16xf32> to vector<16xf32>
      %swap3A_1069 = vector.shape_cast %sub3A_1060 : vector<16xf32> to vector<1x16xf32>
      tpu.vector_store %swap3A_1064[%swap3A_1065, %swap3A_1066], %swap3A_1069 {add = true, strides = array<i32>} : memref<64x128xf32, #tpu.memory_space<vmem>>, vector<1x16xf32>,
      %get3A_1070 = arith.constant 0 : i32
      %get3A_1071 = arith.constant 0 : i32
      %get3A_1072 = tpu.memref_slice %arg12[%scan3A_123, %get3A_1070, %get3A_1071] : memref<4x64x128xf32, #tpu.memory_space<vmem>> -> memref<1x64x128xf32, #tpu.memory_space<vmem>>
      %get3A_1073 = tpu.memref_squeeze %get3A_1072 : memref<1x64x128xf32, #tpu.memory_space<vmem>> -> memref<64x128xf32, #tpu.memory_space<vmem>>
      %get3A_1074 = arith.index_cast %add3A_991 : i32 to index
      %get3A_1075 = arith.constant 48 : index
      %get3A_1076 = tpu.vector_load %get3A_1073[%get3A_1074, %get3A_1075] {strides = array<i32>} : memref<64x128xf32, #tpu.memory_space<vmem>>, vector<1x16xf32>,
      %get3A_1077 = vector.shape_cast %get3A_1076 : vector<1x16xf32> to vector<16xf32>
      %get3A_1078 = arith.constant 0 : i32
      %get3A_1079 = arith.constant 0 : i32
      %get3A_1080 = tpu.memref_slice %arg13[%scan3A_124, %get3A_1078, %get3A_1079] : memref<4x64x128xf32, #tpu.memory_space<vmem>> -> memref<1x64x128xf32, #tpu.memory_space<vmem>>
      %get3A_1081 = tpu.memref_squeeze %get3A_1080 : memref<1x64x128xf32, #tpu.memory_space<vmem>> -> memref<64x128xf32, #tpu.memory_space<vmem>>
      %get3A_1082 = arith.index_cast %add3A_991 : i32 to index
      %get3A_1083 = arith.constant 48 : index
      %get3A_1084 = tpu.vector_load %get3A_1081[%get3A_1082, %get3A_1083] {strides = array<i32>} : memref<64x128xf32, #tpu.memory_space<vmem>>, vector<1x16xf32>,
      %get3A_1085 = vector.shape_cast %get3A_1084 : vector<1x16xf32> to vector<16xf32>
      %sub3A_1086 = arith.subf %get3A_1077, %get3A_1085 : vector<16xf32>
      %swap3A_1087 = arith.constant 0 : i32
      %swap3A_1088 = arith.constant 0 : i32
      %swap3A_1089 = tpu.memref_slice %arg11[%scan3A_125, %swap3A_1087, %swap3A_1088] : memref<4x64x128xf32, #tpu.memory_space<vmem>> -> memref<1x64x128xf32, #tpu.memory_space<vmem>>
      %swap3A_1090 = tpu.memref_squeeze %swap3A_1089 : memref<1x64x128xf32, #tpu.memory_space<vmem>> -> memref<64x128xf32, #tpu.memory_space<vmem>>
      %swap3A_1091 = arith.index_cast %add3A_991 : i32 to index
      %swap3A_1092 = arith.constant 48 : index
      %swap3A_1093 = tpu.vector_load %swap3A_1090[%swap3A_1091, %swap3A_1092] {strides = array<i32>} : memref<64x128xf32, #tpu.memory_space<vmem>>, vector<1x16xf32>,
      %swap3A_1094 = vector.shape_cast %swap3A_1093 : vector<1x16xf32> to vector<16xf32>
      %swap3A_1095 = vector.shape_cast %sub3A_1086 : vector<16xf32> to vector<1x16xf32>
      tpu.vector_store %swap3A_1090[%swap3A_1091, %swap3A_1092], %swap3A_1095 {add = true, strides = array<i32>} : memref<64x128xf32, #tpu.memory_space<vmem>>, vector<1x16xf32>,
      %get3A_1096 = arith.constant 0 : i32
      %get3A_1097 = arith.constant 0 : i32
      %get3A_1098 = tpu.memref_slice %arg12[%scan3A_123, %get3A_1096, %get3A_1097] : memref<4x64x128xf32, #tpu.memory_space<vmem>> -> memref<1x64x128xf32, #tpu.memory_space<vmem>>
      %get3A_1099 = tpu.memref_squeeze %get3A_1098 : memref<1x64x128xf32, #tpu.memory_space<vmem>> -> memref<64x128xf32, #tpu.memory_space<vmem>>
      %get3A_1100 = arith.index_cast %add3A_991 : i32 to index
      %get3A_1101 = arith.constant 64 : index
      %get3A_1102 = tpu.vector_load %get3A_1099[%get3A_1100, %get3A_1101] {strides = array<i32>} : memref<64x128xf32, #tpu.memory_space<vmem>>, vector<1x16xf32>,
      %get3A_1103 = vector.shape_cast %get3A_1102 : vector<1x16xf32> to vector<16xf32>
      %get3A_1104 = arith.constant 0 : i32
      %get3A_1105 = arith.constant 0 : i32
      %get3A_1106 = tpu.memref_slice %arg13[%scan3A_124, %get3A_1104, %get3A_1105] : memref<4x64x128xf32, #tpu.memory_space<vmem>> -> memref<1x64x128xf32, #tpu.memory_space<vmem>>
      %get3A_1107 = tpu.memref_squeeze %get3A_1106 : memref<1x64x128xf32, #tpu.memory_space<vmem>> -> memref<64x128xf32, #tpu.memory_space<vmem>>
      %get3A_1108 = arith.index_cast %add3A_991 : i32 to index
      %get3A_1109 = arith.constant 64 : index
      %get3A_1110 = tpu.vector_load %get3A_1107[%get3A_1108, %get3A_1109] {strides = array<i32>} : memref<64x128xf32, #tpu.memory_space<vmem>>, vector<1x16xf32>,
      %get3A_1111 = vector.shape_cast %get3A_1110 : vector<1x16xf32> to vector<16xf32>
      %sub3A_1112 = arith.subf %get3A_1103, %get3A_1111 : vector<16xf32>
      %swap3A_1113 = arith.constant 0 : i32
      %swap3A_1114 = arith.constant 0 : i32
      %swap3A_1115 = tpu.memref_slice %arg11[%scan3A_125, %swap3A_1113, %swap3A_1114] : memref<4x64x128xf32, #tpu.memory_space<vmem>> -> memref<1x64x128xf32, #tpu.memory_space<vmem>>
      %swap3A_1116 = tpu.memref_squeeze %swap3A_1115 : memref<1x64x128xf32, #tpu.memory_space<vmem>> -> memref<64x128xf32, #tpu.memory_space<vmem>>
      %swap3A_1117 = arith.index_cast %add3A_991 : i32 to index
      %swap3A_1118 = arith.constant 64 : index
      %swap3A_1119 = tpu.vector_load %swap3A_1116[%swap3A_1117, %swap3A_1118] {strides = array<i32>} : memref<64x128xf32, #tpu.memory_space<vmem>>, vector<1x16xf32>,
      %swap3A_1120 = vector.shape_cast %swap3A_1119 : vector<1x16xf32> to vector<16xf32>
      %swap3A_1121 = vector.shape_cast %sub3A_1112 : vector<16xf32> to vector<1x16xf32>
      tpu.vector_store %swap3A_1116[%swap3A_1117, %swap3A_1118], %swap3A_1121 {add = true, strides = array<i32>} : memref<64x128xf32, #tpu.memory_space<vmem>>, vector<1x16xf32>,
      %get3A_1122 = arith.constant 0 : i32
      %get3A_1123 = arith.constant 0 : i32
      %get3A_1124 = tpu.memref_slice %arg12[%scan3A_123, %get3A_1122, %get3A_1123] : memref<4x64x128xf32, #tpu.memory_space<vmem>> -> memref<1x64x128xf32, #tpu.memory_space<vmem>>
      %get3A_1125 = tpu.memref_squeeze %get3A_1124 : memref<1x64x128xf32, #tpu.memory_space<vmem>> -> memref<64x128xf32, #tpu.memory_space<vmem>>
      %get3A_1126 = arith.index_cast %add3A_991 : i32 to index
      %get3A_1127 = arith.constant 80 : index
      %get3A_1128 = tpu.vector_load %get3A_1125[%get3A_1126, %get3A_1127] {strides = array<i32>} : memref<64x128xf32, #tpu.memory_space<vmem>>, vector<1x16xf32>,
      %get3A_1129 = vector.shape_cast %get3A_1128 : vector<1x16xf32> to vector<16xf32>
      %get3A_1130 = arith.constant 0 : i32
      %get3A_1131 = arith.constant 0 : i32
      %get3A_1132 = tpu.memref_slice %arg13[%scan3A_124, %get3A_1130, %get3A_1131] : memref<4x64x128xf32, #tpu.memory_space<vmem>> -> memref<1x64x128xf32, #tpu.memory_space<vmem>>
      %get3A_1133 = tpu.memref_squeeze %get3A_1132 : memref<1x64x128xf32, #tpu.memory_space<vmem>> -> memref<64x128xf32, #tpu.memory_space<vmem>>
      %get3A_1134 = arith.index_cast %add3A_991 : i32 to index
      %get3A_1135 = arith.constant 80 : index
      %get3A_1136 = tpu.vector_load %get3A_1133[%get3A_1134, %get3A_1135] {strides = array<i32>} : memref<64x128xf32, #tpu.memory_space<vmem>>, vector<1x16xf32>,
      %get3A_1137 = vector.shape_cast %get3A_1136 : vector<1x16xf32> to vector<16xf32>
      %sub3A_1138 = arith.subf %get3A_1129, %get3A_1137 : vector<16xf32>
      %swap3A_1139 = arith.constant 0 : i32
      %swap3A_1140 = arith.constant 0 : i32
      %swap3A_1141 = tpu.memref_slice %arg11[%scan3A_125, %swap3A_1139, %swap3A_1140] : memref<4x64x128xf32, #tpu.memory_space<vmem>> -> memref<1x64x128xf32, #tpu.memory_space<vmem>>
      %swap3A_1142 = tpu.memref_squeeze %swap3A_1141 : memref<1x64x128xf32, #tpu.memory_space<vmem>> -> memref<64x128xf32, #tpu.memory_space<vmem>>
      %swap3A_1143 = arith.index_cast %add3A_991 : i32 to index
      %swap3A_1144 = arith.constant 80 : index
      %swap3A_1145 = tpu.vector_load %swap3A_1142[%swap3A_1143, %swap3A_1144] {strides = array<i32>} : memref<64x128xf32, #tpu.memory_space<vmem>>, vector<1x16xf32>,
      %swap3A_1146 = vector.shape_cast %swap3A_1145 : vector<1x16xf32> to vector<16xf32>
      %swap3A_1147 = vector.shape_cast %sub3A_1138 : vector<16xf32> to vector<1x16xf32>
      tpu.vector_store %swap3A_1142[%swap3A_1143, %swap3A_1144], %swap3A_1147 {add = true, strides = array<i32>} : memref<64x128xf32, #tpu.memory_space<vmem>>, vector<1x16xf32>,
      %get3A_1148 = arith.constant 0 : i32
      %get3A_1149 = arith.constant 0 : i32
      %get3A_1150 = tpu.memref_slice %arg12[%scan3A_123, %get3A_1148, %get3A_1149] : memref<4x64x128xf32, #tpu.memory_space<vmem>> -> memref<1x64x128xf32, #tpu.memory_space<vmem>>
      %get3A_1151 = tpu.memref_squeeze %get3A_1150 : memref<1x64x128xf32, #tpu.memory_space<vmem>> -> memref<64x128xf32, #tpu.memory_space<vmem>>
      %get3A_1152 = arith.index_cast %add3A_991 : i32 to index
      %get3A_1153 = arith.constant 96 : index
      %get3A_1154 = tpu.vector_load %get3A_1151[%get3A_1152, %get3A_1153] {strides = array<i32>} : memref<64x128xf32, #tpu.memory_space<vmem>>, vector<1x16xf32>,
      %get3A_1155 = vector.shape_cast %get3A_1154 : vector<1x16xf32> to vector<16xf32>
      %get3A_1156 = arith.constant 0 : i32
      %get3A_1157 = arith.constant 0 : i32
      %get3A_1158 = tpu.memref_slice %arg13[%scan3A_124, %get3A_1156, %get3A_1157] : memref<4x64x128xf32, #tpu.memory_space<vmem>> -> memref<1x64x128xf32, #tpu.memory_space<vmem>>
      %get3A_1159 = tpu.memref_squeeze %get3A_1158 : memref<1x64x128xf32, #tpu.memory_space<vmem>> -> memref<64x128xf32, #tpu.memory_space<vmem>>
      %get3A_1160 = arith.index_cast %add3A_991 : i32 to index
      %get3A_1161 = arith.constant 96 : index
      %get3A_1162 = tpu.vector_load %get3A_1159[%get3A_1160, %get3A_1161] {strides = array<i32>} : memref<64x128xf32, #tpu.memory_space<vmem>>, vector<1x16xf32>,
      %get3A_1163 = vector.shape_cast %get3A_1162 : vector<1x16xf32> to vector<16xf32>
      %sub3A_1164 = arith.subf %get3A_1155, %get3A_1163 : vector<16xf32>
      %swap3A_1165 = arith.constant 0 : i32
      %swap3A_1166 = arith.constant 0 : i32
      %swap3A_1167 = tpu.memref_slice %arg11[%scan3A_125, %swap3A_1165, %swap3A_1166] : memref<4x64x128xf32, #tpu.memory_space<vmem>> -> memref<1x64x128xf32, #tpu.memory_space<vmem>>
      %swap3A_1168 = tpu.memref_squeeze %swap3A_1167 : memref<1x64x128xf32, #tpu.memory_space<vmem>> -> memref<64x128xf32, #tpu.memory_space<vmem>>
      %swap3A_1169 = arith.index_cast %add3A_991 : i32 to index
      %swap3A_1170 = arith.constant 96 : index
      %swap3A_1171 = tpu.vector_load %swap3A_1168[%swap3A_1169, %swap3A_1170] {strides = array<i32>} : memref<64x128xf32, #tpu.memory_space<vmem>>, vector<1x16xf32>,
      %swap3A_1172 = vector.shape_cast %swap3A_1171 : vector<1x16xf32> to vector<16xf32>
      %swap3A_1173 = vector.shape_cast %sub3A_1164 : vector<16xf32> to vector<1x16xf32>
      tpu.vector_store %swap3A_1168[%swap3A_1169, %swap3A_1170], %swap3A_1173 {add = true, strides = array<i32>} : memref<64x128xf32, #tpu.memory_space<vmem>>, vector<1x16xf32>,
      %get3A_1174 = arith.constant 0 : i32
      %get3A_1175 = arith.constant 0 : i32
      %get3A_1176 = tpu.memref_slice %arg12[%scan3A_123, %get3A_1174, %get3A_1175] : memref<4x64x128xf32, #tpu.memory_space<vmem>> -> memref<1x64x128xf32, #tpu.memory_space<vmem>>
      %get3A_1177 = tpu.memref_squeeze %get3A_1176 : memref<1x64x128xf32, #tpu.memory_space<vmem>> -> memref<64x128xf32, #tpu.memory_space<vmem>>
      %get3A_1178 = arith.index_cast %add3A_991 : i32 to index
      %get3A_1179 = arith.constant 112 : index
      %get3A_1180 = tpu.vector_load %get3A_1177[%get3A_1178, %get3A_1179] {strides = array<i32>} : memref<64x128xf32, #tpu.memory_space<vmem>>, vector<1x16xf32>,
      %get3A_1181 = vector.shape_cast %get3A_1180 : vector<1x16xf32> to vector<16xf32>
      %get3A_1182 = arith.constant 0 : i32
      %get3A_1183 = arith.constant 0 : i32
      %get3A_1184 = tpu.memref_slice %arg13[%scan3A_124, %get3A_1182, %get3A_1183] : memref<4x64x128xf32, #tpu.memory_space<vmem>> -> memref<1x64x128xf32, #tpu.memory_space<vmem>>
      %get3A_1185 = tpu.memref_squeeze %get3A_1184 : memref<1x64x128xf32, #tpu.memory_space<vmem>> -> memref<64x128xf32, #tpu.memory_space<vmem>>
      %get3A_1186 = arith.index_cast %add3A_991 : i32 to index
      %get3A_1187 = arith.constant 112 : index
      %get3A_1188 = tpu.vector_load %get3A_1185[%get3A_1186, %get3A_1187] {strides = array<i32>} : memref<64x128xf32, #tpu.memory_space<vmem>>, vector<1x16xf32>,
      %get3A_1189 = vector.shape_cast %get3A_1188 : vector<1x16xf32> to vector<16xf32>
      %sub3A_1190 = arith.subf %get3A_1181, %get3A_1189 : vector<16xf32>
      %swap3A_1191 = arith.constant 0 : i32
      %swap3A_1192 = arith.constant 0 : i32
      %swap3A_1193 = tpu.memref_slice %arg11[%scan3A_125, %swap3A_1191, %swap3A_1192] : memref<4x64x128xf32, #tpu.memory_space<vmem>> -> memref<1x64x128xf32, #tpu.memory_space<vmem>>
      %swap3A_1194 = tpu.memref_squeeze %swap3A_1193 : memref<1x64x128xf32, #tpu.memory_space<vmem>> -> memref<64x128xf32, #tpu.memory_space<vmem>>
      %swap3A_1195 = arith.index_cast %add3A_991 : i32 to index
      %swap3A_1196 = arith.constant 112 : index
      %swap3A_1197 = tpu.vector_load %swap3A_1194[%swap3A_1195, %swap3A_1196] {strides = array<i32>} : memref<64x128xf32, #tpu.memory_space<vmem>>, vector<1x16xf32>,
      %swap3A_1198 = vector.shape_cast %swap3A_1197 : vector<1x16xf32> to vector<16xf32>
      %swap3A_1199 = vector.shape_cast %sub3A_1190 : vector<16xf32> to vector<1x16xf32>
      tpu.vector_store %swap3A_1194[%swap3A_1195, %swap3A_1196], %swap3A_1199 {add = true, strides = array<i32>} : memref<64x128xf32, #tpu.memory_space<vmem>>, vector<1x16xf32>,
    }
    %scan3A_130 = arith.constant 32 : i32
    %add3A_131 = arith.constant 0 : i32
    %add3A_132 = arith.addi %mul3A_2, %add3A_131 : i32
    %dma_start3A_133 = arith.constant 0 : i32
    %dma_start3A_134 = arith.constant 0 : i32
    %dma_start3A_135 = arith.constant 0 : i32
    %dma_start3A_136 = tpu.memref_slice %arg11[%dma_start3A_133, %dma_start3A_134, %dma_start3A_135] : memref<4x64x128xf32, #tpu.memory_space<vmem>> -> memref<1x64x128xf32, #tpu.memory_space<vmem>>
    %dma_start3A_137 = tpu.memref_squeeze %dma_start3A_136 : memref<1x64x128xf32, #tpu.memory_space<vmem>> -> memref<64x128xf32, #tpu.memory_space<vmem>>
    %dma_start3A_138 = arith.constant 0 : i32
    %dma_start3A_139 = tpu.memref_slice %arg7[%add3A_132, %dma_start3A_138] : memref<16384x128xf32, #tpu.memory_space<hbm>> -> memref<64x128xf32, #tpu.memory_space<hbm>>
    %dma_start3A_140 = arith.constant 0 : i32
    %dma_start3A_141 = tpu.memref_slice %arg7[%add3A_132, %dma_start3A_140] : memref<16384x128xf32, #tpu.memory_space<hbm>> -> memref<64x128xf32, #tpu.memory_space<hbm>>
    %dma_start3A_142 = arith.constant 0 : i32
    %dma_start3A_143 = arith.constant 0 : i32
    %dma_start3A_144 = tpu.memref_slice %arg11[%dma_start3A_133, %dma_start3A_142, %dma_start3A_143] : memref<4x64x128xf32, #tpu.memory_space<vmem>> -> memref<1x64x128xf32, #tpu.memory_space<vmem>>
    %dma_start3A_145 = tpu.memref_squeeze %dma_start3A_144 : memref<1x64x128xf32, #tpu.memory_space<vmem>> -> memref<64x128xf32, #tpu.memory_space<vmem>>
    tpu.enqueue_dma source(%dma_start3A_145 : memref<64x128xf32, #tpu.memory_space<vmem>>) target(%dma_start3A_141 : memref<64x128xf32, #tpu.memory_space<hbm>>) target_semaphore(%arg23 : memref<!tpu.dma_semaphore, #tpu.memory_space<semaphore_mem>>)
    %dma_start3A_146 = arith.constant 3 : i32
    %dma_start3A_147 = arith.constant 0 : i32
    %dma_start3A_148 = arith.constant 0 : i32
    %dma_start3A_149 = tpu.memref_slice %arg11[%dma_start3A_146, %dma_start3A_147, %dma_start3A_148] : memref<4x64x128xf32, #tpu.memory_space<vmem>> -> memref<1x64x128xf32, #tpu.memory_space<vmem>>
    %dma_start3A_150 = tpu.memref_squeeze %dma_start3A_149 : memref<1x64x128xf32, #tpu.memory_space<vmem>> -> memref<64x128xf32, #tpu.memory_space<vmem>>
    %dma_start3A_151 = arith.constant 192 : i32
    %dma_start3A_152 = tpu.memref_slice %arg8[%dma_start3A_151] : memref<512xi32, #tpu.memory_space<vmem>> -> memref<64xi32, #tpu.memory_space<vmem>>
    %dma_start3A_153 = arith.constant 0 : i32
    %dma_start3A_154 = arith.constant 0 : i32
    %dma_start3A_155 = tpu.memref_slice %arg5[%dma_start3A_153, %dma_start3A_154] : memref<100000x128xf32, #tpu.memory_space<hbm>> -> memref<100000x128xf32, #tpu.memory_space<hbm>>
    tpu.enqueue_indirect_dma source(%dma_start3A_155 : memref<100000x128xf32, #tpu.memory_space<hbm>>) target(%dma_start3A_150 : memref<64x128xf32, #tpu.memory_space<vmem>>) offsets(%dma_start3A_152 : memref<64xi32, #tpu.memory_space<vmem>>) semaphore(%arg18 : memref<!tpu.dma_semaphore, #tpu.memory_space<semaphore_mem>>)
    %dma_start3A_156 = arith.constant 3 : i32
    %dma_start3A_157 = arith.constant 0 : i32
    %dma_start3A_158 = arith.constant 0 : i32
    %dma_start3A_159 = tpu.memref_slice %arg12[%dma_start3A_156, %dma_start3A_157, %dma_start3A_158] : memref<4x64x128xf32, #tpu.memory_space<vmem>> -> memref<1x64x128xf32, #tpu.memory_space<vmem>>
    %dma_start3A_160 = tpu.memref_squeeze %dma_start3A_159 : memref<1x64x128xf32, #tpu.memory_space<vmem>> -> memref<64x128xf32, #tpu.memory_space<vmem>>
    %dma_start3A_161 = arith.constant 192 : i32
    %dma_start3A_162 = tpu.memref_slice %arg9[%dma_start3A_161] : memref<512xi32, #tpu.memory_space<vmem>> -> memref<64xi32, #tpu.memory_space<vmem>>
    %dma_start3A_163 = arith.constant 0 : i32
    %dma_start3A_164 = arith.constant 0 : i32
    %dma_start3A_165 = tpu.memref_slice %arg14[%dma_start3A_163, %dma_start3A_164] : memref<1000x128xf32, #tpu.memory_space<vmem_shared>> -> memref<1000x128xf32, #tpu.memory_space<vmem_shared>>
    tpu.enqueue_indirect_dma source(%dma_start3A_165 : memref<1000x128xf32, #tpu.memory_space<vmem_shared>>) target(%dma_start3A_160 : memref<64x128xf32, #tpu.memory_space<vmem>>) offsets(%dma_start3A_162 : memref<64xi32, #tpu.memory_space<vmem>>) semaphore(%arg22 : memref<!tpu.dma_semaphore, #tpu.memory_space<semaphore_mem>>)
    %dma_start3A_166 = arith.constant 3 : i32
    %dma_start3A_167 = arith.constant 0 : i32
    %dma_start3A_168 = arith.constant 0 : i32
    %dma_start3A_169 = tpu.memref_slice %arg13[%dma_start3A_166, %dma_start3A_167, %dma_start3A_168] : memref<4x64x128xf32, #tpu.memory_space<vmem>> -> memref<1x64x128xf32, #tpu.memory_space<vmem>>
    %dma_start3A_170 = tpu.memref_squeeze %dma_start3A_169 : memref<1x64x128xf32, #tpu.memory_space<vmem>> -> memref<64x128xf32, #tpu.memory_space<vmem>>
    %dma_start3A_171 = arith.constant 192 : i32
    %dma_start3A_172 = tpu.memref_slice %arg10[%dma_start3A_171] : memref<512xi32, #tpu.memory_space<vmem>> -> memref<64xi32, #tpu.memory_space<vmem>>
    %dma_start3A_173 = arith.constant 0 : i32
    %dma_start3A_174 = arith.constant 0 : i32
    %dma_start3A_175 = tpu.memref_slice %arg5[%dma_start3A_173, %dma_start3A_174] : memref<100000x128xf32, #tpu.memory_space<hbm>> -> memref<100000x128xf32, #tpu.memory_space<hbm>>
    tpu.enqueue_indirect_dma source(%dma_start3A_175 : memref<100000x128xf32, #tpu.memory_space<hbm>>) target(%dma_start3A_170 : memref<64x128xf32, #tpu.memory_space<vmem>>) offsets(%dma_start3A_172 : memref<64xi32, #tpu.memory_space<vmem>>) semaphore(%arg18 : memref<!tpu.dma_semaphore, #tpu.memory_space<semaphore_mem>>)
    %dma_wait3A_176 = arith.constant 1 : i32
    %dma_wait3A_177 = arith.constant 0 : i32
    %dma_wait3A_178 = arith.constant 0 : i32
    %dma_wait3A_179 = tpu.memref_slice %arg11[%dma_wait3A_176, %dma_wait3A_177, %dma_wait3A_178] : memref<4x64x128xf32, #tpu.memory_space<vmem>> -> memref<1x64x128xf32, #tpu.memory_space<vmem>>
    %dma_wait3A_180 = tpu.memref_squeeze %dma_wait3A_179 : memref<1x64x128xf32, #tpu.memory_space<vmem>> -> memref<64x128xf32, #tpu.memory_space<vmem>>
    %dma_wait3A_181 = arith.constant 64 : i32
    %dma_wait3A_182 = tpu.memref_slice %arg8[%dma_wait3A_181] : memref<512xi32, #tpu.memory_space<vmem>> -> memref<64xi32, #tpu.memory_space<vmem>>
    %dma_wait3A_183 = arith.constant 0 : i32
    %dma_wait3A_184 = arith.constant 0 : i32
    %dma_wait3A_185 = tpu.memref_slice %arg5[%dma_wait3A_183, %dma_wait3A_184] : memref<100000x128xf32, #tpu.memory_space<hbm>> -> memref<100000x128xf32, #tpu.memory_space<hbm>>
    tpu.wait_indirect_dma semaphore(%arg16 : memref<!tpu.dma_semaphore, #tpu.memory_space<semaphore_mem>>) src(%dma_wait3A_185 : memref<100000x128xf32, #tpu.memory_space<hbm>>) dst(%dma_wait3A_180 : memref<64x128xf32, #tpu.memory_space<vmem>>)
    %dma_wait3A_186 = arith.constant 1 : i32
    %dma_wait3A_187 = arith.constant 0 : i32
    %dma_wait3A_188 = arith.constant 0 : i32
    %dma_wait3A_189 = tpu.memref_slice %arg12[%dma_wait3A_186, %dma_wait3A_187, %dma_wait3A_188] : memref<4x64x128xf32, #tpu.memory_space<vmem>> -> memref<1x64x128xf32, #tpu.memory_space<vmem>>
    %dma_wait3A_190 = tpu.memref_squeeze %dma_wait3A_189 : memref<1x64x128xf32, #tpu.memory_space<vmem>> -> memref<64x128xf32, #tpu.memory_space<vmem>>
    %dma_wait3A_191 = arith.constant 64 : i32
    %dma_wait3A_192 = tpu.memref_slice %arg9[%dma_wait3A_191] : memref<512xi32, #tpu.memory_space<vmem>> -> memref<64xi32, #tpu.memory_space<vmem>>
    %dma_wait3A_193 = arith.constant 0 : i32
    %dma_wait3A_194 = arith.constant 0 : i32
    %dma_wait3A_195 = tpu.memref_slice %arg14[%dma_wait3A_193, %dma_wait3A_194] : memref<1000x128xf32, #tpu.memory_space<vmem_shared>> -> memref<1000x128xf32, #tpu.memory_space<vmem_shared>>
    tpu.wait_indirect_dma semaphore(%arg20 : memref<!tpu.dma_semaphore, #tpu.memory_space<semaphore_mem>>) src(%dma_wait3A_195 : memref<1000x128xf32, #tpu.memory_space<vmem_shared>>) dst(%dma_wait3A_190 : memref<64x128xf32, #tpu.memory_space<vmem>>)
    %dma_wait3A_196 = arith.constant 1 : i32
    %dma_wait3A_197 = arith.constant 0 : i32
    %dma_wait3A_198 = arith.constant 0 : i32
    %dma_wait3A_199 = tpu.memref_slice %arg13[%dma_wait3A_196, %dma_wait3A_197, %dma_wait3A_198] : memref<4x64x128xf32, #tpu.memory_space<vmem>> -> memref<1x64x128xf32, #tpu.memory_space<vmem>>
    %dma_wait3A_200 = tpu.memref_squeeze %dma_wait3A_199 : memref<1x64x128xf32, #tpu.memory_space<vmem>> -> memref<64x128xf32, #tpu.memory_space<vmem>>
    %dma_wait3A_201 = arith.constant 64 : i32
    %dma_wait3A_202 = tpu.memref_slice %arg10[%dma_wait3A_201] : memref<512xi32, #tpu.memory_space<vmem>> -> memref<64xi32, #tpu.memory_space<vmem>>
    %dma_wait3A_203 = arith.constant 0 : i32
    %dma_wait3A_204 = arith.constant 0 : i32
    %dma_wait3A_205 = tpu.memref_slice %arg5[%dma_wait3A_203, %dma_wait3A_204] : memref<100000x128xf32, #tpu.memory_space<hbm>> -> memref<100000x128xf32, #tpu.memory_space<hbm>>
    tpu.wait_indirect_dma semaphore(%arg16 : memref<!tpu.dma_semaphore, #tpu.memory_space<semaphore_mem>>) src(%dma_wait3A_205 : memref<100000x128xf32, #tpu.memory_space<hbm>>) dst(%dma_wait3A_200 : memref<64x128xf32, #tpu.memory_space<vmem>>)
    %scan3A_206 = arith.constant 0 : i32
    %scan3A_207 = arith.constant 1 : i32
    %scan3A_208 = arith.constant 1 : i32
    %scan3A_209 = arith.constant 1 : i32
    %scan3A_210 = arith.constant 0 : i32
    %scan3A_211 = arith.constant 32 : i32
    %scan3A_212 = arith.addi %scan3A_210, %scan3A_211 : i32
    %scan3A_213 = arith.constant 1 : i32
    scf.for %scan3A_778 = %scan3A_210 to %scan3A_212 step %scan3A_213  : i32 {
      %mul3A_779 = arith.constant 2 : i32
      %mul3A_780 = arith.muli %scan3A_778, %mul3A_779 : i32
      %add3A_781 = arith.constant 0 : i32
      %add3A_782 = arith.addi %mul3A_780, %add3A_781 : i32
      %get3A = arith.constant 0 : i32
      %get3A_783 = arith.constant 0 : i32
      %get3A_784 = tpu.memref_slice %arg12[%scan3A_207, %get3A, %get3A_783] : memref<4x64x128xf32, #tpu.memory_space<vmem>> -> memref<1x64x128xf32, #tpu.memory_space<vmem>>
      %get3A_785 = tpu.memref_squeeze %get3A_784 : memref<1x64x128xf32, #tpu.memory_space<vmem>> -> memref<64x128xf32, #tpu.memory_space<vmem>>
      %get3A_786 = arith.index_cast %add3A_782 : i32 to index
      %get3A_787 = arith.constant 0 : index
      %get3A_788 = tpu.vector_load %get3A_785[%get3A_786, %get3A_787] {strides = array<i32>} : memref<64x128xf32, #tpu.memory_space<vmem>>, vector<1x16xf32>,
      %get3A_789 = vector.shape_cast %get3A_788 : vector<1x16xf32> to vector<16xf32>
      %get3A_790 = arith.constant 0 : i32
      %get3A_791 = arith.constant 0 : i32
      %get3A_792 = tpu.memref_slice %arg13[%scan3A_208, %get3A_790, %get3A_791] : memref<4x64x128xf32, #tpu.memory_space<vmem>> -> memref<1x64x128xf32, #tpu.memory_space<vmem>>
      %get3A_793 = tpu.memref_squeeze %get3A_792 : memref<1x64x128xf32, #tpu.memory_space<vmem>> -> memref<64x128xf32, #tpu.memory_space<vmem>>
      %get3A_794 = arith.index_cast %add3A_782 : i32 to index
      %get3A_795 = arith.constant 0 : index
      %get3A_796 = tpu.vector_load %get3A_793[%get3A_794, %get3A_795] {strides = array<i32>} : memref<64x128xf32, #tpu.memory_space<vmem>>, vector<1x16xf32>,
      %get3A_797 = vector.shape_cast %get3A_796 : vector<1x16xf32> to vector<16xf32>
      %sub3A = arith.subf %get3A_789, %get3A_797 : vector<16xf32>
      %swap3A = arith.constant 0 : i32
      %swap3A_798 = arith.constant 0 : i32
      %swap3A_799 = tpu.memref_slice %arg11[%scan3A_209, %swap3A, %swap3A_798] : memref<4x64x128xf32, #tpu.memory_space<vmem>> -> memref<1x64x128xf32, #tpu.memory_space<vmem>>
      %swap3A_800 = tpu.memref_squeeze %swap3A_799 : memref<1x64x128xf32, #tpu.memory_space<vmem>> -> memref<64x128xf32, #tpu.memory_space<vmem>>
      %swap3A_801 = arith.index_cast %add3A_782 : i32 to index
      %swap3A_802 = arith.constant 0 : index
      %swap3A_803 = tpu.vector_load %swap3A_800[%swap3A_801, %swap3A_802] {strides = array<i32>} : memref<64x128xf32, #tpu.memory_space<vmem>>, vector<1x16xf32>,
      %swap3A_804 = vector.shape_cast %swap3A_803 : vector<1x16xf32> to vector<16xf32>
      %swap3A_805 = vector.shape_cast %sub3A : vector<16xf32> to vector<1x16xf32>
      tpu.vector_store %swap3A_800[%swap3A_801, %swap3A_802], %swap3A_805 {add = true, strides = array<i32>} : memref<64x128xf32, #tpu.memory_space<vmem>>, vector<1x16xf32>,
      %get3A_806 = arith.constant 0 : i32
      %get3A_807 = arith.constant 0 : i32
      %get3A_808 = tpu.memref_slice %arg12[%scan3A_207, %get3A_806, %get3A_807] : memref<4x64x128xf32, #tpu.memory_space<vmem>> -> memref<1x64x128xf32, #tpu.memory_space<vmem>>
      %get3A_809 = tpu.memref_squeeze %get3A_808 : memref<1x64x128xf32, #tpu.memory_space<vmem>> -> memref<64x128xf32, #tpu.memory_space<vmem>>
      %get3A_810 = arith.index_cast %add3A_782 : i32 to index
      %get3A_811 = arith.constant 16 : index
      %get3A_812 = tpu.vector_load %get3A_809[%get3A_810, %get3A_811] {strides = array<i32>} : memref<64x128xf32, #tpu.memory_space<vmem>>, vector<1x16xf32>,
      %get3A_813 = vector.shape_cast %get3A_812 : vector<1x16xf32> to vector<16xf32>
      %get3A_814 = arith.constant 0 : i32
      %get3A_815 = arith.constant 0 : i32
      %get3A_816 = tpu.memref_slice %arg13[%scan3A_208, %get3A_814, %get3A_815] : memref<4x64x128xf32, #tpu.memory_space<vmem>> -> memref<1x64x128xf32, #tpu.memory_space<vmem>>
      %get3A_817 = tpu.memref_squeeze %get3A_816 : memref<1x64x128xf32, #tpu.memory_space<vmem>> -> memref<64x128xf32, #tpu.memory_space<vmem>>
      %get3A_818 = arith.index_cast %add3A_782 : i32 to index
      %get3A_819 = arith.constant 16 : index
      %get3A_820 = tpu.vector_load %get3A_817[%get3A_818, %get3A_819] {strides = array<i32>} : memref<64x128xf32, #tpu.memory_space<vmem>>, vector<1x16xf32>,
      %get3A_821 = vector.shape_cast %get3A_820 : vector<1x16xf32> to vector<16xf32>
      %sub3A_822 = arith.subf %get3A_813, %get3A_821 : vector<16xf32>
      %swap3A_823 = arith.constant 0 : i32
      %swap3A_824 = arith.constant 0 : i32
      %swap3A_825 = tpu.memref_slice %arg11[%scan3A_209, %swap3A_823, %swap3A_824] : memref<4x64x128xf32, #tpu.memory_space<vmem>> -> memref<1x64x128xf32, #tpu.memory_space<vmem>>
      %swap3A_826 = tpu.memref_squeeze %swap3A_825 : memref<1x64x128xf32, #tpu.memory_space<vmem>> -> memref<64x128xf32, #tpu.memory_space<vmem>>
      %swap3A_827 = arith.index_cast %add3A_782 : i32 to index
      %swap3A_828 = arith.constant 16 : index
      %swap3A_829 = tpu.vector_load %swap3A_826[%swap3A_827, %swap3A_828] {strides = array<i32>} : memref<64x128xf32, #tpu.memory_space<vmem>>, vector<1x16xf32>,
      %swap3A_830 = vector.shape_cast %swap3A_829 : vector<1x16xf32> to vector<16xf32>
      %swap3A_831 = vector.shape_cast %sub3A_822 : vector<16xf32> to vector<1x16xf32>
      tpu.vector_store %swap3A_826[%swap3A_827, %swap3A_828], %swap3A_831 {add = true, strides = array<i32>} : memref<64x128xf32, #tpu.memory_space<vmem>>, vector<1x16xf32>,
      %get3A_832 = arith.constant 0 : i32
      %get3A_833 = arith.constant 0 : i32
      %get3A_834 = tpu.memref_slice %arg12[%scan3A_207, %get3A_832, %get3A_833] : memref<4x64x128xf32, #tpu.memory_space<vmem>> -> memref<1x64x128xf32, #tpu.memory_space<vmem>>
      %get3A_835 = tpu.memref_squeeze %get3A_834 : memref<1x64x128xf32, #tpu.memory_space<vmem>> -> memref<64x128xf32, #tpu.memory_space<vmem>>
      %get3A_836 = arith.index_cast %add3A_782 : i32 to index
      %get3A_837 = arith.constant 32 : index
      %get3A_838 = tpu.vector_load %get3A_835[%get3A_836, %get3A_837] {strides = array<i32>} : memref<64x128xf32, #tpu.memory_space<vmem>>, vector<1x16xf32>,
      %get3A_839 = vector.shape_cast %get3A_838 : vector<1x16xf32> to vector<16xf32>
      %get3A_840 = arith.constant 0 : i32
      %get3A_841 = arith.constant 0 : i32
      %get3A_842 = tpu.memref_slice %arg13[%scan3A_208, %get3A_840, %get3A_841] : memref<4x64x128xf32, #tpu.memory_space<vmem>> -> memref<1x64x128xf32, #tpu.memory_space<vmem>>
      %get3A_843 = tpu.memref_squeeze %get3A_842 : memref<1x64x128xf32, #tpu.memory_space<vmem>> -> memref<64x128xf32, #tpu.memory_space<vmem>>
      %get3A_844 = arith.index_cast %add3A_782 : i32 to index
      %get3A_845 = arith.constant 32 : index
      %get3A_846 = tpu.vector_load %get3A_843[%get3A_844, %get3A_845] {strides = array<i32>} : memref<64x128xf32, #tpu.memory_space<vmem>>, vector<1x16xf32>,
      %get3A_847 = vector.shape_cast %get3A_846 : vector<1x16xf32> to vector<16xf32>
      %sub3A_848 = arith.subf %get3A_839, %get3A_847 : vector<16xf32>
      %swap3A_849 = arith.constant 0 : i32
      %swap3A_850 = arith.constant 0 : i32
      %swap3A_851 = tpu.memref_slice %arg11[%scan3A_209, %swap3A_849, %swap3A_850] : memref<4x64x128xf32, #tpu.memory_space<vmem>> -> memref<1x64x128xf32, #tpu.memory_space<vmem>>
      %swap3A_852 = tpu.memref_squeeze %swap3A_851 : memref<1x64x128xf32, #tpu.memory_space<vmem>> -> memref<64x128xf32, #tpu.memory_space<vmem>>
      %swap3A_853 = arith.index_cast %add3A_782 : i32 to index
      %swap3A_854 = arith.constant 32 : index
      %swap3A_855 = tpu.vector_load %swap3A_852[%swap3A_853, %swap3A_854] {strides = array<i32>} : memref<64x128xf32, #tpu.memory_space<vmem>>, vector<1x16xf32>,
      %swap3A_856 = vector.shape_cast %swap3A_855 : vector<1x16xf32> to vector<16xf32>
      %swap3A_857 = vector.shape_cast %sub3A_848 : vector<16xf32> to vector<1x16xf32>
      tpu.vector_store %swap3A_852[%swap3A_853, %swap3A_854], %swap3A_857 {add = true, strides = array<i32>} : memref<64x128xf32, #tpu.memory_space<vmem>>, vector<1x16xf32>,
      %get3A_858 = arith.constant 0 : i32
      %get3A_859 = arith.constant 0 : i32
      %get3A_860 = tpu.memref_slice %arg12[%scan3A_207, %get3A_858, %get3A_859] : memref<4x64x128xf32, #tpu.memory_space<vmem>> -> memref<1x64x128xf32, #tpu.memory_space<vmem>>
      %get3A_861 = tpu.memref_squeeze %get3A_860 : memref<1x64x128xf32, #tpu.memory_space<vmem>> -> memref<64x128xf32, #tpu.memory_space<vmem>>
      %get3A_862 = arith.index_cast %add3A_782 : i32 to index
      %get3A_863 = arith.constant 48 : index
      %get3A_864 = tpu.vector_load %get3A_861[%get3A_862, %get3A_863] {strides = array<i32>} : memref<64x128xf32, #tpu.memory_space<vmem>>, vector<1x16xf32>,
      %get3A_865 = vector.shape_cast %get3A_864 : vector<1x16xf32> to vector<16xf32>
      %get3A_866 = arith.constant 0 : i32
      %get3A_867 = arith.constant 0 : i32
      %get3A_868 = tpu.memref_slice %arg13[%scan3A_208, %get3A_866, %get3A_867] : memref<4x64x128xf32, #tpu.memory_space<vmem>> -> memref<1x64x128xf32, #tpu.memory_space<vmem>>
      %get3A_869 = tpu.memref_squeeze %get3A_868 : memref<1x64x128xf32, #tpu.memory_space<vmem>> -> memref<64x128xf32, #tpu.memory_space<vmem>>
      %get3A_870 = arith.index_cast %add3A_782 : i32 to index
      %get3A_871 = arith.constant 48 : index
      %get3A_872 = tpu.vector_load %get3A_869[%get3A_870, %get3A_871] {strides = array<i32>} : memref<64x128xf32, #tpu.memory_space<vmem>>, vector<1x16xf32>,
      %get3A_873 = vector.shape_cast %get3A_872 : vector<1x16xf32> to vector<16xf32>
      %sub3A_874 = arith.subf %get3A_865, %get3A_873 : vector<16xf32>
      %swap3A_875 = arith.constant 0 : i32
      %swap3A_876 = arith.constant 0 : i32
      %swap3A_877 = tpu.memref_slice %arg11[%scan3A_209, %swap3A_875, %swap3A_876] : memref<4x64x128xf32, #tpu.memory_space<vmem>> -> memref<1x64x128xf32, #tpu.memory_space<vmem>>
      %swap3A_878 = tpu.memref_squeeze %swap3A_877 : memref<1x64x128xf32, #tpu.memory_space<vmem>> -> memref<64x128xf32, #tpu.memory_space<vmem>>
      %swap3A_879 = arith.index_cast %add3A_782 : i32 to index
      %swap3A_880 = arith.constant 48 : index
      %swap3A_881 = tpu.vector_load %swap3A_878[%swap3A_879, %swap3A_880] {strides = array<i32>} : memref<64x128xf32, #tpu.memory_space<vmem>>, vector<1x16xf32>,
      %swap3A_882 = vector.shape_cast %swap3A_881 : vector<1x16xf32> to vector<16xf32>
      %swap3A_883 = vector.shape_cast %sub3A_874 : vector<16xf32> to vector<1x16xf32>
      tpu.vector_store %swap3A_878[%swap3A_879, %swap3A_880], %swap3A_883 {add = true, strides = array<i32>} : memref<64x128xf32, #tpu.memory_space<vmem>>, vector<1x16xf32>,
      %get3A_884 = arith.constant 0 : i32
      %get3A_885 = arith.constant 0 : i32
      %get3A_886 = tpu.memref_slice %arg12[%scan3A_207, %get3A_884, %get3A_885] : memref<4x64x128xf32, #tpu.memory_space<vmem>> -> memref<1x64x128xf32, #tpu.memory_space<vmem>>
      %get3A_887 = tpu.memref_squeeze %get3A_886 : memref<1x64x128xf32, #tpu.memory_space<vmem>> -> memref<64x128xf32, #tpu.memory_space<vmem>>
      %get3A_888 = arith.index_cast %add3A_782 : i32 to index
      %get3A_889 = arith.constant 64 : index
      %get3A_890 = tpu.vector_load %get3A_887[%get3A_888, %get3A_889] {strides = array<i32>} : memref<64x128xf32, #tpu.memory_space<vmem>>, vector<1x16xf32>,
      %get3A_891 = vector.shape_cast %get3A_890 : vector<1x16xf32> to vector<16xf32>
      %get3A_892 = arith.constant 0 : i32
      %get3A_893 = arith.constant 0 : i32
      %get3A_894 = tpu.memref_slice %arg13[%scan3A_208, %get3A_892, %get3A_893] : memref<4x64x128xf32, #tpu.memory_space<vmem>> -> memref<1x64x128xf32, #tpu.memory_space<vmem>>
      %get3A_895 = tpu.memref_squeeze %get3A_894 : memref<1x64x128xf32, #tpu.memory_space<vmem>> -> memref<64x128xf32, #tpu.memory_space<vmem>>
      %get3A_896 = arith.index_cast %add3A_782 : i32 to index
      %get3A_897 = arith.constant 64 : index
      %get3A_898 = tpu.vector_load %get3A_895[%get3A_896, %get3A_897] {strides = array<i32>} : memref<64x128xf32, #tpu.memory_space<vmem>>, vector<1x16xf32>,
      %get3A_899 = vector.shape_cast %get3A_898 : vector<1x16xf32> to vector<16xf32>
      %sub3A_900 = arith.subf %get3A_891, %get3A_899 : vector<16xf32>
      %swap3A_901 = arith.constant 0 : i32
      %swap3A_902 = arith.constant 0 : i32
      %swap3A_903 = tpu.memref_slice %arg11[%scan3A_209, %swap3A_901, %swap3A_902] : memref<4x64x128xf32, #tpu.memory_space<vmem>> -> memref<1x64x128xf32, #tpu.memory_space<vmem>>
      %swap3A_904 = tpu.memref_squeeze %swap3A_903 : memref<1x64x128xf32, #tpu.memory_space<vmem>> -> memref<64x128xf32, #tpu.memory_space<vmem>>
      %swap3A_905 = arith.index_cast %add3A_782 : i32 to index
      %swap3A_906 = arith.constant 64 : index
      %swap3A_907 = tpu.vector_load %swap3A_904[%swap3A_905, %swap3A_906] {strides = array<i32>} : memref<64x128xf32, #tpu.memory_space<vmem>>, vector<1x16xf32>,
      %swap3A_908 = vector.shape_cast %swap3A_907 : vector<1x16xf32> to vector<16xf32>
      %swap3A_909 = vector.shape_cast %sub3A_900 : vector<16xf32> to vector<1x16xf32>
      tpu.vector_store %swap3A_904[%swap3A_905, %swap3A_906], %swap3A_909 {add = true, strides = array<i32>} : memref<64x128xf32, #tpu.memory_space<vmem>>, vector<1x16xf32>,
      %get3A_910 = arith.constant 0 : i32
      %get3A_911 = arith.constant 0 : i32
      %get3A_912 = tpu.memref_slice %arg12[%scan3A_207, %get3A_910, %get3A_911] : memref<4x64x128xf32, #tpu.memory_space<vmem>> -> memref<1x64x128xf32, #tpu.memory_space<vmem>>
      %get3A_913 = tpu.memref_squeeze %get3A_912 : memref<1x64x128xf32, #tpu.memory_space<vmem>> -> memref<64x128xf32, #tpu.memory_space<vmem>>
      %get3A_914 = arith.index_cast %add3A_782 : i32 to index
      %get3A_915 = arith.constant 80 : index
      %get3A_916 = tpu.vector_load %get3A_913[%get3A_914, %get3A_915] {strides = array<i32>} : memref<64x128xf32, #tpu.memory_space<vmem>>, vector<1x16xf32>,
      %get3A_917 = vector.shape_cast %get3A_916 : vector<1x16xf32> to vector<16xf32>
      %get3A_918 = arith.constant 0 : i32
      %get3A_919 = arith.constant 0 : i32
      %get3A_920 = tpu.memref_slice %arg13[%scan3A_208, %get3A_918, %get3A_919] : memref<4x64x128xf32, #tpu.memory_space<vmem>> -> memref<1x64x128xf32, #tpu.memory_space<vmem>>
      %get3A_921 = tpu.memref_squeeze %get3A_920 : memref<1x64x128xf32, #tpu.memory_space<vmem>> -> memref<64x128xf32, #tpu.memory_space<vmem>>
      %get3A_922 = arith.index_cast %add3A_782 : i32 to index
      %get3A_923 = arith.constant 80 : index
      %get3A_924 = tpu.vector_load %get3A_921[%get3A_922, %get3A_923] {strides = array<i32>} : memref<64x128xf32, #tpu.memory_space<vmem>>, vector<1x16xf32>,
      %get3A_925 = vector.shape_cast %get3A_924 : vector<1x16xf32> to vector<16xf32>
      %sub3A_926 = arith.subf %get3A_917, %get3A_925 : vector<16xf32>
      %swap3A_927 = arith.constant 0 : i32
      %swap3A_928 = arith.constant 0 : i32
      %swap3A_929 = tpu.memref_slice %arg11[%scan3A_209, %swap3A_927, %swap3A_928] : memref<4x64x128xf32, #tpu.memory_space<vmem>> -> memref<1x64x128xf32, #tpu.memory_space<vmem>>
      %swap3A_930 = tpu.memref_squeeze %swap3A_929 : memref<1x64x128xf32, #tpu.memory_space<vmem>> -> memref<64x128xf32, #tpu.memory_space<vmem>>
      %swap3A_931 = arith.index_cast %add3A_782 : i32 to index
      %swap3A_932 = arith.constant 80 : index
      %swap3A_933 = tpu.vector_load %swap3A_930[%swap3A_931, %swap3A_932] {strides = array<i32>} : memref<64x128xf32, #tpu.memory_space<vmem>>, vector<1x16xf32>,
      %swap3A_934 = vector.shape_cast %swap3A_933 : vector<1x16xf32> to vector<16xf32>
      %swap3A_935 = vector.shape_cast %sub3A_926 : vector<16xf32> to vector<1x16xf32>
      tpu.vector_store %swap3A_930[%swap3A_931, %swap3A_932], %swap3A_935 {add = true, strides = array<i32>} : memref<64x128xf32, #tpu.memory_space<vmem>>, vector<1x16xf32>,
      %get3A_936 = arith.constant 0 : i32
      %get3A_937 = arith.constant 0 : i32
      %get3A_938 = tpu.memref_slice %arg12[%scan3A_207, %get3A_936, %get3A_937] : memref<4x64x128xf32, #tpu.memory_space<vmem>> -> memref<1x64x128xf32, #tpu.memory_space<vmem>>
      %get3A_939 = tpu.memref_squeeze %get3A_938 : memref<1x64x128xf32, #tpu.memory_space<vmem>> -> memref<64x128xf32, #tpu.memory_space<vmem>>
      %get3A_940 = arith.index_cast %add3A_782 : i32 to index
      %get3A_941 = arith.constant 96 : index
      %get3A_942 = tpu.vector_load %get3A_939[%get3A_940, %get3A_941] {strides = array<i32>} : memref<64x128xf32, #tpu.memory_space<vmem>>, vector<1x16xf32>,
      %get3A_943 = vector.shape_cast %get3A_942 : vector<1x16xf32> to vector<16xf32>
      %get3A_944 = arith.constant 0 : i32
      %get3A_945 = arith.constant 0 : i32
      %get3A_946 = tpu.memref_slice %arg13[%scan3A_208, %get3A_944, %get3A_945] : memref<4x64x128xf32, #tpu.memory_space<vmem>> -> memref<1x64x128xf32, #tpu.memory_space<vmem>>
      %get3A_947 = tpu.memref_squeeze %get3A_946 : memref<1x64x128xf32, #tpu.memory_space<vmem>> -> memref<64x128xf32, #tpu.memory_space<vmem>>
      %get3A_948 = arith.index_cast %add3A_782 : i32 to index
      %get3A_949 = arith.constant 96 : index
      %get3A_950 = tpu.vector_load %get3A_947[%get3A_948, %get3A_949] {strides = array<i32>} : memref<64x128xf32, #tpu.memory_space<vmem>>, vector<1x16xf32>,
      %get3A_951 = vector.shape_cast %get3A_950 : vector<1x16xf32> to vector<16xf32>
      %sub3A_952 = arith.subf %get3A_943, %get3A_951 : vector<16xf32>
      %swap3A_953 = arith.constant 0 : i32
      %swap3A_954 = arith.constant 0 : i32
      %swap3A_955 = tpu.memref_slice %arg11[%scan3A_209, %swap3A_953, %swap3A_954] : memref<4x64x128xf32, #tpu.memory_space<vmem>> -> memref<1x64x128xf32, #tpu.memory_space<vmem>>
      %swap3A_956 = tpu.memref_squeeze %swap3A_955 : memref<1x64x128xf32, #tpu.memory_space<vmem>> -> memref<64x128xf32, #tpu.memory_space<vmem>>
      %swap3A_957 = arith.index_cast %add3A_782 : i32 to index
      %swap3A_958 = arith.constant 96 : index
      %swap3A_959 = tpu.vector_load %swap3A_956[%swap3A_957, %swap3A_958] {strides = array<i32>} : memref<64x128xf32, #tpu.memory_space<vmem>>, vector<1x16xf32>,
      %swap3A_960 = vector.shape_cast %swap3A_959 : vector<1x16xf32> to vector<16xf32>
      %swap3A_961 = vector.shape_cast %sub3A_952 : vector<16xf32> to vector<1x16xf32>
      tpu.vector_store %swap3A_956[%swap3A_957, %swap3A_958], %swap3A_961 {add = true, strides = array<i32>} : memref<64x128xf32, #tpu.memory_space<vmem>>, vector<1x16xf32>,
      %get3A_962 = arith.constant 0 : i32
      %get3A_963 = arith.constant 0 : i32
      %get3A_964 = tpu.memref_slice %arg12[%scan3A_207, %get3A_962, %get3A_963] : memref<4x64x128xf32, #tpu.memory_space<vmem>> -> memref<1x64x128xf32, #tpu.memory_space<vmem>>
      %get3A_965 = tpu.memref_squeeze %get3A_964 : memref<1x64x128xf32, #tpu.memory_space<vmem>> -> memref<64x128xf32, #tpu.memory_space<vmem>>
      %get3A_966 = arith.index_cast %add3A_782 : i32 to index
      %get3A_967 = arith.constant 112 : index
      %get3A_968 = tpu.vector_load %get3A_965[%get3A_966, %get3A_967] {strides = array<i32>} : memref<64x128xf32, #tpu.memory_space<vmem>>, vector<1x16xf32>,
      %get3A_969 = vector.shape_cast %get3A_968 : vector<1x16xf32> to vector<16xf32>
      %get3A_970 = arith.constant 0 : i32
      %get3A_971 = arith.constant 0 : i32
      %get3A_972 = tpu.memref_slice %arg13[%scan3A_208, %get3A_970, %get3A_971] : memref<4x64x128xf32, #tpu.memory_space<vmem>> -> memref<1x64x128xf32, #tpu.memory_space<vmem>>
      %get3A_973 = tpu.memref_squeeze %get3A_972 : memref<1x64x128xf32, #tpu.memory_space<vmem>> -> memref<64x128xf32, #tpu.memory_space<vmem>>
      %get3A_974 = arith.index_cast %add3A_782 : i32 to index
      %get3A_975 = arith.constant 112 : index
      %get3A_976 = tpu.vector_load %get3A_973[%get3A_974, %get3A_975] {strides = array<i32>} : memref<64x128xf32, #tpu.memory_space<vmem>>, vector<1x16xf32>,
      %get3A_977 = vector.shape_cast %get3A_976 : vector<1x16xf32> to vector<16xf32>
      %sub3A_978 = arith.subf %get3A_969, %get3A_977 : vector<16xf32>
      %swap3A_979 = arith.constant 0 : i32
      %swap3A_980 = arith.constant 0 : i32
      %swap3A_981 = tpu.memref_slice %arg11[%scan3A_209, %swap3A_979, %swap3A_980] : memref<4x64x128xf32, #tpu.memory_space<vmem>> -> memref<1x64x128xf32, #tpu.memory_space<vmem>>
      %swap3A_982 = tpu.memref_squeeze %swap3A_981 : memref<1x64x128xf32, #tpu.memory_space<vmem>> -> memref<64x128xf32, #tpu.memory_space<vmem>>
      %swap3A_983 = arith.index_cast %add3A_782 : i32 to index
      %swap3A_984 = arith.constant 112 : index
      %swap3A_985 = tpu.vector_load %swap3A_982[%swap3A_983, %swap3A_984] {strides = array<i32>} : memref<64x128xf32, #tpu.memory_space<vmem>>, vector<1x16xf32>,
      %swap3A_986 = vector.shape_cast %swap3A_985 : vector<1x16xf32> to vector<16xf32>
      %swap3A_987 = vector.shape_cast %sub3A_978 : vector<16xf32> to vector<1x16xf32>
      tpu.vector_store %swap3A_982[%swap3A_983, %swap3A_984], %swap3A_987 {add = true, strides = array<i32>} : memref<64x128xf32, #tpu.memory_space<vmem>>, vector<1x16xf32>,
      %mul3A_988 = arith.constant 2 : i32
      %mul3A_989 = arith.muli %scan3A_778, %mul3A_988 : i32
      %add3A_990 = arith.constant 1 : i32
      %add3A_991 = arith.addi %mul3A_989, %add3A_990 : i32
      %get3A_992 = arith.constant 0 : i32
      %get3A_993 = arith.constant 0 : i32
      %get3A_994 = tpu.memref_slice %arg12[%scan3A_207, %get3A_992, %get3A_993] : memref<4x64x128xf32, #tpu.memory_space<vmem>> -> memref<1x64x128xf32, #tpu.memory_space<vmem>>
      %get3A_995 = tpu.memref_squeeze %get3A_994 : memref<1x64x128xf32, #tpu.memory_space<vmem>> -> memref<64x128xf32, #tpu.memory_space<vmem>>
      %get3A_996 = arith.index_cast %add3A_991 : i32 to index
      %get3A_997 = arith.constant 0 : index
      %get3A_998 = tpu.vector_load %get3A_995[%get3A_996, %get3A_997] {strides = array<i32>} : memref<64x128xf32, #tpu.memory_space<vmem>>, vector<1x16xf32>,
      %get3A_999 = vector.shape_cast %get3A_998 : vector<1x16xf32> to vector<16xf32>
      %get3A_1000 = arith.constant 0 : i32
      %get3A_1001 = arith.constant 0 : i32
      %get3A_1002 = tpu.memref_slice %arg13[%scan3A_208, %get3A_1000, %get3A_1001] : memref<4x64x128xf32, #tpu.memory_space<vmem>> -> memref<1x64x128xf32, #tpu.memory_space<vmem>>
      %get3A_1003 = tpu.memref_squeeze %get3A_1002 : memref<1x64x128xf32, #tpu.memory_space<vmem>> -> memref<64x128xf32, #tpu.memory_space<vmem>>
      %get3A_1004 = arith.index_cast %add3A_991 : i32 to index
      %get3A_1005 = arith.constant 0 : index
      %get3A_1006 = tpu.vector_load %get3A_1003[%get3A_1004, %get3A_1005] {strides = array<i32>} : memref<64x128xf32, #tpu.memory_space<vmem>>, vector<1x16xf32>,
      %get3A_1007 = vector.shape_cast %get3A_1006 : vector<1x16xf32> to vector<16xf32>
      %sub3A_1008 = arith.subf %get3A_999, %get3A_1007 : vector<16xf32>
      %swap3A_1009 = arith.constant 0 : i32
      %swap3A_1010 = arith.constant 0 : i32
      %swap3A_1011 = tpu.memref_slice %arg11[%scan3A_209, %swap3A_1009, %swap3A_1010] : memref<4x64x128xf32, #tpu.memory_space<vmem>> -> memref<1x64x128xf32, #tpu.memory_space<vmem>>
      %swap3A_1012 = tpu.memref_squeeze %swap3A_1011 : memref<1x64x128xf32, #tpu.memory_space<vmem>> -> memref<64x128xf32, #tpu.memory_space<vmem>>
      %swap3A_1013 = arith.index_cast %add3A_991 : i32 to index
      %swap3A_1014 = arith.constant 0 : index
      %swap3A_1015 = tpu.vector_load %swap3A_1012[%swap3A_1013, %swap3A_1014] {strides = array<i32>} : memref<64x128xf32, #tpu.memory_space<vmem>>, vector<1x16xf32>,
      %swap3A_1016 = vector.shape_cast %swap3A_1015 : vector<1x16xf32> to vector<16xf32>
      %swap3A_1017 = vector.shape_cast %sub3A_1008 : vector<16xf32> to vector<1x16xf32>
      tpu.vector_store %swap3A_1012[%swap3A_1013, %swap3A_1014], %swap3A_1017 {add = true, strides = array<i32>} : memref<64x128xf32, #tpu.memory_space<vmem>>, vector<1x16xf32>,
      %get3A_1018 = arith.constant 0 : i32
      %get3A_1019 = arith.constant 0 : i32
      %get3A_1020 = tpu.memref_slice %arg12[%scan3A_207, %get3A_1018, %get3A_1019] : memref<4x64x128xf32, #tpu.memory_space<vmem>> -> memref<1x64x128xf32, #tpu.memory_space<vmem>>
      %get3A_1021 = tpu.memref_squeeze %get3A_1020 : memref<1x64x128xf32, #tpu.memory_space<vmem>> -> memref<64x128xf32, #tpu.memory_space<vmem>>
      %get3A_1022 = arith.index_cast %add3A_991 : i32 to index
      %get3A_1023 = arith.constant 16 : index
      %get3A_1024 = tpu.vector_load %get3A_1021[%get3A_1022, %get3A_1023] {strides = array<i32>} : memref<64x128xf32, #tpu.memory_space<vmem>>, vector<1x16xf32>,
      %get3A_1025 = vector.shape_cast %get3A_1024 : vector<1x16xf32> to vector<16xf32>
      %get3A_1026 = arith.constant 0 : i32
      %get3A_1027 = arith.constant 0 : i32
      %get3A_1028 = tpu.memref_slice %arg13[%scan3A_208, %get3A_1026, %get3A_1027] : memref<4x64x128xf32, #tpu.memory_space<vmem>> -> memref<1x64x128xf32, #tpu.memory_space<vmem>>
      %get3A_1029 = tpu.memref_squeeze %get3A_1028 : memref<1x64x128xf32, #tpu.memory_space<vmem>> -> memref<64x128xf32, #tpu.memory_space<vmem>>
      %get3A_1030 = arith.index_cast %add3A_991 : i32 to index
      %get3A_1031 = arith.constant 16 : index
      %get3A_1032 = tpu.vector_load %get3A_1029[%get3A_1030, %get3A_1031] {strides = array<i32>} : memref<64x128xf32, #tpu.memory_space<vmem>>, vector<1x16xf32>,
      %get3A_1033 = vector.shape_cast %get3A_1032 : vector<1x16xf32> to vector<16xf32>
      %sub3A_1034 = arith.subf %get3A_1025, %get3A_1033 : vector<16xf32>
      %swap3A_1035 = arith.constant 0 : i32
      %swap3A_1036 = arith.constant 0 : i32
      %swap3A_1037 = tpu.memref_slice %arg11[%scan3A_209, %swap3A_1035, %swap3A_1036] : memref<4x64x128xf32, #tpu.memory_space<vmem>> -> memref<1x64x128xf32, #tpu.memory_space<vmem>>
      %swap3A_1038 = tpu.memref_squeeze %swap3A_1037 : memref<1x64x128xf32, #tpu.memory_space<vmem>> -> memref<64x128xf32, #tpu.memory_space<vmem>>
      %swap3A_1039 = arith.index_cast %add3A_991 : i32 to index
      %swap3A_1040 = arith.constant 16 : index
      %swap3A_1041 = tpu.vector_load %swap3A_1038[%swap3A_1039, %swap3A_1040] {strides = array<i32>} : memref<64x128xf32, #tpu.memory_space<vmem>>, vector<1x16xf32>,
      %swap3A_1042 = vector.shape_cast %swap3A_1041 : vector<1x16xf32> to vector<16xf32>
      %swap3A_1043 = vector.shape_cast %sub3A_1034 : vector<16xf32> to vector<1x16xf32>
      tpu.vector_store %swap3A_1038[%swap3A_1039, %swap3A_1040], %swap3A_1043 {add = true, strides = array<i32>} : memref<64x128xf32, #tpu.memory_space<vmem>>, vector<1x16xf32>,
      %get3A_1044 = arith.constant 0 : i32
      %get3A_1045 = arith.constant 0 : i32
      %get3A_1046 = tpu.memref_slice %arg12[%scan3A_207, %get3A_1044, %get3A_1045] : memref<4x64x128xf32, #tpu.memory_space<vmem>> -> memref<1x64x128xf32, #tpu.memory_space<vmem>>
      %get3A_1047 = tpu.memref_squeeze %get3A_1046 : memref<1x64x128xf32, #tpu.memory_space<vmem>> -> memref<64x128xf32, #tpu.memory_space<vmem>>
      %get3A_1048 = arith.index_cast %add3A_991 : i32 to index
      %get3A_1049 = arith.constant 32 : index
      %get3A_1050 = tpu.vector_load %get3A_1047[%get3A_1048, %get3A_1049] {strides = array<i32>} : memref<64x128xf32, #tpu.memory_space<vmem>>, vector<1x16xf32>,
      %get3A_1051 = vector.shape_cast %get3A_1050 : vector<1x16xf32> to vector<16xf32>
      %get3A_1052 = arith.constant 0 : i32
      %get3A_1053 = arith.constant 0 : i32
      %get3A_1054 = tpu.memref_slice %arg13[%scan3A_208, %get3A_1052, %get3A_1053] : memref<4x64x128xf32, #tpu.memory_space<vmem>> -> memref<1x64x128xf32, #tpu.memory_space<vmem>>
      %get3A_1055 = tpu.memref_squeeze %get3A_1054 : memref<1x64x128xf32, #tpu.memory_space<vmem>> -> memref<64x128xf32, #tpu.memory_space<vmem>>
      %get3A_1056 = arith.index_cast %add3A_991 : i32 to index
      %get3A_1057 = arith.constant 32 : index
      %get3A_1058 = tpu.vector_load %get3A_1055[%get3A_1056, %get3A_1057] {strides = array<i32>} : memref<64x128xf32, #tpu.memory_space<vmem>>, vector<1x16xf32>,
      %get3A_1059 = vector.shape_cast %get3A_1058 : vector<1x16xf32> to vector<16xf32>
      %sub3A_1060 = arith.subf %get3A_1051, %get3A_1059 : vector<16xf32>
      %swap3A_1061 = arith.constant 0 : i32
      %swap3A_1062 = arith.constant 0 : i32
      %swap3A_1063 = tpu.memref_slice %arg11[%scan3A_209, %swap3A_1061, %swap3A_1062] : memref<4x64x128xf32, #tpu.memory_space<vmem>> -> memref<1x64x128xf32, #tpu.memory_space<vmem>>
      %swap3A_1064 = tpu.memref_squeeze %swap3A_1063 : memref<1x64x128xf32, #tpu.memory_space<vmem>> -> memref<64x128xf32, #tpu.memory_space<vmem>>
      %swap3A_1065 = arith.index_cast %add3A_991 : i32 to index
      %swap3A_1066 = arith.constant 32 : index
      %swap3A_1067 = tpu.vector_load %swap3A_1064[%swap3A_1065, %swap3A_1066] {strides = array<i32>} : memref<64x128xf32, #tpu.memory_space<vmem>>, vector<1x16xf32>,
      %swap3A_1068 = vector.shape_cast %swap3A_1067 : vector<1x16xf32> to vector<16xf32>
      %swap3A_1069 = vector.shape_cast %sub3A_1060 : vector<16xf32> to vector<1x16xf32>
      tpu.vector_store %swap3A_1064[%swap3A_1065, %swap3A_1066], %swap3A_1069 {add = true, strides = array<i32>} : memref<64x128xf32, #tpu.memory_space<vmem>>, vector<1x16xf32>,
      %get3A_1070 = arith.constant 0 : i32
      %get3A_1071 = arith.constant 0 : i32
      %get3A_1072 = tpu.memref_slice %arg12[%scan3A_207, %get3A_1070, %get3A_1071] : memref<4x64x128xf32, #tpu.memory_space<vmem>> -> memref<1x64x128xf32, #tpu.memory_space<vmem>>
      %get3A_1073 = tpu.memref_squeeze %get3A_1072 : memref<1x64x128xf32, #tpu.memory_space<vmem>> -> memref<64x128xf32, #tpu.memory_space<vmem>>
      %get3A_1074 = arith.index_cast %add3A_991 : i32 to index
      %get3A_1075 = arith.constant 48 : index
      %get3A_1076 = tpu.vector_load %get3A_1073[%get3A_1074, %get3A_1075] {strides = array<i32>} : memref<64x128xf32, #tpu.memory_space<vmem>>, vector<1x16xf32>,
      %get3A_1077 = vector.shape_cast %get3A_1076 : vector<1x16xf32> to vector<16xf32>
      %get3A_1078 = arith.constant 0 : i32
      %get3A_1079 = arith.constant 0 : i32
      %get3A_1080 = tpu.memref_slice %arg13[%scan3A_208, %get3A_1078, %get3A_1079] : memref<4x64x128xf32, #tpu.memory_space<vmem>> -> memref<1x64x128xf32, #tpu.memory_space<vmem>>
      %get3A_1081 = tpu.memref_squeeze %get3A_1080 : memref<1x64x128xf32, #tpu.memory_space<vmem>> -> memref<64x128xf32, #tpu.memory_space<vmem>>
      %get3A_1082 = arith.index_cast %add3A_991 : i32 to index
      %get3A_1083 = arith.constant 48 : index
      %get3A_1084 = tpu.vector_load %get3A_1081[%get3A_1082, %get3A_1083] {strides = array<i32>} : memref<64x128xf32, #tpu.memory_space<vmem>>, vector<1x16xf32>,
      %get3A_1085 = vector.shape_cast %get3A_1084 : vector<1x16xf32> to vector<16xf32>
      %sub3A_1086 = arith.subf %get3A_1077, %get3A_1085 : vector<16xf32>
      %swap3A_1087 = arith.constant 0 : i32
      %swap3A_1088 = arith.constant 0 : i32
      %swap3A_1089 = tpu.memref_slice %arg11[%scan3A_209, %swap3A_1087, %swap3A_1088] : memref<4x64x128xf32, #tpu.memory_space<vmem>> -> memref<1x64x128xf32, #tpu.memory_space<vmem>>
      %swap3A_1090 = tpu.memref_squeeze %swap3A_1089 : memref<1x64x128xf32, #tpu.memory_space<vmem>> -> memref<64x128xf32, #tpu.memory_space<vmem>>
      %swap3A_1091 = arith.index_cast %add3A_991 : i32 to index
      %swap3A_1092 = arith.constant 48 : index
      %swap3A_1093 = tpu.vector_load %swap3A_1090[%swap3A_1091, %swap3A_1092] {strides = array<i32>} : memref<64x128xf32, #tpu.memory_space<vmem>>, vector<1x16xf32>,
      %swap3A_1094 = vector.shape_cast %swap3A_1093 : vector<1x16xf32> to vector<16xf32>
      %swap3A_1095 = vector.shape_cast %sub3A_1086 : vector<16xf32> to vector<1x16xf32>
      tpu.vector_store %swap3A_1090[%swap3A_1091, %swap3A_1092], %swap3A_1095 {add = true, strides = array<i32>} : memref<64x128xf32, #tpu.memory_space<vmem>>, vector<1x16xf32>,
      %get3A_1096 = arith.constant 0 : i32
      %get3A_1097 = arith.constant 0 : i32
      %get3A_1098 = tpu.memref_slice %arg12[%scan3A_207, %get3A_1096, %get3A_1097] : memref<4x64x128xf32, #tpu.memory_space<vmem>> -> memref<1x64x128xf32, #tpu.memory_space<vmem>>
      %get3A_1099 = tpu.memref_squeeze %get3A_1098 : memref<1x64x128xf32, #tpu.memory_space<vmem>> -> memref<64x128xf32, #tpu.memory_space<vmem>>
      %get3A_1100 = arith.index_cast %add3A_991 : i32 to index
      %get3A_1101 = arith.constant 64 : index
      %get3A_1102 = tpu.vector_load %get3A_1099[%get3A_1100, %get3A_1101] {strides = array<i32>} : memref<64x128xf32, #tpu.memory_space<vmem>>, vector<1x16xf32>,
      %get3A_1103 = vector.shape_cast %get3A_1102 : vector<1x16xf32> to vector<16xf32>
      %get3A_1104 = arith.constant 0 : i32
      %get3A_1105 = arith.constant 0 : i32
      %get3A_1106 = tpu.memref_slice %arg13[%scan3A_208, %get3A_1104, %get3A_1105] : memref<4x64x128xf32, #tpu.memory_space<vmem>> -> memref<1x64x128xf32, #tpu.memory_space<vmem>>
      %get3A_1107 = tpu.memref_squeeze %get3A_1106 : memref<1x64x128xf32, #tpu.memory_space<vmem>> -> memref<64x128xf32, #tpu.memory_space<vmem>>
      %get3A_1108 = arith.index_cast %add3A_991 : i32 to index
      %get3A_1109 = arith.constant 64 : index
      %get3A_1110 = tpu.vector_load %get3A_1107[%get3A_1108, %get3A_1109] {strides = array<i32>} : memref<64x128xf32, #tpu.memory_space<vmem>>, vector<1x16xf32>,
      %get3A_1111 = vector.shape_cast %get3A_1110 : vector<1x16xf32> to vector<16xf32>
      %sub3A_1112 = arith.subf %get3A_1103, %get3A_1111 : vector<16xf32>
      %swap3A_1113 = arith.constant 0 : i32
      %swap3A_1114 = arith.constant 0 : i32
      %swap3A_1115 = tpu.memref_slice %arg11[%scan3A_209, %swap3A_1113, %swap3A_1114] : memref<4x64x128xf32, #tpu.memory_space<vmem>> -> memref<1x64x128xf32, #tpu.memory_space<vmem>>
      %swap3A_1116 = tpu.memref_squeeze %swap3A_1115 : memref<1x64x128xf32, #tpu.memory_space<vmem>> -> memref<64x128xf32, #tpu.memory_space<vmem>>
      %swap3A_1117 = arith.index_cast %add3A_991 : i32 to index
      %swap3A_1118 = arith.constant 64 : index
      %swap3A_1119 = tpu.vector_load %swap3A_1116[%swap3A_1117, %swap3A_1118] {strides = array<i32>} : memref<64x128xf32, #tpu.memory_space<vmem>>, vector<1x16xf32>,
      %swap3A_1120 = vector.shape_cast %swap3A_1119 : vector<1x16xf32> to vector<16xf32>
      %swap3A_1121 = vector.shape_cast %sub3A_1112 : vector<16xf32> to vector<1x16xf32>
      tpu.vector_store %swap3A_1116[%swap3A_1117, %swap3A_1118], %swap3A_1121 {add = true, strides = array<i32>} : memref<64x128xf32, #tpu.memory_space<vmem>>, vector<1x16xf32>,
      %get3A_1122 = arith.constant 0 : i32
      %get3A_1123 = arith.constant 0 : i32
      %get3A_1124 = tpu.memref_slice %arg12[%scan3A_207, %get3A_1122, %get3A_1123] : memref<4x64x128xf32, #tpu.memory_space<vmem>> -> memref<1x64x128xf32, #tpu.memory_space<vmem>>
      %get3A_1125 = tpu.memref_squeeze %get3A_1124 : memref<1x64x128xf32, #tpu.memory_space<vmem>> -> memref<64x128xf32, #tpu.memory_space<vmem>>
      %get3A_1126 = arith.index_cast %add3A_991 : i32 to index
      %get3A_1127 = arith.constant 80 : index
      %get3A_1128 = tpu.vector_load %get3A_1125[%get3A_1126, %get3A_1127] {strides = array<i32>} : memref<64x128xf32, #tpu.memory_space<vmem>>, vector<1x16xf32>,
      %get3A_1129 = vector.shape_cast %get3A_1128 : vector<1x16xf32> to vector<16xf32>
      %get3A_1130 = arith.constant 0 : i32
      %get3A_1131 = arith.constant 0 : i32
      %get3A_1132 = tpu.memref_slice %arg13[%scan3A_208, %get3A_1130, %get3A_1131] : memref<4x64x128xf32, #tpu.memory_space<vmem>> -> memref<1x64x128xf32, #tpu.memory_space<vmem>>
      %get3A_1133 = tpu.memref_squeeze %get3A_1132 : memref<1x64x128xf32, #tpu.memory_space<vmem>> -> memref<64x128xf32, #tpu.memory_space<vmem>>
      %get3A_1134 = arith.index_cast %add3A_991 : i32 to index
      %get3A_1135 = arith.constant 80 : index
      %get3A_1136 = tpu.vector_load %get3A_1133[%get3A_1134, %get3A_1135] {strides = array<i32>} : memref<64x128xf32, #tpu.memory_space<vmem>>, vector<1x16xf32>,
      %get3A_1137 = vector.shape_cast %get3A_1136 : vector<1x16xf32> to vector<16xf32>
      %sub3A_1138 = arith.subf %get3A_1129, %get3A_1137 : vector<16xf32>
      %swap3A_1139 = arith.constant 0 : i32
      %swap3A_1140 = arith.constant 0 : i32
      %swap3A_1141 = tpu.memref_slice %arg11[%scan3A_209, %swap3A_1139, %swap3A_1140] : memref<4x64x128xf32, #tpu.memory_space<vmem>> -> memref<1x64x128xf32, #tpu.memory_space<vmem>>
      %swap3A_1142 = tpu.memref_squeeze %swap3A_1141 : memref<1x64x128xf32, #tpu.memory_space<vmem>> -> memref<64x128xf32, #tpu.memory_space<vmem>>
      %swap3A_1143 = arith.index_cast %add3A_991 : i32 to index
      %swap3A_1144 = arith.constant 80 : index
      %swap3A_1145 = tpu.vector_load %swap3A_1142[%swap3A_1143, %swap3A_1144] {strides = array<i32>} : memref<64x128xf32, #tpu.memory_space<vmem>>, vector<1x16xf32>,
      %swap3A_1146 = vector.shape_cast %swap3A_1145 : vector<1x16xf32> to vector<16xf32>
      %swap3A_1147 = vector.shape_cast %sub3A_1138 : vector<16xf32> to vector<1x16xf32>
      tpu.vector_store %swap3A_1142[%swap3A_1143, %swap3A_1144], %swap3A_1147 {add = true, strides = array<i32>} : memref<64x128xf32, #tpu.memory_space<vmem>>, vector<1x16xf32>,
      %get3A_1148 = arith.constant 0 : i32
      %get3A_1149 = arith.constant 0 : i32
      %get3A_1150 = tpu.memref_slice %arg12[%scan3A_207, %get3A_1148, %get3A_1149] : memref<4x64x128xf32, #tpu.memory_space<vmem>> -> memref<1x64x128xf32, #tpu.memory_space<vmem>>
      %get3A_1151 = tpu.memref_squeeze %get3A_1150 : memref<1x64x128xf32, #tpu.memory_space<vmem>> -> memref<64x128xf32, #tpu.memory_space<vmem>>
      %get3A_1152 = arith.index_cast %add3A_991 : i32 to index
      %get3A_1153 = arith.constant 96 : index
      %get3A_1154 = tpu.vector_load %get3A_1151[%get3A_1152, %get3A_1153] {strides = array<i32>} : memref<64x128xf32, #tpu.memory_space<vmem>>, vector<1x16xf32>,
      %get3A_1155 = vector.shape_cast %get3A_1154 : vector<1x16xf32> to vector<16xf32>
      %get3A_1156 = arith.constant 0 : i32
      %get3A_1157 = arith.constant 0 : i32
      %get3A_1158 = tpu.memref_slice %arg13[%scan3A_208, %get3A_1156, %get3A_1157] : memref<4x64x128xf32, #tpu.memory_space<vmem>> -> memref<1x64x128xf32, #tpu.memory_space<vmem>>
      %get3A_1159 = tpu.memref_squeeze %get3A_1158 : memref<1x64x128xf32, #tpu.memory_space<vmem>> -> memref<64x128xf32, #tpu.memory_space<vmem>>
      %get3A_1160 = arith.index_cast %add3A_991 : i32 to index
      %get3A_1161 = arith.constant 96 : index
      %get3A_1162 = tpu.vector_load %get3A_1159[%get3A_1160, %get3A_1161] {strides = array<i32>} : memref<64x128xf32, #tpu.memory_space<vmem>>, vector<1x16xf32>,
      %get3A_1163 = vector.shape_cast %get3A_1162 : vector<1x16xf32> to vector<16xf32>
      %sub3A_1164 = arith.subf %get3A_1155, %get3A_1163 : vector<16xf32>
      %swap3A_1165 = arith.constant 0 : i32
      %swap3A_1166 = arith.constant 0 : i32
      %swap3A_1167 = tpu.memref_slice %arg11[%scan3A_209, %swap3A_1165, %swap3A_1166] : memref<4x64x128xf32, #tpu.memory_space<vmem>> -> memref<1x64x128xf32, #tpu.memory_space<vmem>>
      %swap3A_1168 = tpu.memref_squeeze %swap3A_1167 : memref<1x64x128xf32, #tpu.memory_space<vmem>> -> memref<64x128xf32, #tpu.memory_space<vmem>>
      %swap3A_1169 = arith.index_cast %add3A_991 : i32 to index
      %swap3A_1170 = arith.constant 96 : index
      %swap3A_1171 = tpu.vector_load %swap3A_1168[%swap3A_1169, %swap3A_1170] {strides = array<i32>} : memref<64x128xf32, #tpu.memory_space<vmem>>, vector<1x16xf32>,
      %swap3A_1172 = vector.shape_cast %swap3A_1171 : vector<1x16xf32> to vector<16xf32>
      %swap3A_1173 = vector.shape_cast %sub3A_1164 : vector<16xf32> to vector<1x16xf32>
      tpu.vector_store %swap3A_1168[%swap3A_1169, %swap3A_1170], %swap3A_1173 {add = true, strides = array<i32>} : memref<64x128xf32, #tpu.memory_space<vmem>>, vector<1x16xf32>,
      %get3A_1174 = arith.constant 0 : i32
      %get3A_1175 = arith.constant 0 : i32
      %get3A_1176 = tpu.memref_slice %arg12[%scan3A_207, %get3A_1174, %get3A_1175] : memref<4x64x128xf32, #tpu.memory_space<vmem>> -> memref<1x64x128xf32, #tpu.memory_space<vmem>>
      %get3A_1177 = tpu.memref_squeeze %get3A_1176 : memref<1x64x128xf32, #tpu.memory_space<vmem>> -> memref<64x128xf32, #tpu.memory_space<vmem>>
      %get3A_1178 = arith.index_cast %add3A_991 : i32 to index
      %get3A_1179 = arith.constant 112 : index
      %get3A_1180 = tpu.vector_load %get3A_1177[%get3A_1178, %get3A_1179] {strides = array<i32>} : memref<64x128xf32, #tpu.memory_space<vmem>>, vector<1x16xf32>,
      %get3A_1181 = vector.shape_cast %get3A_1180 : vector<1x16xf32> to vector<16xf32>
      %get3A_1182 = arith.constant 0 : i32
      %get3A_1183 = arith.constant 0 : i32
      %get3A_1184 = tpu.memref_slice %arg13[%scan3A_208, %get3A_1182, %get3A_1183] : memref<4x64x128xf32, #tpu.memory_space<vmem>> -> memref<1x64x128xf32, #tpu.memory_space<vmem>>
      %get3A_1185 = tpu.memref_squeeze %get3A_1184 : memref<1x64x128xf32, #tpu.memory_space<vmem>> -> memref<64x128xf32, #tpu.memory_space<vmem>>
      %get3A_1186 = arith.index_cast %add3A_991 : i32 to index
      %get3A_1187 = arith.constant 112 : index
      %get3A_1188 = tpu.vector_load %get3A_1185[%get3A_1186, %get3A_1187] {strides = array<i32>} : memref<64x128xf32, #tpu.memory_space<vmem>>, vector<1x16xf32>,
      %get3A_1189 = vector.shape_cast %get3A_1188 : vector<1x16xf32> to vector<16xf32>
      %sub3A_1190 = arith.subf %get3A_1181, %get3A_1189 : vector<16xf32>
      %swap3A_1191 = arith.constant 0 : i32
      %swap3A_1192 = arith.constant 0 : i32
      %swap3A_1193 = tpu.memref_slice %arg11[%scan3A_209, %swap3A_1191, %swap3A_1192] : memref<4x64x128xf32, #tpu.memory_space<vmem>> -> memref<1x64x128xf32, #tpu.memory_space<vmem>>
      %swap3A_1194 = tpu.memref_squeeze %swap3A_1193 : memref<1x64x128xf32, #tpu.memory_space<vmem>> -> memref<64x128xf32, #tpu.memory_space<vmem>>
      %swap3A_1195 = arith.index_cast %add3A_991 : i32 to index
      %swap3A_1196 = arith.constant 112 : index
      %swap3A_1197 = tpu.vector_load %swap3A_1194[%swap3A_1195, %swap3A_1196] {strides = array<i32>} : memref<64x128xf32, #tpu.memory_space<vmem>>, vector<1x16xf32>,
      %swap3A_1198 = vector.shape_cast %swap3A_1197 : vector<1x16xf32> to vector<16xf32>
      %swap3A_1199 = vector.shape_cast %sub3A_1190 : vector<16xf32> to vector<1x16xf32>
      tpu.vector_store %swap3A_1194[%swap3A_1195, %swap3A_1196], %swap3A_1199 {add = true, strides = array<i32>} : memref<64x128xf32, #tpu.memory_space<vmem>>, vector<1x16xf32>,
    }
    %scan3A_214 = arith.constant 32 : i32
    %add3A_215 = arith.constant 64 : i32
    %add3A_216 = arith.addi %mul3A_2, %add3A_215 : i32
    %dma_start3A_217 = arith.constant 1 : i32
    %dma_start3A_218 = arith.constant 0 : i32
    %dma_start3A_219 = arith.constant 0 : i32
    %dma_start3A_220 = tpu.memref_slice %arg11[%dma_start3A_217, %dma_start3A_218, %dma_start3A_219] : memref<4x64x128xf32, #tpu.memory_space<vmem>> -> memref<1x64x128xf32, #tpu.memory_space<vmem>>
    %dma_start3A_221 = tpu.memref_squeeze %dma_start3A_220 : memref<1x64x128xf32, #tpu.memory_space<vmem>> -> memref<64x128xf32, #tpu.memory_space<vmem>>
    %dma_start3A_222 = arith.constant 0 : i32
    %dma_start3A_223 = tpu.memref_slice %arg7[%add3A_216, %dma_start3A_222] : memref<16384x128xf32, #tpu.memory_space<hbm>> -> memref<64x128xf32, #tpu.memory_space<hbm>>
    %dma_start3A_224 = arith.constant 0 : i32
    %dma_start3A_225 = tpu.memref_slice %arg7[%add3A_216, %dma_start3A_224] : memref<16384x128xf32, #tpu.memory_space<hbm>> -> memref<64x128xf32, #tpu.memory_space<hbm>>
    %dma_start3A_226 = arith.constant 0 : i32
    %dma_start3A_227 = arith.constant 0 : i32
    %dma_start3A_228 = tpu.memref_slice %arg11[%dma_start3A_217, %dma_start3A_226, %dma_start3A_227] : memref<4x64x128xf32, #tpu.memory_space<vmem>> -> memref<1x64x128xf32, #tpu.memory_space<vmem>>
    %dma_start3A_229 = tpu.memref_squeeze %dma_start3A_228 : memref<1x64x128xf32, #tpu.memory_space<vmem>> -> memref<64x128xf32, #tpu.memory_space<vmem>>
    tpu.enqueue_dma source(%dma_start3A_229 : memref<64x128xf32, #tpu.memory_space<vmem>>) target(%dma_start3A_225 : memref<64x128xf32, #tpu.memory_space<hbm>>) target_semaphore(%arg24 : memref<!tpu.dma_semaphore, #tpu.memory_space<semaphore_mem>>)
    %dma_wait3A_230 = arith.constant 0 : i32
    %dma_wait3A_231 = arith.constant 0 : i32
    %dma_wait3A_232 = arith.constant 0 : i32
    %dma_wait3A_233 = tpu.memref_slice %arg11[%dma_wait3A_230, %dma_wait3A_231, %dma_wait3A_232] : memref<4x64x128xf32, #tpu.memory_space<vmem>> -> memref<1x64x128xf32, #tpu.memory_space<vmem>>
    %dma_wait3A_234 = tpu.memref_squeeze %dma_wait3A_233 : memref<1x64x128xf32, #tpu.memory_space<vmem>> -> memref<64x128xf32, #tpu.memory_space<vmem>>
    %dma_wait3A_235 = arith.constant 0 : i32
    %dma_wait3A_236 = tpu.memref_slice %arg7[%add3A_132, %dma_wait3A_235] : memref<16384x128xf32, #tpu.memory_space<hbm>> -> memref<64x128xf32, #tpu.memory_space<hbm>>
    %dma_wait3A_237 = arith.constant 0 : i32
    %dma_wait3A_238 = tpu.memref_slice %arg7[%add3A_132, %dma_wait3A_237] : memref<16384x128xf32, #tpu.memory_space<hbm>> -> memref<64x128xf32, #tpu.memory_space<hbm>>
    %dma_wait3A_239 = arith.constant 0 : i32
    %dma_wait3A_240 = arith.constant 0 : i32
    %dma_wait3A_241 = tpu.memref_slice %arg11[%dma_wait3A_230, %dma_wait3A_239, %dma_wait3A_240] : memref<4x64x128xf32, #tpu.memory_space<vmem>> -> memref<1x64x128xf32, #tpu.memory_space<vmem>>
    %dma_wait3A_242 = tpu.memref_squeeze %dma_wait3A_241 : memref<1x64x128xf32, #tpu.memory_space<vmem>> -> memref<64x128xf32, #tpu.memory_space<vmem>>
    tpu.wait_dma2 semaphore(%arg23 : memref<!tpu.dma_semaphore, #tpu.memory_space<semaphore_mem>>) src(%dma_wait3A_242 : memref<64x128xf32, #tpu.memory_space<vmem>>) dst(%dma_wait3A_238 : memref<64x128xf32, #tpu.memory_space<hbm>>)
    %dma_start3A_243 = arith.constant 0 : i32
    %dma_start3A_244 = arith.constant 0 : i32
    %dma_start3A_245 = arith.constant 0 : i32
    %dma_start3A_246 = tpu.memref_slice %arg11[%dma_start3A_243, %dma_start3A_244, %dma_start3A_245] : memref<4x64x128xf32, #tpu.memory_space<vmem>> -> memref<1x64x128xf32, #tpu.memory_space<vmem>>
    %dma_start3A_247 = tpu.memref_squeeze %dma_start3A_246 : memref<1x64x128xf32, #tpu.memory_space<vmem>> -> memref<64x128xf32, #tpu.memory_space<vmem>>
    %dma_start3A_248 = arith.constant 256 : i32
    %dma_start3A_249 = tpu.memref_slice %arg8[%dma_start3A_248] : memref<512xi32, #tpu.memory_space<vmem>> -> memref<64xi32, #tpu.memory_space<vmem>>
    %dma_start3A_250 = arith.constant 0 : i32
    %dma_start3A_251 = arith.constant 0 : i32
    %dma_start3A_252 = tpu.memref_slice %arg5[%dma_start3A_250, %dma_start3A_251] : memref<100000x128xf32, #tpu.memory_space<hbm>> -> memref<100000x128xf32, #tpu.memory_space<hbm>>
    tpu.enqueue_indirect_dma source(%dma_start3A_252 : memref<100000x128xf32, #tpu.memory_space<hbm>>) target(%dma_start3A_247 : memref<64x128xf32, #tpu.memory_space<vmem>>) offsets(%dma_start3A_249 : memref<64xi32, #tpu.memory_space<vmem>>) semaphore(%arg15 : memref<!tpu.dma_semaphore, #tpu.memory_space<semaphore_mem>>)
    %dma_start3A_253 = arith.constant 0 : i32
    %dma_start3A_254 = arith.constant 0 : i32
    %dma_start3A_255 = arith.constant 0 : i32
    %dma_start3A_256 = tpu.memref_slice %arg12[%dma_start3A_253, %dma_start3A_254, %dma_start3A_255] : memref<4x64x128xf32, #tpu.memory_space<vmem>> -> memref<1x64x128xf32, #tpu.memory_space<vmem>>
    %dma_start3A_257 = tpu.memref_squeeze %dma_start3A_256 : memref<1x64x128xf32, #tpu.memory_space<vmem>> -> memref<64x128xf32, #tpu.memory_space<vmem>>
    %dma_start3A_258 = arith.constant 256 : i32
    %dma_start3A_259 = tpu.memref_slice %arg9[%dma_start3A_258] : memref<512xi32, #tpu.memory_space<vmem>> -> memref<64xi32, #tpu.memory_space<vmem>>
    %dma_start3A_260 = arith.constant 0 : i32
    %dma_start3A_261 = arith.constant 0 : i32
    %dma_start3A_262 = tpu.memref_slice %arg14[%dma_start3A_260, %dma_start3A_261] : memref<1000x128xf32, #tpu.memory_space<vmem_shared>> -> memref<1000x128xf32, #tpu.memory_space<vmem_shared>>
    tpu.enqueue_indirect_dma source(%dma_start3A_262 : memref<1000x128xf32, #tpu.memory_space<vmem_shared>>) target(%dma_start3A_257 : memref<64x128xf32, #tpu.memory_space<vmem>>) offsets(%dma_start3A_259 : memref<64xi32, #tpu.memory_space<vmem>>) semaphore(%arg19 : memref<!tpu.dma_semaphore, #tpu.memory_space<semaphore_mem>>)
    %dma_start3A_263 = arith.constant 0 : i32
    %dma_start3A_264 = arith.constant 0 : i32
    %dma_start3A_265 = arith.constant 0 : i32
    %dma_start3A_266 = tpu.memref_slice %arg13[%dma_start3A_263, %dma_start3A_264, %dma_start3A_265] : memref<4x64x128xf32, #tpu.memory_space<vmem>> -> memref<1x64x128xf32, #tpu.memory_space<vmem>>
    %dma_start3A_267 = tpu.memref_squeeze %dma_start3A_266 : memref<1x64x128xf32, #tpu.memory_space<vmem>> -> memref<64x128xf32, #tpu.memory_space<vmem>>
    %dma_start3A_268 = arith.constant 256 : i32
    %dma_start3A_269 = tpu.memref_slice %arg10[%dma_start3A_268] : memref<512xi32, #tpu.memory_space<vmem>> -> memref<64xi32, #tpu.memory_space<vmem>>
    %dma_start3A_270 = arith.constant 0 : i32
    %dma_start3A_271 = arith.constant 0 : i32
    %dma_start3A_272 = tpu.memref_slice %arg5[%dma_start3A_270, %dma_start3A_271] : memref<100000x128xf32, #tpu.memory_space<hbm>> -> memref<100000x128xf32, #tpu.memory_space<hbm>>
    tpu.enqueue_indirect_dma source(%dma_start3A_272 : memref<100000x128xf32, #tpu.memory_space<hbm>>) target(%dma_start3A_267 : memref<64x128xf32, #tpu.memory_space<vmem>>) offsets(%dma_start3A_269 : memref<64xi32, #tpu.memory_space<vmem>>) semaphore(%arg15 : memref<!tpu.dma_semaphore, #tpu.memory_space<semaphore_mem>>)
    %dma_wait3A_273 = arith.constant 2 : i32
    %dma_wait3A_274 = arith.constant 0 : i32
    %dma_wait3A_275 = arith.constant 0 : i32
    %dma_wait3A_276 = tpu.memref_slice %arg11[%dma_wait3A_273, %dma_wait3A_274, %dma_wait3A_275] : memref<4x64x128xf32, #tpu.memory_space<vmem>> -> memref<1x64x128xf32, #tpu.memory_space<vmem>>
    %dma_wait3A_277 = tpu.memref_squeeze %dma_wait3A_276 : memref<1x64x128xf32, #tpu.memory_space<vmem>> -> memref<64x128xf32, #tpu.memory_space<vmem>>
    %dma_wait3A_278 = arith.constant 128 : i32
    %dma_wait3A_279 = tpu.memref_slice %arg8[%dma_wait3A_278] : memref<512xi32, #tpu.memory_space<vmem>> -> memref<64xi32, #tpu.memory_space<vmem>>
    %dma_wait3A_280 = arith.constant 0 : i32
    %dma_wait3A_281 = arith.constant 0 : i32
    %dma_wait3A_282 = tpu.memref_slice %arg5[%dma_wait3A_280, %dma_wait3A_281] : memref<100000x128xf32, #tpu.memory_space<hbm>> -> memref<100000x128xf32, #tpu.memory_space<hbm>>
    tpu.wait_indirect_dma semaphore(%arg17 : memref<!tpu.dma_semaphore, #tpu.memory_space<semaphore_mem>>) src(%dma_wait3A_282 : memref<100000x128xf32, #tpu.memory_space<hbm>>) dst(%dma_wait3A_277 : memref<64x128xf32, #tpu.memory_space<vmem>>)
    %dma_wait3A_283 = arith.constant 2 : i32
    %dma_wait3A_284 = arith.constant 0 : i32
    %dma_wait3A_285 = arith.constant 0 : i32
    %dma_wait3A_286 = tpu.memref_slice %arg12[%dma_wait3A_283, %dma_wait3A_284, %dma_wait3A_285] : memref<4x64x128xf32, #tpu.memory_space<vmem>> -> memref<1x64x128xf32, #tpu.memory_space<vmem>>
    %dma_wait3A_287 = tpu.memref_squeeze %dma_wait3A_286 : memref<1x64x128xf32, #tpu.memory_space<vmem>> -> memref<64x128xf32, #tpu.memory_space<vmem>>
    %dma_wait3A_288 = arith.constant 128 : i32
    %dma_wait3A_289 = tpu.memref_slice %arg9[%dma_wait3A_288] : memref<512xi32, #tpu.memory_space<vmem>> -> memref<64xi32, #tpu.memory_space<vmem>>
    %dma_wait3A_290 = arith.constant 0 : i32
    %dma_wait3A_291 = arith.constant 0 : i32
    %dma_wait3A_292 = tpu.memref_slice %arg14[%dma_wait3A_290, %dma_wait3A_291] : memref<1000x128xf32, #tpu.memory_space<vmem_shared>> -> memref<1000x128xf32, #tpu.memory_space<vmem_shared>>
    tpu.wait_indirect_dma semaphore(%arg21 : memref<!tpu.dma_semaphore, #tpu.memory_space<semaphore_mem>>) src(%dma_wait3A_292 : memref<1000x128xf32, #tpu.memory_space<vmem_shared>>) dst(%dma_wait3A_287 : memref<64x128xf32, #tpu.memory_space<vmem>>)
    %dma_wait3A_293 = arith.constant 2 : i32
    %dma_wait3A_294 = arith.constant 0 : i32
    %dma_wait3A_295 = arith.constant 0 : i32
    %dma_wait3A_296 = tpu.memref_slice %arg13[%dma_wait3A_293, %dma_wait3A_294, %dma_wait3A_295] : memref<4x64x128xf32, #tpu.memory_space<vmem>> -> memref<1x64x128xf32, #tpu.memory_space<vmem>>
    %dma_wait3A_297 = tpu.memref_squeeze %dma_wait3A_296 : memref<1x64x128xf32, #tpu.memory_space<vmem>> -> memref<64x128xf32, #tpu.memory_space<vmem>>
    %dma_wait3A_298 = arith.constant 128 : i32
    %dma_wait3A_299 = tpu.memref_slice %arg10[%dma_wait3A_298] : memref<512xi32, #tpu.memory_space<vmem>> -> memref<64xi32, #tpu.memory_space<vmem>>
    %dma_wait3A_300 = arith.constant 0 : i32
    %dma_wait3A_301 = arith.constant 0 : i32
    %dma_wait3A_302 = tpu.memref_slice %arg5[%dma_wait3A_300, %dma_wait3A_301] : memref<100000x128xf32, #tpu.memory_space<hbm>> -> memref<100000x128xf32, #tpu.memory_space<hbm>>
    tpu.wait_indirect_dma semaphore(%arg17 : memref<!tpu.dma_semaphore, #tpu.memory_space<semaphore_mem>>) src(%dma_wait3A_302 : memref<100000x128xf32, #tpu.memory_space<hbm>>) dst(%dma_wait3A_297 : memref<64x128xf32, #tpu.memory_space<vmem>>)
    %scan3A_303 = arith.constant 0 : i32
    %scan3A_304 = arith.constant 2 : i32
    %scan3A_305 = arith.constant 2 : i32
    %scan3A_306 = arith.constant 2 : i32
    %scan3A_307 = arith.constant 0 : i32
    %scan3A_308 = arith.constant 32 : i32
    %scan3A_309 = arith.addi %scan3A_307, %scan3A_308 : i32
    %scan3A_310 = arith.constant 1 : i32
    scf.for %scan3A_778 = %scan3A_307 to %scan3A_309 step %scan3A_310  : i32 {
      %mul3A_779 = arith.constant 2 : i32
      %mul3A_780 = arith.muli %scan3A_778, %mul3A_779 : i32
      %add3A_781 = arith.constant 0 : i32
      %add3A_782 = arith.addi %mul3A_780, %add3A_781 : i32
      %get3A = arith.constant 0 : i32
      %get3A_783 = arith.constant 0 : i32
      %get3A_784 = tpu.memref_slice %arg12[%scan3A_304, %get3A, %get3A_783] : memref<4x64x128xf32, #tpu.memory_space<vmem>> -> memref<1x64x128xf32, #tpu.memory_space<vmem>>
      %get3A_785 = tpu.memref_squeeze %get3A_784 : memref<1x64x128xf32, #tpu.memory_space<vmem>> -> memref<64x128xf32, #tpu.memory_space<vmem>>
      %get3A_786 = arith.index_cast %add3A_782 : i32 to index
      %get3A_787 = arith.constant 0 : index
      %get3A_788 = tpu.vector_load %get3A_785[%get3A_786, %get3A_787] {strides = array<i32>} : memref<64x128xf32, #tpu.memory_space<vmem>>, vector<1x16xf32>,
      %get3A_789 = vector.shape_cast %get3A_788 : vector<1x16xf32> to vector<16xf32>
      %get3A_790 = arith.constant 0 : i32
      %get3A_791 = arith.constant 0 : i32
      %get3A_792 = tpu.memref_slice %arg13[%scan3A_305, %get3A_790, %get3A_791] : memref<4x64x128xf32, #tpu.memory_space<vmem>> -> memref<1x64x128xf32, #tpu.memory_space<vmem>>
      %get3A_793 = tpu.memref_squeeze %get3A_792 : memref<1x64x128xf32, #tpu.memory_space<vmem>> -> memref<64x128xf32, #tpu.memory_space<vmem>>
      %get3A_794 = arith.index_cast %add3A_782 : i32 to index
      %get3A_795 = arith.constant 0 : index
      %get3A_796 = tpu.vector_load %get3A_793[%get3A_794, %get3A_795] {strides = array<i32>} : memref<64x128xf32, #tpu.memory_space<vmem>>, vector<1x16xf32>,
      %get3A_797 = vector.shape_cast %get3A_796 : vector<1x16xf32> to vector<16xf32>
      %sub3A = arith.subf %get3A_789, %get3A_797 : vector<16xf32>
      %swap3A = arith.constant 0 : i32
      %swap3A_798 = arith.constant 0 : i32
      %swap3A_799 = tpu.memref_slice %arg11[%scan3A_306, %swap3A, %swap3A_798] : memref<4x64x128xf32, #tpu.memory_space<vmem>> -> memref<1x64x128xf32, #tpu.memory_space<vmem>>
      %swap3A_800 = tpu.memref_squeeze %swap3A_799 : memref<1x64x128xf32, #tpu.memory_space<vmem>> -> memref<64x128xf32, #tpu.memory_space<vmem>>
      %swap3A_801 = arith.index_cast %add3A_782 : i32 to index
      %swap3A_802 = arith.constant 0 : index
      %swap3A_803 = tpu.vector_load %swap3A_800[%swap3A_801, %swap3A_802] {strides = array<i32>} : memref<64x128xf32, #tpu.memory_space<vmem>>, vector<1x16xf32>,
      %swap3A_804 = vector.shape_cast %swap3A_803 : vector<1x16xf32> to vector<16xf32>
      %swap3A_805 = vector.shape_cast %sub3A : vector<16xf32> to vector<1x16xf32>
      tpu.vector_store %swap3A_800[%swap3A_801, %swap3A_802], %swap3A_805 {add = true, strides = array<i32>} : memref<64x128xf32, #tpu.memory_space<vmem>>, vector<1x16xf32>,
      %get3A_806 = arith.constant 0 : i32
      %get3A_807 = arith.constant 0 : i32
      %get3A_808 = tpu.memref_slice %arg12[%scan3A_304, %get3A_806, %get3A_807] : memref<4x64x128xf32, #tpu.memory_space<vmem>> -> memref<1x64x128xf32, #tpu.memory_space<vmem>>
      %get3A_809 = tpu.memref_squeeze %get3A_808 : memref<1x64x128xf32, #tpu.memory_space<vmem>> -> memref<64x128xf32, #tpu.memory_space<vmem>>
      %get3A_810 = arith.index_cast %add3A_782 : i32 to index
      %get3A_811 = arith.constant 16 : index
      %get3A_812 = tpu.vector_load %get3A_809[%get3A_810, %get3A_811] {strides = array<i32>} : memref<64x128xf32, #tpu.memory_space<vmem>>, vector<1x16xf32>,
      %get3A_813 = vector.shape_cast %get3A_812 : vector<1x16xf32> to vector<16xf32>
      %get3A_814 = arith.constant 0 : i32
      %get3A_815 = arith.constant 0 : i32
      %get3A_816 = tpu.memref_slice %arg13[%scan3A_305, %get3A_814, %get3A_815] : memref<4x64x128xf32, #tpu.memory_space<vmem>> -> memref<1x64x128xf32, #tpu.memory_space<vmem>>
      %get3A_817 = tpu.memref_squeeze %get3A_816 : memref<1x64x128xf32, #tpu.memory_space<vmem>> -> memref<64x128xf32, #tpu.memory_space<vmem>>
      %get3A_818 = arith.index_cast %add3A_782 : i32 to index
      %get3A_819 = arith.constant 16 : index
      %get3A_820 = tpu.vector_load %get3A_817[%get3A_818, %get3A_819] {strides = array<i32>} : memref<64x128xf32, #tpu.memory_space<vmem>>, vector<1x16xf32>,
      %get3A_821 = vector.shape_cast %get3A_820 : vector<1x16xf32> to vector<16xf32>
      %sub3A_822 = arith.subf %get3A_813, %get3A_821 : vector<16xf32>
      %swap3A_823 = arith.constant 0 : i32
      %swap3A_824 = arith.constant 0 : i32
      %swap3A_825 = tpu.memref_slice %arg11[%scan3A_306, %swap3A_823, %swap3A_824] : memref<4x64x128xf32, #tpu.memory_space<vmem>> -> memref<1x64x128xf32, #tpu.memory_space<vmem>>
      %swap3A_826 = tpu.memref_squeeze %swap3A_825 : memref<1x64x128xf32, #tpu.memory_space<vmem>> -> memref<64x128xf32, #tpu.memory_space<vmem>>
      %swap3A_827 = arith.index_cast %add3A_782 : i32 to index
      %swap3A_828 = arith.constant 16 : index
      %swap3A_829 = tpu.vector_load %swap3A_826[%swap3A_827, %swap3A_828] {strides = array<i32>} : memref<64x128xf32, #tpu.memory_space<vmem>>, vector<1x16xf32>,
      %swap3A_830 = vector.shape_cast %swap3A_829 : vector<1x16xf32> to vector<16xf32>
      %swap3A_831 = vector.shape_cast %sub3A_822 : vector<16xf32> to vector<1x16xf32>
      tpu.vector_store %swap3A_826[%swap3A_827, %swap3A_828], %swap3A_831 {add = true, strides = array<i32>} : memref<64x128xf32, #tpu.memory_space<vmem>>, vector<1x16xf32>,
      %get3A_832 = arith.constant 0 : i32
      %get3A_833 = arith.constant 0 : i32
      %get3A_834 = tpu.memref_slice %arg12[%scan3A_304, %get3A_832, %get3A_833] : memref<4x64x128xf32, #tpu.memory_space<vmem>> -> memref<1x64x128xf32, #tpu.memory_space<vmem>>
      %get3A_835 = tpu.memref_squeeze %get3A_834 : memref<1x64x128xf32, #tpu.memory_space<vmem>> -> memref<64x128xf32, #tpu.memory_space<vmem>>
      %get3A_836 = arith.index_cast %add3A_782 : i32 to index
      %get3A_837 = arith.constant 32 : index
      %get3A_838 = tpu.vector_load %get3A_835[%get3A_836, %get3A_837] {strides = array<i32>} : memref<64x128xf32, #tpu.memory_space<vmem>>, vector<1x16xf32>,
      %get3A_839 = vector.shape_cast %get3A_838 : vector<1x16xf32> to vector<16xf32>
      %get3A_840 = arith.constant 0 : i32
      %get3A_841 = arith.constant 0 : i32
      %get3A_842 = tpu.memref_slice %arg13[%scan3A_305, %get3A_840, %get3A_841] : memref<4x64x128xf32, #tpu.memory_space<vmem>> -> memref<1x64x128xf32, #tpu.memory_space<vmem>>
      %get3A_843 = tpu.memref_squeeze %get3A_842 : memref<1x64x128xf32, #tpu.memory_space<vmem>> -> memref<64x128xf32, #tpu.memory_space<vmem>>
      %get3A_844 = arith.index_cast %add3A_782 : i32 to index
      %get3A_845 = arith.constant 32 : index
      %get3A_846 = tpu.vector_load %get3A_843[%get3A_844, %get3A_845] {strides = array<i32>} : memref<64x128xf32, #tpu.memory_space<vmem>>, vector<1x16xf32>,
      %get3A_847 = vector.shape_cast %get3A_846 : vector<1x16xf32> to vector<16xf32>
      %sub3A_848 = arith.subf %get3A_839, %get3A_847 : vector<16xf32>
      %swap3A_849 = arith.constant 0 : i32
      %swap3A_850 = arith.constant 0 : i32
      %swap3A_851 = tpu.memref_slice %arg11[%scan3A_306, %swap3A_849, %swap3A_850] : memref<4x64x128xf32, #tpu.memory_space<vmem>> -> memref<1x64x128xf32, #tpu.memory_space<vmem>>
      %swap3A_852 = tpu.memref_squeeze %swap3A_851 : memref<1x64x128xf32, #tpu.memory_space<vmem>> -> memref<64x128xf32, #tpu.memory_space<vmem>>
      %swap3A_853 = arith.index_cast %add3A_782 : i32 to index
      %swap3A_854 = arith.constant 32 : index
      %swap3A_855 = tpu.vector_load %swap3A_852[%swap3A_853, %swap3A_854] {strides = array<i32>} : memref<64x128xf32, #tpu.memory_space<vmem>>, vector<1x16xf32>,
      %swap3A_856 = vector.shape_cast %swap3A_855 : vector<1x16xf32> to vector<16xf32>
      %swap3A_857 = vector.shape_cast %sub3A_848 : vector<16xf32> to vector<1x16xf32>
      tpu.vector_store %swap3A_852[%swap3A_853, %swap3A_854], %swap3A_857 {add = true, strides = array<i32>} : memref<64x128xf32, #tpu.memory_space<vmem>>, vector<1x16xf32>,
      %get3A_858 = arith.constant 0 : i32
      %get3A_859 = arith.constant 0 : i32
      %get3A_860 = tpu.memref_slice %arg12[%scan3A_304, %get3A_858, %get3A_859] : memref<4x64x128xf32, #tpu.memory_space<vmem>> -> memref<1x64x128xf32, #tpu.memory_space<vmem>>
      %get3A_861 = tpu.memref_squeeze %get3A_860 : memref<1x64x128xf32, #tpu.memory_space<vmem>> -> memref<64x128xf32, #tpu.memory_space<vmem>>
      %get3A_862 = arith.index_cast %add3A_782 : i32 to index
      %get3A_863 = arith.constant 48 : index
      %get3A_864 = tpu.vector_load %get3A_861[%get3A_862, %get3A_863] {strides = array<i32>} : memref<64x128xf32, #tpu.memory_space<vmem>>, vector<1x16xf32>,
      %get3A_865 = vector.shape_cast %get3A_864 : vector<1x16xf32> to vector<16xf32>
      %get3A_866 = arith.constant 0 : i32
      %get3A_867 = arith.constant 0 : i32
      %get3A_868 = tpu.memref_slice %arg13[%scan3A_305, %get3A_866, %get3A_867] : memref<4x64x128xf32, #tpu.memory_space<vmem>> -> memref<1x64x128xf32, #tpu.memory_space<vmem>>
      %get3A_869 = tpu.memref_squeeze %get3A_868 : memref<1x64x128xf32, #tpu.memory_space<vmem>> -> memref<64x128xf32, #tpu.memory_space<vmem>>
      %get3A_870 = arith.index_cast %add3A_782 : i32 to index
      %get3A_871 = arith.constant 48 : index
      %get3A_872 = tpu.vector_load %get3A_869[%get3A_870, %get3A_871] {strides = array<i32>} : memref<64x128xf32, #tpu.memory_space<vmem>>, vector<1x16xf32>,
      %get3A_873 = vector.shape_cast %get3A_872 : vector<1x16xf32> to vector<16xf32>
      %sub3A_874 = arith.subf %get3A_865, %get3A_873 : vector<16xf32>
      %swap3A_875 = arith.constant 0 : i32
      %swap3A_876 = arith.constant 0 : i32
      %swap3A_877 = tpu.memref_slice %arg11[%scan3A_306, %swap3A_875, %swap3A_876] : memref<4x64x128xf32, #tpu.memory_space<vmem>> -> memref<1x64x128xf32, #tpu.memory_space<vmem>>
      %swap3A_878 = tpu.memref_squeeze %swap3A_877 : memref<1x64x128xf32, #tpu.memory_space<vmem>> -> memref<64x128xf32, #tpu.memory_space<vmem>>
      %swap3A_879 = arith.index_cast %add3A_782 : i32 to index
      %swap3A_880 = arith.constant 48 : index
      %swap3A_881 = tpu.vector_load %swap3A_878[%swap3A_879, %swap3A_880] {strides = array<i32>} : memref<64x128xf32, #tpu.memory_space<vmem>>, vector<1x16xf32>,
      %swap3A_882 = vector.shape_cast %swap3A_881 : vector<1x16xf32> to vector<16xf32>
      %swap3A_883 = vector.shape_cast %sub3A_874 : vector<16xf32> to vector<1x16xf32>
      tpu.vector_store %swap3A_878[%swap3A_879, %swap3A_880], %swap3A_883 {add = true, strides = array<i32>} : memref<64x128xf32, #tpu.memory_space<vmem>>, vector<1x16xf32>,
      %get3A_884 = arith.constant 0 : i32
      %get3A_885 = arith.constant 0 : i32
      %get3A_886 = tpu.memref_slice %arg12[%scan3A_304, %get3A_884, %get3A_885] : memref<4x64x128xf32, #tpu.memory_space<vmem>> -> memref<1x64x128xf32, #tpu.memory_space<vmem>>
      %get3A_887 = tpu.memref_squeeze %get3A_886 : memref<1x64x128xf32, #tpu.memory_space<vmem>> -> memref<64x128xf32, #tpu.memory_space<vmem>>
      %get3A_888 = arith.index_cast %add3A_782 : i32 to index
      %get3A_889 = arith.constant 64 : index
      %get3A_890 = tpu.vector_load %get3A_887[%get3A_888, %get3A_889] {strides = array<i32>} : memref<64x128xf32, #tpu.memory_space<vmem>>, vector<1x16xf32>,
      %get3A_891 = vector.shape_cast %get3A_890 : vector<1x16xf32> to vector<16xf32>
      %get3A_892 = arith.constant 0 : i32
      %get3A_893 = arith.constant 0 : i32
      %get3A_894 = tpu.memref_slice %arg13[%scan3A_305, %get3A_892, %get3A_893] : memref<4x64x128xf32, #tpu.memory_space<vmem>> -> memref<1x64x128xf32, #tpu.memory_space<vmem>>
      %get3A_895 = tpu.memref_squeeze %get3A_894 : memref<1x64x128xf32, #tpu.memory_space<vmem>> -> memref<64x128xf32, #tpu.memory_space<vmem>>
      %get3A_896 = arith.index_cast %add3A_782 : i32 to index
      %get3A_897 = arith.constant 64 : index
      %get3A_898 = tpu.vector_load %get3A_895[%get3A_896, %get3A_897] {strides = array<i32>} : memref<64x128xf32, #tpu.memory_space<vmem>>, vector<1x16xf32>,
      %get3A_899 = vector.shape_cast %get3A_898 : vector<1x16xf32> to vector<16xf32>
      %sub3A_900 = arith.subf %get3A_891, %get3A_899 : vector<16xf32>
      %swap3A_901 = arith.constant 0 : i32
      %swap3A_902 = arith.constant 0 : i32
      %swap3A_903 = tpu.memref_slice %arg11[%scan3A_306, %swap3A_901, %swap3A_902] : memref<4x64x128xf32, #tpu.memory_space<vmem>> -> memref<1x64x128xf32, #tpu.memory_space<vmem>>
      %swap3A_904 = tpu.memref_squeeze %swap3A_903 : memref<1x64x128xf32, #tpu.memory_space<vmem>> -> memref<64x128xf32, #tpu.memory_space<vmem>>
      %swap3A_905 = arith.index_cast %add3A_782 : i32 to index
      %swap3A_906 = arith.constant 64 : index
      %swap3A_907 = tpu.vector_load %swap3A_904[%swap3A_905, %swap3A_906] {strides = array<i32>} : memref<64x128xf32, #tpu.memory_space<vmem>>, vector<1x16xf32>,
      %swap3A_908 = vector.shape_cast %swap3A_907 : vector<1x16xf32> to vector<16xf32>
      %swap3A_909 = vector.shape_cast %sub3A_900 : vector<16xf32> to vector<1x16xf32>
      tpu.vector_store %swap3A_904[%swap3A_905, %swap3A_906], %swap3A_909 {add = true, strides = array<i32>} : memref<64x128xf32, #tpu.memory_space<vmem>>, vector<1x16xf32>,
      %get3A_910 = arith.constant 0 : i32
      %get3A_911 = arith.constant 0 : i32
      %get3A_912 = tpu.memref_slice %arg12[%scan3A_304, %get3A_910, %get3A_911] : memref<4x64x128xf32, #tpu.memory_space<vmem>> -> memref<1x64x128xf32, #tpu.memory_space<vmem>>
      %get3A_913 = tpu.memref_squeeze %get3A_912 : memref<1x64x128xf32, #tpu.memory_space<vmem>> -> memref<64x128xf32, #tpu.memory_space<vmem>>
      %get3A_914 = arith.index_cast %add3A_782 : i32 to index
      %get3A_915 = arith.constant 80 : index
      %get3A_916 = tpu.vector_load %get3A_913[%get3A_914, %get3A_915] {strides = array<i32>} : memref<64x128xf32, #tpu.memory_space<vmem>>, vector<1x16xf32>,
      %get3A_917 = vector.shape_cast %get3A_916 : vector<1x16xf32> to vector<16xf32>
      %get3A_918 = arith.constant 0 : i32
      %get3A_919 = arith.constant 0 : i32
      %get3A_920 = tpu.memref_slice %arg13[%scan3A_305, %get3A_918, %get3A_919] : memref<4x64x128xf32, #tpu.memory_space<vmem>> -> memref<1x64x128xf32, #tpu.memory_space<vmem>>
      %get3A_921 = tpu.memref_squeeze %get3A_920 : memref<1x64x128xf32, #tpu.memory_space<vmem>> -> memref<64x128xf32, #tpu.memory_space<vmem>>
      %get3A_922 = arith.index_cast %add3A_782 : i32 to index
      %get3A_923 = arith.constant 80 : index
      %get3A_924 = tpu.vector_load %get3A_921[%get3A_922, %get3A_923] {strides = array<i32>} : memref<64x128xf32, #tpu.memory_space<vmem>>, vector<1x16xf32>,
      %get3A_925 = vector.shape_cast %get3A_924 : vector<1x16xf32> to vector<16xf32>
      %sub3A_926 = arith.subf %get3A_917, %get3A_925 : vector<16xf32>
      %swap3A_927 = arith.constant 0 : i32
      %swap3A_928 = arith.constant 0 : i32
      %swap3A_929 = tpu.memref_slice %arg11[%scan3A_306, %swap3A_927, %swap3A_928] : memref<4x64x128xf32, #tpu.memory_space<vmem>> -> memref<1x64x128xf32, #tpu.memory_space<vmem>>
      %swap3A_930 = tpu.memref_squeeze %swap3A_929 : memref<1x64x128xf32, #tpu.memory_space<vmem>> -> memref<64x128xf32, #tpu.memory_space<vmem>>
      %swap3A_931 = arith.index_cast %add3A_782 : i32 to index
      %swap3A_932 = arith.constant 80 : index
      %swap3A_933 = tpu.vector_load %swap3A_930[%swap3A_931, %swap3A_932] {strides = array<i32>} : memref<64x128xf32, #tpu.memory_space<vmem>>, vector<1x16xf32>,
      %swap3A_934 = vector.shape_cast %swap3A_933 : vector<1x16xf32> to vector<16xf32>
      %swap3A_935 = vector.shape_cast %sub3A_926 : vector<16xf32> to vector<1x16xf32>
      tpu.vector_store %swap3A_930[%swap3A_931, %swap3A_932], %swap3A_935 {add = true, strides = array<i32>} : memref<64x128xf32, #tpu.memory_space<vmem>>, vector<1x16xf32>,
      %get3A_936 = arith.constant 0 : i32
      %get3A_937 = arith.constant 0 : i32
      %get3A_938 = tpu.memref_slice %arg12[%scan3A_304, %get3A_936, %get3A_937] : memref<4x64x128xf32, #tpu.memory_space<vmem>> -> memref<1x64x128xf32, #tpu.memory_space<vmem>>
      %get3A_939 = tpu.memref_squeeze %get3A_938 : memref<1x64x128xf32, #tpu.memory_space<vmem>> -> memref<64x128xf32, #tpu.memory_space<vmem>>
      %get3A_940 = arith.index_cast %add3A_782 : i32 to index
      %get3A_941 = arith.constant 96 : index
      %get3A_942 = tpu.vector_load %get3A_939[%get3A_940, %get3A_941] {strides = array<i32>} : memref<64x128xf32, #tpu.memory_space<vmem>>, vector<1x16xf32>,
      %get3A_943 = vector.shape_cast %get3A_942 : vector<1x16xf32> to vector<16xf32>
      %get3A_944 = arith.constant 0 : i32
      %get3A_945 = arith.constant 0 : i32
      %get3A_946 = tpu.memref_slice %arg13[%scan3A_305, %get3A_944, %get3A_945] : memref<4x64x128xf32, #tpu.memory_space<vmem>> -> memref<1x64x128xf32, #tpu.memory_space<vmem>>
      %get3A_947 = tpu.memref_squeeze %get3A_946 : memref<1x64x128xf32, #tpu.memory_space<vmem>> -> memref<64x128xf32, #tpu.memory_space<vmem>>
      %get3A_948 = arith.index_cast %add3A_782 : i32 to index
      %get3A_949 = arith.constant 96 : index
      %get3A_950 = tpu.vector_load %get3A_947[%get3A_948, %get3A_949] {strides = array<i32>} : memref<64x128xf32, #tpu.memory_space<vmem>>, vector<1x16xf32>,
      %get3A_951 = vector.shape_cast %get3A_950 : vector<1x16xf32> to vector<16xf32>
      %sub3A_952 = arith.subf %get3A_943, %get3A_951 : vector<16xf32>
      %swap3A_953 = arith.constant 0 : i32
      %swap3A_954 = arith.constant 0 : i32
      %swap3A_955 = tpu.memref_slice %arg11[%scan3A_306, %swap3A_953, %swap3A_954] : memref<4x64x128xf32, #tpu.memory_space<vmem>> -> memref<1x64x128xf32, #tpu.memory_space<vmem>>
      %swap3A_956 = tpu.memref_squeeze %swap3A_955 : memref<1x64x128xf32, #tpu.memory_space<vmem>> -> memref<64x128xf32, #tpu.memory_space<vmem>>
      %swap3A_957 = arith.index_cast %add3A_782 : i32 to index
      %swap3A_958 = arith.constant 96 : index
      %swap3A_959 = tpu.vector_load %swap3A_956[%swap3A_957, %swap3A_958] {strides = array<i32>} : memref<64x128xf32, #tpu.memory_space<vmem>>, vector<1x16xf32>,
      %swap3A_960 = vector.shape_cast %swap3A_959 : vector<1x16xf32> to vector<16xf32>
      %swap3A_961 = vector.shape_cast %sub3A_952 : vector<16xf32> to vector<1x16xf32>
      tpu.vector_store %swap3A_956[%swap3A_957, %swap3A_958], %swap3A_961 {add = true, strides = array<i32>} : memref<64x128xf32, #tpu.memory_space<vmem>>, vector<1x16xf32>,
      %get3A_962 = arith.constant 0 : i32
      %get3A_963 = arith.constant 0 : i32
      %get3A_964 = tpu.memref_slice %arg12[%scan3A_304, %get3A_962, %get3A_963] : memref<4x64x128xf32, #tpu.memory_space<vmem>> -> memref<1x64x128xf32, #tpu.memory_space<vmem>>
      %get3A_965 = tpu.memref_squeeze %get3A_964 : memref<1x64x128xf32, #tpu.memory_space<vmem>> -> memref<64x128xf32, #tpu.memory_space<vmem>>
      %get3A_966 = arith.index_cast %add3A_782 : i32 to index
      %get3A_967 = arith.constant 112 : index
      %get3A_968 = tpu.vector_load %get3A_965[%get3A_966, %get3A_967] {strides = array<i32>} : memref<64x128xf32, #tpu.memory_space<vmem>>, vector<1x16xf32>,
      %get3A_969 = vector.shape_cast %get3A_968 : vector<1x16xf32> to vector<16xf32>
      %get3A_970 = arith.constant 0 : i32
      %get3A_971 = arith.constant 0 : i32
      %get3A_972 = tpu.memref_slice %arg13[%scan3A_305, %get3A_970, %get3A_971] : memref<4x64x128xf32, #tpu.memory_space<vmem>> -> memref<1x64x128xf32, #tpu.memory_space<vmem>>
      %get3A_973 = tpu.memref_squeeze %get3A_972 : memref<1x64x128xf32, #tpu.memory_space<vmem>> -> memref<64x128xf32, #tpu.memory_space<vmem>>
      %get3A_974 = arith.index_cast %add3A_782 : i32 to index
      %get3A_975 = arith.constant 112 : index
      %get3A_976 = tpu.vector_load %get3A_973[%get3A_974, %get3A_975] {strides = array<i32>} : memref<64x128xf32, #tpu.memory_space<vmem>>, vector<1x16xf32>,
      %get3A_977 = vector.shape_cast %get3A_976 : vector<1x16xf32> to vector<16xf32>
      %sub3A_978 = arith.subf %get3A_969, %get3A_977 : vector<16xf32>
      %swap3A_979 = arith.constant 0 : i32
      %swap3A_980 = arith.constant 0 : i32
      %swap3A_981 = tpu.memref_slice %arg11[%scan3A_306, %swap3A_979, %swap3A_980] : memref<4x64x128xf32, #tpu.memory_space<vmem>> -> memref<1x64x128xf32, #tpu.memory_space<vmem>>
      %swap3A_982 = tpu.memref_squeeze %swap3A_981 : memref<1x64x128xf32, #tpu.memory_space<vmem>> -> memref<64x128xf32, #tpu.memory_space<vmem>>
      %swap3A_983 = arith.index_cast %add3A_782 : i32 to index
      %swap3A_984 = arith.constant 112 : index
      %swap3A_985 = tpu.vector_load %swap3A_982[%swap3A_983, %swap3A_984] {strides = array<i32>} : memref<64x128xf32, #tpu.memory_space<vmem>>, vector<1x16xf32>,
      %swap3A_986 = vector.shape_cast %swap3A_985 : vector<1x16xf32> to vector<16xf32>
      %swap3A_987 = vector.shape_cast %sub3A_978 : vector<16xf32> to vector<1x16xf32>
      tpu.vector_store %swap3A_982[%swap3A_983, %swap3A_984], %swap3A_987 {add = true, strides = array<i32>} : memref<64x128xf32, #tpu.memory_space<vmem>>, vector<1x16xf32>,
      %mul3A_988 = arith.constant 2 : i32
      %mul3A_989 = arith.muli %scan3A_778, %mul3A_988 : i32
      %add3A_990 = arith.constant 1 : i32
      %add3A_991 = arith.addi %mul3A_989, %add3A_990 : i32
      %get3A_992 = arith.constant 0 : i32
      %get3A_993 = arith.constant 0 : i32
      %get3A_994 = tpu.memref_slice %arg12[%scan3A_304, %get3A_992, %get3A_993] : memref<4x64x128xf32, #tpu.memory_space<vmem>> -> memref<1x64x128xf32, #tpu.memory_space<vmem>>
      %get3A_995 = tpu.memref_squeeze %get3A_994 : memref<1x64x128xf32, #tpu.memory_space<vmem>> -> memref<64x128xf32, #tpu.memory_space<vmem>>
      %get3A_996 = arith.index_cast %add3A_991 : i32 to index
      %get3A_997 = arith.constant 0 : index
      %get3A_998 = tpu.vector_load %get3A_995[%get3A_996, %get3A_997] {strides = array<i32>} : memref<64x128xf32, #tpu.memory_space<vmem>>, vector<1x16xf32>,
      %get3A_999 = vector.shape_cast %get3A_998 : vector<1x16xf32> to vector<16xf32>
      %get3A_1000 = arith.constant 0 : i32
      %get3A_1001 = arith.constant 0 : i32
      %get3A_1002 = tpu.memref_slice %arg13[%scan3A_305, %get3A_1000, %get3A_1001] : memref<4x64x128xf32, #tpu.memory_space<vmem>> -> memref<1x64x128xf32, #tpu.memory_space<vmem>>
      %get3A_1003 = tpu.memref_squeeze %get3A_1002 : memref<1x64x128xf32, #tpu.memory_space<vmem>> -> memref<64x128xf32, #tpu.memory_space<vmem>>
      %get3A_1004 = arith.index_cast %add3A_991 : i32 to index
      %get3A_1005 = arith.constant 0 : index
      %get3A_1006 = tpu.vector_load %get3A_1003[%get3A_1004, %get3A_1005] {strides = array<i32>} : memref<64x128xf32, #tpu.memory_space<vmem>>, vector<1x16xf32>,
      %get3A_1007 = vector.shape_cast %get3A_1006 : vector<1x16xf32> to vector<16xf32>
      %sub3A_1008 = arith.subf %get3A_999, %get3A_1007 : vector<16xf32>
      %swap3A_1009 = arith.constant 0 : i32
      %swap3A_1010 = arith.constant 0 : i32
      %swap3A_1011 = tpu.memref_slice %arg11[%scan3A_306, %swap3A_1009, %swap3A_1010] : memref<4x64x128xf32, #tpu.memory_space<vmem>> -> memref<1x64x128xf32, #tpu.memory_space<vmem>>
      %swap3A_1012 = tpu.memref_squeeze %swap3A_1011 : memref<1x64x128xf32, #tpu.memory_space<vmem>> -> memref<64x128xf32, #tpu.memory_space<vmem>>
      %swap3A_1013 = arith.index_cast %add3A_991 : i32 to index
      %swap3A_1014 = arith.constant 0 : index
      %swap3A_1015 = tpu.vector_load %swap3A_1012[%swap3A_1013, %swap3A_1014] {strides = array<i32>} : memref<64x128xf32, #tpu.memory_space<vmem>>, vector<1x16xf32>,
      %swap3A_1016 = vector.shape_cast %swap3A_1015 : vector<1x16xf32> to vector<16xf32>
      %swap3A_1017 = vector.shape_cast %sub3A_1008 : vector<16xf32> to vector<1x16xf32>
      tpu.vector_store %swap3A_1012[%swap3A_1013, %swap3A_1014], %swap3A_1017 {add = true, strides = array<i32>} : memref<64x128xf32, #tpu.memory_space<vmem>>, vector<1x16xf32>,
      %get3A_1018 = arith.constant 0 : i32
      %get3A_1019 = arith.constant 0 : i32
      %get3A_1020 = tpu.memref_slice %arg12[%scan3A_304, %get3A_1018, %get3A_1019] : memref<4x64x128xf32, #tpu.memory_space<vmem>> -> memref<1x64x128xf32, #tpu.memory_space<vmem>>
      %get3A_1021 = tpu.memref_squeeze %get3A_1020 : memref<1x64x128xf32, #tpu.memory_space<vmem>> -> memref<64x128xf32, #tpu.memory_space<vmem>>
      %get3A_1022 = arith.index_cast %add3A_991 : i32 to index
      %get3A_1023 = arith.constant 16 : index
      %get3A_1024 = tpu.vector_load %get3A_1021[%get3A_1022, %get3A_1023] {strides = array<i32>} : memref<64x128xf32, #tpu.memory_space<vmem>>, vector<1x16xf32>,
      %get3A_1025 = vector.shape_cast %get3A_1024 : vector<1x16xf32> to vector<16xf32>
      %get3A_1026 = arith.constant 0 : i32
      %get3A_1027 = arith.constant 0 : i32
      %get3A_1028 = tpu.memref_slice %arg13[%scan3A_305, %get3A_1026, %get3A_1027] : memref<4x64x128xf32, #tpu.memory_space<vmem>> -> memref<1x64x128xf32, #tpu.memory_space<vmem>>
      %get3A_1029 = tpu.memref_squeeze %get3A_1028 : memref<1x64x128xf32, #tpu.memory_space<vmem>> -> memref<64x128xf32, #tpu.memory_space<vmem>>
      %get3A_1030 = arith.index_cast %add3A_991 : i32 to index
      %get3A_1031 = arith.constant 16 : index
      %get3A_1032 = tpu.vector_load %get3A_1029[%get3A_1030, %get3A_1031] {strides = array<i32>} : memref<64x128xf32, #tpu.memory_space<vmem>>, vector<1x16xf32>,
      %get3A_1033 = vector.shape_cast %get3A_1032 : vector<1x16xf32> to vector<16xf32>
      %sub3A_1034 = arith.subf %get3A_1025, %get3A_1033 : vector<16xf32>
      %swap3A_1035 = arith.constant 0 : i32
      %swap3A_1036 = arith.constant 0 : i32
      %swap3A_1037 = tpu.memref_slice %arg11[%scan3A_306, %swap3A_1035, %swap3A_1036] : memref<4x64x128xf32, #tpu.memory_space<vmem>> -> memref<1x64x128xf32, #tpu.memory_space<vmem>>
      %swap3A_1038 = tpu.memref_squeeze %swap3A_1037 : memref<1x64x128xf32, #tpu.memory_space<vmem>> -> memref<64x128xf32, #tpu.memory_space<vmem>>
      %swap3A_1039 = arith.index_cast %add3A_991 : i32 to index
      %swap3A_1040 = arith.constant 16 : index
      %swap3A_1041 = tpu.vector_load %swap3A_1038[%swap3A_1039, %swap3A_1040] {strides = array<i32>} : memref<64x128xf32, #tpu.memory_space<vmem>>, vector<1x16xf32>,
      %swap3A_1042 = vector.shape_cast %swap3A_1041 : vector<1x16xf32> to vector<16xf32>
      %swap3A_1043 = vector.shape_cast %sub3A_1034 : vector<16xf32> to vector<1x16xf32>
      tpu.vector_store %swap3A_1038[%swap3A_1039, %swap3A_1040], %swap3A_1043 {add = true, strides = array<i32>} : memref<64x128xf32, #tpu.memory_space<vmem>>, vector<1x16xf32>,
      %get3A_1044 = arith.constant 0 : i32
      %get3A_1045 = arith.constant 0 : i32
      %get3A_1046 = tpu.memref_slice %arg12[%scan3A_304, %get3A_1044, %get3A_1045] : memref<4x64x128xf32, #tpu.memory_space<vmem>> -> memref<1x64x128xf32, #tpu.memory_space<vmem>>
      %get3A_1047 = tpu.memref_squeeze %get3A_1046 : memref<1x64x128xf32, #tpu.memory_space<vmem>> -> memref<64x128xf32, #tpu.memory_space<vmem>>
      %get3A_1048 = arith.index_cast %add3A_991 : i32 to index
      %get3A_1049 = arith.constant 32 : index
      %get3A_1050 = tpu.vector_load %get3A_1047[%get3A_1048, %get3A_1049] {strides = array<i32>} : memref<64x128xf32, #tpu.memory_space<vmem>>, vector<1x16xf32>,
      %get3A_1051 = vector.shape_cast %get3A_1050 : vector<1x16xf32> to vector<16xf32>
      %get3A_1052 = arith.constant 0 : i32
      %get3A_1053 = arith.constant 0 : i32
      %get3A_1054 = tpu.memref_slice %arg13[%scan3A_305, %get3A_1052, %get3A_1053] : memref<4x64x128xf32, #tpu.memory_space<vmem>> -> memref<1x64x128xf32, #tpu.memory_space<vmem>>
      %get3A_1055 = tpu.memref_squeeze %get3A_1054 : memref<1x64x128xf32, #tpu.memory_space<vmem>> -> memref<64x128xf32, #tpu.memory_space<vmem>>
      %get3A_1056 = arith.index_cast %add3A_991 : i32 to index
      %get3A_1057 = arith.constant 32 : index
      %get3A_1058 = tpu.vector_load %get3A_1055[%get3A_1056, %get3A_1057] {strides = array<i32>} : memref<64x128xf32, #tpu.memory_space<vmem>>, vector<1x16xf32>,
      %get3A_1059 = vector.shape_cast %get3A_1058 : vector<1x16xf32> to vector<16xf32>
      %sub3A_1060 = arith.subf %get3A_1051, %get3A_1059 : vector<16xf32>
      %swap3A_1061 = arith.constant 0 : i32
      %swap3A_1062 = arith.constant 0 : i32
      %swap3A_1063 = tpu.memref_slice %arg11[%scan3A_306, %swap3A_1061, %swap3A_1062] : memref<4x64x128xf32, #tpu.memory_space<vmem>> -> memref<1x64x128xf32, #tpu.memory_space<vmem>>
      %swap3A_1064 = tpu.memref_squeeze %swap3A_1063 : memref<1x64x128xf32, #tpu.memory_space<vmem>> -> memref<64x128xf32, #tpu.memory_space<vmem>>
      %swap3A_1065 = arith.index_cast %add3A_991 : i32 to index
      %swap3A_1066 = arith.constant 32 : index
      %swap3A_1067 = tpu.vector_load %swap3A_1064[%swap3A_1065, %swap3A_1066] {strides = array<i32>} : memref<64x128xf32, #tpu.memory_space<vmem>>, vector<1x16xf32>,
      %swap3A_1068 = vector.shape_cast %swap3A_1067 : vector<1x16xf32> to vector<16xf32>
      %swap3A_1069 = vector.shape_cast %sub3A_1060 : vector<16xf32> to vector<1x16xf32>
      tpu.vector_store %swap3A_1064[%swap3A_1065, %swap3A_1066], %swap3A_1069 {add = true, strides = array<i32>} : memref<64x128xf32, #tpu.memory_space<vmem>>, vector<1x16xf32>,
      %get3A_1070 = arith.constant 0 : i32
      %get3A_1071 = arith.constant 0 : i32
      %get3A_1072 = tpu.memref_slice %arg12[%scan3A_304, %get3A_1070, %get3A_1071] : memref<4x64x128xf32, #tpu.memory_space<vmem>> -> memref<1x64x128xf32, #tpu.memory_space<vmem>>
      %get3A_1073 = tpu.memref_squeeze %get3A_1072 : memref<1x64x128xf32, #tpu.memory_space<vmem>> -> memref<64x128xf32, #tpu.memory_space<vmem>>
      %get3A_1074 = arith.index_cast %add3A_991 : i32 to index
      %get3A_1075 = arith.constant 48 : index
      %get3A_1076 = tpu.vector_load %get3A_1073[%get3A_1074, %get3A_1075] {strides = array<i32>} : memref<64x128xf32, #tpu.memory_space<vmem>>, vector<1x16xf32>,
      %get3A_1077 = vector.shape_cast %get3A_1076 : vector<1x16xf32> to vector<16xf32>
      %get3A_1078 = arith.constant 0 : i32
      %get3A_1079 = arith.constant 0 : i32
      %get3A_1080 = tpu.memref_slice %arg13[%scan3A_305, %get3A_1078, %get3A_1079] : memref<4x64x128xf32, #tpu.memory_space<vmem>> -> memref<1x64x128xf32, #tpu.memory_space<vmem>>
      %get3A_1081 = tpu.memref_squeeze %get3A_1080 : memref<1x64x128xf32, #tpu.memory_space<vmem>> -> memref<64x128xf32, #tpu.memory_space<vmem>>
      %get3A_1082 = arith.index_cast %add3A_991 : i32 to index
      %get3A_1083 = arith.constant 48 : index
      %get3A_1084 = tpu.vector_load %get3A_1081[%get3A_1082, %get3A_1083] {strides = array<i32>} : memref<64x128xf32, #tpu.memory_space<vmem>>, vector<1x16xf32>,
      %get3A_1085 = vector.shape_cast %get3A_1084 : vector<1x16xf32> to vector<16xf32>
      %sub3A_1086 = arith.subf %get3A_1077, %get3A_1085 : vector<16xf32>
      %swap3A_1087 = arith.constant 0 : i32
      %swap3A_1088 = arith.constant 0 : i32
      %swap3A_1089 = tpu.memref_slice %arg11[%scan3A_306, %swap3A_1087, %swap3A_1088] : memref<4x64x128xf32, #tpu.memory_space<vmem>> -> memref<1x64x128xf32, #tpu.memory_space<vmem>>
      %swap3A_1090 = tpu.memref_squeeze %swap3A_1089 : memref<1x64x128xf32, #tpu.memory_space<vmem>> -> memref<64x128xf32, #tpu.memory_space<vmem>>
      %swap3A_1091 = arith.index_cast %add3A_991 : i32 to index
      %swap3A_1092 = arith.constant 48 : index
      %swap3A_1093 = tpu.vector_load %swap3A_1090[%swap3A_1091, %swap3A_1092] {strides = array<i32>} : memref<64x128xf32, #tpu.memory_space<vmem>>, vector<1x16xf32>,
      %swap3A_1094 = vector.shape_cast %swap3A_1093 : vector<1x16xf32> to vector<16xf32>
      %swap3A_1095 = vector.shape_cast %sub3A_1086 : vector<16xf32> to vector<1x16xf32>
      tpu.vector_store %swap3A_1090[%swap3A_1091, %swap3A_1092], %swap3A_1095 {add = true, strides = array<i32>} : memref<64x128xf32, #tpu.memory_space<vmem>>, vector<1x16xf32>,
      %get3A_1096 = arith.constant 0 : i32
      %get3A_1097 = arith.constant 0 : i32
      %get3A_1098 = tpu.memref_slice %arg12[%scan3A_304, %get3A_1096, %get3A_1097] : memref<4x64x128xf32, #tpu.memory_space<vmem>> -> memref<1x64x128xf32, #tpu.memory_space<vmem>>
      %get3A_1099 = tpu.memref_squeeze %get3A_1098 : memref<1x64x128xf32, #tpu.memory_space<vmem>> -> memref<64x128xf32, #tpu.memory_space<vmem>>
      %get3A_1100 = arith.index_cast %add3A_991 : i32 to index
      %get3A_1101 = arith.constant 64 : index
      %get3A_1102 = tpu.vector_load %get3A_1099[%get3A_1100, %get3A_1101] {strides = array<i32>} : memref<64x128xf32, #tpu.memory_space<vmem>>, vector<1x16xf32>,
      %get3A_1103 = vector.shape_cast %get3A_1102 : vector<1x16xf32> to vector<16xf32>
      %get3A_1104 = arith.constant 0 : i32
      %get3A_1105 = arith.constant 0 : i32
      %get3A_1106 = tpu.memref_slice %arg13[%scan3A_305, %get3A_1104, %get3A_1105] : memref<4x64x128xf32, #tpu.memory_space<vmem>> -> memref<1x64x128xf32, #tpu.memory_space<vmem>>
      %get3A_1107 = tpu.memref_squeeze %get3A_1106 : memref<1x64x128xf32, #tpu.memory_space<vmem>> -> memref<64x128xf32, #tpu.memory_space<vmem>>
      %get3A_1108 = arith.index_cast %add3A_991 : i32 to index
      %get3A_1109 = arith.constant 64 : index
      %get3A_1110 = tpu.vector_load %get3A_1107[%get3A_1108, %get3A_1109] {strides = array<i32>} : memref<64x128xf32, #tpu.memory_space<vmem>>, vector<1x16xf32>,
      %get3A_1111 = vector.shape_cast %get3A_1110 : vector<1x16xf32> to vector<16xf32>
      %sub3A_1112 = arith.subf %get3A_1103, %get3A_1111 : vector<16xf32>
      %swap3A_1113 = arith.constant 0 : i32
      %swap3A_1114 = arith.constant 0 : i32
      %swap3A_1115 = tpu.memref_slice %arg11[%scan3A_306, %swap3A_1113, %swap3A_1114] : memref<4x64x128xf32, #tpu.memory_space<vmem>> -> memref<1x64x128xf32, #tpu.memory_space<vmem>>
      %swap3A_1116 = tpu.memref_squeeze %swap3A_1115 : memref<1x64x128xf32, #tpu.memory_space<vmem>> -> memref<64x128xf32, #tpu.memory_space<vmem>>
      %swap3A_1117 = arith.index_cast %add3A_991 : i32 to index
      %swap3A_1118 = arith.constant 64 : index
      %swap3A_1119 = tpu.vector_load %swap3A_1116[%swap3A_1117, %swap3A_1118] {strides = array<i32>} : memref<64x128xf32, #tpu.memory_space<vmem>>, vector<1x16xf32>,
      %swap3A_1120 = vector.shape_cast %swap3A_1119 : vector<1x16xf32> to vector<16xf32>
      %swap3A_1121 = vector.shape_cast %sub3A_1112 : vector<16xf32> to vector<1x16xf32>
      tpu.vector_store %swap3A_1116[%swap3A_1117, %swap3A_1118], %swap3A_1121 {add = true, strides = array<i32>} : memref<64x128xf32, #tpu.memory_space<vmem>>, vector<1x16xf32>,
      %get3A_1122 = arith.constant 0 : i32
      %get3A_1123 = arith.constant 0 : i32
      %get3A_1124 = tpu.memref_slice %arg12[%scan3A_304, %get3A_1122, %get3A_1123] : memref<4x64x128xf32, #tpu.memory_space<vmem>> -> memref<1x64x128xf32, #tpu.memory_space<vmem>>
      %get3A_1125 = tpu.memref_squeeze %get3A_1124 : memref<1x64x128xf32, #tpu.memory_space<vmem>> -> memref<64x128xf32, #tpu.memory_space<vmem>>
      %get3A_1126 = arith.index_cast %add3A_991 : i32 to index
      %get3A_1127 = arith.constant 80 : index
      %get3A_1128 = tpu.vector_load %get3A_1125[%get3A_1126, %get3A_1127] {strides = array<i32>} : memref<64x128xf32, #tpu.memory_space<vmem>>, vector<1x16xf32>,
      %get3A_1129 = vector.shape_cast %get3A_1128 : vector<1x16xf32> to vector<16xf32>
      %get3A_1130 = arith.constant 0 : i32
      %get3A_1131 = arith.constant 0 : i32
      %get3A_1132 = tpu.memref_slice %arg13[%scan3A_305, %get3A_1130, %get3A_1131] : memref<4x64x128xf32, #tpu.memory_space<vmem>> -> memref<1x64x128xf32, #tpu.memory_space<vmem>>
      %get3A_1133 = tpu.memref_squeeze %get3A_1132 : memref<1x64x128xf32, #tpu.memory_space<vmem>> -> memref<64x128xf32, #tpu.memory_space<vmem>>
      %get3A_1134 = arith.index_cast %add3A_991 : i32 to index
      %get3A_1135 = arith.constant 80 : index
      %get3A_1136 = tpu.vector_load %get3A_1133[%get3A_1134, %get3A_1135] {strides = array<i32>} : memref<64x128xf32, #tpu.memory_space<vmem>>, vector<1x16xf32>,
      %get3A_1137 = vector.shape_cast %get3A_1136 : vector<1x16xf32> to vector<16xf32>
      %sub3A_1138 = arith.subf %get3A_1129, %get3A_1137 : vector<16xf32>
      %swap3A_1139 = arith.constant 0 : i32
      %swap3A_1140 = arith.constant 0 : i32
      %swap3A_1141 = tpu.memref_slice %arg11[%scan3A_306, %swap3A_1139, %swap3A_1140] : memref<4x64x128xf32, #tpu.memory_space<vmem>> -> memref<1x64x128xf32, #tpu.memory_space<vmem>>
      %swap3A_1142 = tpu.memref_squeeze %swap3A_1141 : memref<1x64x128xf32, #tpu.memory_space<vmem>> -> memref<64x128xf32, #tpu.memory_space<vmem>>
      %swap3A_1143 = arith.index_cast %add3A_991 : i32 to index
      %swap3A_1144 = arith.constant 80 : index
      %swap3A_1145 = tpu.vector_load %swap3A_1142[%swap3A_1143, %swap3A_1144] {strides = array<i32>} : memref<64x128xf32, #tpu.memory_space<vmem>>, vector<1x16xf32>,
      %swap3A_1146 = vector.shape_cast %swap3A_1145 : vector<1x16xf32> to vector<16xf32>
      %swap3A_1147 = vector.shape_cast %sub3A_1138 : vector<16xf32> to vector<1x16xf32>
      tpu.vector_store %swap3A_1142[%swap3A_1143, %swap3A_1144], %swap3A_1147 {add = true, strides = array<i32>} : memref<64x128xf32, #tpu.memory_space<vmem>>, vector<1x16xf32>,
      %get3A_1148 = arith.constant 0 : i32
      %get3A_1149 = arith.constant 0 : i32
      %get3A_1150 = tpu.memref_slice %arg12[%scan3A_304, %get3A_1148, %get3A_1149] : memref<4x64x128xf32, #tpu.memory_space<vmem>> -> memref<1x64x128xf32, #tpu.memory_space<vmem>>
      %get3A_1151 = tpu.memref_squeeze %get3A_1150 : memref<1x64x128xf32, #tpu.memory_space<vmem>> -> memref<64x128xf32, #tpu.memory_space<vmem>>
      %get3A_1152 = arith.index_cast %add3A_991 : i32 to index
      %get3A_1153 = arith.constant 96 : index
      %get3A_1154 = tpu.vector_load %get3A_1151[%get3A_1152, %get3A_1153] {strides = array<i32>} : memref<64x128xf32, #tpu.memory_space<vmem>>, vector<1x16xf32>,
      %get3A_1155 = vector.shape_cast %get3A_1154 : vector<1x16xf32> to vector<16xf32>
      %get3A_1156 = arith.constant 0 : i32
      %get3A_1157 = arith.constant 0 : i32
      %get3A_1158 = tpu.memref_slice %arg13[%scan3A_305, %get3A_1156, %get3A_1157] : memref<4x64x128xf32, #tpu.memory_space<vmem>> -> memref<1x64x128xf32, #tpu.memory_space<vmem>>
      %get3A_1159 = tpu.memref_squeeze %get3A_1158 : memref<1x64x128xf32, #tpu.memory_space<vmem>> -> memref<64x128xf32, #tpu.memory_space<vmem>>
      %get3A_1160 = arith.index_cast %add3A_991 : i32 to index
      %get3A_1161 = arith.constant 96 : index
      %get3A_1162 = tpu.vector_load %get3A_1159[%get3A_1160, %get3A_1161] {strides = array<i32>} : memref<64x128xf32, #tpu.memory_space<vmem>>, vector<1x16xf32>,
      %get3A_1163 = vector.shape_cast %get3A_1162 : vector<1x16xf32> to vector<16xf32>
      %sub3A_1164 = arith.subf %get3A_1155, %get3A_1163 : vector<16xf32>
      %swap3A_1165 = arith.constant 0 : i32
      %swap3A_1166 = arith.constant 0 : i32
      %swap3A_1167 = tpu.memref_slice %arg11[%scan3A_306, %swap3A_1165, %swap3A_1166] : memref<4x64x128xf32, #tpu.memory_space<vmem>> -> memref<1x64x128xf32, #tpu.memory_space<vmem>>
      %swap3A_1168 = tpu.memref_squeeze %swap3A_1167 : memref<1x64x128xf32, #tpu.memory_space<vmem>> -> memref<64x128xf32, #tpu.memory_space<vmem>>
      %swap3A_1169 = arith.index_cast %add3A_991 : i32 to index
      %swap3A_1170 = arith.constant 96 : index
      %swap3A_1171 = tpu.vector_load %swap3A_1168[%swap3A_1169, %swap3A_1170] {strides = array<i32>} : memref<64x128xf32, #tpu.memory_space<vmem>>, vector<1x16xf32>,
      %swap3A_1172 = vector.shape_cast %swap3A_1171 : vector<1x16xf32> to vector<16xf32>
      %swap3A_1173 = vector.shape_cast %sub3A_1164 : vector<16xf32> to vector<1x16xf32>
      tpu.vector_store %swap3A_1168[%swap3A_1169, %swap3A_1170], %swap3A_1173 {add = true, strides = array<i32>} : memref<64x128xf32, #tpu.memory_space<vmem>>, vector<1x16xf32>,
      %get3A_1174 = arith.constant 0 : i32
      %get3A_1175 = arith.constant 0 : i32
      %get3A_1176 = tpu.memref_slice %arg12[%scan3A_304, %get3A_1174, %get3A_1175] : memref<4x64x128xf32, #tpu.memory_space<vmem>> -> memref<1x64x128xf32, #tpu.memory_space<vmem>>
      %get3A_1177 = tpu.memref_squeeze %get3A_1176 : memref<1x64x128xf32, #tpu.memory_space<vmem>> -> memref<64x128xf32, #tpu.memory_space<vmem>>
      %get3A_1178 = arith.index_cast %add3A_991 : i32 to index
      %get3A_1179 = arith.constant 112 : index
      %get3A_1180 = tpu.vector_load %get3A_1177[%get3A_1178, %get3A_1179] {strides = array<i32>} : memref<64x128xf32, #tpu.memory_space<vmem>>, vector<1x16xf32>,
      %get3A_1181 = vector.shape_cast %get3A_1180 : vector<1x16xf32> to vector<16xf32>
      %get3A_1182 = arith.constant 0 : i32
      %get3A_1183 = arith.constant 0 : i32
      %get3A_1184 = tpu.memref_slice %arg13[%scan3A_305, %get3A_1182, %get3A_1183] : memref<4x64x128xf32, #tpu.memory_space<vmem>> -> memref<1x64x128xf32, #tpu.memory_space<vmem>>
      %get3A_1185 = tpu.memref_squeeze %get3A_1184 : memref<1x64x128xf32, #tpu.memory_space<vmem>> -> memref<64x128xf32, #tpu.memory_space<vmem>>
      %get3A_1186 = arith.index_cast %add3A_991 : i32 to index
      %get3A_1187 = arith.constant 112 : index
      %get3A_1188 = tpu.vector_load %get3A_1185[%get3A_1186, %get3A_1187] {strides = array<i32>} : memref<64x128xf32, #tpu.memory_space<vmem>>, vector<1x16xf32>,
      %get3A_1189 = vector.shape_cast %get3A_1188 : vector<1x16xf32> to vector<16xf32>
      %sub3A_1190 = arith.subf %get3A_1181, %get3A_1189 : vector<16xf32>
      %swap3A_1191 = arith.constant 0 : i32
      %swap3A_1192 = arith.constant 0 : i32
      %swap3A_1193 = tpu.memref_slice %arg11[%scan3A_306, %swap3A_1191, %swap3A_1192] : memref<4x64x128xf32, #tpu.memory_space<vmem>> -> memref<1x64x128xf32, #tpu.memory_space<vmem>>
      %swap3A_1194 = tpu.memref_squeeze %swap3A_1193 : memref<1x64x128xf32, #tpu.memory_space<vmem>> -> memref<64x128xf32, #tpu.memory_space<vmem>>
      %swap3A_1195 = arith.index_cast %add3A_991 : i32 to index
      %swap3A_1196 = arith.constant 112 : index
      %swap3A_1197 = tpu.vector_load %swap3A_1194[%swap3A_1195, %swap3A_1196] {strides = array<i32>} : memref<64x128xf32, #tpu.memory_space<vmem>>, vector<1x16xf32>,
      %swap3A_1198 = vector.shape_cast %swap3A_1197 : vector<1x16xf32> to vector<16xf32>
      %swap3A_1199 = vector.shape_cast %sub3A_1190 : vector<16xf32> to vector<1x16xf32>
      tpu.vector_store %swap3A_1194[%swap3A_1195, %swap3A_1196], %swap3A_1199 {add = true, strides = array<i32>} : memref<64x128xf32, #tpu.memory_space<vmem>>, vector<1x16xf32>,
    }
    %scan3A_311 = arith.constant 32 : i32
    %add3A_312 = arith.constant 128 : i32
    %add3A_313 = arith.addi %mul3A_2, %add3A_312 : i32
    %dma_start3A_314 = arith.constant 2 : i32
    %dma_start3A_315 = arith.constant 0 : i32
    %dma_start3A_316 = arith.constant 0 : i32
    %dma_start3A_317 = tpu.memref_slice %arg11[%dma_start3A_314, %dma_start3A_315, %dma_start3A_316] : memref<4x64x128xf32, #tpu.memory_space<vmem>> -> memref<1x64x128xf32, #tpu.memory_space<vmem>>
    %dma_start3A_318 = tpu.memref_squeeze %dma_start3A_317 : memref<1x64x128xf32, #tpu.memory_space<vmem>> -> memref<64x128xf32, #tpu.memory_space<vmem>>
    %dma_start3A_319 = arith.constant 0 : i32
    %dma_start3A_320 = tpu.memref_slice %arg7[%add3A_313, %dma_start3A_319] : memref<16384x128xf32, #tpu.memory_space<hbm>> -> memref<64x128xf32, #tpu.memory_space<hbm>>
    %dma_start3A_321 = arith.constant 0 : i32
    %dma_start3A_322 = tpu.memref_slice %arg7[%add3A_313, %dma_start3A_321] : memref<16384x128xf32, #tpu.memory_space<hbm>> -> memref<64x128xf32, #tpu.memory_space<hbm>>
    %dma_start3A_323 = arith.constant 0 : i32
    %dma_start3A_324 = arith.constant 0 : i32
    %dma_start3A_325 = tpu.memref_slice %arg11[%dma_start3A_314, %dma_start3A_323, %dma_start3A_324] : memref<4x64x128xf32, #tpu.memory_space<vmem>> -> memref<1x64x128xf32, #tpu.memory_space<vmem>>
    %dma_start3A_326 = tpu.memref_squeeze %dma_start3A_325 : memref<1x64x128xf32, #tpu.memory_space<vmem>> -> memref<64x128xf32, #tpu.memory_space<vmem>>
    tpu.enqueue_dma source(%dma_start3A_326 : memref<64x128xf32, #tpu.memory_space<vmem>>) target(%dma_start3A_322 : memref<64x128xf32, #tpu.memory_space<hbm>>) target_semaphore(%arg25 : memref<!tpu.dma_semaphore, #tpu.memory_space<semaphore_mem>>)
    %dma_wait3A_327 = arith.constant 1 : i32
    %dma_wait3A_328 = arith.constant 0 : i32
    %dma_wait3A_329 = arith.constant 0 : i32
    %dma_wait3A_330 = tpu.memref_slice %arg11[%dma_wait3A_327, %dma_wait3A_328, %dma_wait3A_329] : memref<4x64x128xf32, #tpu.memory_space<vmem>> -> memref<1x64x128xf32, #tpu.memory_space<vmem>>
    %dma_wait3A_331 = tpu.memref_squeeze %dma_wait3A_330 : memref<1x64x128xf32, #tpu.memory_space<vmem>> -> memref<64x128xf32, #tpu.memory_space<vmem>>
    %dma_wait3A_332 = arith.constant 0 : i32
    %dma_wait3A_333 = tpu.memref_slice %arg7[%add3A_216, %dma_wait3A_332] : memref<16384x128xf32, #tpu.memory_space<hbm>> -> memref<64x128xf32, #tpu.memory_space<hbm>>
    %dma_wait3A_334 = arith.constant 0 : i32
    %dma_wait3A_335 = tpu.memref_slice %arg7[%add3A_216, %dma_wait3A_334] : memref<16384x128xf32, #tpu.memory_space<hbm>> -> memref<64x128xf32, #tpu.memory_space<hbm>>
    %dma_wait3A_336 = arith.constant 0 : i32
    %dma_wait3A_337 = arith.constant 0 : i32
    %dma_wait3A_338 = tpu.memref_slice %arg11[%dma_wait3A_327, %dma_wait3A_336, %dma_wait3A_337] : memref<4x64x128xf32, #tpu.memory_space<vmem>> -> memref<1x64x128xf32, #tpu.memory_space<vmem>>
    %dma_wait3A_339 = tpu.memref_squeeze %dma_wait3A_338 : memref<1x64x128xf32, #tpu.memory_space<vmem>> -> memref<64x128xf32, #tpu.memory_space<vmem>>
    tpu.wait_dma2 semaphore(%arg24 : memref<!tpu.dma_semaphore, #tpu.memory_space<semaphore_mem>>) src(%dma_wait3A_339 : memref<64x128xf32, #tpu.memory_space<vmem>>) dst(%dma_wait3A_335 : memref<64x128xf32, #tpu.memory_space<hbm>>)
    %dma_start3A_340 = arith.constant 1 : i32
    %dma_start3A_341 = arith.constant 0 : i32
    %dma_start3A_342 = arith.constant 0 : i32
    %dma_start3A_343 = tpu.memref_slice %arg11[%dma_start3A_340, %dma_start3A_341, %dma_start3A_342] : memref<4x64x128xf32, #tpu.memory_space<vmem>> -> memref<1x64x128xf32, #tpu.memory_space<vmem>>
    %dma_start3A_344 = tpu.memref_squeeze %dma_start3A_343 : memref<1x64x128xf32, #tpu.memory_space<vmem>> -> memref<64x128xf32, #tpu.memory_space<vmem>>
    %dma_start3A_345 = arith.constant 320 : i32
    %dma_start3A_346 = tpu.memref_slice %arg8[%dma_start3A_345] : memref<512xi32, #tpu.memory_space<vmem>> -> memref<64xi32, #tpu.memory_space<vmem>>
    %dma_start3A_347 = arith.constant 0 : i32
    %dma_start3A_348 = arith.constant 0 : i32
    %dma_start3A_349 = tpu.memref_slice %arg5[%dma_start3A_347, %dma_start3A_348] : memref<100000x128xf32, #tpu.memory_space<hbm>> -> memref<100000x128xf32, #tpu.memory_space<hbm>>
    tpu.enqueue_indirect_dma source(%dma_start3A_349 : memref<100000x128xf32, #tpu.memory_space<hbm>>) target(%dma_start3A_344 : memref<64x128xf32, #tpu.memory_space<vmem>>) offsets(%dma_start3A_346 : memref<64xi32, #tpu.memory_space<vmem>>) semaphore(%arg16 : memref<!tpu.dma_semaphore, #tpu.memory_space<semaphore_mem>>)
    %dma_start3A_350 = arith.constant 1 : i32
    %dma_start3A_351 = arith.constant 0 : i32
    %dma_start3A_352 = arith.constant 0 : i32
    %dma_start3A_353 = tpu.memref_slice %arg12[%dma_start3A_350, %dma_start3A_351, %dma_start3A_352] : memref<4x64x128xf32, #tpu.memory_space<vmem>> -> memref<1x64x128xf32, #tpu.memory_space<vmem>>
    %dma_start3A_354 = tpu.memref_squeeze %dma_start3A_353 : memref<1x64x128xf32, #tpu.memory_space<vmem>> -> memref<64x128xf32, #tpu.memory_space<vmem>>
    %dma_start3A_355 = arith.constant 320 : i32
    %dma_start3A_356 = tpu.memref_slice %arg9[%dma_start3A_355] : memref<512xi32, #tpu.memory_space<vmem>> -> memref<64xi32, #tpu.memory_space<vmem>>
    %dma_start3A_357 = arith.constant 0 : i32
    %dma_start3A_358 = arith.constant 0 : i32
    %dma_start3A_359 = tpu.memref_slice %arg14[%dma_start3A_357, %dma_start3A_358] : memref<1000x128xf32, #tpu.memory_space<vmem_shared>> -> memref<1000x128xf32, #tpu.memory_space<vmem_shared>>
    tpu.enqueue_indirect_dma source(%dma_start3A_359 : memref<1000x128xf32, #tpu.memory_space<vmem_shared>>) target(%dma_start3A_354 : memref<64x128xf32, #tpu.memory_space<vmem>>) offsets(%dma_start3A_356 : memref<64xi32, #tpu.memory_space<vmem>>) semaphore(%arg20 : memref<!tpu.dma_semaphore, #tpu.memory_space<semaphore_mem>>)
    %dma_start3A_360 = arith.constant 1 : i32
    %dma_start3A_361 = arith.constant 0 : i32
    %dma_start3A_362 = arith.constant 0 : i32
    %dma_start3A_363 = tpu.memref_slice %arg13[%dma_start3A_360, %dma_start3A_361, %dma_start3A_362] : memref<4x64x128xf32, #tpu.memory_space<vmem>> -> memref<1x64x128xf32, #tpu.memory_space<vmem>>
    %dma_start3A_364 = tpu.memref_squeeze %dma_start3A_363 : memref<1x64x128xf32, #tpu.memory_space<vmem>> -> memref<64x128xf32, #tpu.memory_space<vmem>>
    %dma_start3A_365 = arith.constant 320 : i32
    %dma_start3A_366 = tpu.memref_slice %arg10[%dma_start3A_365] : memref<512xi32, #tpu.memory_space<vmem>> -> memref<64xi32, #tpu.memory_space<vmem>>
    %dma_start3A_367 = arith.constant 0 : i32
    %dma_start3A_368 = arith.constant 0 : i32
    %dma_start3A_369 = tpu.memref_slice %arg5[%dma_start3A_367, %dma_start3A_368] : memref<100000x128xf32, #tpu.memory_space<hbm>> -> memref<100000x128xf32, #tpu.memory_space<hbm>>
    tpu.enqueue_indirect_dma source(%dma_start3A_369 : memref<100000x128xf32, #tpu.memory_space<hbm>>) target(%dma_start3A_364 : memref<64x128xf32, #tpu.memory_space<vmem>>) offsets(%dma_start3A_366 : memref<64xi32, #tpu.memory_space<vmem>>) semaphore(%arg16 : memref<!tpu.dma_semaphore, #tpu.memory_space<semaphore_mem>>)
    %dma_wait3A_370 = arith.constant 3 : i32
    %dma_wait3A_371 = arith.constant 0 : i32
    %dma_wait3A_372 = arith.constant 0 : i32
    %dma_wait3A_373 = tpu.memref_slice %arg11[%dma_wait3A_370, %dma_wait3A_371, %dma_wait3A_372] : memref<4x64x128xf32, #tpu.memory_space<vmem>> -> memref<1x64x128xf32, #tpu.memory_space<vmem>>
    %dma_wait3A_374 = tpu.memref_squeeze %dma_wait3A_373 : memref<1x64x128xf32, #tpu.memory_space<vmem>> -> memref<64x128xf32, #tpu.memory_space<vmem>>
    %dma_wait3A_375 = arith.constant 192 : i32
    %dma_wait3A_376 = tpu.memref_slice %arg8[%dma_wait3A_375] : memref<512xi32, #tpu.memory_space<vmem>> -> memref<64xi32, #tpu.memory_space<vmem>>
    %dma_wait3A_377 = arith.constant 0 : i32
    %dma_wait3A_378 = arith.constant 0 : i32
    %dma_wait3A_379 = tpu.memref_slice %arg5[%dma_wait3A_377, %dma_wait3A_378] : memref<100000x128xf32, #tpu.memory_space<hbm>> -> memref<100000x128xf32, #tpu.memory_space<hbm>>
    tpu.wait_indirect_dma semaphore(%arg18 : memref<!tpu.dma_semaphore, #tpu.memory_space<semaphore_mem>>) src(%dma_wait3A_379 : memref<100000x128xf32, #tpu.memory_space<hbm>>) dst(%dma_wait3A_374 : memref<64x128xf32, #tpu.memory_space<vmem>>)
    %dma_wait3A_380 = arith.constant 3 : i32
    %dma_wait3A_381 = arith.constant 0 : i32
    %dma_wait3A_382 = arith.constant 0 : i32
    %dma_wait3A_383 = tpu.memref_slice %arg12[%dma_wait3A_380, %dma_wait3A_381, %dma_wait3A_382] : memref<4x64x128xf32, #tpu.memory_space<vmem>> -> memref<1x64x128xf32, #tpu.memory_space<vmem>>
    %dma_wait3A_384 = tpu.memref_squeeze %dma_wait3A_383 : memref<1x64x128xf32, #tpu.memory_space<vmem>> -> memref<64x128xf32, #tpu.memory_space<vmem>>
    %dma_wait3A_385 = arith.constant 192 : i32
    %dma_wait3A_386 = tpu.memref_slice %arg9[%dma_wait3A_385] : memref<512xi32, #tpu.memory_space<vmem>> -> memref<64xi32, #tpu.memory_space<vmem>>
    %dma_wait3A_387 = arith.constant 0 : i32
    %dma_wait3A_388 = arith.constant 0 : i32
    %dma_wait3A_389 = tpu.memref_slice %arg14[%dma_wait3A_387, %dma_wait3A_388] : memref<1000x128xf32, #tpu.memory_space<vmem_shared>> -> memref<1000x128xf32, #tpu.memory_space<vmem_shared>>
    tpu.wait_indirect_dma semaphore(%arg22 : memref<!tpu.dma_semaphore, #tpu.memory_space<semaphore_mem>>) src(%dma_wait3A_389 : memref<1000x128xf32, #tpu.memory_space<vmem_shared>>) dst(%dma_wait3A_384 : memref<64x128xf32, #tpu.memory_space<vmem>>)
    %dma_wait3A_390 = arith.constant 3 : i32
    %dma_wait3A_391 = arith.constant 0 : i32
    %dma_wait3A_392 = arith.constant 0 : i32
    %dma_wait3A_393 = tpu.memref_slice %arg13[%dma_wait3A_390, %dma_wait3A_391, %dma_wait3A_392] : memref<4x64x128xf32, #tpu.memory_space<vmem>> -> memref<1x64x128xf32, #tpu.memory_space<vmem>>
    %dma_wait3A_394 = tpu.memref_squeeze %dma_wait3A_393 : memref<1x64x128xf32, #tpu.memory_space<vmem>> -> memref<64x128xf32, #tpu.memory_space<vmem>>
    %dma_wait3A_395 = arith.constant 192 : i32
    %dma_wait3A_396 = tpu.memref_slice %arg10[%dma_wait3A_395] : memref<512xi32, #tpu.memory_space<vmem>> -> memref<64xi32, #tpu.memory_space<vmem>>
    %dma_wait3A_397 = arith.constant 0 : i32
    %dma_wait3A_398 = arith.constant 0 : i32
    %dma_wait3A_399 = tpu.memref_slice %arg5[%dma_wait3A_397, %dma_wait3A_398] : memref<100000x128xf32, #tpu.memory_space<hbm>> -> memref<100000x128xf32, #tpu.memory_space<hbm>>
    tpu.wait_indirect_dma semaphore(%arg18 : memref<!tpu.dma_semaphore, #tpu.memory_space<semaphore_mem>>) src(%dma_wait3A_399 : memref<100000x128xf32, #tpu.memory_space<hbm>>) dst(%dma_wait3A_394 : memref<64x128xf32, #tpu.memory_space<vmem>>)
    %scan3A_400 = arith.constant 0 : i32
    %scan3A_401 = arith.constant 3 : i32
    %scan3A_402 = arith.constant 3 : i32
    %scan3A_403 = arith.constant 3 : i32
    %scan3A_404 = arith.constant 0 : i32
    %scan3A_405 = arith.constant 32 : i32
    %scan3A_406 = arith.addi %scan3A_404, %scan3A_405 : i32
    %scan3A_407 = arith.constant 1 : i32
    scf.for %scan3A_778 = %scan3A_404 to %scan3A_406 step %scan3A_407  : i32 {
      %mul3A_779 = arith.constant 2 : i32
      %mul3A_780 = arith.muli %scan3A_778, %mul3A_779 : i32
      %add3A_781 = arith.constant 0 : i32
      %add3A_782 = arith.addi %mul3A_780, %add3A_781 : i32
      %get3A = arith.constant 0 : i32
      %get3A_783 = arith.constant 0 : i32
      %get3A_784 = tpu.memref_slice %arg12[%scan3A_401, %get3A, %get3A_783] : memref<4x64x128xf32, #tpu.memory_space<vmem>> -> memref<1x64x128xf32, #tpu.memory_space<vmem>>
      %get3A_785 = tpu.memref_squeeze %get3A_784 : memref<1x64x128xf32, #tpu.memory_space<vmem>> -> memref<64x128xf32, #tpu.memory_space<vmem>>
      %get3A_786 = arith.index_cast %add3A_782 : i32 to index
      %get3A_787 = arith.constant 0 : index
      %get3A_788 = tpu.vector_load %get3A_785[%get3A_786, %get3A_787] {strides = array<i32>} : memref<64x128xf32, #tpu.memory_space<vmem>>, vector<1x16xf32>,
      %get3A_789 = vector.shape_cast %get3A_788 : vector<1x16xf32> to vector<16xf32>
      %get3A_790 = arith.constant 0 : i32
      %get3A_791 = arith.constant 0 : i32
      %get3A_792 = tpu.memref_slice %arg13[%scan3A_402, %get3A_790, %get3A_791] : memref<4x64x128xf32, #tpu.memory_space<vmem>> -> memref<1x64x128xf32, #tpu.memory_space<vmem>>
      %get3A_793 = tpu.memref_squeeze %get3A_792 : memref<1x64x128xf32, #tpu.memory_space<vmem>> -> memref<64x128xf32, #tpu.memory_space<vmem>>
      %get3A_794 = arith.index_cast %add3A_782 : i32 to index
      %get3A_795 = arith.constant 0 : index
      %get3A_796 = tpu.vector_load %get3A_793[%get3A_794, %get3A_795] {strides = array<i32>} : memref<64x128xf32, #tpu.memory_space<vmem>>, vector<1x16xf32>,
      %get3A_797 = vector.shape_cast %get3A_796 : vector<1x16xf32> to vector<16xf32>
      %sub3A = arith.subf %get3A_789, %get3A_797 : vector<16xf32>
      %swap3A = arith.constant 0 : i32
      %swap3A_798 = arith.constant 0 : i32
      %swap3A_799 = tpu.memref_slice %arg11[%scan3A_403, %swap3A, %swap3A_798] : memref<4x64x128xf32, #tpu.memory_space<vmem>> -> memref<1x64x128xf32, #tpu.memory_space<vmem>>
      %swap3A_800 = tpu.memref_squeeze %swap3A_799 : memref<1x64x128xf32, #tpu.memory_space<vmem>> -> memref<64x128xf32, #tpu.memory_space<vmem>>
      %swap3A_801 = arith.index_cast %add3A_782 : i32 to index
      %swap3A_802 = arith.constant 0 : index
      %swap3A_803 = tpu.vector_load %swap3A_800[%swap3A_801, %swap3A_802] {strides = array<i32>} : memref<64x128xf32, #tpu.memory_space<vmem>>, vector<1x16xf32>,
      %swap3A_804 = vector.shape_cast %swap3A_803 : vector<1x16xf32> to vector<16xf32>
      %swap3A_805 = vector.shape_cast %sub3A : vector<16xf32> to vector<1x16xf32>
      tpu.vector_store %swap3A_800[%swap3A_801, %swap3A_802], %swap3A_805 {add = true, strides = array<i32>} : memref<64x128xf32, #tpu.memory_space<vmem>>, vector<1x16xf32>,
      %get3A_806 = arith.constant 0 : i32
      %get3A_807 = arith.constant 0 : i32
      %get3A_808 = tpu.memref_slice %arg12[%scan3A_401, %get3A_806, %get3A_807] : memref<4x64x128xf32, #tpu.memory_space<vmem>> -> memref<1x64x128xf32, #tpu.memory_space<vmem>>
      %get3A_809 = tpu.memref_squeeze %get3A_808 : memref<1x64x128xf32, #tpu.memory_space<vmem>> -> memref<64x128xf32, #tpu.memory_space<vmem>>
      %get3A_810 = arith.index_cast %add3A_782 : i32 to index
      %get3A_811 = arith.constant 16 : index
      %get3A_812 = tpu.vector_load %get3A_809[%get3A_810, %get3A_811] {strides = array<i32>} : memref<64x128xf32, #tpu.memory_space<vmem>>, vector<1x16xf32>,
      %get3A_813 = vector.shape_cast %get3A_812 : vector<1x16xf32> to vector<16xf32>
      %get3A_814 = arith.constant 0 : i32
      %get3A_815 = arith.constant 0 : i32
      %get3A_816 = tpu.memref_slice %arg13[%scan3A_402, %get3A_814, %get3A_815] : memref<4x64x128xf32, #tpu.memory_space<vmem>> -> memref<1x64x128xf32, #tpu.memory_space<vmem>>
      %get3A_817 = tpu.memref_squeeze %get3A_816 : memref<1x64x128xf32, #tpu.memory_space<vmem>> -> memref<64x128xf32, #tpu.memory_space<vmem>>
      %get3A_818 = arith.index_cast %add3A_782 : i32 to index
      %get3A_819 = arith.constant 16 : index
      %get3A_820 = tpu.vector_load %get3A_817[%get3A_818, %get3A_819] {strides = array<i32>} : memref<64x128xf32, #tpu.memory_space<vmem>>, vector<1x16xf32>,
      %get3A_821 = vector.shape_cast %get3A_820 : vector<1x16xf32> to vector<16xf32>
      %sub3A_822 = arith.subf %get3A_813, %get3A_821 : vector<16xf32>
      %swap3A_823 = arith.constant 0 : i32
      %swap3A_824 = arith.constant 0 : i32
      %swap3A_825 = tpu.memref_slice %arg11[%scan3A_403, %swap3A_823, %swap3A_824] : memref<4x64x128xf32, #tpu.memory_space<vmem>> -> memref<1x64x128xf32, #tpu.memory_space<vmem>>
      %swap3A_826 = tpu.memref_squeeze %swap3A_825 : memref<1x64x128xf32, #tpu.memory_space<vmem>> -> memref<64x128xf32, #tpu.memory_space<vmem>>
      %swap3A_827 = arith.index_cast %add3A_782 : i32 to index
      %swap3A_828 = arith.constant 16 : index
      %swap3A_829 = tpu.vector_load %swap3A_826[%swap3A_827, %swap3A_828] {strides = array<i32>} : memref<64x128xf32, #tpu.memory_space<vmem>>, vector<1x16xf32>,
      %swap3A_830 = vector.shape_cast %swap3A_829 : vector<1x16xf32> to vector<16xf32>
      %swap3A_831 = vector.shape_cast %sub3A_822 : vector<16xf32> to vector<1x16xf32>
      tpu.vector_store %swap3A_826[%swap3A_827, %swap3A_828], %swap3A_831 {add = true, strides = array<i32>} : memref<64x128xf32, #tpu.memory_space<vmem>>, vector<1x16xf32>,
      %get3A_832 = arith.constant 0 : i32
      %get3A_833 = arith.constant 0 : i32
      %get3A_834 = tpu.memref_slice %arg12[%scan3A_401, %get3A_832, %get3A_833] : memref<4x64x128xf32, #tpu.memory_space<vmem>> -> memref<1x64x128xf32, #tpu.memory_space<vmem>>
      %get3A_835 = tpu.memref_squeeze %get3A_834 : memref<1x64x128xf32, #tpu.memory_space<vmem>> -> memref<64x128xf32, #tpu.memory_space<vmem>>
      %get3A_836 = arith.index_cast %add3A_782 : i32 to index
      %get3A_837 = arith.constant 32 : index
      %get3A_838 = tpu.vector_load %get3A_835[%get3A_836, %get3A_837] {strides = array<i32>} : memref<64x128xf32, #tpu.memory_space<vmem>>, vector<1x16xf32>,
      %get3A_839 = vector.shape_cast %get3A_838 : vector<1x16xf32> to vector<16xf32>
      %get3A_840 = arith.constant 0 : i32
      %get3A_841 = arith.constant 0 : i32
      %get3A_842 = tpu.memref_slice %arg13[%scan3A_402, %get3A_840, %get3A_841] : memref<4x64x128xf32, #tpu.memory_space<vmem>> -> memref<1x64x128xf32, #tpu.memory_space<vmem>>
      %get3A_843 = tpu.memref_squeeze %get3A_842 : memref<1x64x128xf32, #tpu.memory_space<vmem>> -> memref<64x128xf32, #tpu.memory_space<vmem>>
      %get3A_844 = arith.index_cast %add3A_782 : i32 to index
      %get3A_845 = arith.constant 32 : index
      %get3A_846 = tpu.vector_load %get3A_843[%get3A_844, %get3A_845] {strides = array<i32>} : memref<64x128xf32, #tpu.memory_space<vmem>>, vector<1x16xf32>,
      %get3A_847 = vector.shape_cast %get3A_846 : vector<1x16xf32> to vector<16xf32>
      %sub3A_848 = arith.subf %get3A_839, %get3A_847 : vector<16xf32>
      %swap3A_849 = arith.constant 0 : i32
      %swap3A_850 = arith.constant 0 : i32
      %swap3A_851 = tpu.memref_slice %arg11[%scan3A_403, %swap3A_849, %swap3A_850] : memref<4x64x128xf32, #tpu.memory_space<vmem>> -> memref<1x64x128xf32, #tpu.memory_space<vmem>>
      %swap3A_852 = tpu.memref_squeeze %swap3A_851 : memref<1x64x128xf32, #tpu.memory_space<vmem>> -> memref<64x128xf32, #tpu.memory_space<vmem>>
      %swap3A_853 = arith.index_cast %add3A_782 : i32 to index
      %swap3A_854 = arith.constant 32 : index
      %swap3A_855 = tpu.vector_load %swap3A_852[%swap3A_853, %swap3A_854] {strides = array<i32>} : memref<64x128xf32, #tpu.memory_space<vmem>>, vector<1x16xf32>,
      %swap3A_856 = vector.shape_cast %swap3A_855 : vector<1x16xf32> to vector<16xf32>
      %swap3A_857 = vector.shape_cast %sub3A_848 : vector<16xf32> to vector<1x16xf32>
      tpu.vector_store %swap3A_852[%swap3A_853, %swap3A_854], %swap3A_857 {add = true, strides = array<i32>} : memref<64x128xf32, #tpu.memory_space<vmem>>, vector<1x16xf32>,
      %get3A_858 = arith.constant 0 : i32
      %get3A_859 = arith.constant 0 : i32
      %get3A_860 = tpu.memref_slice %arg12[%scan3A_401, %get3A_858, %get3A_859] : memref<4x64x128xf32, #tpu.memory_space<vmem>> -> memref<1x64x128xf32, #tpu.memory_space<vmem>>
      %get3A_861 = tpu.memref_squeeze %get3A_860 : memref<1x64x128xf32, #tpu.memory_space<vmem>> -> memref<64x128xf32, #tpu.memory_space<vmem>>
      %get3A_862 = arith.index_cast %add3A_782 : i32 to index
      %get3A_863 = arith.constant 48 : index
      %get3A_864 = tpu.vector_load %get3A_861[%get3A_862, %get3A_863] {strides = array<i32>} : memref<64x128xf32, #tpu.memory_space<vmem>>, vector<1x16xf32>,
      %get3A_865 = vector.shape_cast %get3A_864 : vector<1x16xf32> to vector<16xf32>
      %get3A_866 = arith.constant 0 : i32
      %get3A_867 = arith.constant 0 : i32
      %get3A_868 = tpu.memref_slice %arg13[%scan3A_402, %get3A_866, %get3A_867] : memref<4x64x128xf32, #tpu.memory_space<vmem>> -> memref<1x64x128xf32, #tpu.memory_space<vmem>>
      %get3A_869 = tpu.memref_squeeze %get3A_868 : memref<1x64x128xf32, #tpu.memory_space<vmem>> -> memref<64x128xf32, #tpu.memory_space<vmem>>
      %get3A_870 = arith.index_cast %add3A_782 : i32 to index
      %get3A_871 = arith.constant 48 : index
      %get3A_872 = tpu.vector_load %get3A_869[%get3A_870, %get3A_871] {strides = array<i32>} : memref<64x128xf32, #tpu.memory_space<vmem>>, vector<1x16xf32>,
      %get3A_873 = vector.shape_cast %get3A_872 : vector<1x16xf32> to vector<16xf32>
      %sub3A_874 = arith.subf %get3A_865, %get3A_873 : vector<16xf32>
      %swap3A_875 = arith.constant 0 : i32
      %swap3A_876 = arith.constant 0 : i32
      %swap3A_877 = tpu.memref_slice %arg11[%scan3A_403, %swap3A_875, %swap3A_876] : memref<4x64x128xf32, #tpu.memory_space<vmem>> -> memref<1x64x128xf32, #tpu.memory_space<vmem>>
      %swap3A_878 = tpu.memref_squeeze %swap3A_877 : memref<1x64x128xf32, #tpu.memory_space<vmem>> -> memref<64x128xf32, #tpu.memory_space<vmem>>
      %swap3A_879 = arith.index_cast %add3A_782 : i32 to index
      %swap3A_880 = arith.constant 48 : index
      %swap3A_881 = tpu.vector_load %swap3A_878[%swap3A_879, %swap3A_880] {strides = array<i32>} : memref<64x128xf32, #tpu.memory_space<vmem>>, vector<1x16xf32>,
      %swap3A_882 = vector.shape_cast %swap3A_881 : vector<1x16xf32> to vector<16xf32>
      %swap3A_883 = vector.shape_cast %sub3A_874 : vector<16xf32> to vector<1x16xf32>
      tpu.vector_store %swap3A_878[%swap3A_879, %swap3A_880], %swap3A_883 {add = true, strides = array<i32>} : memref<64x128xf32, #tpu.memory_space<vmem>>, vector<1x16xf32>,
      %get3A_884 = arith.constant 0 : i32
      %get3A_885 = arith.constant 0 : i32
      %get3A_886 = tpu.memref_slice %arg12[%scan3A_401, %get3A_884, %get3A_885] : memref<4x64x128xf32, #tpu.memory_space<vmem>> -> memref<1x64x128xf32, #tpu.memory_space<vmem>>
      %get3A_887 = tpu.memref_squeeze %get3A_886 : memref<1x64x128xf32, #tpu.memory_space<vmem>> -> memref<64x128xf32, #tpu.memory_space<vmem>>
      %get3A_888 = arith.index_cast %add3A_782 : i32 to index
      %get3A_889 = arith.constant 64 : index
      %get3A_890 = tpu.vector_load %get3A_887[%get3A_888, %get3A_889] {strides = array<i32>} : memref<64x128xf32, #tpu.memory_space<vmem>>, vector<1x16xf32>,
      %get3A_891 = vector.shape_cast %get3A_890 : vector<1x16xf32> to vector<16xf32>
      %get3A_892 = arith.constant 0 : i32
      %get3A_893 = arith.constant 0 : i32
      %get3A_894 = tpu.memref_slice %arg13[%scan3A_402, %get3A_892, %get3A_893] : memref<4x64x128xf32, #tpu.memory_space<vmem>> -> memref<1x64x128xf32, #tpu.memory_space<vmem>>
      %get3A_895 = tpu.memref_squeeze %get3A_894 : memref<1x64x128xf32, #tpu.memory_space<vmem>> -> memref<64x128xf32, #tpu.memory_space<vmem>>
      %get3A_896 = arith.index_cast %add3A_782 : i32 to index
      %get3A_897 = arith.constant 64 : index
      %get3A_898 = tpu.vector_load %get3A_895[%get3A_896, %get3A_897] {strides = array<i32>} : memref<64x128xf32, #tpu.memory_space<vmem>>, vector<1x16xf32>,
      %get3A_899 = vector.shape_cast %get3A_898 : vector<1x16xf32> to vector<16xf32>
      %sub3A_900 = arith.subf %get3A_891, %get3A_899 : vector<16xf32>
      %swap3A_901 = arith.constant 0 : i32
      %swap3A_902 = arith.constant 0 : i32
      %swap3A_903 = tpu.memref_slice %arg11[%scan3A_403, %swap3A_901, %swap3A_902] : memref<4x64x128xf32, #tpu.memory_space<vmem>> -> memref<1x64x128xf32, #tpu.memory_space<vmem>>
      %swap3A_904 = tpu.memref_squeeze %swap3A_903 : memref<1x64x128xf32, #tpu.memory_space<vmem>> -> memref<64x128xf32, #tpu.memory_space<vmem>>
      %swap3A_905 = arith.index_cast %add3A_782 : i32 to index
      %swap3A_906 = arith.constant 64 : index
      %swap3A_907 = tpu.vector_load %swap3A_904[%swap3A_905, %swap3A_906] {strides = array<i32>} : memref<64x128xf32, #tpu.memory_space<vmem>>, vector<1x16xf32>,
      %swap3A_908 = vector.shape_cast %swap3A_907 : vector<1x16xf32> to vector<16xf32>
      %swap3A_909 = vector.shape_cast %sub3A_900 : vector<16xf32> to vector<1x16xf32>
      tpu.vector_store %swap3A_904[%swap3A_905, %swap3A_906], %swap3A_909 {add = true, strides = array<i32>} : memref<64x128xf32, #tpu.memory_space<vmem>>, vector<1x16xf32>,
      %get3A_910 = arith.constant 0 : i32
      %get3A_911 = arith.constant 0 : i32
      %get3A_912 = tpu.memref_slice %arg12[%scan3A_401, %get3A_910, %get3A_911] : memref<4x64x128xf32, #tpu.memory_space<vmem>> -> memref<1x64x128xf32, #tpu.memory_space<vmem>>
      %get3A_913 = tpu.memref_squeeze %get3A_912 : memref<1x64x128xf32, #tpu.memory_space<vmem>> -> memref<64x128xf32, #tpu.memory_space<vmem>>
      %get3A_914 = arith.index_cast %add3A_782 : i32 to index
      %get3A_915 = arith.constant 80 : index
      %get3A_916 = tpu.vector_load %get3A_913[%get3A_914, %get3A_915] {strides = array<i32>} : memref<64x128xf32, #tpu.memory_space<vmem>>, vector<1x16xf32>,
      %get3A_917 = vector.shape_cast %get3A_916 : vector<1x16xf32> to vector<16xf32>
      %get3A_918 = arith.constant 0 : i32
      %get3A_919 = arith.constant 0 : i32
      %get3A_920 = tpu.memref_slice %arg13[%scan3A_402, %get3A_918, %get3A_919] : memref<4x64x128xf32, #tpu.memory_space<vmem>> -> memref<1x64x128xf32, #tpu.memory_space<vmem>>
      %get3A_921 = tpu.memref_squeeze %get3A_920 : memref<1x64x128xf32, #tpu.memory_space<vmem>> -> memref<64x128xf32, #tpu.memory_space<vmem>>
      %get3A_922 = arith.index_cast %add3A_782 : i32 to index
      %get3A_923 = arith.constant 80 : index
      %get3A_924 = tpu.vector_load %get3A_921[%get3A_922, %get3A_923] {strides = array<i32>} : memref<64x128xf32, #tpu.memory_space<vmem>>, vector<1x16xf32>,
      %get3A_925 = vector.shape_cast %get3A_924 : vector<1x16xf32> to vector<16xf32>
      %sub3A_926 = arith.subf %get3A_917, %get3A_925 : vector<16xf32>
      %swap3A_927 = arith.constant 0 : i32
      %swap3A_928 = arith.constant 0 : i32
      %swap3A_929 = tpu.memref_slice %arg11[%scan3A_403, %swap3A_927, %swap3A_928] : memref<4x64x128xf32, #tpu.memory_space<vmem>> -> memref<1x64x128xf32, #tpu.memory_space<vmem>>
      %swap3A_930 = tpu.memref_squeeze %swap3A_929 : memref<1x64x128xf32, #tpu.memory_space<vmem>> -> memref<64x128xf32, #tpu.memory_space<vmem>>
      %swap3A_931 = arith.index_cast %add3A_782 : i32 to index
      %swap3A_932 = arith.constant 80 : index
      %swap3A_933 = tpu.vector_load %swap3A_930[%swap3A_931, %swap3A_932] {strides = array<i32>} : memref<64x128xf32, #tpu.memory_space<vmem>>, vector<1x16xf32>,
      %swap3A_934 = vector.shape_cast %swap3A_933 : vector<1x16xf32> to vector<16xf32>
      %swap3A_935 = vector.shape_cast %sub3A_926 : vector<16xf32> to vector<1x16xf32>
      tpu.vector_store %swap3A_930[%swap3A_931, %swap3A_932], %swap3A_935 {add = true, strides = array<i32>} : memref<64x128xf32, #tpu.memory_space<vmem>>, vector<1x16xf32>,
      %get3A_936 = arith.constant 0 : i32
      %get3A_937 = arith.constant 0 : i32
      %get3A_938 = tpu.memref_slice %arg12[%scan3A_401, %get3A_936, %get3A_937] : memref<4x64x128xf32, #tpu.memory_space<vmem>> -> memref<1x64x128xf32, #tpu.memory_space<vmem>>
      %get3A_939 = tpu.memref_squeeze %get3A_938 : memref<1x64x128xf32, #tpu.memory_space<vmem>> -> memref<64x128xf32, #tpu.memory_space<vmem>>
      %get3A_940 = arith.index_cast %add3A_782 : i32 to index
      %get3A_941 = arith.constant 96 : index
      %get3A_942 = tpu.vector_load %get3A_939[%get3A_940, %get3A_941] {strides = array<i32>} : memref<64x128xf32, #tpu.memory_space<vmem>>, vector<1x16xf32>,
      %get3A_943 = vector.shape_cast %get3A_942 : vector<1x16xf32> to vector<16xf32>
      %get3A_944 = arith.constant 0 : i32
      %get3A_945 = arith.constant 0 : i32
      %get3A_946 = tpu.memref_slice %arg13[%scan3A_402, %get3A_944, %get3A_945] : memref<4x64x128xf32, #tpu.memory_space<vmem>> -> memref<1x64x128xf32, #tpu.memory_space<vmem>>
      %get3A_947 = tpu.memref_squeeze %get3A_946 : memref<1x64x128xf32, #tpu.memory_space<vmem>> -> memref<64x128xf32, #tpu.memory_space<vmem>>
      %get3A_948 = arith.index_cast %add3A_782 : i32 to index
      %get3A_949 = arith.constant 96 : index
      %get3A_950 = tpu.vector_load %get3A_947[%get3A_948, %get3A_949] {strides = array<i32>} : memref<64x128xf32, #tpu.memory_space<vmem>>, vector<1x16xf32>,
      %get3A_951 = vector.shape_cast %get3A_950 : vector<1x16xf32> to vector<16xf32>
      %sub3A_952 = arith.subf %get3A_943, %get3A_951 : vector<16xf32>
      %swap3A_953 = arith.constant 0 : i32
      %swap3A_954 = arith.constant 0 : i32
      %swap3A_955 = tpu.memref_slice %arg11[%scan3A_403, %swap3A_953, %swap3A_954] : memref<4x64x128xf32, #tpu.memory_space<vmem>> -> memref<1x64x128xf32, #tpu.memory_space<vmem>>
      %swap3A_956 = tpu.memref_squeeze %swap3A_955 : memref<1x64x128xf32, #tpu.memory_space<vmem>> -> memref<64x128xf32, #tpu.memory_space<vmem>>
      %swap3A_957 = arith.index_cast %add3A_782 : i32 to index
      %swap3A_958 = arith.constant 96 : index
      %swap3A_959 = tpu.vector_load %swap3A_956[%swap3A_957, %swap3A_958] {strides = array<i32>} : memref<64x128xf32, #tpu.memory_space<vmem>>, vector<1x16xf32>,
      %swap3A_960 = vector.shape_cast %swap3A_959 : vector<1x16xf32> to vector<16xf32>
      %swap3A_961 = vector.shape_cast %sub3A_952 : vector<16xf32> to vector<1x16xf32>
      tpu.vector_store %swap3A_956[%swap3A_957, %swap3A_958], %swap3A_961 {add = true, strides = array<i32>} : memref<64x128xf32, #tpu.memory_space<vmem>>, vector<1x16xf32>,
      %get3A_962 = arith.constant 0 : i32
      %get3A_963 = arith.constant 0 : i32
      %get3A_964 = tpu.memref_slice %arg12[%scan3A_401, %get3A_962, %get3A_963] : memref<4x64x128xf32, #tpu.memory_space<vmem>> -> memref<1x64x128xf32, #tpu.memory_space<vmem>>
      %get3A_965 = tpu.memref_squeeze %get3A_964 : memref<1x64x128xf32, #tpu.memory_space<vmem>> -> memref<64x128xf32, #tpu.memory_space<vmem>>
      %get3A_966 = arith.index_cast %add3A_782 : i32 to index
      %get3A_967 = arith.constant 112 : index
      %get3A_968 = tpu.vector_load %get3A_965[%get3A_966, %get3A_967] {strides = array<i32>} : memref<64x128xf32, #tpu.memory_space<vmem>>, vector<1x16xf32>,
      %get3A_969 = vector.shape_cast %get3A_968 : vector<1x16xf32> to vector<16xf32>
      %get3A_970 = arith.constant 0 : i32
      %get3A_971 = arith.constant 0 : i32
      %get3A_972 = tpu.memref_slice %arg13[%scan3A_402, %get3A_970, %get3A_971] : memref<4x64x128xf32, #tpu.memory_space<vmem>> -> memref<1x64x128xf32, #tpu.memory_space<vmem>>
      %get3A_973 = tpu.memref_squeeze %get3A_972 : memref<1x64x128xf32, #tpu.memory_space<vmem>> -> memref<64x128xf32, #tpu.memory_space<vmem>>
      %get3A_974 = arith.index_cast %add3A_782 : i32 to index
      %get3A_975 = arith.constant 112 : index
      %get3A_976 = tpu.vector_load %get3A_973[%get3A_974, %get3A_975] {strides = array<i32>} : memref<64x128xf32, #tpu.memory_space<vmem>>, vector<1x16xf32>,
      %get3A_977 = vector.shape_cast %get3A_976 : vector<1x16xf32> to vector<16xf32>
      %sub3A_978 = arith.subf %get3A_969, %get3A_977 : vector<16xf32>
      %swap3A_979 = arith.constant 0 : i32
      %swap3A_980 = arith.constant 0 : i32
      %swap3A_981 = tpu.memref_slice %arg11[%scan3A_403, %swap3A_979, %swap3A_980] : memref<4x64x128xf32, #tpu.memory_space<vmem>> -> memref<1x64x128xf32, #tpu.memory_space<vmem>>
      %swap3A_982 = tpu.memref_squeeze %swap3A_981 : memref<1x64x128xf32, #tpu.memory_space<vmem>> -> memref<64x128xf32, #tpu.memory_space<vmem>>
      %swap3A_983 = arith.index_cast %add3A_782 : i32 to index
      %swap3A_984 = arith.constant 112 : index
      %swap3A_985 = tpu.vector_load %swap3A_982[%swap3A_983, %swap3A_984] {strides = array<i32>} : memref<64x128xf32, #tpu.memory_space<vmem>>, vector<1x16xf32>,
      %swap3A_986 = vector.shape_cast %swap3A_985 : vector<1x16xf32> to vector<16xf32>
      %swap3A_987 = vector.shape_cast %sub3A_978 : vector<16xf32> to vector<1x16xf32>
      tpu.vector_store %swap3A_982[%swap3A_983, %swap3A_984], %swap3A_987 {add = true, strides = array<i32>} : memref<64x128xf32, #tpu.memory_space<vmem>>, vector<1x16xf32>,
      %mul3A_988 = arith.constant 2 : i32
      %mul3A_989 = arith.muli %scan3A_778, %mul3A_988 : i32
      %add3A_990 = arith.constant 1 : i32
      %add3A_991 = arith.addi %mul3A_989, %add3A_990 : i32
      %get3A_992 = arith.constant 0 : i32
      %get3A_993 = arith.constant 0 : i32
      %get3A_994 = tpu.memref_slice %arg12[%scan3A_401, %get3A_992, %get3A_993] : memref<4x64x128xf32, #tpu.memory_space<vmem>> -> memref<1x64x128xf32, #tpu.memory_space<vmem>>
      %get3A_995 = tpu.memref_squeeze %get3A_994 : memref<1x64x128xf32, #tpu.memory_space<vmem>> -> memref<64x128xf32, #tpu.memory_space<vmem>>
      %get3A_996 = arith.index_cast %add3A_991 : i32 to index
      %get3A_997 = arith.constant 0 : index
      %get3A_998 = tpu.vector_load %get3A_995[%get3A_996, %get3A_997] {strides = array<i32>} : memref<64x128xf32, #tpu.memory_space<vmem>>, vector<1x16xf32>,
      %get3A_999 = vector.shape_cast %get3A_998 : vector<1x16xf32> to vector<16xf32>
      %get3A_1000 = arith.constant 0 : i32
      %get3A_1001 = arith.constant 0 : i32
      %get3A_1002 = tpu.memref_slice %arg13[%scan3A_402, %get3A_1000, %get3A_1001] : memref<4x64x128xf32, #tpu.memory_space<vmem>> -> memref<1x64x128xf32, #tpu.memory_space<vmem>>
      %get3A_1003 = tpu.memref_squeeze %get3A_1002 : memref<1x64x128xf32, #tpu.memory_space<vmem>> -> memref<64x128xf32, #tpu.memory_space<vmem>>
      %get3A_1004 = arith.index_cast %add3A_991 : i32 to index
      %get3A_1005 = arith.constant 0 : index
      %get3A_1006 = tpu.vector_load %get3A_1003[%get3A_1004, %get3A_1005] {strides = array<i32>} : memref<64x128xf32, #tpu.memory_space<vmem>>, vector<1x16xf32>,
      %get3A_1007 = vector.shape_cast %get3A_1006 : vector<1x16xf32> to vector<16xf32>
      %sub3A_1008 = arith.subf %get3A_999, %get3A_1007 : vector<16xf32>
      %swap3A_1009 = arith.constant 0 : i32
      %swap3A_1010 = arith.constant 0 : i32
      %swap3A_1011 = tpu.memref_slice %arg11[%scan3A_403, %swap3A_1009, %swap3A_1010] : memref<4x64x128xf32, #tpu.memory_space<vmem>> -> memref<1x64x128xf32, #tpu.memory_space<vmem>>
      %swap3A_1012 = tpu.memref_squeeze %swap3A_1011 : memref<1x64x128xf32, #tpu.memory_space<vmem>> -> memref<64x128xf32, #tpu.memory_space<vmem>>
      %swap3A_1013 = arith.index_cast %add3A_991 : i32 to index
      %swap3A_1014 = arith.constant 0 : index
      %swap3A_1015 = tpu.vector_load %swap3A_1012[%swap3A_1013, %swap3A_1014] {strides = array<i32>} : memref<64x128xf32, #tpu.memory_space<vmem>>, vector<1x16xf32>,
      %swap3A_1016 = vector.shape_cast %swap3A_1015 : vector<1x16xf32> to vector<16xf32>
      %swap3A_1017 = vector.shape_cast %sub3A_1008 : vector<16xf32> to vector<1x16xf32>
      tpu.vector_store %swap3A_1012[%swap3A_1013, %swap3A_1014], %swap3A_1017 {add = true, strides = array<i32>} : memref<64x128xf32, #tpu.memory_space<vmem>>, vector<1x16xf32>,
      %get3A_1018 = arith.constant 0 : i32
      %get3A_1019 = arith.constant 0 : i32
      %get3A_1020 = tpu.memref_slice %arg12[%scan3A_401, %get3A_1018, %get3A_1019] : memref<4x64x128xf32, #tpu.memory_space<vmem>> -> memref<1x64x128xf32, #tpu.memory_space<vmem>>
      %get3A_1021 = tpu.memref_squeeze %get3A_1020 : memref<1x64x128xf32, #tpu.memory_space<vmem>> -> memref<64x128xf32, #tpu.memory_space<vmem>>
      %get3A_1022 = arith.index_cast %add3A_991 : i32 to index
      %get3A_1023 = arith.constant 16 : index
      %get3A_1024 = tpu.vector_load %get3A_1021[%get3A_1022, %get3A_1023] {strides = array<i32>} : memref<64x128xf32, #tpu.memory_space<vmem>>, vector<1x16xf32>,
      %get3A_1025 = vector.shape_cast %get3A_1024 : vector<1x16xf32> to vector<16xf32>
      %get3A_1026 = arith.constant 0 : i32
      %get3A_1027 = arith.constant 0 : i32
      %get3A_1028 = tpu.memref_slice %arg13[%scan3A_402, %get3A_1026, %get3A_1027] : memref<4x64x128xf32, #tpu.memory_space<vmem>> -> memref<1x64x128xf32, #tpu.memory_space<vmem>>
      %get3A_1029 = tpu.memref_squeeze %get3A_1028 : memref<1x64x128xf32, #tpu.memory_space<vmem>> -> memref<64x128xf32, #tpu.memory_space<vmem>>
      %get3A_1030 = arith.index_cast %add3A_991 : i32 to index
      %get3A_1031 = arith.constant 16 : index
      %get3A_1032 = tpu.vector_load %get3A_1029[%get3A_1030, %get3A_1031] {strides = array<i32>} : memref<64x128xf32, #tpu.memory_space<vmem>>, vector<1x16xf32>,
      %get3A_1033 = vector.shape_cast %get3A_1032 : vector<1x16xf32> to vector<16xf32>
      %sub3A_1034 = arith.subf %get3A_1025, %get3A_1033 : vector<16xf32>
      %swap3A_1035 = arith.constant 0 : i32
      %swap3A_1036 = arith.constant 0 : i32
      %swap3A_1037 = tpu.memref_slice %arg11[%scan3A_403, %swap3A_1035, %swap3A_1036] : memref<4x64x128xf32, #tpu.memory_space<vmem>> -> memref<1x64x128xf32, #tpu.memory_space<vmem>>
      %swap3A_1038 = tpu.memref_squeeze %swap3A_1037 : memref<1x64x128xf32, #tpu.memory_space<vmem>> -> memref<64x128xf32, #tpu.memory_space<vmem>>
      %swap3A_1039 = arith.index_cast %add3A_991 : i32 to index
      %swap3A_1040 = arith.constant 16 : index
      %swap3A_1041 = tpu.vector_load %swap3A_1038[%swap3A_1039, %swap3A_1040] {strides = array<i32>} : memref<64x128xf32, #tpu.memory_space<vmem>>, vector<1x16xf32>,
      %swap3A_1042 = vector.shape_cast %swap3A_1041 : vector<1x16xf32> to vector<16xf32>
      %swap3A_1043 = vector.shape_cast %sub3A_1034 : vector<16xf32> to vector<1x16xf32>
      tpu.vector_store %swap3A_1038[%swap3A_1039, %swap3A_1040], %swap3A_1043 {add = true, strides = array<i32>} : memref<64x128xf32, #tpu.memory_space<vmem>>, vector<1x16xf32>,
      %get3A_1044 = arith.constant 0 : i32
      %get3A_1045 = arith.constant 0 : i32
      %get3A_1046 = tpu.memref_slice %arg12[%scan3A_401, %get3A_1044, %get3A_1045] : memref<4x64x128xf32, #tpu.memory_space<vmem>> -> memref<1x64x128xf32, #tpu.memory_space<vmem>>
      %get3A_1047 = tpu.memref_squeeze %get3A_1046 : memref<1x64x128xf32, #tpu.memory_space<vmem>> -> memref<64x128xf32, #tpu.memory_space<vmem>>
      %get3A_1048 = arith.index_cast %add3A_991 : i32 to index
      %get3A_1049 = arith.constant 32 : index
      %get3A_1050 = tpu.vector_load %get3A_1047[%get3A_1048, %get3A_1049] {strides = array<i32>} : memref<64x128xf32, #tpu.memory_space<vmem>>, vector<1x16xf32>,
      %get3A_1051 = vector.shape_cast %get3A_1050 : vector<1x16xf32> to vector<16xf32>
      %get3A_1052 = arith.constant 0 : i32
      %get3A_1053 = arith.constant 0 : i32
      %get3A_1054 = tpu.memref_slice %arg13[%scan3A_402, %get3A_1052, %get3A_1053] : memref<4x64x128xf32, #tpu.memory_space<vmem>> -> memref<1x64x128xf32, #tpu.memory_space<vmem>>
      %get3A_1055 = tpu.memref_squeeze %get3A_1054 : memref<1x64x128xf32, #tpu.memory_space<vmem>> -> memref<64x128xf32, #tpu.memory_space<vmem>>
      %get3A_1056 = arith.index_cast %add3A_991 : i32 to index
      %get3A_1057 = arith.constant 32 : index
      %get3A_1058 = tpu.vector_load %get3A_1055[%get3A_1056, %get3A_1057] {strides = array<i32>} : memref<64x128xf32, #tpu.memory_space<vmem>>, vector<1x16xf32>,
      %get3A_1059 = vector.shape_cast %get3A_1058 : vector<1x16xf32> to vector<16xf32>
      %sub3A_1060 = arith.subf %get3A_1051, %get3A_1059 : vector<16xf32>
      %swap3A_1061 = arith.constant 0 : i32
      %swap3A_1062 = arith.constant 0 : i32
      %swap3A_1063 = tpu.memref_slice %arg11[%scan3A_403, %swap3A_1061, %swap3A_1062] : memref<4x64x128xf32, #tpu.memory_space<vmem>> -> memref<1x64x128xf32, #tpu.memory_space<vmem>>
      %swap3A_1064 = tpu.memref_squeeze %swap3A_1063 : memref<1x64x128xf32, #tpu.memory_space<vmem>> -> memref<64x128xf32, #tpu.memory_space<vmem>>
      %swap3A_1065 = arith.index_cast %add3A_991 : i32 to index
      %swap3A_1066 = arith.constant 32 : index
      %swap3A_1067 = tpu.vector_load %swap3A_1064[%swap3A_1065, %swap3A_1066] {strides = array<i32>} : memref<64x128xf32, #tpu.memory_space<vmem>>, vector<1x16xf32>,
      %swap3A_1068 = vector.shape_cast %swap3A_1067 : vector<1x16xf32> to vector<16xf32>
      %swap3A_1069 = vector.shape_cast %sub3A_1060 : vector<16xf32> to vector<1x16xf32>
      tpu.vector_store %swap3A_1064[%swap3A_1065, %swap3A_1066], %swap3A_1069 {add = true, strides = array<i32>} : memref<64x128xf32, #tpu.memory_space<vmem>>, vector<1x16xf32>,
      %get3A_1070 = arith.constant 0 : i32
      %get3A_1071 = arith.constant 0 : i32
      %get3A_1072 = tpu.memref_slice %arg12[%scan3A_401, %get3A_1070, %get3A_1071] : memref<4x64x128xf32, #tpu.memory_space<vmem>> -> memref<1x64x128xf32, #tpu.memory_space<vmem>>
      %get3A_1073 = tpu.memref_squeeze %get3A_1072 : memref<1x64x128xf32, #tpu.memory_space<vmem>> -> memref<64x128xf32, #tpu.memory_space<vmem>>
      %get3A_1074 = arith.index_cast %add3A_991 : i32 to index
      %get3A_1075 = arith.constant 48 : index
      %get3A_1076 = tpu.vector_load %get3A_1073[%get3A_1074, %get3A_1075] {strides = array<i32>} : memref<64x128xf32, #tpu.memory_space<vmem>>, vector<1x16xf32>,
      %get3A_1077 = vector.shape_cast %get3A_1076 : vector<1x16xf32> to vector<16xf32>
      %get3A_1078 = arith.constant 0 : i32
      %get3A_1079 = arith.constant 0 : i32
      %get3A_1080 = tpu.memref_slice %arg13[%scan3A_402, %get3A_1078, %get3A_1079] : memref<4x64x128xf32, #tpu.memory_space<vmem>> -> memref<1x64x128xf32, #tpu.memory_space<vmem>>
      %get3A_1081 = tpu.memref_squeeze %get3A_1080 : memref<1x64x128xf32, #tpu.memory_space<vmem>> -> memref<64x128xf32, #tpu.memory_space<vmem>>
      %get3A_1082 = arith.index_cast %add3A_991 : i32 to index
      %get3A_1083 = arith.constant 48 : index
      %get3A_1084 = tpu.vector_load %get3A_1081[%get3A_1082, %get3A_1083] {strides = array<i32>} : memref<64x128xf32, #tpu.memory_space<vmem>>, vector<1x16xf32>,
      %get3A_1085 = vector.shape_cast %get3A_1084 : vector<1x16xf32> to vector<16xf32>
      %sub3A_1086 = arith.subf %get3A_1077, %get3A_1085 : vector<16xf32>
      %swap3A_1087 = arith.constant 0 : i32
      %swap3A_1088 = arith.constant 0 : i32
      %swap3A_1089 = tpu.memref_slice %arg11[%scan3A_403, %swap3A_1087, %swap3A_1088] : memref<4x64x128xf32, #tpu.memory_space<vmem>> -> memref<1x64x128xf32, #tpu.memory_space<vmem>>
      %swap3A_1090 = tpu.memref_squeeze %swap3A_1089 : memref<1x64x128xf32, #tpu.memory_space<vmem>> -> memref<64x128xf32, #tpu.memory_space<vmem>>
      %swap3A_1091 = arith.index_cast %add3A_991 : i32 to index
      %swap3A_1092 = arith.constant 48 : index
      %swap3A_1093 = tpu.vector_load %swap3A_1090[%swap3A_1091, %swap3A_1092] {strides = array<i32>} : memref<64x128xf32, #tpu.memory_space<vmem>>, vector<1x16xf32>,
      %swap3A_1094 = vector.shape_cast %swap3A_1093 : vector<1x16xf32> to vector<16xf32>
      %swap3A_1095 = vector.shape_cast %sub3A_1086 : vector<16xf32> to vector<1x16xf32>
      tpu.vector_store %swap3A_1090[%swap3A_1091, %swap3A_1092], %swap3A_1095 {add = true, strides = array<i32>} : memref<64x128xf32, #tpu.memory_space<vmem>>, vector<1x16xf32>,
      %get3A_1096 = arith.constant 0 : i32
      %get3A_1097 = arith.constant 0 : i32
      %get3A_1098 = tpu.memref_slice %arg12[%scan3A_401, %get3A_1096, %get3A_1097] : memref<4x64x128xf32, #tpu.memory_space<vmem>> -> memref<1x64x128xf32, #tpu.memory_space<vmem>>
      %get3A_1099 = tpu.memref_squeeze %get3A_1098 : memref<1x64x128xf32, #tpu.memory_space<vmem>> -> memref<64x128xf32, #tpu.memory_space<vmem>>
      %get3A_1100 = arith.index_cast %add3A_991 : i32 to index
      %get3A_1101 = arith.constant 64 : index
      %get3A_1102 = tpu.vector_load %get3A_1099[%get3A_1100, %get3A_1101] {strides = array<i32>} : memref<64x128xf32, #tpu.memory_space<vmem>>, vector<1x16xf32>,
      %get3A_1103 = vector.shape_cast %get3A_1102 : vector<1x16xf32> to vector<16xf32>
      %get3A_1104 = arith.constant 0 : i32
      %get3A_1105 = arith.constant 0 : i32
      %get3A_1106 = tpu.memref_slice %arg13[%scan3A_402, %get3A_1104, %get3A_1105] : memref<4x64x128xf32, #tpu.memory_space<vmem>> -> memref<1x64x128xf32, #tpu.memory_space<vmem>>
      %get3A_1107 = tpu.memref_squeeze %get3A_1106 : memref<1x64x128xf32, #tpu.memory_space<vmem>> -> memref<64x128xf32, #tpu.memory_space<vmem>>
      %get3A_1108 = arith.index_cast %add3A_991 : i32 to index
      %get3A_1109 = arith.constant 64 : index
      %get3A_1110 = tpu.vector_load %get3A_1107[%get3A_1108, %get3A_1109] {strides = array<i32>} : memref<64x128xf32, #tpu.memory_space<vmem>>, vector<1x16xf32>,
      %get3A_1111 = vector.shape_cast %get3A_1110 : vector<1x16xf32> to vector<16xf32>
      %sub3A_1112 = arith.subf %get3A_1103, %get3A_1111 : vector<16xf32>
      %swap3A_1113 = arith.constant 0 : i32
      %swap3A_1114 = arith.constant 0 : i32
      %swap3A_1115 = tpu.memref_slice %arg11[%scan3A_403, %swap3A_1113, %swap3A_1114] : memref<4x64x128xf32, #tpu.memory_space<vmem>> -> memref<1x64x128xf32, #tpu.memory_space<vmem>>
      %swap3A_1116 = tpu.memref_squeeze %swap3A_1115 : memref<1x64x128xf32, #tpu.memory_space<vmem>> -> memref<64x128xf32, #tpu.memory_space<vmem>>
      %swap3A_1117 = arith.index_cast %add3A_991 : i32 to index
      %swap3A_1118 = arith.constant 64 : index
      %swap3A_1119 = tpu.vector_load %swap3A_1116[%swap3A_1117, %swap3A_1118] {strides = array<i32>} : memref<64x128xf32, #tpu.memory_space<vmem>>, vector<1x16xf32>,
      %swap3A_1120 = vector.shape_cast %swap3A_1119 : vector<1x16xf32> to vector<16xf32>
      %swap3A_1121 = vector.shape_cast %sub3A_1112 : vector<16xf32> to vector<1x16xf32>
      tpu.vector_store %swap3A_1116[%swap3A_1117, %swap3A_1118], %swap3A_1121 {add = true, strides = array<i32>} : memref<64x128xf32, #tpu.memory_space<vmem>>, vector<1x16xf32>,
      %get3A_1122 = arith.constant 0 : i32
      %get3A_1123 = arith.constant 0 : i32
      %get3A_1124 = tpu.memref_slice %arg12[%scan3A_401, %get3A_1122, %get3A_1123] : memref<4x64x128xf32, #tpu.memory_space<vmem>> -> memref<1x64x128xf32, #tpu.memory_space<vmem>>
      %get3A_1125 = tpu.memref_squeeze %get3A_1124 : memref<1x64x128xf32, #tpu.memory_space<vmem>> -> memref<64x128xf32, #tpu.memory_space<vmem>>
      %get3A_1126 = arith.index_cast %add3A_991 : i32 to index
      %get3A_1127 = arith.constant 80 : index
      %get3A_1128 = tpu.vector_load %get3A_1125[%get3A_1126, %get3A_1127] {strides = array<i32>} : memref<64x128xf32, #tpu.memory_space<vmem>>, vector<1x16xf32>,
      %get3A_1129 = vector.shape_cast %get3A_1128 : vector<1x16xf32> to vector<16xf32>
      %get3A_1130 = arith.constant 0 : i32
      %get3A_1131 = arith.constant 0 : i32
      %get3A_1132 = tpu.memref_slice %arg13[%scan3A_402, %get3A_1130, %get3A_1131] : memref<4x64x128xf32, #tpu.memory_space<vmem>> -> memref<1x64x128xf32, #tpu.memory_space<vmem>>
      %get3A_1133 = tpu.memref_squeeze %get3A_1132 : memref<1x64x128xf32, #tpu.memory_space<vmem>> -> memref<64x128xf32, #tpu.memory_space<vmem>>
      %get3A_1134 = arith.index_cast %add3A_991 : i32 to index
      %get3A_1135 = arith.constant 80 : index
      %get3A_1136 = tpu.vector_load %get3A_1133[%get3A_1134, %get3A_1135] {strides = array<i32>} : memref<64x128xf32, #tpu.memory_space<vmem>>, vector<1x16xf32>,
      %get3A_1137 = vector.shape_cast %get3A_1136 : vector<1x16xf32> to vector<16xf32>
      %sub3A_1138 = arith.subf %get3A_1129, %get3A_1137 : vector<16xf32>
      %swap3A_1139 = arith.constant 0 : i32
      %swap3A_1140 = arith.constant 0 : i32
      %swap3A_1141 = tpu.memref_slice %arg11[%scan3A_403, %swap3A_1139, %swap3A_1140] : memref<4x64x128xf32, #tpu.memory_space<vmem>> -> memref<1x64x128xf32, #tpu.memory_space<vmem>>
      %swap3A_1142 = tpu.memref_squeeze %swap3A_1141 : memref<1x64x128xf32, #tpu.memory_space<vmem>> -> memref<64x128xf32, #tpu.memory_space<vmem>>
      %swap3A_1143 = arith.index_cast %add3A_991 : i32 to index
      %swap3A_1144 = arith.constant 80 : index
      %swap3A_1145 = tpu.vector_load %swap3A_1142[%swap3A_1143, %swap3A_1144] {strides = array<i32>} : memref<64x128xf32, #tpu.memory_space<vmem>>, vector<1x16xf32>,
      %swap3A_1146 = vector.shape_cast %swap3A_1145 : vector<1x16xf32> to vector<16xf32>
      %swap3A_1147 = vector.shape_cast %sub3A_1138 : vector<16xf32> to vector<1x16xf32>
      tpu.vector_store %swap3A_1142[%swap3A_1143, %swap3A_1144], %swap3A_1147 {add = true, strides = array<i32>} : memref<64x128xf32, #tpu.memory_space<vmem>>, vector<1x16xf32>,
      %get3A_1148 = arith.constant 0 : i32
      %get3A_1149 = arith.constant 0 : i32
      %get3A_1150 = tpu.memref_slice %arg12[%scan3A_401, %get3A_1148, %get3A_1149] : memref<4x64x128xf32, #tpu.memory_space<vmem>> -> memref<1x64x128xf32, #tpu.memory_space<vmem>>
      %get3A_1151 = tpu.memref_squeeze %get3A_1150 : memref<1x64x128xf32, #tpu.memory_space<vmem>> -> memref<64x128xf32, #tpu.memory_space<vmem>>
      %get3A_1152 = arith.index_cast %add3A_991 : i32 to index
      %get3A_1153 = arith.constant 96 : index
      %get3A_1154 = tpu.vector_load %get3A_1151[%get3A_1152, %get3A_1153] {strides = array<i32>} : memref<64x128xf32, #tpu.memory_space<vmem>>, vector<1x16xf32>,
      %get3A_1155 = vector.shape_cast %get3A_1154 : vector<1x16xf32> to vector<16xf32>
      %get3A_1156 = arith.constant 0 : i32
      %get3A_1157 = arith.constant 0 : i32
      %get3A_1158 = tpu.memref_slice %arg13[%scan3A_402, %get3A_1156, %get3A_1157] : memref<4x64x128xf32, #tpu.memory_space<vmem>> -> memref<1x64x128xf32, #tpu.memory_space<vmem>>
      %get3A_1159 = tpu.memref_squeeze %get3A_1158 : memref<1x64x128xf32, #tpu.memory_space<vmem>> -> memref<64x128xf32, #tpu.memory_space<vmem>>
      %get3A_1160 = arith.index_cast %add3A_991 : i32 to index
      %get3A_1161 = arith.constant 96 : index
      %get3A_1162 = tpu.vector_load %get3A_1159[%get3A_1160, %get3A_1161] {strides = array<i32>} : memref<64x128xf32, #tpu.memory_space<vmem>>, vector<1x16xf32>,
      %get3A_1163 = vector.shape_cast %get3A_1162 : vector<1x16xf32> to vector<16xf32>
      %sub3A_1164 = arith.subf %get3A_1155, %get3A_1163 : vector<16xf32>
      %swap3A_1165 = arith.constant 0 : i32
      %swap3A_1166 = arith.constant 0 : i32
      %swap3A_1167 = tpu.memref_slice %arg11[%scan3A_403, %swap3A_1165, %swap3A_1166] : memref<4x64x128xf32, #tpu.memory_space<vmem>> -> memref<1x64x128xf32, #tpu.memory_space<vmem>>
      %swap3A_1168 = tpu.memref_squeeze %swap3A_1167 : memref<1x64x128xf32, #tpu.memory_space<vmem>> -> memref<64x128xf32, #tpu.memory_space<vmem>>
      %swap3A_1169 = arith.index_cast %add3A_991 : i32 to index
      %swap3A_1170 = arith.constant 96 : index
      %swap3A_1171 = tpu.vector_load %swap3A_1168[%swap3A_1169, %swap3A_1170] {strides = array<i32>} : memref<64x128xf32, #tpu.memory_space<vmem>>, vector<1x16xf32>,
      %swap3A_1172 = vector.shape_cast %swap3A_1171 : vector<1x16xf32> to vector<16xf32>
      %swap3A_1173 = vector.shape_cast %sub3A_1164 : vector<16xf32> to vector<1x16xf32>
      tpu.vector_store %swap3A_1168[%swap3A_1169, %swap3A_1170], %swap3A_1173 {add = true, strides = array<i32>} : memref<64x128xf32, #tpu.memory_space<vmem>>, vector<1x16xf32>,
      %get3A_1174 = arith.constant 0 : i32
      %get3A_1175 = arith.constant 0 : i32
      %get3A_1176 = tpu.memref_slice %arg12[%scan3A_401, %get3A_1174, %get3A_1175] : memref<4x64x128xf32, #tpu.memory_space<vmem>> -> memref<1x64x128xf32, #tpu.memory_space<vmem>>
      %get3A_1177 = tpu.memref_squeeze %get3A_1176 : memref<1x64x128xf32, #tpu.memory_space<vmem>> -> memref<64x128xf32, #tpu.memory_space<vmem>>
      %get3A_1178 = arith.index_cast %add3A_991 : i32 to index
      %get3A_1179 = arith.constant 112 : index
      %get3A_1180 = tpu.vector_load %get3A_1177[%get3A_1178, %get3A_1179] {strides = array<i32>} : memref<64x128xf32, #tpu.memory_space<vmem>>, vector<1x16xf32>,
      %get3A_1181 = vector.shape_cast %get3A_1180 : vector<1x16xf32> to vector<16xf32>
      %get3A_1182 = arith.constant 0 : i32
      %get3A_1183 = arith.constant 0 : i32
      %get3A_1184 = tpu.memref_slice %arg13[%scan3A_402, %get3A_1182, %get3A_1183] : memref<4x64x128xf32, #tpu.memory_space<vmem>> -> memref<1x64x128xf32, #tpu.memory_space<vmem>>
      %get3A_1185 = tpu.memref_squeeze %get3A_1184 : memref<1x64x128xf32, #tpu.memory_space<vmem>> -> memref<64x128xf32, #tpu.memory_space<vmem>>
      %get3A_1186 = arith.index_cast %add3A_991 : i32 to index
      %get3A_1187 = arith.constant 112 : index
      %get3A_1188 = tpu.vector_load %get3A_1185[%get3A_1186, %get3A_1187] {strides = array<i32>} : memref<64x128xf32, #tpu.memory_space<vmem>>, vector<1x16xf32>,
      %get3A_1189 = vector.shape_cast %get3A_1188 : vector<1x16xf32> to vector<16xf32>
      %sub3A_1190 = arith.subf %get3A_1181, %get3A_1189 : vector<16xf32>
      %swap3A_1191 = arith.constant 0 : i32
      %swap3A_1192 = arith.constant 0 : i32
      %swap3A_1193 = tpu.memref_slice %arg11[%scan3A_403, %swap3A_1191, %swap3A_1192] : memref<4x64x128xf32, #tpu.memory_space<vmem>> -> memref<1x64x128xf32, #tpu.memory_space<vmem>>
      %swap3A_1194 = tpu.memref_squeeze %swap3A_1193 : memref<1x64x128xf32, #tpu.memory_space<vmem>> -> memref<64x128xf32, #tpu.memory_space<vmem>>
      %swap3A_1195 = arith.index_cast %add3A_991 : i32 to index
      %swap3A_1196 = arith.constant 112 : index
      %swap3A_1197 = tpu.vector_load %swap3A_1194[%swap3A_1195, %swap3A_1196] {strides = array<i32>} : memref<64x128xf32, #tpu.memory_space<vmem>>, vector<1x16xf32>,
      %swap3A_1198 = vector.shape_cast %swap3A_1197 : vector<1x16xf32> to vector<16xf32>
      %swap3A_1199 = vector.shape_cast %sub3A_1190 : vector<16xf32> to vector<1x16xf32>
      tpu.vector_store %swap3A_1194[%swap3A_1195, %swap3A_1196], %swap3A_1199 {add = true, strides = array<i32>} : memref<64x128xf32, #tpu.memory_space<vmem>>, vector<1x16xf32>,
    }
    %scan3A_408 = arith.constant 32 : i32
    %add3A_409 = arith.constant 192 : i32
    %add3A_410 = arith.addi %mul3A_2, %add3A_409 : i32
    %dma_start3A_411 = arith.constant 3 : i32
    %dma_start3A_412 = arith.constant 0 : i32
    %dma_start3A_413 = arith.constant 0 : i32
    %dma_start3A_414 = tpu.memref_slice %arg11[%dma_start3A_411, %dma_start3A_412, %dma_start3A_413] : memref<4x64x128xf32, #tpu.memory_space<vmem>> -> memref<1x64x128xf32, #tpu.memory_space<vmem>>
    %dma_start3A_415 = tpu.memref_squeeze %dma_start3A_414 : memref<1x64x128xf32, #tpu.memory_space<vmem>> -> memref<64x128xf32, #tpu.memory_space<vmem>>
    %dma_start3A_416 = arith.constant 0 : i32
    %dma_start3A_417 = tpu.memref_slice %arg7[%add3A_410, %dma_start3A_416] : memref<16384x128xf32, #tpu.memory_space<hbm>> -> memref<64x128xf32, #tpu.memory_space<hbm>>
    %dma_start3A_418 = arith.constant 0 : i32
    %dma_start3A_419 = tpu.memref_slice %arg7[%add3A_410, %dma_start3A_418] : memref<16384x128xf32, #tpu.memory_space<hbm>> -> memref<64x128xf32, #tpu.memory_space<hbm>>
    %dma_start3A_420 = arith.constant 0 : i32
    %dma_start3A_421 = arith.constant 0 : i32
    %dma_start3A_422 = tpu.memref_slice %arg11[%dma_start3A_411, %dma_start3A_420, %dma_start3A_421] : memref<4x64x128xf32, #tpu.memory_space<vmem>> -> memref<1x64x128xf32, #tpu.memory_space<vmem>>
    %dma_start3A_423 = tpu.memref_squeeze %dma_start3A_422 : memref<1x64x128xf32, #tpu.memory_space<vmem>> -> memref<64x128xf32, #tpu.memory_space<vmem>>
    tpu.enqueue_dma source(%dma_start3A_423 : memref<64x128xf32, #tpu.memory_space<vmem>>) target(%dma_start3A_419 : memref<64x128xf32, #tpu.memory_space<hbm>>) target_semaphore(%arg26 : memref<!tpu.dma_semaphore, #tpu.memory_space<semaphore_mem>>)
    %dma_wait3A_424 = arith.constant 2 : i32
    %dma_wait3A_425 = arith.constant 0 : i32
    %dma_wait3A_426 = arith.constant 0 : i32
    %dma_wait3A_427 = tpu.memref_slice %arg11[%dma_wait3A_424, %dma_wait3A_425, %dma_wait3A_426] : memref<4x64x128xf32, #tpu.memory_space<vmem>> -> memref<1x64x128xf32, #tpu.memory_space<vmem>>
    %dma_wait3A_428 = tpu.memref_squeeze %dma_wait3A_427 : memref<1x64x128xf32, #tpu.memory_space<vmem>> -> memref<64x128xf32, #tpu.memory_space<vmem>>
    %dma_wait3A_429 = arith.constant 0 : i32
    %dma_wait3A_430 = tpu.memref_slice %arg7[%add3A_313, %dma_wait3A_429] : memref<16384x128xf32, #tpu.memory_space<hbm>> -> memref<64x128xf32, #tpu.memory_space<hbm>>
    %dma_wait3A_431 = arith.constant 0 : i32
    %dma_wait3A_432 = tpu.memref_slice %arg7[%add3A_313, %dma_wait3A_431] : memref<16384x128xf32, #tpu.memory_space<hbm>> -> memref<64x128xf32, #tpu.memory_space<hbm>>
    %dma_wait3A_433 = arith.constant 0 : i32
    %dma_wait3A_434 = arith.constant 0 : i32
    %dma_wait3A_435 = tpu.memref_slice %arg11[%dma_wait3A_424, %dma_wait3A_433, %dma_wait3A_434] : memref<4x64x128xf32, #tpu.memory_space<vmem>> -> memref<1x64x128xf32, #tpu.memory_space<vmem>>
    %dma_wait3A_436 = tpu.memref_squeeze %dma_wait3A_435 : memref<1x64x128xf32, #tpu.memory_space<vmem>> -> memref<64x128xf32, #tpu.memory_space<vmem>>
    tpu.wait_dma2 semaphore(%arg25 : memref<!tpu.dma_semaphore, #tpu.memory_space<semaphore_mem>>) src(%dma_wait3A_436 : memref<64x128xf32, #tpu.memory_space<vmem>>) dst(%dma_wait3A_432 : memref<64x128xf32, #tpu.memory_space<hbm>>)
    %dma_start3A_437 = arith.constant 2 : i32
    %dma_start3A_438 = arith.constant 0 : i32
    %dma_start3A_439 = arith.constant 0 : i32
    %dma_start3A_440 = tpu.memref_slice %arg11[%dma_start3A_437, %dma_start3A_438, %dma_start3A_439] : memref<4x64x128xf32, #tpu.memory_space<vmem>> -> memref<1x64x128xf32, #tpu.memory_space<vmem>>
    %dma_start3A_441 = tpu.memref_squeeze %dma_start3A_440 : memref<1x64x128xf32, #tpu.memory_space<vmem>> -> memref<64x128xf32, #tpu.memory_space<vmem>>
    %dma_start3A_442 = arith.constant 384 : i32
    %dma_start3A_443 = tpu.memref_slice %arg8[%dma_start3A_442] : memref<512xi32, #tpu.memory_space<vmem>> -> memref<64xi32, #tpu.memory_space<vmem>>
    %dma_start3A_444 = arith.constant 0 : i32
    %dma_start3A_445 = arith.constant 0 : i32
    %dma_start3A_446 = tpu.memref_slice %arg5[%dma_start3A_444, %dma_start3A_445] : memref<100000x128xf32, #tpu.memory_space<hbm>> -> memref<100000x128xf32, #tpu.memory_space<hbm>>
    tpu.enqueue_indirect_dma source(%dma_start3A_446 : memref<100000x128xf32, #tpu.memory_space<hbm>>) target(%dma_start3A_441 : memref<64x128xf32, #tpu.memory_space<vmem>>) offsets(%dma_start3A_443 : memref<64xi32, #tpu.memory_space<vmem>>) semaphore(%arg17 : memref<!tpu.dma_semaphore, #tpu.memory_space<semaphore_mem>>)
    %dma_start3A_447 = arith.constant 2 : i32
    %dma_start3A_448 = arith.constant 0 : i32
    %dma_start3A_449 = arith.constant 0 : i32
    %dma_start3A_450 = tpu.memref_slice %arg12[%dma_start3A_447, %dma_start3A_448, %dma_start3A_449] : memref<4x64x128xf32, #tpu.memory_space<vmem>> -> memref<1x64x128xf32, #tpu.memory_space<vmem>>
    %dma_start3A_451 = tpu.memref_squeeze %dma_start3A_450 : memref<1x64x128xf32, #tpu.memory_space<vmem>> -> memref<64x128xf32, #tpu.memory_space<vmem>>
    %dma_start3A_452 = arith.constant 384 : i32
    %dma_start3A_453 = tpu.memref_slice %arg9[%dma_start3A_452] : memref<512xi32, #tpu.memory_space<vmem>> -> memref<64xi32, #tpu.memory_space<vmem>>
    %dma_start3A_454 = arith.constant 0 : i32
    %dma_start3A_455 = arith.constant 0 : i32
    %dma_start3A_456 = tpu.memref_slice %arg14[%dma_start3A_454, %dma_start3A_455] : memref<1000x128xf32, #tpu.memory_space<vmem_shared>> -> memref<1000x128xf32, #tpu.memory_space<vmem_shared>>
    tpu.enqueue_indirect_dma source(%dma_start3A_456 : memref<1000x128xf32, #tpu.memory_space<vmem_shared>>) target(%dma_start3A_451 : memref<64x128xf32, #tpu.memory_space<vmem>>) offsets(%dma_start3A_453 : memref<64xi32, #tpu.memory_space<vmem>>) semaphore(%arg21 : memref<!tpu.dma_semaphore, #tpu.memory_space<semaphore_mem>>)
    %dma_start3A_457 = arith.constant 2 : i32
    %dma_start3A_458 = arith.constant 0 : i32
    %dma_start3A_459 = arith.constant 0 : i32
    %dma_start3A_460 = tpu.memref_slice %arg13[%dma_start3A_457, %dma_start3A_458, %dma_start3A_459] : memref<4x64x128xf32, #tpu.memory_space<vmem>> -> memref<1x64x128xf32, #tpu.memory_space<vmem>>
    %dma_start3A_461 = tpu.memref_squeeze %dma_start3A_460 : memref<1x64x128xf32, #tpu.memory_space<vmem>> -> memref<64x128xf32, #tpu.memory_space<vmem>>
    %dma_start3A_462 = arith.constant 384 : i32
    %dma_start3A_463 = tpu.memref_slice %arg10[%dma_start3A_462] : memref<512xi32, #tpu.memory_space<vmem>> -> memref<64xi32, #tpu.memory_space<vmem>>
    %dma_start3A_464 = arith.constant 0 : i32
    %dma_start3A_465 = arith.constant 0 : i32
    %dma_start3A_466 = tpu.memref_slice %arg5[%dma_start3A_464, %dma_start3A_465] : memref<100000x128xf32, #tpu.memory_space<hbm>> -> memref<100000x128xf32, #tpu.memory_space<hbm>>
    tpu.enqueue_indirect_dma source(%dma_start3A_466 : memref<100000x128xf32, #tpu.memory_space<hbm>>) target(%dma_start3A_461 : memref<64x128xf32, #tpu.memory_space<vmem>>) offsets(%dma_start3A_463 : memref<64xi32, #tpu.memory_space<vmem>>) semaphore(%arg17 : memref<!tpu.dma_semaphore, #tpu.memory_space<semaphore_mem>>)
    %dma_wait3A_467 = arith.constant 0 : i32
    %dma_wait3A_468 = arith.constant 0 : i32
    %dma_wait3A_469 = arith.constant 0 : i32
    %dma_wait3A_470 = tpu.memref_slice %arg11[%dma_wait3A_467, %dma_wait3A_468, %dma_wait3A_469] : memref<4x64x128xf32, #tpu.memory_space<vmem>> -> memref<1x64x128xf32, #tpu.memory_space<vmem>>
    %dma_wait3A_471 = tpu.memref_squeeze %dma_wait3A_470 : memref<1x64x128xf32, #tpu.memory_space<vmem>> -> memref<64x128xf32, #tpu.memory_space<vmem>>
    %dma_wait3A_472 = arith.constant 256 : i32
    %dma_wait3A_473 = tpu.memref_slice %arg8[%dma_wait3A_472] : memref<512xi32, #tpu.memory_space<vmem>> -> memref<64xi32, #tpu.memory_space<vmem>>
    %dma_wait3A_474 = arith.constant 0 : i32
    %dma_wait3A_475 = arith.constant 0 : i32
    %dma_wait3A_476 = tpu.memref_slice %arg5[%dma_wait3A_474, %dma_wait3A_475] : memref<100000x128xf32, #tpu.memory_space<hbm>> -> memref<100000x128xf32, #tpu.memory_space<hbm>>
    tpu.wait_indirect_dma semaphore(%arg15 : memref<!tpu.dma_semaphore, #tpu.memory_space<semaphore_mem>>) src(%dma_wait3A_476 : memref<100000x128xf32, #tpu.memory_space<hbm>>) dst(%dma_wait3A_471 : memref<64x128xf32, #tpu.memory_space<vmem>>)
    %dma_wait3A_477 = arith.constant 0 : i32
    %dma_wait3A_478 = arith.constant 0 : i32
    %dma_wait3A_479 = arith.constant 0 : i32
    %dma_wait3A_480 = tpu.memref_slice %arg12[%dma_wait3A_477, %dma_wait3A_478, %dma_wait3A_479] : memref<4x64x128xf32, #tpu.memory_space<vmem>> -> memref<1x64x128xf32, #tpu.memory_space<vmem>>
    %dma_wait3A_481 = tpu.memref_squeeze %dma_wait3A_480 : memref<1x64x128xf32, #tpu.memory_space<vmem>> -> memref<64x128xf32, #tpu.memory_space<vmem>>
    %dma_wait3A_482 = arith.constant 256 : i32
    %dma_wait3A_483 = tpu.memref_slice %arg9[%dma_wait3A_482] : memref<512xi32, #tpu.memory_space<vmem>> -> memref<64xi32, #tpu.memory_space<vmem>>
    %dma_wait3A_484 = arith.constant 0 : i32
    %dma_wait3A_485 = arith.constant 0 : i32
    %dma_wait3A_486 = tpu.memref_slice %arg14[%dma_wait3A_484, %dma_wait3A_485] : memref<1000x128xf32, #tpu.memory_space<vmem_shared>> -> memref<1000x128xf32, #tpu.memory_space<vmem_shared>>
    tpu.wait_indirect_dma semaphore(%arg19 : memref<!tpu.dma_semaphore, #tpu.memory_space<semaphore_mem>>) src(%dma_wait3A_486 : memref<1000x128xf32, #tpu.memory_space<vmem_shared>>) dst(%dma_wait3A_481 : memref<64x128xf32, #tpu.memory_space<vmem>>)
    %dma_wait3A_487 = arith.constant 0 : i32
    %dma_wait3A_488 = arith.constant 0 : i32
    %dma_wait3A_489 = arith.constant 0 : i32
    %dma_wait3A_490 = tpu.memref_slice %arg13[%dma_wait3A_487, %dma_wait3A_488, %dma_wait3A_489] : memref<4x64x128xf32, #tpu.memory_space<vmem>> -> memref<1x64x128xf32, #tpu.memory_space<vmem>>
    %dma_wait3A_491 = tpu.memref_squeeze %dma_wait3A_490 : memref<1x64x128xf32, #tpu.memory_space<vmem>> -> memref<64x128xf32, #tpu.memory_space<vmem>>
    %dma_wait3A_492 = arith.constant 256 : i32
    %dma_wait3A_493 = tpu.memref_slice %arg10[%dma_wait3A_492] : memref<512xi32, #tpu.memory_space<vmem>> -> memref<64xi32, #tpu.memory_space<vmem>>
    %dma_wait3A_494 = arith.constant 0 : i32
    %dma_wait3A_495 = arith.constant 0 : i32
    %dma_wait3A_496 = tpu.memref_slice %arg5[%dma_wait3A_494, %dma_wait3A_495] : memref<100000x128xf32, #tpu.memory_space<hbm>> -> memref<100000x128xf32, #tpu.memory_space<hbm>>
    tpu.wait_indirect_dma semaphore(%arg15 : memref<!tpu.dma_semaphore, #tpu.memory_space<semaphore_mem>>) src(%dma_wait3A_496 : memref<100000x128xf32, #tpu.memory_space<hbm>>) dst(%dma_wait3A_491 : memref<64x128xf32, #tpu.memory_space<vmem>>)
    %scan3A_497 = arith.constant 0 : i32
    %scan3A_498 = arith.constant 0 : i32
    %scan3A_499 = arith.constant 0 : i32
    %scan3A_500 = arith.constant 0 : i32
    %scan3A_501 = arith.constant 0 : i32
    %scan3A_502 = arith.constant 32 : i32
    %scan3A_503 = arith.addi %scan3A_501, %scan3A_502 : i32
    %scan3A_504 = arith.constant 1 : i32
    scf.for %scan3A_778 = %scan3A_501 to %scan3A_503 step %scan3A_504  : i32 {
      %mul3A_779 = arith.constant 2 : i32
      %mul3A_780 = arith.muli %scan3A_778, %mul3A_779 : i32
      %add3A_781 = arith.constant 0 : i32
      %add3A_782 = arith.addi %mul3A_780, %add3A_781 : i32
      %get3A = arith.constant 0 : i32
      %get3A_783 = arith.constant 0 : i32
      %get3A_784 = tpu.memref_slice %arg12[%scan3A_498, %get3A, %get3A_783] : memref<4x64x128xf32, #tpu.memory_space<vmem>> -> memref<1x64x128xf32, #tpu.memory_space<vmem>>
      %get3A_785 = tpu.memref_squeeze %get3A_784 : memref<1x64x128xf32, #tpu.memory_space<vmem>> -> memref<64x128xf32, #tpu.memory_space<vmem>>
      %get3A_786 = arith.index_cast %add3A_782 : i32 to index
      %get3A_787 = arith.constant 0 : index
      %get3A_788 = tpu.vector_load %get3A_785[%get3A_786, %get3A_787] {strides = array<i32>} : memref<64x128xf32, #tpu.memory_space<vmem>>, vector<1x16xf32>,
      %get3A_789 = vector.shape_cast %get3A_788 : vector<1x16xf32> to vector<16xf32>
      %get3A_790 = arith.constant 0 : i32
      %get3A_791 = arith.constant 0 : i32
      %get3A_792 = tpu.memref_slice %arg13[%scan3A_499, %get3A_790, %get3A_791] : memref<4x64x128xf32, #tpu.memory_space<vmem>> -> memref<1x64x128xf32, #tpu.memory_space<vmem>>
      %get3A_793 = tpu.memref_squeeze %get3A_792 : memref<1x64x128xf32, #tpu.memory_space<vmem>> -> memref<64x128xf32, #tpu.memory_space<vmem>>
      %get3A_794 = arith.index_cast %add3A_782 : i32 to index
      %get3A_795 = arith.constant 0 : index
      %get3A_796 = tpu.vector_load %get3A_793[%get3A_794, %get3A_795] {strides = array<i32>} : memref<64x128xf32, #tpu.memory_space<vmem>>, vector<1x16xf32>,
      %get3A_797 = vector.shape_cast %get3A_796 : vector<1x16xf32> to vector<16xf32>
      %sub3A = arith.subf %get3A_789, %get3A_797 : vector<16xf32>
      %swap3A = arith.constant 0 : i32
      %swap3A_798 = arith.constant 0 : i32
      %swap3A_799 = tpu.memref_slice %arg11[%scan3A_500, %swap3A, %swap3A_798] : memref<4x64x128xf32, #tpu.memory_space<vmem>> -> memref<1x64x128xf32, #tpu.memory_space<vmem>>
      %swap3A_800 = tpu.memref_squeeze %swap3A_799 : memref<1x64x128xf32, #tpu.memory_space<vmem>> -> memref<64x128xf32, #tpu.memory_space<vmem>>
      %swap3A_801 = arith.index_cast %add3A_782 : i32 to index
      %swap3A_802 = arith.constant 0 : index
      %swap3A_803 = tpu.vector_load %swap3A_800[%swap3A_801, %swap3A_802] {strides = array<i32>} : memref<64x128xf32, #tpu.memory_space<vmem>>, vector<1x16xf32>,
      %swap3A_804 = vector.shape_cast %swap3A_803 : vector<1x16xf32> to vector<16xf32>
      %swap3A_805 = vector.shape_cast %sub3A : vector<16xf32> to vector<1x16xf32>
      tpu.vector_store %swap3A_800[%swap3A_801, %swap3A_802], %swap3A_805 {add = true, strides = array<i32>} : memref<64x128xf32, #tpu.memory_space<vmem>>, vector<1x16xf32>,
      %get3A_806 = arith.constant 0 : i32
      %get3A_807 = arith.constant 0 : i32
      %get3A_808 = tpu.memref_slice %arg12[%scan3A_498, %get3A_806, %get3A_807] : memref<4x64x128xf32, #tpu.memory_space<vmem>> -> memref<1x64x128xf32, #tpu.memory_space<vmem>>
      %get3A_809 = tpu.memref_squeeze %get3A_808 : memref<1x64x128xf32, #tpu.memory_space<vmem>> -> memref<64x128xf32, #tpu.memory_space<vmem>>
      %get3A_810 = arith.index_cast %add3A_782 : i32 to index
      %get3A_811 = arith.constant 16 : index
      %get3A_812 = tpu.vector_load %get3A_809[%get3A_810, %get3A_811] {strides = array<i32>} : memref<64x128xf32, #tpu.memory_space<vmem>>, vector<1x16xf32>,
      %get3A_813 = vector.shape_cast %get3A_812 : vector<1x16xf32> to vector<16xf32>
      %get3A_814 = arith.constant 0 : i32
      %get3A_815 = arith.constant 0 : i32
      %get3A_816 = tpu.memref_slice %arg13[%scan3A_499, %get3A_814, %get3A_815] : memref<4x64x128xf32, #tpu.memory_space<vmem>> -> memref<1x64x128xf32, #tpu.memory_space<vmem>>
      %get3A_817 = tpu.memref_squeeze %get3A_816 : memref<1x64x128xf32, #tpu.memory_space<vmem>> -> memref<64x128xf32, #tpu.memory_space<vmem>>
      %get3A_818 = arith.index_cast %add3A_782 : i32 to index
      %get3A_819 = arith.constant 16 : index
      %get3A_820 = tpu.vector_load %get3A_817[%get3A_818, %get3A_819] {strides = array<i32>} : memref<64x128xf32, #tpu.memory_space<vmem>>, vector<1x16xf32>,
      %get3A_821 = vector.shape_cast %get3A_820 : vector<1x16xf32> to vector<16xf32>
      %sub3A_822 = arith.subf %get3A_813, %get3A_821 : vector<16xf32>
      %swap3A_823 = arith.constant 0 : i32
      %swap3A_824 = arith.constant 0 : i32
      %swap3A_825 = tpu.memref_slice %arg11[%scan3A_500, %swap3A_823, %swap3A_824] : memref<4x64x128xf32, #tpu.memory_space<vmem>> -> memref<1x64x128xf32, #tpu.memory_space<vmem>>
      %swap3A_826 = tpu.memref_squeeze %swap3A_825 : memref<1x64x128xf32, #tpu.memory_space<vmem>> -> memref<64x128xf32, #tpu.memory_space<vmem>>
      %swap3A_827 = arith.index_cast %add3A_782 : i32 to index
      %swap3A_828 = arith.constant 16 : index
      %swap3A_829 = tpu.vector_load %swap3A_826[%swap3A_827, %swap3A_828] {strides = array<i32>} : memref<64x128xf32, #tpu.memory_space<vmem>>, vector<1x16xf32>,
      %swap3A_830 = vector.shape_cast %swap3A_829 : vector<1x16xf32> to vector<16xf32>
      %swap3A_831 = vector.shape_cast %sub3A_822 : vector<16xf32> to vector<1x16xf32>
      tpu.vector_store %swap3A_826[%swap3A_827, %swap3A_828], %swap3A_831 {add = true, strides = array<i32>} : memref<64x128xf32, #tpu.memory_space<vmem>>, vector<1x16xf32>,
      %get3A_832 = arith.constant 0 : i32
      %get3A_833 = arith.constant 0 : i32
      %get3A_834 = tpu.memref_slice %arg12[%scan3A_498, %get3A_832, %get3A_833] : memref<4x64x128xf32, #tpu.memory_space<vmem>> -> memref<1x64x128xf32, #tpu.memory_space<vmem>>
      %get3A_835 = tpu.memref_squeeze %get3A_834 : memref<1x64x128xf32, #tpu.memory_space<vmem>> -> memref<64x128xf32, #tpu.memory_space<vmem>>
      %get3A_836 = arith.index_cast %add3A_782 : i32 to index
      %get3A_837 = arith.constant 32 : index
      %get3A_838 = tpu.vector_load %get3A_835[%get3A_836, %get3A_837] {strides = array<i32>} : memref<64x128xf32, #tpu.memory_space<vmem>>, vector<1x16xf32>,
      %get3A_839 = vector.shape_cast %get3A_838 : vector<1x16xf32> to vector<16xf32>
      %get3A_840 = arith.constant 0 : i32
      %get3A_841 = arith.constant 0 : i32
      %get3A_842 = tpu.memref_slice %arg13[%scan3A_499, %get3A_840, %get3A_841] : memref<4x64x128xf32, #tpu.memory_space<vmem>> -> memref<1x64x128xf32, #tpu.memory_space<vmem>>
      %get3A_843 = tpu.memref_squeeze %get3A_842 : memref<1x64x128xf32, #tpu.memory_space<vmem>> -> memref<64x128xf32, #tpu.memory_space<vmem>>
      %get3A_844 = arith.index_cast %add3A_782 : i32 to index
      %get3A_845 = arith.constant 32 : index
      %get3A_846 = tpu.vector_load %get3A_843[%get3A_844, %get3A_845] {strides = array<i32>} : memref<64x128xf32, #tpu.memory_space<vmem>>, vector<1x16xf32>,
      %get3A_847 = vector.shape_cast %get3A_846 : vector<1x16xf32> to vector<16xf32>
      %sub3A_848 = arith.subf %get3A_839, %get3A_847 : vector<16xf32>
      %swap3A_849 = arith.constant 0 : i32
      %swap3A_850 = arith.constant 0 : i32
      %swap3A_851 = tpu.memref_slice %arg11[%scan3A_500, %swap3A_849, %swap3A_850] : memref<4x64x128xf32, #tpu.memory_space<vmem>> -> memref<1x64x128xf32, #tpu.memory_space<vmem>>
      %swap3A_852 = tpu.memref_squeeze %swap3A_851 : memref<1x64x128xf32, #tpu.memory_space<vmem>> -> memref<64x128xf32, #tpu.memory_space<vmem>>
      %swap3A_853 = arith.index_cast %add3A_782 : i32 to index
      %swap3A_854 = arith.constant 32 : index
      %swap3A_855 = tpu.vector_load %swap3A_852[%swap3A_853, %swap3A_854] {strides = array<i32>} : memref<64x128xf32, #tpu.memory_space<vmem>>, vector<1x16xf32>,
      %swap3A_856 = vector.shape_cast %swap3A_855 : vector<1x16xf32> to vector<16xf32>
      %swap3A_857 = vector.shape_cast %sub3A_848 : vector<16xf32> to vector<1x16xf32>
      tpu.vector_store %swap3A_852[%swap3A_853, %swap3A_854], %swap3A_857 {add = true, strides = array<i32>} : memref<64x128xf32, #tpu.memory_space<vmem>>, vector<1x16xf32>,
      %get3A_858 = arith.constant 0 : i32
      %get3A_859 = arith.constant 0 : i32
      %get3A_860 = tpu.memref_slice %arg12[%scan3A_498, %get3A_858, %get3A_859] : memref<4x64x128xf32, #tpu.memory_space<vmem>> -> memref<1x64x128xf32, #tpu.memory_space<vmem>>
      %get3A_861 = tpu.memref_squeeze %get3A_860 : memref<1x64x128xf32, #tpu.memory_space<vmem>> -> memref<64x128xf32, #tpu.memory_space<vmem>>
      %get3A_862 = arith.index_cast %add3A_782 : i32 to index
      %get3A_863 = arith.constant 48 : index
      %get3A_864 = tpu.vector_load %get3A_861[%get3A_862, %get3A_863] {strides = array<i32>} : memref<64x128xf32, #tpu.memory_space<vmem>>, vector<1x16xf32>,
      %get3A_865 = vector.shape_cast %get3A_864 : vector<1x16xf32> to vector<16xf32>
      %get3A_866 = arith.constant 0 : i32
      %get3A_867 = arith.constant 0 : i32
      %get3A_868 = tpu.memref_slice %arg13[%scan3A_499, %get3A_866, %get3A_867] : memref<4x64x128xf32, #tpu.memory_space<vmem>> -> memref<1x64x128xf32, #tpu.memory_space<vmem>>
      %get3A_869 = tpu.memref_squeeze %get3A_868 : memref<1x64x128xf32, #tpu.memory_space<vmem>> -> memref<64x128xf32, #tpu.memory_space<vmem>>
      %get3A_870 = arith.index_cast %add3A_782 : i32 to index
      %get3A_871 = arith.constant 48 : index
      %get3A_872 = tpu.vector_load %get3A_869[%get3A_870, %get3A_871] {strides = array<i32>} : memref<64x128xf32, #tpu.memory_space<vmem>>, vector<1x16xf32>,
      %get3A_873 = vector.shape_cast %get3A_872 : vector<1x16xf32> to vector<16xf32>
      %sub3A_874 = arith.subf %get3A_865, %get3A_873 : vector<16xf32>
      %swap3A_875 = arith.constant 0 : i32
      %swap3A_876 = arith.constant 0 : i32
      %swap3A_877 = tpu.memref_slice %arg11[%scan3A_500, %swap3A_875, %swap3A_876] : memref<4x64x128xf32, #tpu.memory_space<vmem>> -> memref<1x64x128xf32, #tpu.memory_space<vmem>>
      %swap3A_878 = tpu.memref_squeeze %swap3A_877 : memref<1x64x128xf32, #tpu.memory_space<vmem>> -> memref<64x128xf32, #tpu.memory_space<vmem>>
      %swap3A_879 = arith.index_cast %add3A_782 : i32 to index
      %swap3A_880 = arith.constant 48 : index
      %swap3A_881 = tpu.vector_load %swap3A_878[%swap3A_879, %swap3A_880] {strides = array<i32>} : memref<64x128xf32, #tpu.memory_space<vmem>>, vector<1x16xf32>,
      %swap3A_882 = vector.shape_cast %swap3A_881 : vector<1x16xf32> to vector<16xf32>
      %swap3A_883 = vector.shape_cast %sub3A_874 : vector<16xf32> to vector<1x16xf32>
      tpu.vector_store %swap3A_878[%swap3A_879, %swap3A_880], %swap3A_883 {add = true, strides = array<i32>} : memref<64x128xf32, #tpu.memory_space<vmem>>, vector<1x16xf32>,
      %get3A_884 = arith.constant 0 : i32
      %get3A_885 = arith.constant 0 : i32
      %get3A_886 = tpu.memref_slice %arg12[%scan3A_498, %get3A_884, %get3A_885] : memref<4x64x128xf32, #tpu.memory_space<vmem>> -> memref<1x64x128xf32, #tpu.memory_space<vmem>>
      %get3A_887 = tpu.memref_squeeze %get3A_886 : memref<1x64x128xf32, #tpu.memory_space<vmem>> -> memref<64x128xf32, #tpu.memory_space<vmem>>
      %get3A_888 = arith.index_cast %add3A_782 : i32 to index
      %get3A_889 = arith.constant 64 : index
      %get3A_890 = tpu.vector_load %get3A_887[%get3A_888, %get3A_889] {strides = array<i32>} : memref<64x128xf32, #tpu.memory_space<vmem>>, vector<1x16xf32>,
      %get3A_891 = vector.shape_cast %get3A_890 : vector<1x16xf32> to vector<16xf32>
      %get3A_892 = arith.constant 0 : i32
      %get3A_893 = arith.constant 0 : i32
      %get3A_894 = tpu.memref_slice %arg13[%scan3A_499, %get3A_892, %get3A_893] : memref<4x64x128xf32, #tpu.memory_space<vmem>> -> memref<1x64x128xf32, #tpu.memory_space<vmem>>
      %get3A_895 = tpu.memref_squeeze %get3A_894 : memref<1x64x128xf32, #tpu.memory_space<vmem>> -> memref<64x128xf32, #tpu.memory_space<vmem>>
      %get3A_896 = arith.index_cast %add3A_782 : i32 to index
      %get3A_897 = arith.constant 64 : index
      %get3A_898 = tpu.vector_load %get3A_895[%get3A_896, %get3A_897] {strides = array<i32>} : memref<64x128xf32, #tpu.memory_space<vmem>>, vector<1x16xf32>,
      %get3A_899 = vector.shape_cast %get3A_898 : vector<1x16xf32> to vector<16xf32>
      %sub3A_900 = arith.subf %get3A_891, %get3A_899 : vector<16xf32>
      %swap3A_901 = arith.constant 0 : i32
      %swap3A_902 = arith.constant 0 : i32
      %swap3A_903 = tpu.memref_slice %arg11[%scan3A_500, %swap3A_901, %swap3A_902] : memref<4x64x128xf32, #tpu.memory_space<vmem>> -> memref<1x64x128xf32, #tpu.memory_space<vmem>>
      %swap3A_904 = tpu.memref_squeeze %swap3A_903 : memref<1x64x128xf32, #tpu.memory_space<vmem>> -> memref<64x128xf32, #tpu.memory_space<vmem>>
      %swap3A_905 = arith.index_cast %add3A_782 : i32 to index
      %swap3A_906 = arith.constant 64 : index
      %swap3A_907 = tpu.vector_load %swap3A_904[%swap3A_905, %swap3A_906] {strides = array<i32>} : memref<64x128xf32, #tpu.memory_space<vmem>>, vector<1x16xf32>,
      %swap3A_908 = vector.shape_cast %swap3A_907 : vector<1x16xf32> to vector<16xf32>
      %swap3A_909 = vector.shape_cast %sub3A_900 : vector<16xf32> to vector<1x16xf32>
      tpu.vector_store %swap3A_904[%swap3A_905, %swap3A_906], %swap3A_909 {add = true, strides = array<i32>} : memref<64x128xf32, #tpu.memory_space<vmem>>, vector<1x16xf32>,
      %get3A_910 = arith.constant 0 : i32
      %get3A_911 = arith.constant 0 : i32
      %get3A_912 = tpu.memref_slice %arg12[%scan3A_498, %get3A_910, %get3A_911] : memref<4x64x128xf32, #tpu.memory_space<vmem>> -> memref<1x64x128xf32, #tpu.memory_space<vmem>>
      %get3A_913 = tpu.memref_squeeze %get3A_912 : memref<1x64x128xf32, #tpu.memory_space<vmem>> -> memref<64x128xf32, #tpu.memory_space<vmem>>
      %get3A_914 = arith.index_cast %add3A_782 : i32 to index
      %get3A_915 = arith.constant 80 : index
      %get3A_916 = tpu.vector_load %get3A_913[%get3A_914, %get3A_915] {strides = array<i32>} : memref<64x128xf32, #tpu.memory_space<vmem>>, vector<1x16xf32>,
      %get3A_917 = vector.shape_cast %get3A_916 : vector<1x16xf32> to vector<16xf32>
      %get3A_918 = arith.constant 0 : i32
      %get3A_919 = arith.constant 0 : i32
      %get3A_920 = tpu.memref_slice %arg13[%scan3A_499, %get3A_918, %get3A_919] : memref<4x64x128xf32, #tpu.memory_space<vmem>> -> memref<1x64x128xf32, #tpu.memory_space<vmem>>
      %get3A_921 = tpu.memref_squeeze %get3A_920 : memref<1x64x128xf32, #tpu.memory_space<vmem>> -> memref<64x128xf32, #tpu.memory_space<vmem>>
      %get3A_922 = arith.index_cast %add3A_782 : i32 to index
      %get3A_923 = arith.constant 80 : index
      %get3A_924 = tpu.vector_load %get3A_921[%get3A_922, %get3A_923] {strides = array<i32>} : memref<64x128xf32, #tpu.memory_space<vmem>>, vector<1x16xf32>,
      %get3A_925 = vector.shape_cast %get3A_924 : vector<1x16xf32> to vector<16xf32>
      %sub3A_926 = arith.subf %get3A_917, %get3A_925 : vector<16xf32>
      %swap3A_927 = arith.constant 0 : i32
      %swap3A_928 = arith.constant 0 : i32
      %swap3A_929 = tpu.memref_slice %arg11[%scan3A_500, %swap3A_927, %swap3A_928] : memref<4x64x128xf32, #tpu.memory_space<vmem>> -> memref<1x64x128xf32, #tpu.memory_space<vmem>>
      %swap3A_930 = tpu.memref_squeeze %swap3A_929 : memref<1x64x128xf32, #tpu.memory_space<vmem>> -> memref<64x128xf32, #tpu.memory_space<vmem>>
      %swap3A_931 = arith.index_cast %add3A_782 : i32 to index
      %swap3A_932 = arith.constant 80 : index
      %swap3A_933 = tpu.vector_load %swap3A_930[%swap3A_931, %swap3A_932] {strides = array<i32>} : memref<64x128xf32, #tpu.memory_space<vmem>>, vector<1x16xf32>,
      %swap3A_934 = vector.shape_cast %swap3A_933 : vector<1x16xf32> to vector<16xf32>
      %swap3A_935 = vector.shape_cast %sub3A_926 : vector<16xf32> to vector<1x16xf32>
      tpu.vector_store %swap3A_930[%swap3A_931, %swap3A_932], %swap3A_935 {add = true, strides = array<i32>} : memref<64x128xf32, #tpu.memory_space<vmem>>, vector<1x16xf32>,
      %get3A_936 = arith.constant 0 : i32
      %get3A_937 = arith.constant 0 : i32
      %get3A_938 = tpu.memref_slice %arg12[%scan3A_498, %get3A_936, %get3A_937] : memref<4x64x128xf32, #tpu.memory_space<vmem>> -> memref<1x64x128xf32, #tpu.memory_space<vmem>>
      %get3A_939 = tpu.memref_squeeze %get3A_938 : memref<1x64x128xf32, #tpu.memory_space<vmem>> -> memref<64x128xf32, #tpu.memory_space<vmem>>
      %get3A_940 = arith.index_cast %add3A_782 : i32 to index
      %get3A_941 = arith.constant 96 : index
      %get3A_942 = tpu.vector_load %get3A_939[%get3A_940, %get3A_941] {strides = array<i32>} : memref<64x128xf32, #tpu.memory_space<vmem>>, vector<1x16xf32>,
      %get3A_943 = vector.shape_cast %get3A_942 : vector<1x16xf32> to vector<16xf32>
      %get3A_944 = arith.constant 0 : i32
      %get3A_945 = arith.constant 0 : i32
      %get3A_946 = tpu.memref_slice %arg13[%scan3A_499, %get3A_944, %get3A_945] : memref<4x64x128xf32, #tpu.memory_space<vmem>> -> memref<1x64x128xf32, #tpu.memory_space<vmem>>
      %get3A_947 = tpu.memref_squeeze %get3A_946 : memref<1x64x128xf32, #tpu.memory_space<vmem>> -> memref<64x128xf32, #tpu.memory_space<vmem>>
      %get3A_948 = arith.index_cast %add3A_782 : i32 to index
      %get3A_949 = arith.constant 96 : index
      %get3A_950 = tpu.vector_load %get3A_947[%get3A_948, %get3A_949] {strides = array<i32>} : memref<64x128xf32, #tpu.memory_space<vmem>>, vector<1x16xf32>,
      %get3A_951 = vector.shape_cast %get3A_950 : vector<1x16xf32> to vector<16xf32>
      %sub3A_952 = arith.subf %get3A_943, %get3A_951 : vector<16xf32>
      %swap3A_953 = arith.constant 0 : i32
      %swap3A_954 = arith.constant 0 : i32
      %swap3A_955 = tpu.memref_slice %arg11[%scan3A_500, %swap3A_953, %swap3A_954] : memref<4x64x128xf32, #tpu.memory_space<vmem>> -> memref<1x64x128xf32, #tpu.memory_space<vmem>>
      %swap3A_956 = tpu.memref_squeeze %swap3A_955 : memref<1x64x128xf32, #tpu.memory_space<vmem>> -> memref<64x128xf32, #tpu.memory_space<vmem>>
      %swap3A_957 = arith.index_cast %add3A_782 : i32 to index
      %swap3A_958 = arith.constant 96 : index
      %swap3A_959 = tpu.vector_load %swap3A_956[%swap3A_957, %swap3A_958] {strides = array<i32>} : memref<64x128xf32, #tpu.memory_space<vmem>>, vector<1x16xf32>,
      %swap3A_960 = vector.shape_cast %swap3A_959 : vector<1x16xf32> to vector<16xf32>
      %swap3A_961 = vector.shape_cast %sub3A_952 : vector<16xf32> to vector<1x16xf32>
      tpu.vector_store %swap3A_956[%swap3A_957, %swap3A_958], %swap3A_961 {add = true, strides = array<i32>} : memref<64x128xf32, #tpu.memory_space<vmem>>, vector<1x16xf32>,
      %get3A_962 = arith.constant 0 : i32
      %get3A_963 = arith.constant 0 : i32
      %get3A_964 = tpu.memref_slice %arg12[%scan3A_498, %get3A_962, %get3A_963] : memref<4x64x128xf32, #tpu.memory_space<vmem>> -> memref<1x64x128xf32, #tpu.memory_space<vmem>>
      %get3A_965 = tpu.memref_squeeze %get3A_964 : memref<1x64x128xf32, #tpu.memory_space<vmem>> -> memref<64x128xf32, #tpu.memory_space<vmem>>
      %get3A_966 = arith.index_cast %add3A_782 : i32 to index
      %get3A_967 = arith.constant 112 : index
      %get3A_968 = tpu.vector_load %get3A_965[%get3A_966, %get3A_967] {strides = array<i32>} : memref<64x128xf32, #tpu.memory_space<vmem>>, vector<1x16xf32>,
      %get3A_969 = vector.shape_cast %get3A_968 : vector<1x16xf32> to vector<16xf32>
      %get3A_970 = arith.constant 0 : i32
      %get3A_971 = arith.constant 0 : i32
      %get3A_972 = tpu.memref_slice %arg13[%scan3A_499, %get3A_970, %get3A_971] : memref<4x64x128xf32, #tpu.memory_space<vmem>> -> memref<1x64x128xf32, #tpu.memory_space<vmem>>
      %get3A_973 = tpu.memref_squeeze %get3A_972 : memref<1x64x128xf32, #tpu.memory_space<vmem>> -> memref<64x128xf32, #tpu.memory_space<vmem>>
      %get3A_974 = arith.index_cast %add3A_782 : i32 to index
      %get3A_975 = arith.constant 112 : index
      %get3A_976 = tpu.vector_load %get3A_973[%get3A_974, %get3A_975] {strides = array<i32>} : memref<64x128xf32, #tpu.memory_space<vmem>>, vector<1x16xf32>,
      %get3A_977 = vector.shape_cast %get3A_976 : vector<1x16xf32> to vector<16xf32>
      %sub3A_978 = arith.subf %get3A_969, %get3A_977 : vector<16xf32>
      %swap3A_979 = arith.constant 0 : i32
      %swap3A_980 = arith.constant 0 : i32
      %swap3A_981 = tpu.memref_slice %arg11[%scan3A_500, %swap3A_979, %swap3A_980] : memref<4x64x128xf32, #tpu.memory_space<vmem>> -> memref<1x64x128xf32, #tpu.memory_space<vmem>>
      %swap3A_982 = tpu.memref_squeeze %swap3A_981 : memref<1x64x128xf32, #tpu.memory_space<vmem>> -> memref<64x128xf32, #tpu.memory_space<vmem>>
      %swap3A_983 = arith.index_cast %add3A_782 : i32 to index
      %swap3A_984 = arith.constant 112 : index
      %swap3A_985 = tpu.vector_load %swap3A_982[%swap3A_983, %swap3A_984] {strides = array<i32>} : memref<64x128xf32, #tpu.memory_space<vmem>>, vector<1x16xf32>,
      %swap3A_986 = vector.shape_cast %swap3A_985 : vector<1x16xf32> to vector<16xf32>
      %swap3A_987 = vector.shape_cast %sub3A_978 : vector<16xf32> to vector<1x16xf32>
      tpu.vector_store %swap3A_982[%swap3A_983, %swap3A_984], %swap3A_987 {add = true, strides = array<i32>} : memref<64x128xf32, #tpu.memory_space<vmem>>, vector<1x16xf32>,
      %mul3A_988 = arith.constant 2 : i32
      %mul3A_989 = arith.muli %scan3A_778, %mul3A_988 : i32
      %add3A_990 = arith.constant 1 : i32
      %add3A_991 = arith.addi %mul3A_989, %add3A_990 : i32
      %get3A_992 = arith.constant 0 : i32
      %get3A_993 = arith.constant 0 : i32
      %get3A_994 = tpu.memref_slice %arg12[%scan3A_498, %get3A_992, %get3A_993] : memref<4x64x128xf32, #tpu.memory_space<vmem>> -> memref<1x64x128xf32, #tpu.memory_space<vmem>>
      %get3A_995 = tpu.memref_squeeze %get3A_994 : memref<1x64x128xf32, #tpu.memory_space<vmem>> -> memref<64x128xf32, #tpu.memory_space<vmem>>
      %get3A_996 = arith.index_cast %add3A_991 : i32 to index
      %get3A_997 = arith.constant 0 : index
      %get3A_998 = tpu.vector_load %get3A_995[%get3A_996, %get3A_997] {strides = array<i32>} : memref<64x128xf32, #tpu.memory_space<vmem>>, vector<1x16xf32>,
      %get3A_999 = vector.shape_cast %get3A_998 : vector<1x16xf32> to vector<16xf32>
      %get3A_1000 = arith.constant 0 : i32
      %get3A_1001 = arith.constant 0 : i32
      %get3A_1002 = tpu.memref_slice %arg13[%scan3A_499, %get3A_1000, %get3A_1001] : memref<4x64x128xf32, #tpu.memory_space<vmem>> -> memref<1x64x128xf32, #tpu.memory_space<vmem>>
      %get3A_1003 = tpu.memref_squeeze %get3A_1002 : memref<1x64x128xf32, #tpu.memory_space<vmem>> -> memref<64x128xf32, #tpu.memory_space<vmem>>
      %get3A_1004 = arith.index_cast %add3A_991 : i32 to index
      %get3A_1005 = arith.constant 0 : index
      %get3A_1006 = tpu.vector_load %get3A_1003[%get3A_1004, %get3A_1005] {strides = array<i32>} : memref<64x128xf32, #tpu.memory_space<vmem>>, vector<1x16xf32>,
      %get3A_1007 = vector.shape_cast %get3A_1006 : vector<1x16xf32> to vector<16xf32>
      %sub3A_1008 = arith.subf %get3A_999, %get3A_1007 : vector<16xf32>
      %swap3A_1009 = arith.constant 0 : i32
      %swap3A_1010 = arith.constant 0 : i32
      %swap3A_1011 = tpu.memref_slice %arg11[%scan3A_500, %swap3A_1009, %swap3A_1010] : memref<4x64x128xf32, #tpu.memory_space<vmem>> -> memref<1x64x128xf32, #tpu.memory_space<vmem>>
      %swap3A_1012 = tpu.memref_squeeze %swap3A_1011 : memref<1x64x128xf32, #tpu.memory_space<vmem>> -> memref<64x128xf32, #tpu.memory_space<vmem>>
      %swap3A_1013 = arith.index_cast %add3A_991 : i32 to index
      %swap3A_1014 = arith.constant 0 : index
      %swap3A_1015 = tpu.vector_load %swap3A_1012[%swap3A_1013, %swap3A_1014] {strides = array<i32>} : memref<64x128xf32, #tpu.memory_space<vmem>>, vector<1x16xf32>,
      %swap3A_1016 = vector.shape_cast %swap3A_1015 : vector<1x16xf32> to vector<16xf32>
      %swap3A_1017 = vector.shape_cast %sub3A_1008 : vector<16xf32> to vector<1x16xf32>
      tpu.vector_store %swap3A_1012[%swap3A_1013, %swap3A_1014], %swap3A_1017 {add = true, strides = array<i32>} : memref<64x128xf32, #tpu.memory_space<vmem>>, vector<1x16xf32>,
      %get3A_1018 = arith.constant 0 : i32
      %get3A_1019 = arith.constant 0 : i32
      %get3A_1020 = tpu.memref_slice %arg12[%scan3A_498, %get3A_1018, %get3A_1019] : memref<4x64x128xf32, #tpu.memory_space<vmem>> -> memref<1x64x128xf32, #tpu.memory_space<vmem>>
      %get3A_1021 = tpu.memref_squeeze %get3A_1020 : memref<1x64x128xf32, #tpu.memory_space<vmem>> -> memref<64x128xf32, #tpu.memory_space<vmem>>
      %get3A_1022 = arith.index_cast %add3A_991 : i32 to index
      %get3A_1023 = arith.constant 16 : index
      %get3A_1024 = tpu.vector_load %get3A_1021[%get3A_1022, %get3A_1023] {strides = array<i32>} : memref<64x128xf32, #tpu.memory_space<vmem>>, vector<1x16xf32>,
      %get3A_1025 = vector.shape_cast %get3A_1024 : vector<1x16xf32> to vector<16xf32>
      %get3A_1026 = arith.constant 0 : i32
      %get3A_1027 = arith.constant 0 : i32
      %get3A_1028 = tpu.memref_slice %arg13[%scan3A_499, %get3A_1026, %get3A_1027] : memref<4x64x128xf32, #tpu.memory_space<vmem>> -> memref<1x64x128xf32, #tpu.memory_space<vmem>>
      %get3A_1029 = tpu.memref_squeeze %get3A_1028 : memref<1x64x128xf32, #tpu.memory_space<vmem>> -> memref<64x128xf32, #tpu.memory_space<vmem>>
      %get3A_1030 = arith.index_cast %add3A_991 : i32 to index
      %get3A_1031 = arith.constant 16 : index
      %get3A_1032 = tpu.vector_load %get3A_1029[%get3A_1030, %get3A_1031] {strides = array<i32>} : memref<64x128xf32, #tpu.memory_space<vmem>>, vector<1x16xf32>,
      %get3A_1033 = vector.shape_cast %get3A_1032 : vector<1x16xf32> to vector<16xf32>
      %sub3A_1034 = arith.subf %get3A_1025, %get3A_1033 : vector<16xf32>
      %swap3A_1035 = arith.constant 0 : i32
      %swap3A_1036 = arith.constant 0 : i32
      %swap3A_1037 = tpu.memref_slice %arg11[%scan3A_500, %swap3A_1035, %swap3A_1036] : memref<4x64x128xf32, #tpu.memory_space<vmem>> -> memref<1x64x128xf32, #tpu.memory_space<vmem>>
      %swap3A_1038 = tpu.memref_squeeze %swap3A_1037 : memref<1x64x128xf32, #tpu.memory_space<vmem>> -> memref<64x128xf32, #tpu.memory_space<vmem>>
      %swap3A_1039 = arith.index_cast %add3A_991 : i32 to index
      %swap3A_1040 = arith.constant 16 : index
      %swap3A_1041 = tpu.vector_load %swap3A_1038[%swap3A_1039, %swap3A_1040] {strides = array<i32>} : memref<64x128xf32, #tpu.memory_space<vmem>>, vector<1x16xf32>,
      %swap3A_1042 = vector.shape_cast %swap3A_1041 : vector<1x16xf32> to vector<16xf32>
      %swap3A_1043 = vector.shape_cast %sub3A_1034 : vector<16xf32> to vector<1x16xf32>
      tpu.vector_store %swap3A_1038[%swap3A_1039, %swap3A_1040], %swap3A_1043 {add = true, strides = array<i32>} : memref<64x128xf32, #tpu.memory_space<vmem>>, vector<1x16xf32>,
      %get3A_1044 = arith.constant 0 : i32
      %get3A_1045 = arith.constant 0 : i32
      %get3A_1046 = tpu.memref_slice %arg12[%scan3A_498, %get3A_1044, %get3A_1045] : memref<4x64x128xf32, #tpu.memory_space<vmem>> -> memref<1x64x128xf32, #tpu.memory_space<vmem>>
      %get3A_1047 = tpu.memref_squeeze %get3A_1046 : memref<1x64x128xf32, #tpu.memory_space<vmem>> -> memref<64x128xf32, #tpu.memory_space<vmem>>
      %get3A_1048 = arith.index_cast %add3A_991 : i32 to index
      %get3A_1049 = arith.constant 32 : index
      %get3A_1050 = tpu.vector_load %get3A_1047[%get3A_1048, %get3A_1049] {strides = array<i32>} : memref<64x128xf32, #tpu.memory_space<vmem>>, vector<1x16xf32>,
      %get3A_1051 = vector.shape_cast %get3A_1050 : vector<1x16xf32> to vector<16xf32>
      %get3A_1052 = arith.constant 0 : i32
      %get3A_1053 = arith.constant 0 : i32
      %get3A_1054 = tpu.memref_slice %arg13[%scan3A_499, %get3A_1052, %get3A_1053] : memref<4x64x128xf32, #tpu.memory_space<vmem>> -> memref<1x64x128xf32, #tpu.memory_space<vmem>>
      %get3A_1055 = tpu.memref_squeeze %get3A_1054 : memref<1x64x128xf32, #tpu.memory_space<vmem>> -> memref<64x128xf32, #tpu.memory_space<vmem>>
      %get3A_1056 = arith.index_cast %add3A_991 : i32 to index
      %get3A_1057 = arith.constant 32 : index
      %get3A_1058 = tpu.vector_load %get3A_1055[%get3A_1056, %get3A_1057] {strides = array<i32>} : memref<64x128xf32, #tpu.memory_space<vmem>>, vector<1x16xf32>,
      %get3A_1059 = vector.shape_cast %get3A_1058 : vector<1x16xf32> to vector<16xf32>
      %sub3A_1060 = arith.subf %get3A_1051, %get3A_1059 : vector<16xf32>
      %swap3A_1061 = arith.constant 0 : i32
      %swap3A_1062 = arith.constant 0 : i32
      %swap3A_1063 = tpu.memref_slice %arg11[%scan3A_500, %swap3A_1061, %swap3A_1062] : memref<4x64x128xf32, #tpu.memory_space<vmem>> -> memref<1x64x128xf32, #tpu.memory_space<vmem>>
      %swap3A_1064 = tpu.memref_squeeze %swap3A_1063 : memref<1x64x128xf32, #tpu.memory_space<vmem>> -> memref<64x128xf32, #tpu.memory_space<vmem>>
      %swap3A_1065 = arith.index_cast %add3A_991 : i32 to index
      %swap3A_1066 = arith.constant 32 : index
      %swap3A_1067 = tpu.vector_load %swap3A_1064[%swap3A_1065, %swap3A_1066] {strides = array<i32>} : memref<64x128xf32, #tpu.memory_space<vmem>>, vector<1x16xf32>,
      %swap3A_1068 = vector.shape_cast %swap3A_1067 : vector<1x16xf32> to vector<16xf32>
      %swap3A_1069 = vector.shape_cast %sub3A_1060 : vector<16xf32> to vector<1x16xf32>
      tpu.vector_store %swap3A_1064[%swap3A_1065, %swap3A_1066], %swap3A_1069 {add = true, strides = array<i32>} : memref<64x128xf32, #tpu.memory_space<vmem>>, vector<1x16xf32>,
      %get3A_1070 = arith.constant 0 : i32
      %get3A_1071 = arith.constant 0 : i32
      %get3A_1072 = tpu.memref_slice %arg12[%scan3A_498, %get3A_1070, %get3A_1071] : memref<4x64x128xf32, #tpu.memory_space<vmem>> -> memref<1x64x128xf32, #tpu.memory_space<vmem>>
      %get3A_1073 = tpu.memref_squeeze %get3A_1072 : memref<1x64x128xf32, #tpu.memory_space<vmem>> -> memref<64x128xf32, #tpu.memory_space<vmem>>
      %get3A_1074 = arith.index_cast %add3A_991 : i32 to index
      %get3A_1075 = arith.constant 48 : index
      %get3A_1076 = tpu.vector_load %get3A_1073[%get3A_1074, %get3A_1075] {strides = array<i32>} : memref<64x128xf32, #tpu.memory_space<vmem>>, vector<1x16xf32>,
      %get3A_1077 = vector.shape_cast %get3A_1076 : vector<1x16xf32> to vector<16xf32>
      %get3A_1078 = arith.constant 0 : i32
      %get3A_1079 = arith.constant 0 : i32
      %get3A_1080 = tpu.memref_slice %arg13[%scan3A_499, %get3A_1078, %get3A_1079] : memref<4x64x128xf32, #tpu.memory_space<vmem>> -> memref<1x64x128xf32, #tpu.memory_space<vmem>>
      %get3A_1081 = tpu.memref_squeeze %get3A_1080 : memref<1x64x128xf32, #tpu.memory_space<vmem>> -> memref<64x128xf32, #tpu.memory_space<vmem>>
      %get3A_1082 = arith.index_cast %add3A_991 : i32 to index
      %get3A_1083 = arith.constant 48 : index
      %get3A_1084 = tpu.vector_load %get3A_1081[%get3A_1082, %get3A_1083] {strides = array<i32>} : memref<64x128xf32, #tpu.memory_space<vmem>>, vector<1x16xf32>,
      %get3A_1085 = vector.shape_cast %get3A_1084 : vector<1x16xf32> to vector<16xf32>
      %sub3A_1086 = arith.subf %get3A_1077, %get3A_1085 : vector<16xf32>
      %swap3A_1087 = arith.constant 0 : i32
      %swap3A_1088 = arith.constant 0 : i32
      %swap3A_1089 = tpu.memref_slice %arg11[%scan3A_500, %swap3A_1087, %swap3A_1088] : memref<4x64x128xf32, #tpu.memory_space<vmem>> -> memref<1x64x128xf32, #tpu.memory_space<vmem>>
      %swap3A_1090 = tpu.memref_squeeze %swap3A_1089 : memref<1x64x128xf32, #tpu.memory_space<vmem>> -> memref<64x128xf32, #tpu.memory_space<vmem>>
      %swap3A_1091 = arith.index_cast %add3A_991 : i32 to index
      %swap3A_1092 = arith.constant 48 : index
      %swap3A_1093 = tpu.vector_load %swap3A_1090[%swap3A_1091, %swap3A_1092] {strides = array<i32>} : memref<64x128xf32, #tpu.memory_space<vmem>>, vector<1x16xf32>,
      %swap3A_1094 = vector.shape_cast %swap3A_1093 : vector<1x16xf32> to vector<16xf32>
      %swap3A_1095 = vector.shape_cast %sub3A_1086 : vector<16xf32> to vector<1x16xf32>
      tpu.vector_store %swap3A_1090[%swap3A_1091, %swap3A_1092], %swap3A_1095 {add = true, strides = array<i32>} : memref<64x128xf32, #tpu.memory_space<vmem>>, vector<1x16xf32>,
      %get3A_1096 = arith.constant 0 : i32
      %get3A_1097 = arith.constant 0 : i32
      %get3A_1098 = tpu.memref_slice %arg12[%scan3A_498, %get3A_1096, %get3A_1097] : memref<4x64x128xf32, #tpu.memory_space<vmem>> -> memref<1x64x128xf32, #tpu.memory_space<vmem>>
      %get3A_1099 = tpu.memref_squeeze %get3A_1098 : memref<1x64x128xf32, #tpu.memory_space<vmem>> -> memref<64x128xf32, #tpu.memory_space<vmem>>
      %get3A_1100 = arith.index_cast %add3A_991 : i32 to index
      %get3A_1101 = arith.constant 64 : index
      %get3A_1102 = tpu.vector_load %get3A_1099[%get3A_1100, %get3A_1101] {strides = array<i32>} : memref<64x128xf32, #tpu.memory_space<vmem>>, vector<1x16xf32>,
      %get3A_1103 = vector.shape_cast %get3A_1102 : vector<1x16xf32> to vector<16xf32>
      %get3A_1104 = arith.constant 0 : i32
      %get3A_1105 = arith.constant 0 : i32
      %get3A_1106 = tpu.memref_slice %arg13[%scan3A_499, %get3A_1104, %get3A_1105] : memref<4x64x128xf32, #tpu.memory_space<vmem>> -> memref<1x64x128xf32, #tpu.memory_space<vmem>>
      %get3A_1107 = tpu.memref_squeeze %get3A_1106 : memref<1x64x128xf32, #tpu.memory_space<vmem>> -> memref<64x128xf32, #tpu.memory_space<vmem>>
      %get3A_1108 = arith.index_cast %add3A_991 : i32 to index
      %get3A_1109 = arith.constant 64 : index
      %get3A_1110 = tpu.vector_load %get3A_1107[%get3A_1108, %get3A_1109] {strides = array<i32>} : memref<64x128xf32, #tpu.memory_space<vmem>>, vector<1x16xf32>,
      %get3A_1111 = vector.shape_cast %get3A_1110 : vector<1x16xf32> to vector<16xf32>
      %sub3A_1112 = arith.subf %get3A_1103, %get3A_1111 : vector<16xf32>
      %swap3A_1113 = arith.constant 0 : i32
      %swap3A_1114 = arith.constant 0 : i32
      %swap3A_1115 = tpu.memref_slice %arg11[%scan3A_500, %swap3A_1113, %swap3A_1114] : memref<4x64x128xf32, #tpu.memory_space<vmem>> -> memref<1x64x128xf32, #tpu.memory_space<vmem>>
      %swap3A_1116 = tpu.memref_squeeze %swap3A_1115 : memref<1x64x128xf32, #tpu.memory_space<vmem>> -> memref<64x128xf32, #tpu.memory_space<vmem>>
      %swap3A_1117 = arith.index_cast %add3A_991 : i32 to index
      %swap3A_1118 = arith.constant 64 : index
      %swap3A_1119 = tpu.vector_load %swap3A_1116[%swap3A_1117, %swap3A_1118] {strides = array<i32>} : memref<64x128xf32, #tpu.memory_space<vmem>>, vector<1x16xf32>,
      %swap3A_1120 = vector.shape_cast %swap3A_1119 : vector<1x16xf32> to vector<16xf32>
      %swap3A_1121 = vector.shape_cast %sub3A_1112 : vector<16xf32> to vector<1x16xf32>
      tpu.vector_store %swap3A_1116[%swap3A_1117, %swap3A_1118], %swap3A_1121 {add = true, strides = array<i32>} : memref<64x128xf32, #tpu.memory_space<vmem>>, vector<1x16xf32>,
      %get3A_1122 = arith.constant 0 : i32
      %get3A_1123 = arith.constant 0 : i32
      %get3A_1124 = tpu.memref_slice %arg12[%scan3A_498, %get3A_1122, %get3A_1123] : memref<4x64x128xf32, #tpu.memory_space<vmem>> -> memref<1x64x128xf32, #tpu.memory_space<vmem>>
      %get3A_1125 = tpu.memref_squeeze %get3A_1124 : memref<1x64x128xf32, #tpu.memory_space<vmem>> -> memref<64x128xf32, #tpu.memory_space<vmem>>
      %get3A_1126 = arith.index_cast %add3A_991 : i32 to index
      %get3A_1127 = arith.constant 80 : index
      %get3A_1128 = tpu.vector_load %get3A_1125[%get3A_1126, %get3A_1127] {strides = array<i32>} : memref<64x128xf32, #tpu.memory_space<vmem>>, vector<1x16xf32>,
      %get3A_1129 = vector.shape_cast %get3A_1128 : vector<1x16xf32> to vector<16xf32>
      %get3A_1130 = arith.constant 0 : i32
      %get3A_1131 = arith.constant 0 : i32
      %get3A_1132 = tpu.memref_slice %arg13[%scan3A_499, %get3A_1130, %get3A_1131] : memref<4x64x128xf32, #tpu.memory_space<vmem>> -> memref<1x64x128xf32, #tpu.memory_space<vmem>>
      %get3A_1133 = tpu.memref_squeeze %get3A_1132 : memref<1x64x128xf32, #tpu.memory_space<vmem>> -> memref<64x128xf32, #tpu.memory_space<vmem>>
      %get3A_1134 = arith.index_cast %add3A_991 : i32 to index
      %get3A_1135 = arith.constant 80 : index
      %get3A_1136 = tpu.vector_load %get3A_1133[%get3A_1134, %get3A_1135] {strides = array<i32>} : memref<64x128xf32, #tpu.memory_space<vmem>>, vector<1x16xf32>,
      %get3A_1137 = vector.shape_cast %get3A_1136 : vector<1x16xf32> to vector<16xf32>
      %sub3A_1138 = arith.subf %get3A_1129, %get3A_1137 : vector<16xf32>
      %swap3A_1139 = arith.constant 0 : i32
      %swap3A_1140 = arith.constant 0 : i32
      %swap3A_1141 = tpu.memref_slice %arg11[%scan3A_500, %swap3A_1139, %swap3A_1140] : memref<4x64x128xf32, #tpu.memory_space<vmem>> -> memref<1x64x128xf32, #tpu.memory_space<vmem>>
      %swap3A_1142 = tpu.memref_squeeze %swap3A_1141 : memref<1x64x128xf32, #tpu.memory_space<vmem>> -> memref<64x128xf32, #tpu.memory_space<vmem>>
      %swap3A_1143 = arith.index_cast %add3A_991 : i32 to index
      %swap3A_1144 = arith.constant 80 : index
      %swap3A_1145 = tpu.vector_load %swap3A_1142[%swap3A_1143, %swap3A_1144] {strides = array<i32>} : memref<64x128xf32, #tpu.memory_space<vmem>>, vector<1x16xf32>,
      %swap3A_1146 = vector.shape_cast %swap3A_1145 : vector<1x16xf32> to vector<16xf32>
      %swap3A_1147 = vector.shape_cast %sub3A_1138 : vector<16xf32> to vector<1x16xf32>
      tpu.vector_store %swap3A_1142[%swap3A_1143, %swap3A_1144], %swap3A_1147 {add = true, strides = array<i32>} : memref<64x128xf32, #tpu.memory_space<vmem>>, vector<1x16xf32>,
      %get3A_1148 = arith.constant 0 : i32
      %get3A_1149 = arith.constant 0 : i32
      %get3A_1150 = tpu.memref_slice %arg12[%scan3A_498, %get3A_1148, %get3A_1149] : memref<4x64x128xf32, #tpu.memory_space<vmem>> -> memref<1x64x128xf32, #tpu.memory_space<vmem>>
      %get3A_1151 = tpu.memref_squeeze %get3A_1150 : memref<1x64x128xf32, #tpu.memory_space<vmem>> -> memref<64x128xf32, #tpu.memory_space<vmem>>
      %get3A_1152 = arith.index_cast %add3A_991 : i32 to index
      %get3A_1153 = arith.constant 96 : index
      %get3A_1154 = tpu.vector_load %get3A_1151[%get3A_1152, %get3A_1153] {strides = array<i32>} : memref<64x128xf32, #tpu.memory_space<vmem>>, vector<1x16xf32>,
      %get3A_1155 = vector.shape_cast %get3A_1154 : vector<1x16xf32> to vector<16xf32>
      %get3A_1156 = arith.constant 0 : i32
      %get3A_1157 = arith.constant 0 : i32
      %get3A_1158 = tpu.memref_slice %arg13[%scan3A_499, %get3A_1156, %get3A_1157] : memref<4x64x128xf32, #tpu.memory_space<vmem>> -> memref<1x64x128xf32, #tpu.memory_space<vmem>>
      %get3A_1159 = tpu.memref_squeeze %get3A_1158 : memref<1x64x128xf32, #tpu.memory_space<vmem>> -> memref<64x128xf32, #tpu.memory_space<vmem>>
      %get3A_1160 = arith.index_cast %add3A_991 : i32 to index
      %get3A_1161 = arith.constant 96 : index
      %get3A_1162 = tpu.vector_load %get3A_1159[%get3A_1160, %get3A_1161] {strides = array<i32>} : memref<64x128xf32, #tpu.memory_space<vmem>>, vector<1x16xf32>,
      %get3A_1163 = vector.shape_cast %get3A_1162 : vector<1x16xf32> to vector<16xf32>
      %sub3A_1164 = arith.subf %get3A_1155, %get3A_1163 : vector<16xf32>
      %swap3A_1165 = arith.constant 0 : i32
      %swap3A_1166 = arith.constant 0 : i32
      %swap3A_1167 = tpu.memref_slice %arg11[%scan3A_500, %swap3A_1165, %swap3A_1166] : memref<4x64x128xf32, #tpu.memory_space<vmem>> -> memref<1x64x128xf32, #tpu.memory_space<vmem>>
      %swap3A_1168 = tpu.memref_squeeze %swap3A_1167 : memref<1x64x128xf32, #tpu.memory_space<vmem>> -> memref<64x128xf32, #tpu.memory_space<vmem>>
      %swap3A_1169 = arith.index_cast %add3A_991 : i32 to index
      %swap3A_1170 = arith.constant 96 : index
      %swap3A_1171 = tpu.vector_load %swap3A_1168[%swap3A_1169, %swap3A_1170] {strides = array<i32>} : memref<64x128xf32, #tpu.memory_space<vmem>>, vector<1x16xf32>,
      %swap3A_1172 = vector.shape_cast %swap3A_1171 : vector<1x16xf32> to vector<16xf32>
      %swap3A_1173 = vector.shape_cast %sub3A_1164 : vector<16xf32> to vector<1x16xf32>
      tpu.vector_store %swap3A_1168[%swap3A_1169, %swap3A_1170], %swap3A_1173 {add = true, strides = array<i32>} : memref<64x128xf32, #tpu.memory_space<vmem>>, vector<1x16xf32>,
      %get3A_1174 = arith.constant 0 : i32
      %get3A_1175 = arith.constant 0 : i32
      %get3A_1176 = tpu.memref_slice %arg12[%scan3A_498, %get3A_1174, %get3A_1175] : memref<4x64x128xf32, #tpu.memory_space<vmem>> -> memref<1x64x128xf32, #tpu.memory_space<vmem>>
      %get3A_1177 = tpu.memref_squeeze %get3A_1176 : memref<1x64x128xf32, #tpu.memory_space<vmem>> -> memref<64x128xf32, #tpu.memory_space<vmem>>
      %get3A_1178 = arith.index_cast %add3A_991 : i32 to index
      %get3A_1179 = arith.constant 112 : index
      %get3A_1180 = tpu.vector_load %get3A_1177[%get3A_1178, %get3A_1179] {strides = array<i32>} : memref<64x128xf32, #tpu.memory_space<vmem>>, vector<1x16xf32>,
      %get3A_1181 = vector.shape_cast %get3A_1180 : vector<1x16xf32> to vector<16xf32>
      %get3A_1182 = arith.constant 0 : i32
      %get3A_1183 = arith.constant 0 : i32
      %get3A_1184 = tpu.memref_slice %arg13[%scan3A_499, %get3A_1182, %get3A_1183] : memref<4x64x128xf32, #tpu.memory_space<vmem>> -> memref<1x64x128xf32, #tpu.memory_space<vmem>>
      %get3A_1185 = tpu.memref_squeeze %get3A_1184 : memref<1x64x128xf32, #tpu.memory_space<vmem>> -> memref<64x128xf32, #tpu.memory_space<vmem>>
      %get3A_1186 = arith.index_cast %add3A_991 : i32 to index
      %get3A_1187 = arith.constant 112 : index
      %get3A_1188 = tpu.vector_load %get3A_1185[%get3A_1186, %get3A_1187] {strides = array<i32>} : memref<64x128xf32, #tpu.memory_space<vmem>>, vector<1x16xf32>,
      %get3A_1189 = vector.shape_cast %get3A_1188 : vector<1x16xf32> to vector<16xf32>
      %sub3A_1190 = arith.subf %get3A_1181, %get3A_1189 : vector<16xf32>
      %swap3A_1191 = arith.constant 0 : i32
      %swap3A_1192 = arith.constant 0 : i32
      %swap3A_1193 = tpu.memref_slice %arg11[%scan3A_500, %swap3A_1191, %swap3A_1192] : memref<4x64x128xf32, #tpu.memory_space<vmem>> -> memref<1x64x128xf32, #tpu.memory_space<vmem>>
      %swap3A_1194 = tpu.memref_squeeze %swap3A_1193 : memref<1x64x128xf32, #tpu.memory_space<vmem>> -> memref<64x128xf32, #tpu.memory_space<vmem>>
      %swap3A_1195 = arith.index_cast %add3A_991 : i32 to index
      %swap3A_1196 = arith.constant 112 : index
      %swap3A_1197 = tpu.vector_load %swap3A_1194[%swap3A_1195, %swap3A_1196] {strides = array<i32>} : memref<64x128xf32, #tpu.memory_space<vmem>>, vector<1x16xf32>,
      %swap3A_1198 = vector.shape_cast %swap3A_1197 : vector<1x16xf32> to vector<16xf32>
      %swap3A_1199 = vector.shape_cast %sub3A_1190 : vector<16xf32> to vector<1x16xf32>
      tpu.vector_store %swap3A_1194[%swap3A_1195, %swap3A_1196], %swap3A_1199 {add = true, strides = array<i32>} : memref<64x128xf32, #tpu.memory_space<vmem>>, vector<1x16xf32>,
    }
    %scan3A_505 = arith.constant 32 : i32
    %add3A_506 = arith.constant 256 : i32
    %add3A_507 = arith.addi %mul3A_2, %add3A_506 : i32
    %dma_start3A_508 = arith.constant 0 : i32
    %dma_start3A_509 = arith.constant 0 : i32
    %dma_start3A_510 = arith.constant 0 : i32
    %dma_start3A_511 = tpu.memref_slice %arg11[%dma_start3A_508, %dma_start3A_509, %dma_start3A_510] : memref<4x64x128xf32, #tpu.memory_space<vmem>> -> memref<1x64x128xf32, #tpu.memory_space<vmem>>
    %dma_start3A_512 = tpu.memref_squeeze %dma_start3A_511 : memref<1x64x128xf32, #tpu.memory_space<vmem>> -> memref<64x128xf32, #tpu.memory_space<vmem>>
    %dma_start3A_513 = arith.constant 0 : i32
    %dma_start3A_514 = tpu.memref_slice %arg7[%add3A_507, %dma_start3A_513] : memref<16384x128xf32, #tpu.memory_space<hbm>> -> memref<64x128xf32, #tpu.memory_space<hbm>>
    %dma_start3A_515 = arith.constant 0 : i32
    %dma_start3A_516 = tpu.memref_slice %arg7[%add3A_507, %dma_start3A_515] : memref<16384x128xf32, #tpu.memory_space<hbm>> -> memref<64x128xf32, #tpu.memory_space<hbm>>
    %dma_start3A_517 = arith.constant 0 : i32
    %dma_start3A_518 = arith.constant 0 : i32
    %dma_start3A_519 = tpu.memref_slice %arg11[%dma_start3A_508, %dma_start3A_517, %dma_start3A_518] : memref<4x64x128xf32, #tpu.memory_space<vmem>> -> memref<1x64x128xf32, #tpu.memory_space<vmem>>
    %dma_start3A_520 = tpu.memref_squeeze %dma_start3A_519 : memref<1x64x128xf32, #tpu.memory_space<vmem>> -> memref<64x128xf32, #tpu.memory_space<vmem>>
    tpu.enqueue_dma source(%dma_start3A_520 : memref<64x128xf32, #tpu.memory_space<vmem>>) target(%dma_start3A_516 : memref<64x128xf32, #tpu.memory_space<hbm>>) target_semaphore(%arg23 : memref<!tpu.dma_semaphore, #tpu.memory_space<semaphore_mem>>)
    %dma_wait3A_521 = arith.constant 3 : i32
    %dma_wait3A_522 = arith.constant 0 : i32
    %dma_wait3A_523 = arith.constant 0 : i32
    %dma_wait3A_524 = tpu.memref_slice %arg11[%dma_wait3A_521, %dma_wait3A_522, %dma_wait3A_523] : memref<4x64x128xf32, #tpu.memory_space<vmem>> -> memref<1x64x128xf32, #tpu.memory_space<vmem>>
    %dma_wait3A_525 = tpu.memref_squeeze %dma_wait3A_524 : memref<1x64x128xf32, #tpu.memory_space<vmem>> -> memref<64x128xf32, #tpu.memory_space<vmem>>
    %dma_wait3A_526 = arith.constant 0 : i32
    %dma_wait3A_527 = tpu.memref_slice %arg7[%add3A_410, %dma_wait3A_526] : memref<16384x128xf32, #tpu.memory_space<hbm>> -> memref<64x128xf32, #tpu.memory_space<hbm>>
    %dma_wait3A_528 = arith.constant 0 : i32
    %dma_wait3A_529 = tpu.memref_slice %arg7[%add3A_410, %dma_wait3A_528] : memref<16384x128xf32, #tpu.memory_space<hbm>> -> memref<64x128xf32, #tpu.memory_space<hbm>>
    %dma_wait3A_530 = arith.constant 0 : i32
    %dma_wait3A_531 = arith.constant 0 : i32
    %dma_wait3A_532 = tpu.memref_slice %arg11[%dma_wait3A_521, %dma_wait3A_530, %dma_wait3A_531] : memref<4x64x128xf32, #tpu.memory_space<vmem>> -> memref<1x64x128xf32, #tpu.memory_space<vmem>>
    %dma_wait3A_533 = tpu.memref_squeeze %dma_wait3A_532 : memref<1x64x128xf32, #tpu.memory_space<vmem>> -> memref<64x128xf32, #tpu.memory_space<vmem>>
    tpu.wait_dma2 semaphore(%arg26 : memref<!tpu.dma_semaphore, #tpu.memory_space<semaphore_mem>>) src(%dma_wait3A_533 : memref<64x128xf32, #tpu.memory_space<vmem>>) dst(%dma_wait3A_529 : memref<64x128xf32, #tpu.memory_space<hbm>>)
    %dma_start3A_534 = arith.constant 3 : i32
    %dma_start3A_535 = arith.constant 0 : i32
    %dma_start3A_536 = arith.constant 0 : i32
    %dma_start3A_537 = tpu.memref_slice %arg11[%dma_start3A_534, %dma_start3A_535, %dma_start3A_536] : memref<4x64x128xf32, #tpu.memory_space<vmem>> -> memref<1x64x128xf32, #tpu.memory_space<vmem>>
    %dma_start3A_538 = tpu.memref_squeeze %dma_start3A_537 : memref<1x64x128xf32, #tpu.memory_space<vmem>> -> memref<64x128xf32, #tpu.memory_space<vmem>>
    %dma_start3A_539 = arith.constant 448 : i32
    %dma_start3A_540 = tpu.memref_slice %arg8[%dma_start3A_539] : memref<512xi32, #tpu.memory_space<vmem>> -> memref<64xi32, #tpu.memory_space<vmem>>
    %dma_start3A_541 = arith.constant 0 : i32
    %dma_start3A_542 = arith.constant 0 : i32
    %dma_start3A_543 = tpu.memref_slice %arg5[%dma_start3A_541, %dma_start3A_542] : memref<100000x128xf32, #tpu.memory_space<hbm>> -> memref<100000x128xf32, #tpu.memory_space<hbm>>
    tpu.enqueue_indirect_dma source(%dma_start3A_543 : memref<100000x128xf32, #tpu.memory_space<hbm>>) target(%dma_start3A_538 : memref<64x128xf32, #tpu.memory_space<vmem>>) offsets(%dma_start3A_540 : memref<64xi32, #tpu.memory_space<vmem>>) semaphore(%arg18 : memref<!tpu.dma_semaphore, #tpu.memory_space<semaphore_mem>>)
    %dma_start3A_544 = arith.constant 3 : i32
    %dma_start3A_545 = arith.constant 0 : i32
    %dma_start3A_546 = arith.constant 0 : i32
    %dma_start3A_547 = tpu.memref_slice %arg12[%dma_start3A_544, %dma_start3A_545, %dma_start3A_546] : memref<4x64x128xf32, #tpu.memory_space<vmem>> -> memref<1x64x128xf32, #tpu.memory_space<vmem>>
    %dma_start3A_548 = tpu.memref_squeeze %dma_start3A_547 : memref<1x64x128xf32, #tpu.memory_space<vmem>> -> memref<64x128xf32, #tpu.memory_space<vmem>>
    %dma_start3A_549 = arith.constant 448 : i32
    %dma_start3A_550 = tpu.memref_slice %arg9[%dma_start3A_549] : memref<512xi32, #tpu.memory_space<vmem>> -> memref<64xi32, #tpu.memory_space<vmem>>
    %dma_start3A_551 = arith.constant 0 : i32
    %dma_start3A_552 = arith.constant 0 : i32
    %dma_start3A_553 = tpu.memref_slice %arg14[%dma_start3A_551, %dma_start3A_552] : memref<1000x128xf32, #tpu.memory_space<vmem_shared>> -> memref<1000x128xf32, #tpu.memory_space<vmem_shared>>
    tpu.enqueue_indirect_dma source(%dma_start3A_553 : memref<1000x128xf32, #tpu.memory_space<vmem_shared>>) target(%dma_start3A_548 : memref<64x128xf32, #tpu.memory_space<vmem>>) offsets(%dma_start3A_550 : memref<64xi32, #tpu.memory_space<vmem>>) semaphore(%arg22 : memref<!tpu.dma_semaphore, #tpu.memory_space<semaphore_mem>>)
    %dma_start3A_554 = arith.constant 3 : i32
    %dma_start3A_555 = arith.constant 0 : i32
    %dma_start3A_556 = arith.constant 0 : i32
    %dma_start3A_557 = tpu.memref_slice %arg13[%dma_start3A_554, %dma_start3A_555, %dma_start3A_556] : memref<4x64x128xf32, #tpu.memory_space<vmem>> -> memref<1x64x128xf32, #tpu.memory_space<vmem>>
    %dma_start3A_558 = tpu.memref_squeeze %dma_start3A_557 : memref<1x64x128xf32, #tpu.memory_space<vmem>> -> memref<64x128xf32, #tpu.memory_space<vmem>>
    %dma_start3A_559 = arith.constant 448 : i32
    %dma_start3A_560 = tpu.memref_slice %arg10[%dma_start3A_559] : memref<512xi32, #tpu.memory_space<vmem>> -> memref<64xi32, #tpu.memory_space<vmem>>
    %dma_start3A_561 = arith.constant 0 : i32
    %dma_start3A_562 = arith.constant 0 : i32
    %dma_start3A_563 = tpu.memref_slice %arg5[%dma_start3A_561, %dma_start3A_562] : memref<100000x128xf32, #tpu.memory_space<hbm>> -> memref<100000x128xf32, #tpu.memory_space<hbm>>
    tpu.enqueue_indirect_dma source(%dma_start3A_563 : memref<100000x128xf32, #tpu.memory_space<hbm>>) target(%dma_start3A_558 : memref<64x128xf32, #tpu.memory_space<vmem>>) offsets(%dma_start3A_560 : memref<64xi32, #tpu.memory_space<vmem>>) semaphore(%arg18 : memref<!tpu.dma_semaphore, #tpu.memory_space<semaphore_mem>>)
    %dma_wait3A_564 = arith.constant 1 : i32
    %dma_wait3A_565 = arith.constant 0 : i32
    %dma_wait3A_566 = arith.constant 0 : i32
    %dma_wait3A_567 = tpu.memref_slice %arg11[%dma_wait3A_564, %dma_wait3A_565, %dma_wait3A_566] : memref<4x64x128xf32, #tpu.memory_space<vmem>> -> memref<1x64x128xf32, #tpu.memory_space<vmem>>
    %dma_wait3A_568 = tpu.memref_squeeze %dma_wait3A_567 : memref<1x64x128xf32, #tpu.memory_space<vmem>> -> memref<64x128xf32, #tpu.memory_space<vmem>>
    %dma_wait3A_569 = arith.constant 320 : i32
    %dma_wait3A_570 = tpu.memref_slice %arg8[%dma_wait3A_569] : memref<512xi32, #tpu.memory_space<vmem>> -> memref<64xi32, #tpu.memory_space<vmem>>
    %dma_wait3A_571 = arith.constant 0 : i32
    %dma_wait3A_572 = arith.constant 0 : i32
    %dma_wait3A_573 = tpu.memref_slice %arg5[%dma_wait3A_571, %dma_wait3A_572] : memref<100000x128xf32, #tpu.memory_space<hbm>> -> memref<100000x128xf32, #tpu.memory_space<hbm>>
    tpu.wait_indirect_dma semaphore(%arg16 : memref<!tpu.dma_semaphore, #tpu.memory_space<semaphore_mem>>) src(%dma_wait3A_573 : memref<100000x128xf32, #tpu.memory_space<hbm>>) dst(%dma_wait3A_568 : memref<64x128xf32, #tpu.memory_space<vmem>>)
    %dma_wait3A_574 = arith.constant 1 : i32
    %dma_wait3A_575 = arith.constant 0 : i32
    %dma_wait3A_576 = arith.constant 0 : i32
    %dma_wait3A_577 = tpu.memref_slice %arg12[%dma_wait3A_574, %dma_wait3A_575, %dma_wait3A_576] : memref<4x64x128xf32, #tpu.memory_space<vmem>> -> memref<1x64x128xf32, #tpu.memory_space<vmem>>
    %dma_wait3A_578 = tpu.memref_squeeze %dma_wait3A_577 : memref<1x64x128xf32, #tpu.memory_space<vmem>> -> memref<64x128xf32, #tpu.memory_space<vmem>>
    %dma_wait3A_579 = arith.constant 320 : i32
    %dma_wait3A_580 = tpu.memref_slice %arg9[%dma_wait3A_579] : memref<512xi32, #tpu.memory_space<vmem>> -> memref<64xi32, #tpu.memory_space<vmem>>
    %dma_wait3A_581 = arith.constant 0 : i32
    %dma_wait3A_582 = arith.constant 0 : i32
    %dma_wait3A_583 = tpu.memref_slice %arg14[%dma_wait3A_581, %dma_wait3A_582] : memref<1000x128xf32, #tpu.memory_space<vmem_shared>> -> memref<1000x128xf32, #tpu.memory_space<vmem_shared>>
    tpu.wait_indirect_dma semaphore(%arg20 : memref<!tpu.dma_semaphore, #tpu.memory_space<semaphore_mem>>) src(%dma_wait3A_583 : memref<1000x128xf32, #tpu.memory_space<vmem_shared>>) dst(%dma_wait3A_578 : memref<64x128xf32, #tpu.memory_space<vmem>>)
    %dma_wait3A_584 = arith.constant 1 : i32
    %dma_wait3A_585 = arith.constant 0 : i32
    %dma_wait3A_586 = arith.constant 0 : i32
    %dma_wait3A_587 = tpu.memref_slice %arg13[%dma_wait3A_584, %dma_wait3A_585, %dma_wait3A_586] : memref<4x64x128xf32, #tpu.memory_space<vmem>> -> memref<1x64x128xf32, #tpu.memory_space<vmem>>
    %dma_wait3A_588 = tpu.memref_squeeze %dma_wait3A_587 : memref<1x64x128xf32, #tpu.memory_space<vmem>> -> memref<64x128xf32, #tpu.memory_space<vmem>>
    %dma_wait3A_589 = arith.constant 320 : i32
    %dma_wait3A_590 = tpu.memref_slice %arg10[%dma_wait3A_589] : memref<512xi32, #tpu.memory_space<vmem>> -> memref<64xi32, #tpu.memory_space<vmem>>
    %dma_wait3A_591 = arith.constant 0 : i32
    %dma_wait3A_592 = arith.constant 0 : i32
    %dma_wait3A_593 = tpu.memref_slice %arg5[%dma_wait3A_591, %dma_wait3A_592] : memref<100000x128xf32, #tpu.memory_space<hbm>> -> memref<100000x128xf32, #tpu.memory_space<hbm>>
    tpu.wait_indirect_dma semaphore(%arg16 : memref<!tpu.dma_semaphore, #tpu.memory_space<semaphore_mem>>) src(%dma_wait3A_593 : memref<100000x128xf32, #tpu.memory_space<hbm>>) dst(%dma_wait3A_588 : memref<64x128xf32, #tpu.memory_space<vmem>>)
    %scan3A_594 = arith.constant 0 : i32
    %scan3A_595 = arith.constant 1 : i32
    %scan3A_596 = arith.constant 1 : i32
    %scan3A_597 = arith.constant 1 : i32
    %scan3A_598 = arith.constant 0 : i32
    %scan3A_599 = arith.constant 32 : i32
    %scan3A_600 = arith.addi %scan3A_598, %scan3A_599 : i32
    %scan3A_601 = arith.constant 1 : i32
    scf.for %scan3A_778 = %scan3A_598 to %scan3A_600 step %scan3A_601  : i32 {
      %mul3A_779 = arith.constant 2 : i32
      %mul3A_780 = arith.muli %scan3A_778, %mul3A_779 : i32
      %add3A_781 = arith.constant 0 : i32
      %add3A_782 = arith.addi %mul3A_780, %add3A_781 : i32
      %get3A = arith.constant 0 : i32
      %get3A_783 = arith.constant 0 : i32
      %get3A_784 = tpu.memref_slice %arg12[%scan3A_595, %get3A, %get3A_783] : memref<4x64x128xf32, #tpu.memory_space<vmem>> -> memref<1x64x128xf32, #tpu.memory_space<vmem>>
      %get3A_785 = tpu.memref_squeeze %get3A_784 : memref<1x64x128xf32, #tpu.memory_space<vmem>> -> memref<64x128xf32, #tpu.memory_space<vmem>>
      %get3A_786 = arith.index_cast %add3A_782 : i32 to index
      %get3A_787 = arith.constant 0 : index
      %get3A_788 = tpu.vector_load %get3A_785[%get3A_786, %get3A_787] {strides = array<i32>} : memref<64x128xf32, #tpu.memory_space<vmem>>, vector<1x16xf32>,
      %get3A_789 = vector.shape_cast %get3A_788 : vector<1x16xf32> to vector<16xf32>
      %get3A_790 = arith.constant 0 : i32
      %get3A_791 = arith.constant 0 : i32
      %get3A_792 = tpu.memref_slice %arg13[%scan3A_596, %get3A_790, %get3A_791] : memref<4x64x128xf32, #tpu.memory_space<vmem>> -> memref<1x64x128xf32, #tpu.memory_space<vmem>>
      %get3A_793 = tpu.memref_squeeze %get3A_792 : memref<1x64x128xf32, #tpu.memory_space<vmem>> -> memref<64x128xf32, #tpu.memory_space<vmem>>
      %get3A_794 = arith.index_cast %add3A_782 : i32 to index
      %get3A_795 = arith.constant 0 : index
      %get3A_796 = tpu.vector_load %get3A_793[%get3A_794, %get3A_795] {strides = array<i32>} : memref<64x128xf32, #tpu.memory_space<vmem>>, vector<1x16xf32>,
      %get3A_797 = vector.shape_cast %get3A_796 : vector<1x16xf32> to vector<16xf32>
      %sub3A = arith.subf %get3A_789, %get3A_797 : vector<16xf32>
      %swap3A = arith.constant 0 : i32
      %swap3A_798 = arith.constant 0 : i32
      %swap3A_799 = tpu.memref_slice %arg11[%scan3A_597, %swap3A, %swap3A_798] : memref<4x64x128xf32, #tpu.memory_space<vmem>> -> memref<1x64x128xf32, #tpu.memory_space<vmem>>
      %swap3A_800 = tpu.memref_squeeze %swap3A_799 : memref<1x64x128xf32, #tpu.memory_space<vmem>> -> memref<64x128xf32, #tpu.memory_space<vmem>>
      %swap3A_801 = arith.index_cast %add3A_782 : i32 to index
      %swap3A_802 = arith.constant 0 : index
      %swap3A_803 = tpu.vector_load %swap3A_800[%swap3A_801, %swap3A_802] {strides = array<i32>} : memref<64x128xf32, #tpu.memory_space<vmem>>, vector<1x16xf32>,
      %swap3A_804 = vector.shape_cast %swap3A_803 : vector<1x16xf32> to vector<16xf32>
      %swap3A_805 = vector.shape_cast %sub3A : vector<16xf32> to vector<1x16xf32>
      tpu.vector_store %swap3A_800[%swap3A_801, %swap3A_802], %swap3A_805 {add = true, strides = array<i32>} : memref<64x128xf32, #tpu.memory_space<vmem>>, vector<1x16xf32>,
      %get3A_806 = arith.constant 0 : i32
      %get3A_807 = arith.constant 0 : i32
      %get3A_808 = tpu.memref_slice %arg12[%scan3A_595, %get3A_806, %get3A_807] : memref<4x64x128xf32, #tpu.memory_space<vmem>> -> memref<1x64x128xf32, #tpu.memory_space<vmem>>
      %get3A_809 = tpu.memref_squeeze %get3A_808 : memref<1x64x128xf32, #tpu.memory_space<vmem>> -> memref<64x128xf32, #tpu.memory_space<vmem>>
      %get3A_810 = arith.index_cast %add3A_782 : i32 to index
      %get3A_811 = arith.constant 16 : index
      %get3A_812 = tpu.vector_load %get3A_809[%get3A_810, %get3A_811] {strides = array<i32>} : memref<64x128xf32, #tpu.memory_space<vmem>>, vector<1x16xf32>,
      %get3A_813 = vector.shape_cast %get3A_812 : vector<1x16xf32> to vector<16xf32>
      %get3A_814 = arith.constant 0 : i32
      %get3A_815 = arith.constant 0 : i32
      %get3A_816 = tpu.memref_slice %arg13[%scan3A_596, %get3A_814, %get3A_815] : memref<4x64x128xf32, #tpu.memory_space<vmem>> -> memref<1x64x128xf32, #tpu.memory_space<vmem>>
      %get3A_817 = tpu.memref_squeeze %get3A_816 : memref<1x64x128xf32, #tpu.memory_space<vmem>> -> memref<64x128xf32, #tpu.memory_space<vmem>>
      %get3A_818 = arith.index_cast %add3A_782 : i32 to index
      %get3A_819 = arith.constant 16 : index
      %get3A_820 = tpu.vector_load %get3A_817[%get3A_818, %get3A_819] {strides = array<i32>} : memref<64x128xf32, #tpu.memory_space<vmem>>, vector<1x16xf32>,
      %get3A_821 = vector.shape_cast %get3A_820 : vector<1x16xf32> to vector<16xf32>
      %sub3A_822 = arith.subf %get3A_813, %get3A_821 : vector<16xf32>
      %swap3A_823 = arith.constant 0 : i32
      %swap3A_824 = arith.constant 0 : i32
      %swap3A_825 = tpu.memref_slice %arg11[%scan3A_597, %swap3A_823, %swap3A_824] : memref<4x64x128xf32, #tpu.memory_space<vmem>> -> memref<1x64x128xf32, #tpu.memory_space<vmem>>
      %swap3A_826 = tpu.memref_squeeze %swap3A_825 : memref<1x64x128xf32, #tpu.memory_space<vmem>> -> memref<64x128xf32, #tpu.memory_space<vmem>>
      %swap3A_827 = arith.index_cast %add3A_782 : i32 to index
      %swap3A_828 = arith.constant 16 : index
      %swap3A_829 = tpu.vector_load %swap3A_826[%swap3A_827, %swap3A_828] {strides = array<i32>} : memref<64x128xf32, #tpu.memory_space<vmem>>, vector<1x16xf32>,
      %swap3A_830 = vector.shape_cast %swap3A_829 : vector<1x16xf32> to vector<16xf32>
      %swap3A_831 = vector.shape_cast %sub3A_822 : vector<16xf32> to vector<1x16xf32>
      tpu.vector_store %swap3A_826[%swap3A_827, %swap3A_828], %swap3A_831 {add = true, strides = array<i32>} : memref<64x128xf32, #tpu.memory_space<vmem>>, vector<1x16xf32>,
      %get3A_832 = arith.constant 0 : i32
      %get3A_833 = arith.constant 0 : i32
      %get3A_834 = tpu.memref_slice %arg12[%scan3A_595, %get3A_832, %get3A_833] : memref<4x64x128xf32, #tpu.memory_space<vmem>> -> memref<1x64x128xf32, #tpu.memory_space<vmem>>
      %get3A_835 = tpu.memref_squeeze %get3A_834 : memref<1x64x128xf32, #tpu.memory_space<vmem>> -> memref<64x128xf32, #tpu.memory_space<vmem>>
      %get3A_836 = arith.index_cast %add3A_782 : i32 to index
      %get3A_837 = arith.constant 32 : index
      %get3A_838 = tpu.vector_load %get3A_835[%get3A_836, %get3A_837] {strides = array<i32>} : memref<64x128xf32, #tpu.memory_space<vmem>>, vector<1x16xf32>,
      %get3A_839 = vector.shape_cast %get3A_838 : vector<1x16xf32> to vector<16xf32>
      %get3A_840 = arith.constant 0 : i32
      %get3A_841 = arith.constant 0 : i32
      %get3A_842 = tpu.memref_slice %arg13[%scan3A_596, %get3A_840, %get3A_841] : memref<4x64x128xf32, #tpu.memory_space<vmem>> -> memref<1x64x128xf32, #tpu.memory_space<vmem>>
      %get3A_843 = tpu.memref_squeeze %get3A_842 : memref<1x64x128xf32, #tpu.memory_space<vmem>> -> memref<64x128xf32, #tpu.memory_space<vmem>>
      %get3A_844 = arith.index_cast %add3A_782 : i32 to index
      %get3A_845 = arith.constant 32 : index
      %get3A_846 = tpu.vector_load %get3A_843[%get3A_844, %get3A_845] {strides = array<i32>} : memref<64x128xf32, #tpu.memory_space<vmem>>, vector<1x16xf32>,
      %get3A_847 = vector.shape_cast %get3A_846 : vector<1x16xf32> to vector<16xf32>
      %sub3A_848 = arith.subf %get3A_839, %get3A_847 : vector<16xf32>
      %swap3A_849 = arith.constant 0 : i32
      %swap3A_850 = arith.constant 0 : i32
      %swap3A_851 = tpu.memref_slice %arg11[%scan3A_597, %swap3A_849, %swap3A_850] : memref<4x64x128xf32, #tpu.memory_space<vmem>> -> memref<1x64x128xf32, #tpu.memory_space<vmem>>
      %swap3A_852 = tpu.memref_squeeze %swap3A_851 : memref<1x64x128xf32, #tpu.memory_space<vmem>> -> memref<64x128xf32, #tpu.memory_space<vmem>>
      %swap3A_853 = arith.index_cast %add3A_782 : i32 to index
      %swap3A_854 = arith.constant 32 : index
      %swap3A_855 = tpu.vector_load %swap3A_852[%swap3A_853, %swap3A_854] {strides = array<i32>} : memref<64x128xf32, #tpu.memory_space<vmem>>, vector<1x16xf32>,
      %swap3A_856 = vector.shape_cast %swap3A_855 : vector<1x16xf32> to vector<16xf32>
      %swap3A_857 = vector.shape_cast %sub3A_848 : vector<16xf32> to vector<1x16xf32>
      tpu.vector_store %swap3A_852[%swap3A_853, %swap3A_854], %swap3A_857 {add = true, strides = array<i32>} : memref<64x128xf32, #tpu.memory_space<vmem>>, vector<1x16xf32>,
      %get3A_858 = arith.constant 0 : i32
      %get3A_859 = arith.constant 0 : i32
      %get3A_860 = tpu.memref_slice %arg12[%scan3A_595, %get3A_858, %get3A_859] : memref<4x64x128xf32, #tpu.memory_space<vmem>> -> memref<1x64x128xf32, #tpu.memory_space<vmem>>
      %get3A_861 = tpu.memref_squeeze %get3A_860 : memref<1x64x128xf32, #tpu.memory_space<vmem>> -> memref<64x128xf32, #tpu.memory_space<vmem>>
      %get3A_862 = arith.index_cast %add3A_782 : i32 to index
      %get3A_863 = arith.constant 48 : index
      %get3A_864 = tpu.vector_load %get3A_861[%get3A_862, %get3A_863] {strides = array<i32>} : memref<64x128xf32, #tpu.memory_space<vmem>>, vector<1x16xf32>,
      %get3A_865 = vector.shape_cast %get3A_864 : vector<1x16xf32> to vector<16xf32>
      %get3A_866 = arith.constant 0 : i32
      %get3A_867 = arith.constant 0 : i32
      %get3A_868 = tpu.memref_slice %arg13[%scan3A_596, %get3A_866, %get3A_867] : memref<4x64x128xf32, #tpu.memory_space<vmem>> -> memref<1x64x128xf32, #tpu.memory_space<vmem>>
      %get3A_869 = tpu.memref_squeeze %get3A_868 : memref<1x64x128xf32, #tpu.memory_space<vmem>> -> memref<64x128xf32, #tpu.memory_space<vmem>>
      %get3A_870 = arith.index_cast %add3A_782 : i32 to index
      %get3A_871 = arith.constant 48 : index
      %get3A_872 = tpu.vector_load %get3A_869[%get3A_870, %get3A_871] {strides = array<i32>} : memref<64x128xf32, #tpu.memory_space<vmem>>, vector<1x16xf32>,
      %get3A_873 = vector.shape_cast %get3A_872 : vector<1x16xf32> to vector<16xf32>
      %sub3A_874 = arith.subf %get3A_865, %get3A_873 : vector<16xf32>
      %swap3A_875 = arith.constant 0 : i32
      %swap3A_876 = arith.constant 0 : i32
      %swap3A_877 = tpu.memref_slice %arg11[%scan3A_597, %swap3A_875, %swap3A_876] : memref<4x64x128xf32, #tpu.memory_space<vmem>> -> memref<1x64x128xf32, #tpu.memory_space<vmem>>
      %swap3A_878 = tpu.memref_squeeze %swap3A_877 : memref<1x64x128xf32, #tpu.memory_space<vmem>> -> memref<64x128xf32, #tpu.memory_space<vmem>>
      %swap3A_879 = arith.index_cast %add3A_782 : i32 to index
      %swap3A_880 = arith.constant 48 : index
      %swap3A_881 = tpu.vector_load %swap3A_878[%swap3A_879, %swap3A_880] {strides = array<i32>} : memref<64x128xf32, #tpu.memory_space<vmem>>, vector<1x16xf32>,
      %swap3A_882 = vector.shape_cast %swap3A_881 : vector<1x16xf32> to vector<16xf32>
      %swap3A_883 = vector.shape_cast %sub3A_874 : vector<16xf32> to vector<1x16xf32>
      tpu.vector_store %swap3A_878[%swap3A_879, %swap3A_880], %swap3A_883 {add = true, strides = array<i32>} : memref<64x128xf32, #tpu.memory_space<vmem>>, vector<1x16xf32>,
      %get3A_884 = arith.constant 0 : i32
      %get3A_885 = arith.constant 0 : i32
      %get3A_886 = tpu.memref_slice %arg12[%scan3A_595, %get3A_884, %get3A_885] : memref<4x64x128xf32, #tpu.memory_space<vmem>> -> memref<1x64x128xf32, #tpu.memory_space<vmem>>
      %get3A_887 = tpu.memref_squeeze %get3A_886 : memref<1x64x128xf32, #tpu.memory_space<vmem>> -> memref<64x128xf32, #tpu.memory_space<vmem>>
      %get3A_888 = arith.index_cast %add3A_782 : i32 to index
      %get3A_889 = arith.constant 64 : index
      %get3A_890 = tpu.vector_load %get3A_887[%get3A_888, %get3A_889] {strides = array<i32>} : memref<64x128xf32, #tpu.memory_space<vmem>>, vector<1x16xf32>,
      %get3A_891 = vector.shape_cast %get3A_890 : vector<1x16xf32> to vector<16xf32>
      %get3A_892 = arith.constant 0 : i32
      %get3A_893 = arith.constant 0 : i32
      %get3A_894 = tpu.memref_slice %arg13[%scan3A_596, %get3A_892, %get3A_893] : memref<4x64x128xf32, #tpu.memory_space<vmem>> -> memref<1x64x128xf32, #tpu.memory_space<vmem>>
      %get3A_895 = tpu.memref_squeeze %get3A_894 : memref<1x64x128xf32, #tpu.memory_space<vmem>> -> memref<64x128xf32, #tpu.memory_space<vmem>>
      %get3A_896 = arith.index_cast %add3A_782 : i32 to index
      %get3A_897 = arith.constant 64 : index
      %get3A_898 = tpu.vector_load %get3A_895[%get3A_896, %get3A_897] {strides = array<i32>} : memref<64x128xf32, #tpu.memory_space<vmem>>, vector<1x16xf32>,
      %get3A_899 = vector.shape_cast %get3A_898 : vector<1x16xf32> to vector<16xf32>
      %sub3A_900 = arith.subf %get3A_891, %get3A_899 : vector<16xf32>
      %swap3A_901 = arith.constant 0 : i32
      %swap3A_902 = arith.constant 0 : i32
      %swap3A_903 = tpu.memref_slice %arg11[%scan3A_597, %swap3A_901, %swap3A_902] : memref<4x64x128xf32, #tpu.memory_space<vmem>> -> memref<1x64x128xf32, #tpu.memory_space<vmem>>
      %swap3A_904 = tpu.memref_squeeze %swap3A_903 : memref<1x64x128xf32, #tpu.memory_space<vmem>> -> memref<64x128xf32, #tpu.memory_space<vmem>>
      %swap3A_905 = arith.index_cast %add3A_782 : i32 to index
      %swap3A_906 = arith.constant 64 : index
      %swap3A_907 = tpu.vector_load %swap3A_904[%swap3A_905, %swap3A_906] {strides = array<i32>} : memref<64x128xf32, #tpu.memory_space<vmem>>, vector<1x16xf32>,
      %swap3A_908 = vector.shape_cast %swap3A_907 : vector<1x16xf32> to vector<16xf32>
      %swap3A_909 = vector.shape_cast %sub3A_900 : vector<16xf32> to vector<1x16xf32>
      tpu.vector_store %swap3A_904[%swap3A_905, %swap3A_906], %swap3A_909 {add = true, strides = array<i32>} : memref<64x128xf32, #tpu.memory_space<vmem>>, vector<1x16xf32>,
      %get3A_910 = arith.constant 0 : i32
      %get3A_911 = arith.constant 0 : i32
      %get3A_912 = tpu.memref_slice %arg12[%scan3A_595, %get3A_910, %get3A_911] : memref<4x64x128xf32, #tpu.memory_space<vmem>> -> memref<1x64x128xf32, #tpu.memory_space<vmem>>
      %get3A_913 = tpu.memref_squeeze %get3A_912 : memref<1x64x128xf32, #tpu.memory_space<vmem>> -> memref<64x128xf32, #tpu.memory_space<vmem>>
      %get3A_914 = arith.index_cast %add3A_782 : i32 to index
      %get3A_915 = arith.constant 80 : index
      %get3A_916 = tpu.vector_load %get3A_913[%get3A_914, %get3A_915] {strides = array<i32>} : memref<64x128xf32, #tpu.memory_space<vmem>>, vector<1x16xf32>,
      %get3A_917 = vector.shape_cast %get3A_916 : vector<1x16xf32> to vector<16xf32>
      %get3A_918 = arith.constant 0 : i32
      %get3A_919 = arith.constant 0 : i32
      %get3A_920 = tpu.memref_slice %arg13[%scan3A_596, %get3A_918, %get3A_919] : memref<4x64x128xf32, #tpu.memory_space<vmem>> -> memref<1x64x128xf32, #tpu.memory_space<vmem>>
      %get3A_921 = tpu.memref_squeeze %get3A_920 : memref<1x64x128xf32, #tpu.memory_space<vmem>> -> memref<64x128xf32, #tpu.memory_space<vmem>>
      %get3A_922 = arith.index_cast %add3A_782 : i32 to index
      %get3A_923 = arith.constant 80 : index
      %get3A_924 = tpu.vector_load %get3A_921[%get3A_922, %get3A_923] {strides = array<i32>} : memref<64x128xf32, #tpu.memory_space<vmem>>, vector<1x16xf32>,
      %get3A_925 = vector.shape_cast %get3A_924 : vector<1x16xf32> to vector<16xf32>
      %sub3A_926 = arith.subf %get3A_917, %get3A_925 : vector<16xf32>
      %swap3A_927 = arith.constant 0 : i32
      %swap3A_928 = arith.constant 0 : i32
      %swap3A_929 = tpu.memref_slice %arg11[%scan3A_597, %swap3A_927, %swap3A_928] : memref<4x64x128xf32, #tpu.memory_space<vmem>> -> memref<1x64x128xf32, #tpu.memory_space<vmem>>
      %swap3A_930 = tpu.memref_squeeze %swap3A_929 : memref<1x64x128xf32, #tpu.memory_space<vmem>> -> memref<64x128xf32, #tpu.memory_space<vmem>>
      %swap3A_931 = arith.index_cast %add3A_782 : i32 to index
      %swap3A_932 = arith.constant 80 : index
      %swap3A_933 = tpu.vector_load %swap3A_930[%swap3A_931, %swap3A_932] {strides = array<i32>} : memref<64x128xf32, #tpu.memory_space<vmem>>, vector<1x16xf32>,
      %swap3A_934 = vector.shape_cast %swap3A_933 : vector<1x16xf32> to vector<16xf32>
      %swap3A_935 = vector.shape_cast %sub3A_926 : vector<16xf32> to vector<1x16xf32>
      tpu.vector_store %swap3A_930[%swap3A_931, %swap3A_932], %swap3A_935 {add = true, strides = array<i32>} : memref<64x128xf32, #tpu.memory_space<vmem>>, vector<1x16xf32>,
      %get3A_936 = arith.constant 0 : i32
      %get3A_937 = arith.constant 0 : i32
      %get3A_938 = tpu.memref_slice %arg12[%scan3A_595, %get3A_936, %get3A_937] : memref<4x64x128xf32, #tpu.memory_space<vmem>> -> memref<1x64x128xf32, #tpu.memory_space<vmem>>
      %get3A_939 = tpu.memref_squeeze %get3A_938 : memref<1x64x128xf32, #tpu.memory_space<vmem>> -> memref<64x128xf32, #tpu.memory_space<vmem>>
      %get3A_940 = arith.index_cast %add3A_782 : i32 to index
      %get3A_941 = arith.constant 96 : index
      %get3A_942 = tpu.vector_load %get3A_939[%get3A_940, %get3A_941] {strides = array<i32>} : memref<64x128xf32, #tpu.memory_space<vmem>>, vector<1x16xf32>,
      %get3A_943 = vector.shape_cast %get3A_942 : vector<1x16xf32> to vector<16xf32>
      %get3A_944 = arith.constant 0 : i32
      %get3A_945 = arith.constant 0 : i32
      %get3A_946 = tpu.memref_slice %arg13[%scan3A_596, %get3A_944, %get3A_945] : memref<4x64x128xf32, #tpu.memory_space<vmem>> -> memref<1x64x128xf32, #tpu.memory_space<vmem>>
      %get3A_947 = tpu.memref_squeeze %get3A_946 : memref<1x64x128xf32, #tpu.memory_space<vmem>> -> memref<64x128xf32, #tpu.memory_space<vmem>>
      %get3A_948 = arith.index_cast %add3A_782 : i32 to index
      %get3A_949 = arith.constant 96 : index
      %get3A_950 = tpu.vector_load %get3A_947[%get3A_948, %get3A_949] {strides = array<i32>} : memref<64x128xf32, #tpu.memory_space<vmem>>, vector<1x16xf32>,
      %get3A_951 = vector.shape_cast %get3A_950 : vector<1x16xf32> to vector<16xf32>
      %sub3A_952 = arith.subf %get3A_943, %get3A_951 : vector<16xf32>
      %swap3A_953 = arith.constant 0 : i32
      %swap3A_954 = arith.constant 0 : i32
      %swap3A_955 = tpu.memref_slice %arg11[%scan3A_597, %swap3A_953, %swap3A_954] : memref<4x64x128xf32, #tpu.memory_space<vmem>> -> memref<1x64x128xf32, #tpu.memory_space<vmem>>
      %swap3A_956 = tpu.memref_squeeze %swap3A_955 : memref<1x64x128xf32, #tpu.memory_space<vmem>> -> memref<64x128xf32, #tpu.memory_space<vmem>>
      %swap3A_957 = arith.index_cast %add3A_782 : i32 to index
      %swap3A_958 = arith.constant 96 : index
      %swap3A_959 = tpu.vector_load %swap3A_956[%swap3A_957, %swap3A_958] {strides = array<i32>} : memref<64x128xf32, #tpu.memory_space<vmem>>, vector<1x16xf32>,
      %swap3A_960 = vector.shape_cast %swap3A_959 : vector<1x16xf32> to vector<16xf32>
      %swap3A_961 = vector.shape_cast %sub3A_952 : vector<16xf32> to vector<1x16xf32>
      tpu.vector_store %swap3A_956[%swap3A_957, %swap3A_958], %swap3A_961 {add = true, strides = array<i32>} : memref<64x128xf32, #tpu.memory_space<vmem>>, vector<1x16xf32>,
      %get3A_962 = arith.constant 0 : i32
      %get3A_963 = arith.constant 0 : i32
      %get3A_964 = tpu.memref_slice %arg12[%scan3A_595, %get3A_962, %get3A_963] : memref<4x64x128xf32, #tpu.memory_space<vmem>> -> memref<1x64x128xf32, #tpu.memory_space<vmem>>
      %get3A_965 = tpu.memref_squeeze %get3A_964 : memref<1x64x128xf32, #tpu.memory_space<vmem>> -> memref<64x128xf32, #tpu.memory_space<vmem>>
      %get3A_966 = arith.index_cast %add3A_782 : i32 to index
      %get3A_967 = arith.constant 112 : index
      %get3A_968 = tpu.vector_load %get3A_965[%get3A_966, %get3A_967] {strides = array<i32>} : memref<64x128xf32, #tpu.memory_space<vmem>>, vector<1x16xf32>,
      %get3A_969 = vector.shape_cast %get3A_968 : vector<1x16xf32> to vector<16xf32>
      %get3A_970 = arith.constant 0 : i32
      %get3A_971 = arith.constant 0 : i32
      %get3A_972 = tpu.memref_slice %arg13[%scan3A_596, %get3A_970, %get3A_971] : memref<4x64x128xf32, #tpu.memory_space<vmem>> -> memref<1x64x128xf32, #tpu.memory_space<vmem>>
      %get3A_973 = tpu.memref_squeeze %get3A_972 : memref<1x64x128xf32, #tpu.memory_space<vmem>> -> memref<64x128xf32, #tpu.memory_space<vmem>>
      %get3A_974 = arith.index_cast %add3A_782 : i32 to index
      %get3A_975 = arith.constant 112 : index
      %get3A_976 = tpu.vector_load %get3A_973[%get3A_974, %get3A_975] {strides = array<i32>} : memref<64x128xf32, #tpu.memory_space<vmem>>, vector<1x16xf32>,
      %get3A_977 = vector.shape_cast %get3A_976 : vector<1x16xf32> to vector<16xf32>
      %sub3A_978 = arith.subf %get3A_969, %get3A_977 : vector<16xf32>
      %swap3A_979 = arith.constant 0 : i32
      %swap3A_980 = arith.constant 0 : i32
      %swap3A_981 = tpu.memref_slice %arg11[%scan3A_597, %swap3A_979, %swap3A_980] : memref<4x64x128xf32, #tpu.memory_space<vmem>> -> memref<1x64x128xf32, #tpu.memory_space<vmem>>
      %swap3A_982 = tpu.memref_squeeze %swap3A_981 : memref<1x64x128xf32, #tpu.memory_space<vmem>> -> memref<64x128xf32, #tpu.memory_space<vmem>>
      %swap3A_983 = arith.index_cast %add3A_782 : i32 to index
      %swap3A_984 = arith.constant 112 : index
      %swap3A_985 = tpu.vector_load %swap3A_982[%swap3A_983, %swap3A_984] {strides = array<i32>} : memref<64x128xf32, #tpu.memory_space<vmem>>, vector<1x16xf32>,
      %swap3A_986 = vector.shape_cast %swap3A_985 : vector<1x16xf32> to vector<16xf32>
      %swap3A_987 = vector.shape_cast %sub3A_978 : vector<16xf32> to vector<1x16xf32>
      tpu.vector_store %swap3A_982[%swap3A_983, %swap3A_984], %swap3A_987 {add = true, strides = array<i32>} : memref<64x128xf32, #tpu.memory_space<vmem>>, vector<1x16xf32>,
      %mul3A_988 = arith.constant 2 : i32
      %mul3A_989 = arith.muli %scan3A_778, %mul3A_988 : i32
      %add3A_990 = arith.constant 1 : i32
      %add3A_991 = arith.addi %mul3A_989, %add3A_990 : i32
      %get3A_992 = arith.constant 0 : i32
      %get3A_993 = arith.constant 0 : i32
      %get3A_994 = tpu.memref_slice %arg12[%scan3A_595, %get3A_992, %get3A_993] : memref<4x64x128xf32, #tpu.memory_space<vmem>> -> memref<1x64x128xf32, #tpu.memory_space<vmem>>
      %get3A_995 = tpu.memref_squeeze %get3A_994 : memref<1x64x128xf32, #tpu.memory_space<vmem>> -> memref<64x128xf32, #tpu.memory_space<vmem>>
      %get3A_996 = arith.index_cast %add3A_991 : i32 to index
      %get3A_997 = arith.constant 0 : index
      %get3A_998 = tpu.vector_load %get3A_995[%get3A_996, %get3A_997] {strides = array<i32>} : memref<64x128xf32, #tpu.memory_space<vmem>>, vector<1x16xf32>,
      %get3A_999 = vector.shape_cast %get3A_998 : vector<1x16xf32> to vector<16xf32>
      %get3A_1000 = arith.constant 0 : i32
      %get3A_1001 = arith.constant 0 : i32
      %get3A_1002 = tpu.memref_slice %arg13[%scan3A_596, %get3A_1000, %get3A_1001] : memref<4x64x128xf32, #tpu.memory_space<vmem>> -> memref<1x64x128xf32, #tpu.memory_space<vmem>>
      %get3A_1003 = tpu.memref_squeeze %get3A_1002 : memref<1x64x128xf32, #tpu.memory_space<vmem>> -> memref<64x128xf32, #tpu.memory_space<vmem>>
      %get3A_1004 = arith.index_cast %add3A_991 : i32 to index
      %get3A_1005 = arith.constant 0 : index
      %get3A_1006 = tpu.vector_load %get3A_1003[%get3A_1004, %get3A_1005] {strides = array<i32>} : memref<64x128xf32, #tpu.memory_space<vmem>>, vector<1x16xf32>,
      %get3A_1007 = vector.shape_cast %get3A_1006 : vector<1x16xf32> to vector<16xf32>
      %sub3A_1008 = arith.subf %get3A_999, %get3A_1007 : vector<16xf32>
      %swap3A_1009 = arith.constant 0 : i32
      %swap3A_1010 = arith.constant 0 : i32
      %swap3A_1011 = tpu.memref_slice %arg11[%scan3A_597, %swap3A_1009, %swap3A_1010] : memref<4x64x128xf32, #tpu.memory_space<vmem>> -> memref<1x64x128xf32, #tpu.memory_space<vmem>>
      %swap3A_1012 = tpu.memref_squeeze %swap3A_1011 : memref<1x64x128xf32, #tpu.memory_space<vmem>> -> memref<64x128xf32, #tpu.memory_space<vmem>>
      %swap3A_1013 = arith.index_cast %add3A_991 : i32 to index
      %swap3A_1014 = arith.constant 0 : index
      %swap3A_1015 = tpu.vector_load %swap3A_1012[%swap3A_1013, %swap3A_1014] {strides = array<i32>} : memref<64x128xf32, #tpu.memory_space<vmem>>, vector<1x16xf32>,
      %swap3A_1016 = vector.shape_cast %swap3A_1015 : vector<1x16xf32> to vector<16xf32>
      %swap3A_1017 = vector.shape_cast %sub3A_1008 : vector<16xf32> to vector<1x16xf32>
      tpu.vector_store %swap3A_1012[%swap3A_1013, %swap3A_1014], %swap3A_1017 {add = true, strides = array<i32>} : memref<64x128xf32, #tpu.memory_space<vmem>>, vector<1x16xf32>,
      %get3A_1018 = arith.constant 0 : i32
      %get3A_1019 = arith.constant 0 : i32
      %get3A_1020 = tpu.memref_slice %arg12[%scan3A_595, %get3A_1018, %get3A_1019] : memref<4x64x128xf32, #tpu.memory_space<vmem>> -> memref<1x64x128xf32, #tpu.memory_space<vmem>>
      %get3A_1021 = tpu.memref_squeeze %get3A_1020 : memref<1x64x128xf32, #tpu.memory_space<vmem>> -> memref<64x128xf32, #tpu.memory_space<vmem>>
      %get3A_1022 = arith.index_cast %add3A_991 : i32 to index
      %get3A_1023 = arith.constant 16 : index
      %get3A_1024 = tpu.vector_load %get3A_1021[%get3A_1022, %get3A_1023] {strides = array<i32>} : memref<64x128xf32, #tpu.memory_space<vmem>>, vector<1x16xf32>,
      %get3A_1025 = vector.shape_cast %get3A_1024 : vector<1x16xf32> to vector<16xf32>
      %get3A_1026 = arith.constant 0 : i32
      %get3A_1027 = arith.constant 0 : i32
      %get3A_1028 = tpu.memref_slice %arg13[%scan3A_596, %get3A_1026, %get3A_1027] : memref<4x64x128xf32, #tpu.memory_space<vmem>> -> memref<1x64x128xf32, #tpu.memory_space<vmem>>
      %get3A_1029 = tpu.memref_squeeze %get3A_1028 : memref<1x64x128xf32, #tpu.memory_space<vmem>> -> memref<64x128xf32, #tpu.memory_space<vmem>>
      %get3A_1030 = arith.index_cast %add3A_991 : i32 to index
      %get3A_1031 = arith.constant 16 : index
      %get3A_1032 = tpu.vector_load %get3A_1029[%get3A_1030, %get3A_1031] {strides = array<i32>} : memref<64x128xf32, #tpu.memory_space<vmem>>, vector<1x16xf32>,
      %get3A_1033 = vector.shape_cast %get3A_1032 : vector<1x16xf32> to vector<16xf32>
      %sub3A_1034 = arith.subf %get3A_1025, %get3A_1033 : vector<16xf32>
      %swap3A_1035 = arith.constant 0 : i32
      %swap3A_1036 = arith.constant 0 : i32
      %swap3A_1037 = tpu.memref_slice %arg11[%scan3A_597, %swap3A_1035, %swap3A_1036] : memref<4x64x128xf32, #tpu.memory_space<vmem>> -> memref<1x64x128xf32, #tpu.memory_space<vmem>>
      %swap3A_1038 = tpu.memref_squeeze %swap3A_1037 : memref<1x64x128xf32, #tpu.memory_space<vmem>> -> memref<64x128xf32, #tpu.memory_space<vmem>>
      %swap3A_1039 = arith.index_cast %add3A_991 : i32 to index
      %swap3A_1040 = arith.constant 16 : index
      %swap3A_1041 = tpu.vector_load %swap3A_1038[%swap3A_1039, %swap3A_1040] {strides = array<i32>} : memref<64x128xf32, #tpu.memory_space<vmem>>, vector<1x16xf32>,
      %swap3A_1042 = vector.shape_cast %swap3A_1041 : vector<1x16xf32> to vector<16xf32>
      %swap3A_1043 = vector.shape_cast %sub3A_1034 : vector<16xf32> to vector<1x16xf32>
      tpu.vector_store %swap3A_1038[%swap3A_1039, %swap3A_1040], %swap3A_1043 {add = true, strides = array<i32>} : memref<64x128xf32, #tpu.memory_space<vmem>>, vector<1x16xf32>,
      %get3A_1044 = arith.constant 0 : i32
      %get3A_1045 = arith.constant 0 : i32
      %get3A_1046 = tpu.memref_slice %arg12[%scan3A_595, %get3A_1044, %get3A_1045] : memref<4x64x128xf32, #tpu.memory_space<vmem>> -> memref<1x64x128xf32, #tpu.memory_space<vmem>>
      %get3A_1047 = tpu.memref_squeeze %get3A_1046 : memref<1x64x128xf32, #tpu.memory_space<vmem>> -> memref<64x128xf32, #tpu.memory_space<vmem>>
      %get3A_1048 = arith.index_cast %add3A_991 : i32 to index
      %get3A_1049 = arith.constant 32 : index
      %get3A_1050 = tpu.vector_load %get3A_1047[%get3A_1048, %get3A_1049] {strides = array<i32>} : memref<64x128xf32, #tpu.memory_space<vmem>>, vector<1x16xf32>,
      %get3A_1051 = vector.shape_cast %get3A_1050 : vector<1x16xf32> to vector<16xf32>
      %get3A_1052 = arith.constant 0 : i32
      %get3A_1053 = arith.constant 0 : i32
      %get3A_1054 = tpu.memref_slice %arg13[%scan3A_596, %get3A_1052, %get3A_1053] : memref<4x64x128xf32, #tpu.memory_space<vmem>> -> memref<1x64x128xf32, #tpu.memory_space<vmem>>
      %get3A_1055 = tpu.memref_squeeze %get3A_1054 : memref<1x64x128xf32, #tpu.memory_space<vmem>> -> memref<64x128xf32, #tpu.memory_space<vmem>>
      %get3A_1056 = arith.index_cast %add3A_991 : i32 to index
      %get3A_1057 = arith.constant 32 : index
      %get3A_1058 = tpu.vector_load %get3A_1055[%get3A_1056, %get3A_1057] {strides = array<i32>} : memref<64x128xf32, #tpu.memory_space<vmem>>, vector<1x16xf32>,
      %get3A_1059 = vector.shape_cast %get3A_1058 : vector<1x16xf32> to vector<16xf32>
      %sub3A_1060 = arith.subf %get3A_1051, %get3A_1059 : vector<16xf32>
      %swap3A_1061 = arith.constant 0 : i32
      %swap3A_1062 = arith.constant 0 : i32
      %swap3A_1063 = tpu.memref_slice %arg11[%scan3A_597, %swap3A_1061, %swap3A_1062] : memref<4x64x128xf32, #tpu.memory_space<vmem>> -> memref<1x64x128xf32, #tpu.memory_space<vmem>>
      %swap3A_1064 = tpu.memref_squeeze %swap3A_1063 : memref<1x64x128xf32, #tpu.memory_space<vmem>> -> memref<64x128xf32, #tpu.memory_space<vmem>>
      %swap3A_1065 = arith.index_cast %add3A_991 : i32 to index
      %swap3A_1066 = arith.constant 32 : index
      %swap3A_1067 = tpu.vector_load %swap3A_1064[%swap3A_1065, %swap3A_1066] {strides = array<i32>} : memref<64x128xf32, #tpu.memory_space<vmem>>, vector<1x16xf32>,
      %swap3A_1068 = vector.shape_cast %swap3A_1067 : vector<1x16xf32> to vector<16xf32>
      %swap3A_1069 = vector.shape_cast %sub3A_1060 : vector<16xf32> to vector<1x16xf32>
      tpu.vector_store %swap3A_1064[%swap3A_1065, %swap3A_1066], %swap3A_1069 {add = true, strides = array<i32>} : memref<64x128xf32, #tpu.memory_space<vmem>>, vector<1x16xf32>,
      %get3A_1070 = arith.constant 0 : i32
      %get3A_1071 = arith.constant 0 : i32
      %get3A_1072 = tpu.memref_slice %arg12[%scan3A_595, %get3A_1070, %get3A_1071] : memref<4x64x128xf32, #tpu.memory_space<vmem>> -> memref<1x64x128xf32, #tpu.memory_space<vmem>>
      %get3A_1073 = tpu.memref_squeeze %get3A_1072 : memref<1x64x128xf32, #tpu.memory_space<vmem>> -> memref<64x128xf32, #tpu.memory_space<vmem>>
      %get3A_1074 = arith.index_cast %add3A_991 : i32 to index
      %get3A_1075 = arith.constant 48 : index
      %get3A_1076 = tpu.vector_load %get3A_1073[%get3A_1074, %get3A_1075] {strides = array<i32>} : memref<64x128xf32, #tpu.memory_space<vmem>>, vector<1x16xf32>,
      %get3A_1077 = vector.shape_cast %get3A_1076 : vector<1x16xf32> to vector<16xf32>
      %get3A_1078 = arith.constant 0 : i32
      %get3A_1079 = arith.constant 0 : i32
      %get3A_1080 = tpu.memref_slice %arg13[%scan3A_596, %get3A_1078, %get3A_1079] : memref<4x64x128xf32, #tpu.memory_space<vmem>> -> memref<1x64x128xf32, #tpu.memory_space<vmem>>
      %get3A_1081 = tpu.memref_squeeze %get3A_1080 : memref<1x64x128xf32, #tpu.memory_space<vmem>> -> memref<64x128xf32, #tpu.memory_space<vmem>>
      %get3A_1082 = arith.index_cast %add3A_991 : i32 to index
      %get3A_1083 = arith.constant 48 : index
      %get3A_1084 = tpu.vector_load %get3A_1081[%get3A_1082, %get3A_1083] {strides = array<i32>} : memref<64x128xf32, #tpu.memory_space<vmem>>, vector<1x16xf32>,
      %get3A_1085 = vector.shape_cast %get3A_1084 : vector<1x16xf32> to vector<16xf32>
      %sub3A_1086 = arith.subf %get3A_1077, %get3A_1085 : vector<16xf32>
      %swap3A_1087 = arith.constant 0 : i32
      %swap3A_1088 = arith.constant 0 : i32
      %swap3A_1089 = tpu.memref_slice %arg11[%scan3A_597, %swap3A_1087, %swap3A_1088] : memref<4x64x128xf32, #tpu.memory_space<vmem>> -> memref<1x64x128xf32, #tpu.memory_space<vmem>>
      %swap3A_1090 = tpu.memref_squeeze %swap3A_1089 : memref<1x64x128xf32, #tpu.memory_space<vmem>> -> memref<64x128xf32, #tpu.memory_space<vmem>>
      %swap3A_1091 = arith.index_cast %add3A_991 : i32 to index
      %swap3A_1092 = arith.constant 48 : index
      %swap3A_1093 = tpu.vector_load %swap3A_1090[%swap3A_1091, %swap3A_1092] {strides = array<i32>} : memref<64x128xf32, #tpu.memory_space<vmem>>, vector<1x16xf32>,
      %swap3A_1094 = vector.shape_cast %swap3A_1093 : vector<1x16xf32> to vector<16xf32>
      %swap3A_1095 = vector.shape_cast %sub3A_1086 : vector<16xf32> to vector<1x16xf32>
      tpu.vector_store %swap3A_1090[%swap3A_1091, %swap3A_1092], %swap3A_1095 {add = true, strides = array<i32>} : memref<64x128xf32, #tpu.memory_space<vmem>>, vector<1x16xf32>,
      %get3A_1096 = arith.constant 0 : i32
      %get3A_1097 = arith.constant 0 : i32
      %get3A_1098 = tpu.memref_slice %arg12[%scan3A_595, %get3A_1096, %get3A_1097] : memref<4x64x128xf32, #tpu.memory_space<vmem>> -> memref<1x64x128xf32, #tpu.memory_space<vmem>>
      %get3A_1099 = tpu.memref_squeeze %get3A_1098 : memref<1x64x128xf32, #tpu.memory_space<vmem>> -> memref<64x128xf32, #tpu.memory_space<vmem>>
      %get3A_1100 = arith.index_cast %add3A_991 : i32 to index
      %get3A_1101 = arith.constant 64 : index
      %get3A_1102 = tpu.vector_load %get3A_1099[%get3A_1100, %get3A_1101] {strides = array<i32>} : memref<64x128xf32, #tpu.memory_space<vmem>>, vector<1x16xf32>,
      %get3A_1103 = vector.shape_cast %get3A_1102 : vector<1x16xf32> to vector<16xf32>
      %get3A_1104 = arith.constant 0 : i32
      %get3A_1105 = arith.constant 0 : i32
      %get3A_1106 = tpu.memref_slice %arg13[%scan3A_596, %get3A_1104, %get3A_1105] : memref<4x64x128xf32, #tpu.memory_space<vmem>> -> memref<1x64x128xf32, #tpu.memory_space<vmem>>
      %get3A_1107 = tpu.memref_squeeze %get3A_1106 : memref<1x64x128xf32, #tpu.memory_space<vmem>> -> memref<64x128xf32, #tpu.memory_space<vmem>>
      %get3A_1108 = arith.index_cast %add3A_991 : i32 to index
      %get3A_1109 = arith.constant 64 : index
      %get3A_1110 = tpu.vector_load %get3A_1107[%get3A_1108, %get3A_1109] {strides = array<i32>} : memref<64x128xf32, #tpu.memory_space<vmem>>, vector<1x16xf32>,
      %get3A_1111 = vector.shape_cast %get3A_1110 : vector<1x16xf32> to vector<16xf32>
      %sub3A_1112 = arith.subf %get3A_1103, %get3A_1111 : vector<16xf32>
      %swap3A_1113 = arith.constant 0 : i32
      %swap3A_1114 = arith.constant 0 : i32
      %swap3A_1115 = tpu.memref_slice %arg11[%scan3A_597, %swap3A_1113, %swap3A_1114] : memref<4x64x128xf32, #tpu.memory_space<vmem>> -> memref<1x64x128xf32, #tpu.memory_space<vmem>>
      %swap3A_1116 = tpu.memref_squeeze %swap3A_1115 : memref<1x64x128xf32, #tpu.memory_space<vmem>> -> memref<64x128xf32, #tpu.memory_space<vmem>>
      %swap3A_1117 = arith.index_cast %add3A_991 : i32 to index
      %swap3A_1118 = arith.constant 64 : index
      %swap3A_1119 = tpu.vector_load %swap3A_1116[%swap3A_1117, %swap3A_1118] {strides = array<i32>} : memref<64x128xf32, #tpu.memory_space<vmem>>, vector<1x16xf32>,
      %swap3A_1120 = vector.shape_cast %swap3A_1119 : vector<1x16xf32> to vector<16xf32>
      %swap3A_1121 = vector.shape_cast %sub3A_1112 : vector<16xf32> to vector<1x16xf32>
      tpu.vector_store %swap3A_1116[%swap3A_1117, %swap3A_1118], %swap3A_1121 {add = true, strides = array<i32>} : memref<64x128xf32, #tpu.memory_space<vmem>>, vector<1x16xf32>,
      %get3A_1122 = arith.constant 0 : i32
      %get3A_1123 = arith.constant 0 : i32
      %get3A_1124 = tpu.memref_slice %arg12[%scan3A_595, %get3A_1122, %get3A_1123] : memref<4x64x128xf32, #tpu.memory_space<vmem>> -> memref<1x64x128xf32, #tpu.memory_space<vmem>>
      %get3A_1125 = tpu.memref_squeeze %get3A_1124 : memref<1x64x128xf32, #tpu.memory_space<vmem>> -> memref<64x128xf32, #tpu.memory_space<vmem>>
      %get3A_1126 = arith.index_cast %add3A_991 : i32 to index
      %get3A_1127 = arith.constant 80 : index
      %get3A_1128 = tpu.vector_load %get3A_1125[%get3A_1126, %get3A_1127] {strides = array<i32>} : memref<64x128xf32, #tpu.memory_space<vmem>>, vector<1x16xf32>,
      %get3A_1129 = vector.shape_cast %get3A_1128 : vector<1x16xf32> to vector<16xf32>
      %get3A_1130 = arith.constant 0 : i32
      %get3A_1131 = arith.constant 0 : i32
      %get3A_1132 = tpu.memref_slice %arg13[%scan3A_596, %get3A_1130, %get3A_1131] : memref<4x64x128xf32, #tpu.memory_space<vmem>> -> memref<1x64x128xf32, #tpu.memory_space<vmem>>
      %get3A_1133 = tpu.memref_squeeze %get3A_1132 : memref<1x64x128xf32, #tpu.memory_space<vmem>> -> memref<64x128xf32, #tpu.memory_space<vmem>>
      %get3A_1134 = arith.index_cast %add3A_991 : i32 to index
      %get3A_1135 = arith.constant 80 : index
      %get3A_1136 = tpu.vector_load %get3A_1133[%get3A_1134, %get3A_1135] {strides = array<i32>} : memref<64x128xf32, #tpu.memory_space<vmem>>, vector<1x16xf32>,
      %get3A_1137 = vector.shape_cast %get3A_1136 : vector<1x16xf32> to vector<16xf32>
      %sub3A_1138 = arith.subf %get3A_1129, %get3A_1137 : vector<16xf32>
      %swap3A_1139 = arith.constant 0 : i32
      %swap3A_1140 = arith.constant 0 : i32
      %swap3A_1141 = tpu.memref_slice %arg11[%scan3A_597, %swap3A_1139, %swap3A_1140] : memref<4x64x128xf32, #tpu.memory_space<vmem>> -> memref<1x64x128xf32, #tpu.memory_space<vmem>>
      %swap3A_1142 = tpu.memref_squeeze %swap3A_1141 : memref<1x64x128xf32, #tpu.memory_space<vmem>> -> memref<64x128xf32, #tpu.memory_space<vmem>>
      %swap3A_1143 = arith.index_cast %add3A_991 : i32 to index
      %swap3A_1144 = arith.constant 80 : index
      %swap3A_1145 = tpu.vector_load %swap3A_1142[%swap3A_1143, %swap3A_1144] {strides = array<i32>} : memref<64x128xf32, #tpu.memory_space<vmem>>, vector<1x16xf32>,
      %swap3A_1146 = vector.shape_cast %swap3A_1145 : vector<1x16xf32> to vector<16xf32>
      %swap3A_1147 = vector.shape_cast %sub3A_1138 : vector<16xf32> to vector<1x16xf32>
      tpu.vector_store %swap3A_1142[%swap3A_1143, %swap3A_1144], %swap3A_1147 {add = true, strides = array<i32>} : memref<64x128xf32, #tpu.memory_space<vmem>>, vector<1x16xf32>,
      %get3A_1148 = arith.constant 0 : i32
      %get3A_1149 = arith.constant 0 : i32
      %get3A_1150 = tpu.memref_slice %arg12[%scan3A_595, %get3A_1148, %get3A_1149] : memref<4x64x128xf32, #tpu.memory_space<vmem>> -> memref<1x64x128xf32, #tpu.memory_space<vmem>>
      %get3A_1151 = tpu.memref_squeeze %get3A_1150 : memref<1x64x128xf32, #tpu.memory_space<vmem>> -> memref<64x128xf32, #tpu.memory_space<vmem>>
      %get3A_1152 = arith.index_cast %add3A_991 : i32 to index
      %get3A_1153 = arith.constant 96 : index
      %get3A_1154 = tpu.vector_load %get3A_1151[%get3A_1152, %get3A_1153] {strides = array<i32>} : memref<64x128xf32, #tpu.memory_space<vmem>>, vector<1x16xf32>,
      %get3A_1155 = vector.shape_cast %get3A_1154 : vector<1x16xf32> to vector<16xf32>
      %get3A_1156 = arith.constant 0 : i32
      %get3A_1157 = arith.constant 0 : i32
      %get3A_1158 = tpu.memref_slice %arg13[%scan3A_596, %get3A_1156, %get3A_1157] : memref<4x64x128xf32, #tpu.memory_space<vmem>> -> memref<1x64x128xf32, #tpu.memory_space<vmem>>
      %get3A_1159 = tpu.memref_squeeze %get3A_1158 : memref<1x64x128xf32, #tpu.memory_space<vmem>> -> memref<64x128xf32, #tpu.memory_space<vmem>>
      %get3A_1160 = arith.index_cast %add3A_991 : i32 to index
      %get3A_1161 = arith.constant 96 : index
      %get3A_1162 = tpu.vector_load %get3A_1159[%get3A_1160, %get3A_1161] {strides = array<i32>} : memref<64x128xf32, #tpu.memory_space<vmem>>, vector<1x16xf32>,
      %get3A_1163 = vector.shape_cast %get3A_1162 : vector<1x16xf32> to vector<16xf32>
      %sub3A_1164 = arith.subf %get3A_1155, %get3A_1163 : vector<16xf32>
      %swap3A_1165 = arith.constant 0 : i32
      %swap3A_1166 = arith.constant 0 : i32
      %swap3A_1167 = tpu.memref_slice %arg11[%scan3A_597, %swap3A_1165, %swap3A_1166] : memref<4x64x128xf32, #tpu.memory_space<vmem>> -> memref<1x64x128xf32, #tpu.memory_space<vmem>>
      %swap3A_1168 = tpu.memref_squeeze %swap3A_1167 : memref<1x64x128xf32, #tpu.memory_space<vmem>> -> memref<64x128xf32, #tpu.memory_space<vmem>>
      %swap3A_1169 = arith.index_cast %add3A_991 : i32 to index
      %swap3A_1170 = arith.constant 96 : index
      %swap3A_1171 = tpu.vector_load %swap3A_1168[%swap3A_1169, %swap3A_1170] {strides = array<i32>} : memref<64x128xf32, #tpu.memory_space<vmem>>, vector<1x16xf32>,
      %swap3A_1172 = vector.shape_cast %swap3A_1171 : vector<1x16xf32> to vector<16xf32>
      %swap3A_1173 = vector.shape_cast %sub3A_1164 : vector<16xf32> to vector<1x16xf32>
      tpu.vector_store %swap3A_1168[%swap3A_1169, %swap3A_1170], %swap3A_1173 {add = true, strides = array<i32>} : memref<64x128xf32, #tpu.memory_space<vmem>>, vector<1x16xf32>,
      %get3A_1174 = arith.constant 0 : i32
      %get3A_1175 = arith.constant 0 : i32
      %get3A_1176 = tpu.memref_slice %arg12[%scan3A_595, %get3A_1174, %get3A_1175] : memref<4x64x128xf32, #tpu.memory_space<vmem>> -> memref<1x64x128xf32, #tpu.memory_space<vmem>>
      %get3A_1177 = tpu.memref_squeeze %get3A_1176 : memref<1x64x128xf32, #tpu.memory_space<vmem>> -> memref<64x128xf32, #tpu.memory_space<vmem>>
      %get3A_1178 = arith.index_cast %add3A_991 : i32 to index
      %get3A_1179 = arith.constant 112 : index
      %get3A_1180 = tpu.vector_load %get3A_1177[%get3A_1178, %get3A_1179] {strides = array<i32>} : memref<64x128xf32, #tpu.memory_space<vmem>>, vector<1x16xf32>,
      %get3A_1181 = vector.shape_cast %get3A_1180 : vector<1x16xf32> to vector<16xf32>
      %get3A_1182 = arith.constant 0 : i32
      %get3A_1183 = arith.constant 0 : i32
      %get3A_1184 = tpu.memref_slice %arg13[%scan3A_596, %get3A_1182, %get3A_1183] : memref<4x64x128xf32, #tpu.memory_space<vmem>> -> memref<1x64x128xf32, #tpu.memory_space<vmem>>
      %get3A_1185 = tpu.memref_squeeze %get3A_1184 : memref<1x64x128xf32, #tpu.memory_space<vmem>> -> memref<64x128xf32, #tpu.memory_space<vmem>>
      %get3A_1186 = arith.index_cast %add3A_991 : i32 to index
      %get3A_1187 = arith.constant 112 : index
      %get3A_1188 = tpu.vector_load %get3A_1185[%get3A_1186, %get3A_1187] {strides = array<i32>} : memref<64x128xf32, #tpu.memory_space<vmem>>, vector<1x16xf32>,
      %get3A_1189 = vector.shape_cast %get3A_1188 : vector<1x16xf32> to vector<16xf32>
      %sub3A_1190 = arith.subf %get3A_1181, %get3A_1189 : vector<16xf32>
      %swap3A_1191 = arith.constant 0 : i32
      %swap3A_1192 = arith.constant 0 : i32
      %swap3A_1193 = tpu.memref_slice %arg11[%scan3A_597, %swap3A_1191, %swap3A_1192] : memref<4x64x128xf32, #tpu.memory_space<vmem>> -> memref<1x64x128xf32, #tpu.memory_space<vmem>>
      %swap3A_1194 = tpu.memref_squeeze %swap3A_1193 : memref<1x64x128xf32, #tpu.memory_space<vmem>> -> memref<64x128xf32, #tpu.memory_space<vmem>>
      %swap3A_1195 = arith.index_cast %add3A_991 : i32 to index
      %swap3A_1196 = arith.constant 112 : index
      %swap3A_1197 = tpu.vector_load %swap3A_1194[%swap3A_1195, %swap3A_1196] {strides = array<i32>} : memref<64x128xf32, #tpu.memory_space<vmem>>, vector<1x16xf32>,
      %swap3A_1198 = vector.shape_cast %swap3A_1197 : vector<1x16xf32> to vector<16xf32>
      %swap3A_1199 = vector.shape_cast %sub3A_1190 : vector<16xf32> to vector<1x16xf32>
      tpu.vector_store %swap3A_1194[%swap3A_1195, %swap3A_1196], %swap3A_1199 {add = true, strides = array<i32>} : memref<64x128xf32, #tpu.memory_space<vmem>>, vector<1x16xf32>,
    }
    %scan3A_602 = arith.constant 32 : i32
    %add3A_603 = arith.constant 320 : i32
    %add3A_604 = arith.addi %mul3A_2, %add3A_603 : i32
    %dma_start3A_605 = arith.constant 1 : i32
    %dma_start3A_606 = arith.constant 0 : i32
    %dma_start3A_607 = arith.constant 0 : i32
    %dma_start3A_608 = tpu.memref_slice %arg11[%dma_start3A_605, %dma_start3A_606, %dma_start3A_607] : memref<4x64x128xf32, #tpu.memory_space<vmem>> -> memref<1x64x128xf32, #tpu.memory_space<vmem>>
    %dma_start3A_609 = tpu.memref_squeeze %dma_start3A_608 : memref<1x64x128xf32, #tpu.memory_space<vmem>> -> memref<64x128xf32, #tpu.memory_space<vmem>>
    %dma_start3A_610 = arith.constant 0 : i32
    %dma_start3A_611 = tpu.memref_slice %arg7[%add3A_604, %dma_start3A_610] : memref<16384x128xf32, #tpu.memory_space<hbm>> -> memref<64x128xf32, #tpu.memory_space<hbm>>
    %dma_start3A_612 = arith.constant 0 : i32
    %dma_start3A_613 = tpu.memref_slice %arg7[%add3A_604, %dma_start3A_612] : memref<16384x128xf32, #tpu.memory_space<hbm>> -> memref<64x128xf32, #tpu.memory_space<hbm>>
    %dma_start3A_614 = arith.constant 0 : i32
    %dma_start3A_615 = arith.constant 0 : i32
    %dma_start3A_616 = tpu.memref_slice %arg11[%dma_start3A_605, %dma_start3A_614, %dma_start3A_615] : memref<4x64x128xf32, #tpu.memory_space<vmem>> -> memref<1x64x128xf32, #tpu.memory_space<vmem>>
    %dma_start3A_617 = tpu.memref_squeeze %dma_start3A_616 : memref<1x64x128xf32, #tpu.memory_space<vmem>> -> memref<64x128xf32, #tpu.memory_space<vmem>>
    tpu.enqueue_dma source(%dma_start3A_617 : memref<64x128xf32, #tpu.memory_space<vmem>>) target(%dma_start3A_613 : memref<64x128xf32, #tpu.memory_space<hbm>>) target_semaphore(%arg24 : memref<!tpu.dma_semaphore, #tpu.memory_space<semaphore_mem>>)
    %dma_wait3A_618 = arith.constant 2 : i32
    %dma_wait3A_619 = arith.constant 0 : i32
    %dma_wait3A_620 = arith.constant 0 : i32
    %dma_wait3A_621 = tpu.memref_slice %arg11[%dma_wait3A_618, %dma_wait3A_619, %dma_wait3A_620] : memref<4x64x128xf32, #tpu.memory_space<vmem>> -> memref<1x64x128xf32, #tpu.memory_space<vmem>>
    %dma_wait3A_622 = tpu.memref_squeeze %dma_wait3A_621 : memref<1x64x128xf32, #tpu.memory_space<vmem>> -> memref<64x128xf32, #tpu.memory_space<vmem>>
    %dma_wait3A_623 = arith.constant 384 : i32
    %dma_wait3A_624 = tpu.memref_slice %arg8[%dma_wait3A_623] : memref<512xi32, #tpu.memory_space<vmem>> -> memref<64xi32, #tpu.memory_space<vmem>>
    %dma_wait3A_625 = arith.constant 0 : i32
    %dma_wait3A_626 = arith.constant 0 : i32
    %dma_wait3A_627 = tpu.memref_slice %arg5[%dma_wait3A_625, %dma_wait3A_626] : memref<100000x128xf32, #tpu.memory_space<hbm>> -> memref<100000x128xf32, #tpu.memory_space<hbm>>
    tpu.wait_indirect_dma semaphore(%arg17 : memref<!tpu.dma_semaphore, #tpu.memory_space<semaphore_mem>>) src(%dma_wait3A_627 : memref<100000x128xf32, #tpu.memory_space<hbm>>) dst(%dma_wait3A_622 : memref<64x128xf32, #tpu.memory_space<vmem>>)
    %dma_wait3A_628 = arith.constant 2 : i32
    %dma_wait3A_629 = arith.constant 0 : i32
    %dma_wait3A_630 = arith.constant 0 : i32
    %dma_wait3A_631 = tpu.memref_slice %arg12[%dma_wait3A_628, %dma_wait3A_629, %dma_wait3A_630] : memref<4x64x128xf32, #tpu.memory_space<vmem>> -> memref<1x64x128xf32, #tpu.memory_space<vmem>>
    %dma_wait3A_632 = tpu.memref_squeeze %dma_wait3A_631 : memref<1x64x128xf32, #tpu.memory_space<vmem>> -> memref<64x128xf32, #tpu.memory_space<vmem>>
    %dma_wait3A_633 = arith.constant 384 : i32
    %dma_wait3A_634 = tpu.memref_slice %arg9[%dma_wait3A_633] : memref<512xi32, #tpu.memory_space<vmem>> -> memref<64xi32, #tpu.memory_space<vmem>>
    %dma_wait3A_635 = arith.constant 0 : i32
    %dma_wait3A_636 = arith.constant 0 : i32
    %dma_wait3A_637 = tpu.memref_slice %arg14[%dma_wait3A_635, %dma_wait3A_636] : memref<1000x128xf32, #tpu.memory_space<vmem_shared>> -> memref<1000x128xf32, #tpu.memory_space<vmem_shared>>
    tpu.wait_indirect_dma semaphore(%arg21 : memref<!tpu.dma_semaphore, #tpu.memory_space<semaphore_mem>>) src(%dma_wait3A_637 : memref<1000x128xf32, #tpu.memory_space<vmem_shared>>) dst(%dma_wait3A_632 : memref<64x128xf32, #tpu.memory_space<vmem>>)
    %dma_wait3A_638 = arith.constant 2 : i32
    %dma_wait3A_639 = arith.constant 0 : i32
    %dma_wait3A_640 = arith.constant 0 : i32
    %dma_wait3A_641 = tpu.memref_slice %arg13[%dma_wait3A_638, %dma_wait3A_639, %dma_wait3A_640] : memref<4x64x128xf32, #tpu.memory_space<vmem>> -> memref<1x64x128xf32, #tpu.memory_space<vmem>>
    %dma_wait3A_642 = tpu.memref_squeeze %dma_wait3A_641 : memref<1x64x128xf32, #tpu.memory_space<vmem>> -> memref<64x128xf32, #tpu.memory_space<vmem>>
    %dma_wait3A_643 = arith.constant 384 : i32
    %dma_wait3A_644 = tpu.memref_slice %arg10[%dma_wait3A_643] : memref<512xi32, #tpu.memory_space<vmem>> -> memref<64xi32, #tpu.memory_space<vmem>>
    %dma_wait3A_645 = arith.constant 0 : i32
    %dma_wait3A_646 = arith.constant 0 : i32
    %dma_wait3A_647 = tpu.memref_slice %arg5[%dma_wait3A_645, %dma_wait3A_646] : memref<100000x128xf32, #tpu.memory_space<hbm>> -> memref<100000x128xf32, #tpu.memory_space<hbm>>
    tpu.wait_indirect_dma semaphore(%arg17 : memref<!tpu.dma_semaphore, #tpu.memory_space<semaphore_mem>>) src(%dma_wait3A_647 : memref<100000x128xf32, #tpu.memory_space<hbm>>) dst(%dma_wait3A_642 : memref<64x128xf32, #tpu.memory_space<vmem>>)
    %scan3A_648 = arith.constant 0 : i32
    %scan3A_649 = arith.constant 2 : i32
    %scan3A_650 = arith.constant 2 : i32
    %scan3A_651 = arith.constant 2 : i32
    %scan3A_652 = arith.constant 0 : i32
    %scan3A_653 = arith.constant 32 : i32
    %scan3A_654 = arith.addi %scan3A_652, %scan3A_653 : i32
    %scan3A_655 = arith.constant 1 : i32
    scf.for %scan3A_778 = %scan3A_652 to %scan3A_654 step %scan3A_655  : i32 {
      %mul3A_779 = arith.constant 2 : i32
      %mul3A_780 = arith.muli %scan3A_778, %mul3A_779 : i32
      %add3A_781 = arith.constant 0 : i32
      %add3A_782 = arith.addi %mul3A_780, %add3A_781 : i32
      %get3A = arith.constant 0 : i32
      %get3A_783 = arith.constant 0 : i32
      %get3A_784 = tpu.memref_slice %arg12[%scan3A_649, %get3A, %get3A_783] : memref<4x64x128xf32, #tpu.memory_space<vmem>> -> memref<1x64x128xf32, #tpu.memory_space<vmem>>
      %get3A_785 = tpu.memref_squeeze %get3A_784 : memref<1x64x128xf32, #tpu.memory_space<vmem>> -> memref<64x128xf32, #tpu.memory_space<vmem>>
      %get3A_786 = arith.index_cast %add3A_782 : i32 to index
      %get3A_787 = arith.constant 0 : index
      %get3A_788 = tpu.vector_load %get3A_785[%get3A_786, %get3A_787] {strides = array<i32>} : memref<64x128xf32, #tpu.memory_space<vmem>>, vector<1x16xf32>,
      %get3A_789 = vector.shape_cast %get3A_788 : vector<1x16xf32> to vector<16xf32>
      %get3A_790 = arith.constant 0 : i32
      %get3A_791 = arith.constant 0 : i32
      %get3A_792 = tpu.memref_slice %arg13[%scan3A_650, %get3A_790, %get3A_791] : memref<4x64x128xf32, #tpu.memory_space<vmem>> -> memref<1x64x128xf32, #tpu.memory_space<vmem>>
      %get3A_793 = tpu.memref_squeeze %get3A_792 : memref<1x64x128xf32, #tpu.memory_space<vmem>> -> memref<64x128xf32, #tpu.memory_space<vmem>>
      %get3A_794 = arith.index_cast %add3A_782 : i32 to index
      %get3A_795 = arith.constant 0 : index
      %get3A_796 = tpu.vector_load %get3A_793[%get3A_794, %get3A_795] {strides = array<i32>} : memref<64x128xf32, #tpu.memory_space<vmem>>, vector<1x16xf32>,
      %get3A_797 = vector.shape_cast %get3A_796 : vector<1x16xf32> to vector<16xf32>
      %sub3A = arith.subf %get3A_789, %get3A_797 : vector<16xf32>
      %swap3A = arith.constant 0 : i32
      %swap3A_798 = arith.constant 0 : i32
      %swap3A_799 = tpu.memref_slice %arg11[%scan3A_651, %swap3A, %swap3A_798] : memref<4x64x128xf32, #tpu.memory_space<vmem>> -> memref<1x64x128xf32, #tpu.memory_space<vmem>>
      %swap3A_800 = tpu.memref_squeeze %swap3A_799 : memref<1x64x128xf32, #tpu.memory_space<vmem>> -> memref<64x128xf32, #tpu.memory_space<vmem>>
      %swap3A_801 = arith.index_cast %add3A_782 : i32 to index
      %swap3A_802 = arith.constant 0 : index
      %swap3A_803 = tpu.vector_load %swap3A_800[%swap3A_801, %swap3A_802] {strides = array<i32>} : memref<64x128xf32, #tpu.memory_space<vmem>>, vector<1x16xf32>,
      %swap3A_804 = vector.shape_cast %swap3A_803 : vector<1x16xf32> to vector<16xf32>
      %swap3A_805 = vector.shape_cast %sub3A : vector<16xf32> to vector<1x16xf32>
      tpu.vector_store %swap3A_800[%swap3A_801, %swap3A_802], %swap3A_805 {add = true, strides = array<i32>} : memref<64x128xf32, #tpu.memory_space<vmem>>, vector<1x16xf32>,
      %get3A_806 = arith.constant 0 : i32
      %get3A_807 = arith.constant 0 : i32
      %get3A_808 = tpu.memref_slice %arg12[%scan3A_649, %get3A_806, %get3A_807] : memref<4x64x128xf32, #tpu.memory_space<vmem>> -> memref<1x64x128xf32, #tpu.memory_space<vmem>>
      %get3A_809 = tpu.memref_squeeze %get3A_808 : memref<1x64x128xf32, #tpu.memory_space<vmem>> -> memref<64x128xf32, #tpu.memory_space<vmem>>
      %get3A_810 = arith.index_cast %add3A_782 : i32 to index
      %get3A_811 = arith.constant 16 : index
      %get3A_812 = tpu.vector_load %get3A_809[%get3A_810, %get3A_811] {strides = array<i32>} : memref<64x128xf32, #tpu.memory_space<vmem>>, vector<1x16xf32>,
      %get3A_813 = vector.shape_cast %get3A_812 : vector<1x16xf32> to vector<16xf32>
      %get3A_814 = arith.constant 0 : i32
      %get3A_815 = arith.constant 0 : i32
      %get3A_816 = tpu.memref_slice %arg13[%scan3A_650, %get3A_814, %get3A_815] : memref<4x64x128xf32, #tpu.memory_space<vmem>> -> memref<1x64x128xf32, #tpu.memory_space<vmem>>
      %get3A_817 = tpu.memref_squeeze %get3A_816 : memref<1x64x128xf32, #tpu.memory_space<vmem>> -> memref<64x128xf32, #tpu.memory_space<vmem>>
      %get3A_818 = arith.index_cast %add3A_782 : i32 to index
      %get3A_819 = arith.constant 16 : index
      %get3A_820 = tpu.vector_load %get3A_817[%get3A_818, %get3A_819] {strides = array<i32>} : memref<64x128xf32, #tpu.memory_space<vmem>>, vector<1x16xf32>,
      %get3A_821 = vector.shape_cast %get3A_820 : vector<1x16xf32> to vector<16xf32>
      %sub3A_822 = arith.subf %get3A_813, %get3A_821 : vector<16xf32>
      %swap3A_823 = arith.constant 0 : i32
      %swap3A_824 = arith.constant 0 : i32
      %swap3A_825 = tpu.memref_slice %arg11[%scan3A_651, %swap3A_823, %swap3A_824] : memref<4x64x128xf32, #tpu.memory_space<vmem>> -> memref<1x64x128xf32, #tpu.memory_space<vmem>>
      %swap3A_826 = tpu.memref_squeeze %swap3A_825 : memref<1x64x128xf32, #tpu.memory_space<vmem>> -> memref<64x128xf32, #tpu.memory_space<vmem>>
      %swap3A_827 = arith.index_cast %add3A_782 : i32 to index
      %swap3A_828 = arith.constant 16 : index
      %swap3A_829 = tpu.vector_load %swap3A_826[%swap3A_827, %swap3A_828] {strides = array<i32>} : memref<64x128xf32, #tpu.memory_space<vmem>>, vector<1x16xf32>,
      %swap3A_830 = vector.shape_cast %swap3A_829 : vector<1x16xf32> to vector<16xf32>
      %swap3A_831 = vector.shape_cast %sub3A_822 : vector<16xf32> to vector<1x16xf32>
      tpu.vector_store %swap3A_826[%swap3A_827, %swap3A_828], %swap3A_831 {add = true, strides = array<i32>} : memref<64x128xf32, #tpu.memory_space<vmem>>, vector<1x16xf32>,
      %get3A_832 = arith.constant 0 : i32
      %get3A_833 = arith.constant 0 : i32
      %get3A_834 = tpu.memref_slice %arg12[%scan3A_649, %get3A_832, %get3A_833] : memref<4x64x128xf32, #tpu.memory_space<vmem>> -> memref<1x64x128xf32, #tpu.memory_space<vmem>>
      %get3A_835 = tpu.memref_squeeze %get3A_834 : memref<1x64x128xf32, #tpu.memory_space<vmem>> -> memref<64x128xf32, #tpu.memory_space<vmem>>
      %get3A_836 = arith.index_cast %add3A_782 : i32 to index
      %get3A_837 = arith.constant 32 : index
      %get3A_838 = tpu.vector_load %get3A_835[%get3A_836, %get3A_837] {strides = array<i32>} : memref<64x128xf32, #tpu.memory_space<vmem>>, vector<1x16xf32>,
      %get3A_839 = vector.shape_cast %get3A_838 : vector<1x16xf32> to vector<16xf32>
      %get3A_840 = arith.constant 0 : i32
      %get3A_841 = arith.constant 0 : i32
      %get3A_842 = tpu.memref_slice %arg13[%scan3A_650, %get3A_840, %get3A_841] : memref<4x64x128xf32, #tpu.memory_space<vmem>> -> memref<1x64x128xf32, #tpu.memory_space<vmem>>
      %get3A_843 = tpu.memref_squeeze %get3A_842 : memref<1x64x128xf32, #tpu.memory_space<vmem>> -> memref<64x128xf32, #tpu.memory_space<vmem>>
      %get3A_844 = arith.index_cast %add3A_782 : i32 to index
      %get3A_845 = arith.constant 32 : index
      %get3A_846 = tpu.vector_load %get3A_843[%get3A_844, %get3A_845] {strides = array<i32>} : memref<64x128xf32, #tpu.memory_space<vmem>>, vector<1x16xf32>,
      %get3A_847 = vector.shape_cast %get3A_846 : vector<1x16xf32> to vector<16xf32>
      %sub3A_848 = arith.subf %get3A_839, %get3A_847 : vector<16xf32>
      %swap3A_849 = arith.constant 0 : i32
      %swap3A_850 = arith.constant 0 : i32
      %swap3A_851 = tpu.memref_slice %arg11[%scan3A_651, %swap3A_849, %swap3A_850] : memref<4x64x128xf32, #tpu.memory_space<vmem>> -> memref<1x64x128xf32, #tpu.memory_space<vmem>>
      %swap3A_852 = tpu.memref_squeeze %swap3A_851 : memref<1x64x128xf32, #tpu.memory_space<vmem>> -> memref<64x128xf32, #tpu.memory_space<vmem>>
      %swap3A_853 = arith.index_cast %add3A_782 : i32 to index
      %swap3A_854 = arith.constant 32 : index
      %swap3A_855 = tpu.vector_load %swap3A_852[%swap3A_853, %swap3A_854] {strides = array<i32>} : memref<64x128xf32, #tpu.memory_space<vmem>>, vector<1x16xf32>,
      %swap3A_856 = vector.shape_cast %swap3A_855 : vector<1x16xf32> to vector<16xf32>
      %swap3A_857 = vector.shape_cast %sub3A_848 : vector<16xf32> to vector<1x16xf32>
      tpu.vector_store %swap3A_852[%swap3A_853, %swap3A_854], %swap3A_857 {add = true, strides = array<i32>} : memref<64x128xf32, #tpu.memory_space<vmem>>, vector<1x16xf32>,
      %get3A_858 = arith.constant 0 : i32
      %get3A_859 = arith.constant 0 : i32
      %get3A_860 = tpu.memref_slice %arg12[%scan3A_649, %get3A_858, %get3A_859] : memref<4x64x128xf32, #tpu.memory_space<vmem>> -> memref<1x64x128xf32, #tpu.memory_space<vmem>>
      %get3A_861 = tpu.memref_squeeze %get3A_860 : memref<1x64x128xf32, #tpu.memory_space<vmem>> -> memref<64x128xf32, #tpu.memory_space<vmem>>
      %get3A_862 = arith.index_cast %add3A_782 : i32 to index
      %get3A_863 = arith.constant 48 : index
      %get3A_864 = tpu.vector_load %get3A_861[%get3A_862, %get3A_863] {strides = array<i32>} : memref<64x128xf32, #tpu.memory_space<vmem>>, vector<1x16xf32>,
      %get3A_865 = vector.shape_cast %get3A_864 : vector<1x16xf32> to vector<16xf32>
      %get3A_866 = arith.constant 0 : i32
      %get3A_867 = arith.constant 0 : i32
      %get3A_868 = tpu.memref_slice %arg13[%scan3A_650, %get3A_866, %get3A_867] : memref<4x64x128xf32, #tpu.memory_space<vmem>> -> memref<1x64x128xf32, #tpu.memory_space<vmem>>
      %get3A_869 = tpu.memref_squeeze %get3A_868 : memref<1x64x128xf32, #tpu.memory_space<vmem>> -> memref<64x128xf32, #tpu.memory_space<vmem>>
      %get3A_870 = arith.index_cast %add3A_782 : i32 to index
      %get3A_871 = arith.constant 48 : index
      %get3A_872 = tpu.vector_load %get3A_869[%get3A_870, %get3A_871] {strides = array<i32>} : memref<64x128xf32, #tpu.memory_space<vmem>>, vector<1x16xf32>,
      %get3A_873 = vector.shape_cast %get3A_872 : vector<1x16xf32> to vector<16xf32>
      %sub3A_874 = arith.subf %get3A_865, %get3A_873 : vector<16xf32>
      %swap3A_875 = arith.constant 0 : i32
      %swap3A_876 = arith.constant 0 : i32
      %swap3A_877 = tpu.memref_slice %arg11[%scan3A_651, %swap3A_875, %swap3A_876] : memref<4x64x128xf32, #tpu.memory_space<vmem>> -> memref<1x64x128xf32, #tpu.memory_space<vmem>>
      %swap3A_878 = tpu.memref_squeeze %swap3A_877 : memref<1x64x128xf32, #tpu.memory_space<vmem>> -> memref<64x128xf32, #tpu.memory_space<vmem>>
      %swap3A_879 = arith.index_cast %add3A_782 : i32 to index
      %swap3A_880 = arith.constant 48 : index
      %swap3A_881 = tpu.vector_load %swap3A_878[%swap3A_879, %swap3A_880] {strides = array<i32>} : memref<64x128xf32, #tpu.memory_space<vmem>>, vector<1x16xf32>,
      %swap3A_882 = vector.shape_cast %swap3A_881 : vector<1x16xf32> to vector<16xf32>
      %swap3A_883 = vector.shape_cast %sub3A_874 : vector<16xf32> to vector<1x16xf32>
      tpu.vector_store %swap3A_878[%swap3A_879, %swap3A_880], %swap3A_883 {add = true, strides = array<i32>} : memref<64x128xf32, #tpu.memory_space<vmem>>, vector<1x16xf32>,
      %get3A_884 = arith.constant 0 : i32
      %get3A_885 = arith.constant 0 : i32
      %get3A_886 = tpu.memref_slice %arg12[%scan3A_649, %get3A_884, %get3A_885] : memref<4x64x128xf32, #tpu.memory_space<vmem>> -> memref<1x64x128xf32, #tpu.memory_space<vmem>>
      %get3A_887 = tpu.memref_squeeze %get3A_886 : memref<1x64x128xf32, #tpu.memory_space<vmem>> -> memref<64x128xf32, #tpu.memory_space<vmem>>
      %get3A_888 = arith.index_cast %add3A_782 : i32 to index
      %get3A_889 = arith.constant 64 : index
      %get3A_890 = tpu.vector_load %get3A_887[%get3A_888, %get3A_889] {strides = array<i32>} : memref<64x128xf32, #tpu.memory_space<vmem>>, vector<1x16xf32>,
      %get3A_891 = vector.shape_cast %get3A_890 : vector<1x16xf32> to vector<16xf32>
      %get3A_892 = arith.constant 0 : i32
      %get3A_893 = arith.constant 0 : i32
      %get3A_894 = tpu.memref_slice %arg13[%scan3A_650, %get3A_892, %get3A_893] : memref<4x64x128xf32, #tpu.memory_space<vmem>> -> memref<1x64x128xf32, #tpu.memory_space<vmem>>
      %get3A_895 = tpu.memref_squeeze %get3A_894 : memref<1x64x128xf32, #tpu.memory_space<vmem>> -> memref<64x128xf32, #tpu.memory_space<vmem>>
      %get3A_896 = arith.index_cast %add3A_782 : i32 to index
      %get3A_897 = arith.constant 64 : index
      %get3A_898 = tpu.vector_load %get3A_895[%get3A_896, %get3A_897] {strides = array<i32>} : memref<64x128xf32, #tpu.memory_space<vmem>>, vector<1x16xf32>,
      %get3A_899 = vector.shape_cast %get3A_898 : vector<1x16xf32> to vector<16xf32>
      %sub3A_900 = arith.subf %get3A_891, %get3A_899 : vector<16xf32>
      %swap3A_901 = arith.constant 0 : i32
      %swap3A_902 = arith.constant 0 : i32
      %swap3A_903 = tpu.memref_slice %arg11[%scan3A_651, %swap3A_901, %swap3A_902] : memref<4x64x128xf32, #tpu.memory_space<vmem>> -> memref<1x64x128xf32, #tpu.memory_space<vmem>>
      %swap3A_904 = tpu.memref_squeeze %swap3A_903 : memref<1x64x128xf32, #tpu.memory_space<vmem>> -> memref<64x128xf32, #tpu.memory_space<vmem>>
      %swap3A_905 = arith.index_cast %add3A_782 : i32 to index
      %swap3A_906 = arith.constant 64 : index
      %swap3A_907 = tpu.vector_load %swap3A_904[%swap3A_905, %swap3A_906] {strides = array<i32>} : memref<64x128xf32, #tpu.memory_space<vmem>>, vector<1x16xf32>,
      %swap3A_908 = vector.shape_cast %swap3A_907 : vector<1x16xf32> to vector<16xf32>
      %swap3A_909 = vector.shape_cast %sub3A_900 : vector<16xf32> to vector<1x16xf32>
      tpu.vector_store %swap3A_904[%swap3A_905, %swap3A_906], %swap3A_909 {add = true, strides = array<i32>} : memref<64x128xf32, #tpu.memory_space<vmem>>, vector<1x16xf32>,
      %get3A_910 = arith.constant 0 : i32
      %get3A_911 = arith.constant 0 : i32
      %get3A_912 = tpu.memref_slice %arg12[%scan3A_649, %get3A_910, %get3A_911] : memref<4x64x128xf32, #tpu.memory_space<vmem>> -> memref<1x64x128xf32, #tpu.memory_space<vmem>>
      %get3A_913 = tpu.memref_squeeze %get3A_912 : memref<1x64x128xf32, #tpu.memory_space<vmem>> -> memref<64x128xf32, #tpu.memory_space<vmem>>
      %get3A_914 = arith.index_cast %add3A_782 : i32 to index
      %get3A_915 = arith.constant 80 : index
      %get3A_916 = tpu.vector_load %get3A_913[%get3A_914, %get3A_915] {strides = array<i32>} : memref<64x128xf32, #tpu.memory_space<vmem>>, vector<1x16xf32>,
      %get3A_917 = vector.shape_cast %get3A_916 : vector<1x16xf32> to vector<16xf32>
      %get3A_918 = arith.constant 0 : i32
      %get3A_919 = arith.constant 0 : i32
      %get3A_920 = tpu.memref_slice %arg13[%scan3A_650, %get3A_918, %get3A_919] : memref<4x64x128xf32, #tpu.memory_space<vmem>> -> memref<1x64x128xf32, #tpu.memory_space<vmem>>
      %get3A_921 = tpu.memref_squeeze %get3A_920 : memref<1x64x128xf32, #tpu.memory_space<vmem>> -> memref<64x128xf32, #tpu.memory_space<vmem>>
      %get3A_922 = arith.index_cast %add3A_782 : i32 to index
      %get3A_923 = arith.constant 80 : index
      %get3A_924 = tpu.vector_load %get3A_921[%get3A_922, %get3A_923] {strides = array<i32>} : memref<64x128xf32, #tpu.memory_space<vmem>>, vector<1x16xf32>,
      %get3A_925 = vector.shape_cast %get3A_924 : vector<1x16xf32> to vector<16xf32>
      %sub3A_926 = arith.subf %get3A_917, %get3A_925 : vector<16xf32>
      %swap3A_927 = arith.constant 0 : i32
      %swap3A_928 = arith.constant 0 : i32
      %swap3A_929 = tpu.memref_slice %arg11[%scan3A_651, %swap3A_927, %swap3A_928] : memref<4x64x128xf32, #tpu.memory_space<vmem>> -> memref<1x64x128xf32, #tpu.memory_space<vmem>>
      %swap3A_930 = tpu.memref_squeeze %swap3A_929 : memref<1x64x128xf32, #tpu.memory_space<vmem>> -> memref<64x128xf32, #tpu.memory_space<vmem>>
      %swap3A_931 = arith.index_cast %add3A_782 : i32 to index
      %swap3A_932 = arith.constant 80 : index
      %swap3A_933 = tpu.vector_load %swap3A_930[%swap3A_931, %swap3A_932] {strides = array<i32>} : memref<64x128xf32, #tpu.memory_space<vmem>>, vector<1x16xf32>,
      %swap3A_934 = vector.shape_cast %swap3A_933 : vector<1x16xf32> to vector<16xf32>
      %swap3A_935 = vector.shape_cast %sub3A_926 : vector<16xf32> to vector<1x16xf32>
      tpu.vector_store %swap3A_930[%swap3A_931, %swap3A_932], %swap3A_935 {add = true, strides = array<i32>} : memref<64x128xf32, #tpu.memory_space<vmem>>, vector<1x16xf32>,
      %get3A_936 = arith.constant 0 : i32
      %get3A_937 = arith.constant 0 : i32
      %get3A_938 = tpu.memref_slice %arg12[%scan3A_649, %get3A_936, %get3A_937] : memref<4x64x128xf32, #tpu.memory_space<vmem>> -> memref<1x64x128xf32, #tpu.memory_space<vmem>>
      %get3A_939 = tpu.memref_squeeze %get3A_938 : memref<1x64x128xf32, #tpu.memory_space<vmem>> -> memref<64x128xf32, #tpu.memory_space<vmem>>
      %get3A_940 = arith.index_cast %add3A_782 : i32 to index
      %get3A_941 = arith.constant 96 : index
      %get3A_942 = tpu.vector_load %get3A_939[%get3A_940, %get3A_941] {strides = array<i32>} : memref<64x128xf32, #tpu.memory_space<vmem>>, vector<1x16xf32>,
      %get3A_943 = vector.shape_cast %get3A_942 : vector<1x16xf32> to vector<16xf32>
      %get3A_944 = arith.constant 0 : i32
      %get3A_945 = arith.constant 0 : i32
      %get3A_946 = tpu.memref_slice %arg13[%scan3A_650, %get3A_944, %get3A_945] : memref<4x64x128xf32, #tpu.memory_space<vmem>> -> memref<1x64x128xf32, #tpu.memory_space<vmem>>
      %get3A_947 = tpu.memref_squeeze %get3A_946 : memref<1x64x128xf32, #tpu.memory_space<vmem>> -> memref<64x128xf32, #tpu.memory_space<vmem>>
      %get3A_948 = arith.index_cast %add3A_782 : i32 to index
      %get3A_949 = arith.constant 96 : index
      %get3A_950 = tpu.vector_load %get3A_947[%get3A_948, %get3A_949] {strides = array<i32>} : memref<64x128xf32, #tpu.memory_space<vmem>>, vector<1x16xf32>,
      %get3A_951 = vector.shape_cast %get3A_950 : vector<1x16xf32> to vector<16xf32>
      %sub3A_952 = arith.subf %get3A_943, %get3A_951 : vector<16xf32>
      %swap3A_953 = arith.constant 0 : i32
      %swap3A_954 = arith.constant 0 : i32
      %swap3A_955 = tpu.memref_slice %arg11[%scan3A_651, %swap3A_953, %swap3A_954] : memref<4x64x128xf32, #tpu.memory_space<vmem>> -> memref<1x64x128xf32, #tpu.memory_space<vmem>>
      %swap3A_956 = tpu.memref_squeeze %swap3A_955 : memref<1x64x128xf32, #tpu.memory_space<vmem>> -> memref<64x128xf32, #tpu.memory_space<vmem>>
      %swap3A_957 = arith.index_cast %add3A_782 : i32 to index
      %swap3A_958 = arith.constant 96 : index
      %swap3A_959 = tpu.vector_load %swap3A_956[%swap3A_957, %swap3A_958] {strides = array<i32>} : memref<64x128xf32, #tpu.memory_space<vmem>>, vector<1x16xf32>,
      %swap3A_960 = vector.shape_cast %swap3A_959 : vector<1x16xf32> to vector<16xf32>
      %swap3A_961 = vector.shape_cast %sub3A_952 : vector<16xf32> to vector<1x16xf32>
      tpu.vector_store %swap3A_956[%swap3A_957, %swap3A_958], %swap3A_961 {add = true, strides = array<i32>} : memref<64x128xf32, #tpu.memory_space<vmem>>, vector<1x16xf32>,
      %get3A_962 = arith.constant 0 : i32
      %get3A_963 = arith.constant 0 : i32
      %get3A_964 = tpu.memref_slice %arg12[%scan3A_649, %get3A_962, %get3A_963] : memref<4x64x128xf32, #tpu.memory_space<vmem>> -> memref<1x64x128xf32, #tpu.memory_space<vmem>>
      %get3A_965 = tpu.memref_squeeze %get3A_964 : memref<1x64x128xf32, #tpu.memory_space<vmem>> -> memref<64x128xf32, #tpu.memory_space<vmem>>
      %get3A_966 = arith.index_cast %add3A_782 : i32 to index
      %get3A_967 = arith.constant 112 : index
      %get3A_968 = tpu.vector_load %get3A_965[%get3A_966, %get3A_967] {strides = array<i32>} : memref<64x128xf32, #tpu.memory_space<vmem>>, vector<1x16xf32>,
      %get3A_969 = vector.shape_cast %get3A_968 : vector<1x16xf32> to vector<16xf32>
      %get3A_970 = arith.constant 0 : i32
      %get3A_971 = arith.constant 0 : i32
      %get3A_972 = tpu.memref_slice %arg13[%scan3A_650, %get3A_970, %get3A_971] : memref<4x64x128xf32, #tpu.memory_space<vmem>> -> memref<1x64x128xf32, #tpu.memory_space<vmem>>
      %get3A_973 = tpu.memref_squeeze %get3A_972 : memref<1x64x128xf32, #tpu.memory_space<vmem>> -> memref<64x128xf32, #tpu.memory_space<vmem>>
      %get3A_974 = arith.index_cast %add3A_782 : i32 to index
      %get3A_975 = arith.constant 112 : index
      %get3A_976 = tpu.vector_load %get3A_973[%get3A_974, %get3A_975] {strides = array<i32>} : memref<64x128xf32, #tpu.memory_space<vmem>>, vector<1x16xf32>,
      %get3A_977 = vector.shape_cast %get3A_976 : vector<1x16xf32> to vector<16xf32>
      %sub3A_978 = arith.subf %get3A_969, %get3A_977 : vector<16xf32>
      %swap3A_979 = arith.constant 0 : i32
      %swap3A_980 = arith.constant 0 : i32
      %swap3A_981 = tpu.memref_slice %arg11[%scan3A_651, %swap3A_979, %swap3A_980] : memref<4x64x128xf32, #tpu.memory_space<vmem>> -> memref<1x64x128xf32, #tpu.memory_space<vmem>>
      %swap3A_982 = tpu.memref_squeeze %swap3A_981 : memref<1x64x128xf32, #tpu.memory_space<vmem>> -> memref<64x128xf32, #tpu.memory_space<vmem>>
      %swap3A_983 = arith.index_cast %add3A_782 : i32 to index
      %swap3A_984 = arith.constant 112 : index
      %swap3A_985 = tpu.vector_load %swap3A_982[%swap3A_983, %swap3A_984] {strides = array<i32>} : memref<64x128xf32, #tpu.memory_space<vmem>>, vector<1x16xf32>,
      %swap3A_986 = vector.shape_cast %swap3A_985 : vector<1x16xf32> to vector<16xf32>
      %swap3A_987 = vector.shape_cast %sub3A_978 : vector<16xf32> to vector<1x16xf32>
      tpu.vector_store %swap3A_982[%swap3A_983, %swap3A_984], %swap3A_987 {add = true, strides = array<i32>} : memref<64x128xf32, #tpu.memory_space<vmem>>, vector<1x16xf32>,
      %mul3A_988 = arith.constant 2 : i32
      %mul3A_989 = arith.muli %scan3A_778, %mul3A_988 : i32
      %add3A_990 = arith.constant 1 : i32
      %add3A_991 = arith.addi %mul3A_989, %add3A_990 : i32
      %get3A_992 = arith.constant 0 : i32
      %get3A_993 = arith.constant 0 : i32
      %get3A_994 = tpu.memref_slice %arg12[%scan3A_649, %get3A_992, %get3A_993] : memref<4x64x128xf32, #tpu.memory_space<vmem>> -> memref<1x64x128xf32, #tpu.memory_space<vmem>>
      %get3A_995 = tpu.memref_squeeze %get3A_994 : memref<1x64x128xf32, #tpu.memory_space<vmem>> -> memref<64x128xf32, #tpu.memory_space<vmem>>
      %get3A_996 = arith.index_cast %add3A_991 : i32 to index
      %get3A_997 = arith.constant 0 : index
      %get3A_998 = tpu.vector_load %get3A_995[%get3A_996, %get3A_997] {strides = array<i32>} : memref<64x128xf32, #tpu.memory_space<vmem>>, vector<1x16xf32>,
      %get3A_999 = vector.shape_cast %get3A_998 : vector<1x16xf32> to vector<16xf32>
      %get3A_1000 = arith.constant 0 : i32
      %get3A_1001 = arith.constant 0 : i32
      %get3A_1002 = tpu.memref_slice %arg13[%scan3A_650, %get3A_1000, %get3A_1001] : memref<4x64x128xf32, #tpu.memory_space<vmem>> -> memref<1x64x128xf32, #tpu.memory_space<vmem>>
      %get3A_1003 = tpu.memref_squeeze %get3A_1002 : memref<1x64x128xf32, #tpu.memory_space<vmem>> -> memref<64x128xf32, #tpu.memory_space<vmem>>
      %get3A_1004 = arith.index_cast %add3A_991 : i32 to index
      %get3A_1005 = arith.constant 0 : index
      %get3A_1006 = tpu.vector_load %get3A_1003[%get3A_1004, %get3A_1005] {strides = array<i32>} : memref<64x128xf32, #tpu.memory_space<vmem>>, vector<1x16xf32>,
      %get3A_1007 = vector.shape_cast %get3A_1006 : vector<1x16xf32> to vector<16xf32>
      %sub3A_1008 = arith.subf %get3A_999, %get3A_1007 : vector<16xf32>
      %swap3A_1009 = arith.constant 0 : i32
      %swap3A_1010 = arith.constant 0 : i32
      %swap3A_1011 = tpu.memref_slice %arg11[%scan3A_651, %swap3A_1009, %swap3A_1010] : memref<4x64x128xf32, #tpu.memory_space<vmem>> -> memref<1x64x128xf32, #tpu.memory_space<vmem>>
      %swap3A_1012 = tpu.memref_squeeze %swap3A_1011 : memref<1x64x128xf32, #tpu.memory_space<vmem>> -> memref<64x128xf32, #tpu.memory_space<vmem>>
      %swap3A_1013 = arith.index_cast %add3A_991 : i32 to index
      %swap3A_1014 = arith.constant 0 : index
      %swap3A_1015 = tpu.vector_load %swap3A_1012[%swap3A_1013, %swap3A_1014] {strides = array<i32>} : memref<64x128xf32, #tpu.memory_space<vmem>>, vector<1x16xf32>,
      %swap3A_1016 = vector.shape_cast %swap3A_1015 : vector<1x16xf32> to vector<16xf32>
      %swap3A_1017 = vector.shape_cast %sub3A_1008 : vector<16xf32> to vector<1x16xf32>
      tpu.vector_store %swap3A_1012[%swap3A_1013, %swap3A_1014], %swap3A_1017 {add = true, strides = array<i32>} : memref<64x128xf32, #tpu.memory_space<vmem>>, vector<1x16xf32>,
      %get3A_1018 = arith.constant 0 : i32
      %get3A_1019 = arith.constant 0 : i32
      %get3A_1020 = tpu.memref_slice %arg12[%scan3A_649, %get3A_1018, %get3A_1019] : memref<4x64x128xf32, #tpu.memory_space<vmem>> -> memref<1x64x128xf32, #tpu.memory_space<vmem>>
      %get3A_1021 = tpu.memref_squeeze %get3A_1020 : memref<1x64x128xf32, #tpu.memory_space<vmem>> -> memref<64x128xf32, #tpu.memory_space<vmem>>
      %get3A_1022 = arith.index_cast %add3A_991 : i32 to index
      %get3A_1023 = arith.constant 16 : index
      %get3A_1024 = tpu.vector_load %get3A_1021[%get3A_1022, %get3A_1023] {strides = array<i32>} : memref<64x128xf32, #tpu.memory_space<vmem>>, vector<1x16xf32>,
      %get3A_1025 = vector.shape_cast %get3A_1024 : vector<1x16xf32> to vector<16xf32>
      %get3A_1026 = arith.constant 0 : i32
      %get3A_1027 = arith.constant 0 : i32
      %get3A_1028 = tpu.memref_slice %arg13[%scan3A_650, %get3A_1026, %get3A_1027] : memref<4x64x128xf32, #tpu.memory_space<vmem>> -> memref<1x64x128xf32, #tpu.memory_space<vmem>>
      %get3A_1029 = tpu.memref_squeeze %get3A_1028 : memref<1x64x128xf32, #tpu.memory_space<vmem>> -> memref<64x128xf32, #tpu.memory_space<vmem>>
      %get3A_1030 = arith.index_cast %add3A_991 : i32 to index
      %get3A_1031 = arith.constant 16 : index
      %get3A_1032 = tpu.vector_load %get3A_1029[%get3A_1030, %get3A_1031] {strides = array<i32>} : memref<64x128xf32, #tpu.memory_space<vmem>>, vector<1x16xf32>,
      %get3A_1033 = vector.shape_cast %get3A_1032 : vector<1x16xf32> to vector<16xf32>
      %sub3A_1034 = arith.subf %get3A_1025, %get3A_1033 : vector<16xf32>
      %swap3A_1035 = arith.constant 0 : i32
      %swap3A_1036 = arith.constant 0 : i32
      %swap3A_1037 = tpu.memref_slice %arg11[%scan3A_651, %swap3A_1035, %swap3A_1036] : memref<4x64x128xf32, #tpu.memory_space<vmem>> -> memref<1x64x128xf32, #tpu.memory_space<vmem>>
      %swap3A_1038 = tpu.memref_squeeze %swap3A_1037 : memref<1x64x128xf32, #tpu.memory_space<vmem>> -> memref<64x128xf32, #tpu.memory_space<vmem>>
      %swap3A_1039 = arith.index_cast %add3A_991 : i32 to index
      %swap3A_1040 = arith.constant 16 : index
      %swap3A_1041 = tpu.vector_load %swap3A_1038[%swap3A_1039, %swap3A_1040] {strides = array<i32>} : memref<64x128xf32, #tpu.memory_space<vmem>>, vector<1x16xf32>,
      %swap3A_1042 = vector.shape_cast %swap3A_1041 : vector<1x16xf32> to vector<16xf32>
      %swap3A_1043 = vector.shape_cast %sub3A_1034 : vector<16xf32> to vector<1x16xf32>
      tpu.vector_store %swap3A_1038[%swap3A_1039, %swap3A_1040], %swap3A_1043 {add = true, strides = array<i32>} : memref<64x128xf32, #tpu.memory_space<vmem>>, vector<1x16xf32>,
      %get3A_1044 = arith.constant 0 : i32
      %get3A_1045 = arith.constant 0 : i32
      %get3A_1046 = tpu.memref_slice %arg12[%scan3A_649, %get3A_1044, %get3A_1045] : memref<4x64x128xf32, #tpu.memory_space<vmem>> -> memref<1x64x128xf32, #tpu.memory_space<vmem>>
      %get3A_1047 = tpu.memref_squeeze %get3A_1046 : memref<1x64x128xf32, #tpu.memory_space<vmem>> -> memref<64x128xf32, #tpu.memory_space<vmem>>
      %get3A_1048 = arith.index_cast %add3A_991 : i32 to index
      %get3A_1049 = arith.constant 32 : index
      %get3A_1050 = tpu.vector_load %get3A_1047[%get3A_1048, %get3A_1049] {strides = array<i32>} : memref<64x128xf32, #tpu.memory_space<vmem>>, vector<1x16xf32>,
      %get3A_1051 = vector.shape_cast %get3A_1050 : vector<1x16xf32> to vector<16xf32>
      %get3A_1052 = arith.constant 0 : i32
      %get3A_1053 = arith.constant 0 : i32
      %get3A_1054 = tpu.memref_slice %arg13[%scan3A_650, %get3A_1052, %get3A_1053] : memref<4x64x128xf32, #tpu.memory_space<vmem>> -> memref<1x64x128xf32, #tpu.memory_space<vmem>>
      %get3A_1055 = tpu.memref_squeeze %get3A_1054 : memref<1x64x128xf32, #tpu.memory_space<vmem>> -> memref<64x128xf32, #tpu.memory_space<vmem>>
      %get3A_1056 = arith.index_cast %add3A_991 : i32 to index
      %get3A_1057 = arith.constant 32 : index
      %get3A_1058 = tpu.vector_load %get3A_1055[%get3A_1056, %get3A_1057] {strides = array<i32>} : memref<64x128xf32, #tpu.memory_space<vmem>>, vector<1x16xf32>,
      %get3A_1059 = vector.shape_cast %get3A_1058 : vector<1x16xf32> to vector<16xf32>
      %sub3A_1060 = arith.subf %get3A_1051, %get3A_1059 : vector<16xf32>
      %swap3A_1061 = arith.constant 0 : i32
      %swap3A_1062 = arith.constant 0 : i32
      %swap3A_1063 = tpu.memref_slice %arg11[%scan3A_651, %swap3A_1061, %swap3A_1062] : memref<4x64x128xf32, #tpu.memory_space<vmem>> -> memref<1x64x128xf32, #tpu.memory_space<vmem>>
      %swap3A_1064 = tpu.memref_squeeze %swap3A_1063 : memref<1x64x128xf32, #tpu.memory_space<vmem>> -> memref<64x128xf32, #tpu.memory_space<vmem>>
      %swap3A_1065 = arith.index_cast %add3A_991 : i32 to index
      %swap3A_1066 = arith.constant 32 : index
      %swap3A_1067 = tpu.vector_load %swap3A_1064[%swap3A_1065, %swap3A_1066] {strides = array<i32>} : memref<64x128xf32, #tpu.memory_space<vmem>>, vector<1x16xf32>,
      %swap3A_1068 = vector.shape_cast %swap3A_1067 : vector<1x16xf32> to vector<16xf32>
      %swap3A_1069 = vector.shape_cast %sub3A_1060 : vector<16xf32> to vector<1x16xf32>
      tpu.vector_store %swap3A_1064[%swap3A_1065, %swap3A_1066], %swap3A_1069 {add = true, strides = array<i32>} : memref<64x128xf32, #tpu.memory_space<vmem>>, vector<1x16xf32>,
      %get3A_1070 = arith.constant 0 : i32
      %get3A_1071 = arith.constant 0 : i32
      %get3A_1072 = tpu.memref_slice %arg12[%scan3A_649, %get3A_1070, %get3A_1071] : memref<4x64x128xf32, #tpu.memory_space<vmem>> -> memref<1x64x128xf32, #tpu.memory_space<vmem>>
      %get3A_1073 = tpu.memref_squeeze %get3A_1072 : memref<1x64x128xf32, #tpu.memory_space<vmem>> -> memref<64x128xf32, #tpu.memory_space<vmem>>
      %get3A_1074 = arith.index_cast %add3A_991 : i32 to index
      %get3A_1075 = arith.constant 48 : index
      %get3A_1076 = tpu.vector_load %get3A_1073[%get3A_1074, %get3A_1075] {strides = array<i32>} : memref<64x128xf32, #tpu.memory_space<vmem>>, vector<1x16xf32>,
      %get3A_1077 = vector.shape_cast %get3A_1076 : vector<1x16xf32> to vector<16xf32>
      %get3A_1078 = arith.constant 0 : i32
      %get3A_1079 = arith.constant 0 : i32
      %get3A_1080 = tpu.memref_slice %arg13[%scan3A_650, %get3A_1078, %get3A_1079] : memref<4x64x128xf32, #tpu.memory_space<vmem>> -> memref<1x64x128xf32, #tpu.memory_space<vmem>>
      %get3A_1081 = tpu.memref_squeeze %get3A_1080 : memref<1x64x128xf32, #tpu.memory_space<vmem>> -> memref<64x128xf32, #tpu.memory_space<vmem>>
      %get3A_1082 = arith.index_cast %add3A_991 : i32 to index
      %get3A_1083 = arith.constant 48 : index
      %get3A_1084 = tpu.vector_load %get3A_1081[%get3A_1082, %get3A_1083] {strides = array<i32>} : memref<64x128xf32, #tpu.memory_space<vmem>>, vector<1x16xf32>,
      %get3A_1085 = vector.shape_cast %get3A_1084 : vector<1x16xf32> to vector<16xf32>
      %sub3A_1086 = arith.subf %get3A_1077, %get3A_1085 : vector<16xf32>
      %swap3A_1087 = arith.constant 0 : i32
      %swap3A_1088 = arith.constant 0 : i32
      %swap3A_1089 = tpu.memref_slice %arg11[%scan3A_651, %swap3A_1087, %swap3A_1088] : memref<4x64x128xf32, #tpu.memory_space<vmem>> -> memref<1x64x128xf32, #tpu.memory_space<vmem>>
      %swap3A_1090 = tpu.memref_squeeze %swap3A_1089 : memref<1x64x128xf32, #tpu.memory_space<vmem>> -> memref<64x128xf32, #tpu.memory_space<vmem>>
      %swap3A_1091 = arith.index_cast %add3A_991 : i32 to index
      %swap3A_1092 = arith.constant 48 : index
      %swap3A_1093 = tpu.vector_load %swap3A_1090[%swap3A_1091, %swap3A_1092] {strides = array<i32>} : memref<64x128xf32, #tpu.memory_space<vmem>>, vector<1x16xf32>,
      %swap3A_1094 = vector.shape_cast %swap3A_1093 : vector<1x16xf32> to vector<16xf32>
      %swap3A_1095 = vector.shape_cast %sub3A_1086 : vector<16xf32> to vector<1x16xf32>
      tpu.vector_store %swap3A_1090[%swap3A_1091, %swap3A_1092], %swap3A_1095 {add = true, strides = array<i32>} : memref<64x128xf32, #tpu.memory_space<vmem>>, vector<1x16xf32>,
      %get3A_1096 = arith.constant 0 : i32
      %get3A_1097 = arith.constant 0 : i32
      %get3A_1098 = tpu.memref_slice %arg12[%scan3A_649, %get3A_1096, %get3A_1097] : memref<4x64x128xf32, #tpu.memory_space<vmem>> -> memref<1x64x128xf32, #tpu.memory_space<vmem>>
      %get3A_1099 = tpu.memref_squeeze %get3A_1098 : memref<1x64x128xf32, #tpu.memory_space<vmem>> -> memref<64x128xf32, #tpu.memory_space<vmem>>
      %get3A_1100 = arith.index_cast %add3A_991 : i32 to index
      %get3A_1101 = arith.constant 64 : index
      %get3A_1102 = tpu.vector_load %get3A_1099[%get3A_1100, %get3A_1101] {strides = array<i32>} : memref<64x128xf32, #tpu.memory_space<vmem>>, vector<1x16xf32>,
      %get3A_1103 = vector.shape_cast %get3A_1102 : vector<1x16xf32> to vector<16xf32>
      %get3A_1104 = arith.constant 0 : i32
      %get3A_1105 = arith.constant 0 : i32
      %get3A_1106 = tpu.memref_slice %arg13[%scan3A_650, %get3A_1104, %get3A_1105] : memref<4x64x128xf32, #tpu.memory_space<vmem>> -> memref<1x64x128xf32, #tpu.memory_space<vmem>>
      %get3A_1107 = tpu.memref_squeeze %get3A_1106 : memref<1x64x128xf32, #tpu.memory_space<vmem>> -> memref<64x128xf32, #tpu.memory_space<vmem>>
      %get3A_1108 = arith.index_cast %add3A_991 : i32 to index
      %get3A_1109 = arith.constant 64 : index
      %get3A_1110 = tpu.vector_load %get3A_1107[%get3A_1108, %get3A_1109] {strides = array<i32>} : memref<64x128xf32, #tpu.memory_space<vmem>>, vector<1x16xf32>,
      %get3A_1111 = vector.shape_cast %get3A_1110 : vector<1x16xf32> to vector<16xf32>
      %sub3A_1112 = arith.subf %get3A_1103, %get3A_1111 : vector<16xf32>
      %swap3A_1113 = arith.constant 0 : i32
      %swap3A_1114 = arith.constant 0 : i32
      %swap3A_1115 = tpu.memref_slice %arg11[%scan3A_651, %swap3A_1113, %swap3A_1114] : memref<4x64x128xf32, #tpu.memory_space<vmem>> -> memref<1x64x128xf32, #tpu.memory_space<vmem>>
      %swap3A_1116 = tpu.memref_squeeze %swap3A_1115 : memref<1x64x128xf32, #tpu.memory_space<vmem>> -> memref<64x128xf32, #tpu.memory_space<vmem>>
      %swap3A_1117 = arith.index_cast %add3A_991 : i32 to index
      %swap3A_1118 = arith.constant 64 : index
      %swap3A_1119 = tpu.vector_load %swap3A_1116[%swap3A_1117, %swap3A_1118] {strides = array<i32>} : memref<64x128xf32, #tpu.memory_space<vmem>>, vector<1x16xf32>,
      %swap3A_1120 = vector.shape_cast %swap3A_1119 : vector<1x16xf32> to vector<16xf32>
      %swap3A_1121 = vector.shape_cast %sub3A_1112 : vector<16xf32> to vector<1x16xf32>
      tpu.vector_store %swap3A_1116[%swap3A_1117, %swap3A_1118], %swap3A_1121 {add = true, strides = array<i32>} : memref<64x128xf32, #tpu.memory_space<vmem>>, vector<1x16xf32>,
      %get3A_1122 = arith.constant 0 : i32
      %get3A_1123 = arith.constant 0 : i32
      %get3A_1124 = tpu.memref_slice %arg12[%scan3A_649, %get3A_1122, %get3A_1123] : memref<4x64x128xf32, #tpu.memory_space<vmem>> -> memref<1x64x128xf32, #tpu.memory_space<vmem>>
      %get3A_1125 = tpu.memref_squeeze %get3A_1124 : memref<1x64x128xf32, #tpu.memory_space<vmem>> -> memref<64x128xf32, #tpu.memory_space<vmem>>
      %get3A_1126 = arith.index_cast %add3A_991 : i32 to index
      %get3A_1127 = arith.constant 80 : index
      %get3A_1128 = tpu.vector_load %get3A_1125[%get3A_1126, %get3A_1127] {strides = array<i32>} : memref<64x128xf32, #tpu.memory_space<vmem>>, vector<1x16xf32>,
      %get3A_1129 = vector.shape_cast %get3A_1128 : vector<1x16xf32> to vector<16xf32>
      %get3A_1130 = arith.constant 0 : i32
      %get3A_1131 = arith.constant 0 : i32
      %get3A_1132 = tpu.memref_slice %arg13[%scan3A_650, %get3A_1130, %get3A_1131] : memref<4x64x128xf32, #tpu.memory_space<vmem>> -> memref<1x64x128xf32, #tpu.memory_space<vmem>>
      %get3A_1133 = tpu.memref_squeeze %get3A_1132 : memref<1x64x128xf32, #tpu.memory_space<vmem>> -> memref<64x128xf32, #tpu.memory_space<vmem>>
      %get3A_1134 = arith.index_cast %add3A_991 : i32 to index
      %get3A_1135 = arith.constant 80 : index
      %get3A_1136 = tpu.vector_load %get3A_1133[%get3A_1134, %get3A_1135] {strides = array<i32>} : memref<64x128xf32, #tpu.memory_space<vmem>>, vector<1x16xf32>,
      %get3A_1137 = vector.shape_cast %get3A_1136 : vector<1x16xf32> to vector<16xf32>
      %sub3A_1138 = arith.subf %get3A_1129, %get3A_1137 : vector<16xf32>
      %swap3A_1139 = arith.constant 0 : i32
      %swap3A_1140 = arith.constant 0 : i32
      %swap3A_1141 = tpu.memref_slice %arg11[%scan3A_651, %swap3A_1139, %swap3A_1140] : memref<4x64x128xf32, #tpu.memory_space<vmem>> -> memref<1x64x128xf32, #tpu.memory_space<vmem>>
      %swap3A_1142 = tpu.memref_squeeze %swap3A_1141 : memref<1x64x128xf32, #tpu.memory_space<vmem>> -> memref<64x128xf32, #tpu.memory_space<vmem>>
      %swap3A_1143 = arith.index_cast %add3A_991 : i32 to index
      %swap3A_1144 = arith.constant 80 : index
      %swap3A_1145 = tpu.vector_load %swap3A_1142[%swap3A_1143, %swap3A_1144] {strides = array<i32>} : memref<64x128xf32, #tpu.memory_space<vmem>>, vector<1x16xf32>,
      %swap3A_1146 = vector.shape_cast %swap3A_1145 : vector<1x16xf32> to vector<16xf32>
      %swap3A_1147 = vector.shape_cast %sub3A_1138 : vector<16xf32> to vector<1x16xf32>
      tpu.vector_store %swap3A_1142[%swap3A_1143, %swap3A_1144], %swap3A_1147 {add = true, strides = array<i32>} : memref<64x128xf32, #tpu.memory_space<vmem>>, vector<1x16xf32>,
      %get3A_1148 = arith.constant 0 : i32
      %get3A_1149 = arith.constant 0 : i32
      %get3A_1150 = tpu.memref_slice %arg12[%scan3A_649, %get3A_1148, %get3A_1149] : memref<4x64x128xf32, #tpu.memory_space<vmem>> -> memref<1x64x128xf32, #tpu.memory_space<vmem>>
      %get3A_1151 = tpu.memref_squeeze %get3A_1150 : memref<1x64x128xf32, #tpu.memory_space<vmem>> -> memref<64x128xf32, #tpu.memory_space<vmem>>
      %get3A_1152 = arith.index_cast %add3A_991 : i32 to index
      %get3A_1153 = arith.constant 96 : index
      %get3A_1154 = tpu.vector_load %get3A_1151[%get3A_1152, %get3A_1153] {strides = array<i32>} : memref<64x128xf32, #tpu.memory_space<vmem>>, vector<1x16xf32>,
      %get3A_1155 = vector.shape_cast %get3A_1154 : vector<1x16xf32> to vector<16xf32>
      %get3A_1156 = arith.constant 0 : i32
      %get3A_1157 = arith.constant 0 : i32
      %get3A_1158 = tpu.memref_slice %arg13[%scan3A_650, %get3A_1156, %get3A_1157] : memref<4x64x128xf32, #tpu.memory_space<vmem>> -> memref<1x64x128xf32, #tpu.memory_space<vmem>>
      %get3A_1159 = tpu.memref_squeeze %get3A_1158 : memref<1x64x128xf32, #tpu.memory_space<vmem>> -> memref<64x128xf32, #tpu.memory_space<vmem>>
      %get3A_1160 = arith.index_cast %add3A_991 : i32 to index
      %get3A_1161 = arith.constant 96 : index
      %get3A_1162 = tpu.vector_load %get3A_1159[%get3A_1160, %get3A_1161] {strides = array<i32>} : memref<64x128xf32, #tpu.memory_space<vmem>>, vector<1x16xf32>,
      %get3A_1163 = vector.shape_cast %get3A_1162 : vector<1x16xf32> to vector<16xf32>
      %sub3A_1164 = arith.subf %get3A_1155, %get3A_1163 : vector<16xf32>
      %swap3A_1165 = arith.constant 0 : i32
      %swap3A_1166 = arith.constant 0 : i32
      %swap3A_1167 = tpu.memref_slice %arg11[%scan3A_651, %swap3A_1165, %swap3A_1166] : memref<4x64x128xf32, #tpu.memory_space<vmem>> -> memref<1x64x128xf32, #tpu.memory_space<vmem>>
      %swap3A_1168 = tpu.memref_squeeze %swap3A_1167 : memref<1x64x128xf32, #tpu.memory_space<vmem>> -> memref<64x128xf32, #tpu.memory_space<vmem>>
      %swap3A_1169 = arith.index_cast %add3A_991 : i32 to index
      %swap3A_1170 = arith.constant 96 : index
      %swap3A_1171 = tpu.vector_load %swap3A_1168[%swap3A_1169, %swap3A_1170] {strides = array<i32>} : memref<64x128xf32, #tpu.memory_space<vmem>>, vector<1x16xf32>,
      %swap3A_1172 = vector.shape_cast %swap3A_1171 : vector<1x16xf32> to vector<16xf32>
      %swap3A_1173 = vector.shape_cast %sub3A_1164 : vector<16xf32> to vector<1x16xf32>
      tpu.vector_store %swap3A_1168[%swap3A_1169, %swap3A_1170], %swap3A_1173 {add = true, strides = array<i32>} : memref<64x128xf32, #tpu.memory_space<vmem>>, vector<1x16xf32>,
      %get3A_1174 = arith.constant 0 : i32
      %get3A_1175 = arith.constant 0 : i32
      %get3A_1176 = tpu.memref_slice %arg12[%scan3A_649, %get3A_1174, %get3A_1175] : memref<4x64x128xf32, #tpu.memory_space<vmem>> -> memref<1x64x128xf32, #tpu.memory_space<vmem>>
      %get3A_1177 = tpu.memref_squeeze %get3A_1176 : memref<1x64x128xf32, #tpu.memory_space<vmem>> -> memref<64x128xf32, #tpu.memory_space<vmem>>
      %get3A_1178 = arith.index_cast %add3A_991 : i32 to index
      %get3A_1179 = arith.constant 112 : index
      %get3A_1180 = tpu.vector_load %get3A_1177[%get3A_1178, %get3A_1179] {strides = array<i32>} : memref<64x128xf32, #tpu.memory_space<vmem>>, vector<1x16xf32>,
      %get3A_1181 = vector.shape_cast %get3A_1180 : vector<1x16xf32> to vector<16xf32>
      %get3A_1182 = arith.constant 0 : i32
      %get3A_1183 = arith.constant 0 : i32
      %get3A_1184 = tpu.memref_slice %arg13[%scan3A_650, %get3A_1182, %get3A_1183] : memref<4x64x128xf32, #tpu.memory_space<vmem>> -> memref<1x64x128xf32, #tpu.memory_space<vmem>>
      %get3A_1185 = tpu.memref_squeeze %get3A_1184 : memref<1x64x128xf32, #tpu.memory_space<vmem>> -> memref<64x128xf32, #tpu.memory_space<vmem>>
      %get3A_1186 = arith.index_cast %add3A_991 : i32 to index
      %get3A_1187 = arith.constant 112 : index
      %get3A_1188 = tpu.vector_load %get3A_1185[%get3A_1186, %get3A_1187] {strides = array<i32>} : memref<64x128xf32, #tpu.memory_space<vmem>>, vector<1x16xf32>,
      %get3A_1189 = vector.shape_cast %get3A_1188 : vector<1x16xf32> to vector<16xf32>
      %sub3A_1190 = arith.subf %get3A_1181, %get3A_1189 : vector<16xf32>
      %swap3A_1191 = arith.constant 0 : i32
      %swap3A_1192 = arith.constant 0 : i32
      %swap3A_1193 = tpu.memref_slice %arg11[%scan3A_651, %swap3A_1191, %swap3A_1192] : memref<4x64x128xf32, #tpu.memory_space<vmem>> -> memref<1x64x128xf32, #tpu.memory_space<vmem>>
      %swap3A_1194 = tpu.memref_squeeze %swap3A_1193 : memref<1x64x128xf32, #tpu.memory_space<vmem>> -> memref<64x128xf32, #tpu.memory_space<vmem>>
      %swap3A_1195 = arith.index_cast %add3A_991 : i32 to index
      %swap3A_1196 = arith.constant 112 : index
      %swap3A_1197 = tpu.vector_load %swap3A_1194[%swap3A_1195, %swap3A_1196] {strides = array<i32>} : memref<64x128xf32, #tpu.memory_space<vmem>>, vector<1x16xf32>,
      %swap3A_1198 = vector.shape_cast %swap3A_1197 : vector<1x16xf32> to vector<16xf32>
      %swap3A_1199 = vector.shape_cast %sub3A_1190 : vector<16xf32> to vector<1x16xf32>
      tpu.vector_store %swap3A_1194[%swap3A_1195, %swap3A_1196], %swap3A_1199 {add = true, strides = array<i32>} : memref<64x128xf32, #tpu.memory_space<vmem>>, vector<1x16xf32>,
    }
    %scan3A_656 = arith.constant 32 : i32
    %add3A_657 = arith.constant 384 : i32
    %add3A_658 = arith.addi %mul3A_2, %add3A_657 : i32
    %dma_start3A_659 = arith.constant 2 : i32
    %dma_start3A_660 = arith.constant 0 : i32
    %dma_start3A_661 = arith.constant 0 : i32
    %dma_start3A_662 = tpu.memref_slice %arg11[%dma_start3A_659, %dma_start3A_660, %dma_start3A_661] : memref<4x64x128xf32, #tpu.memory_space<vmem>> -> memref<1x64x128xf32, #tpu.memory_space<vmem>>
    %dma_start3A_663 = tpu.memref_squeeze %dma_start3A_662 : memref<1x64x128xf32, #tpu.memory_space<vmem>> -> memref<64x128xf32, #tpu.memory_space<vmem>>
    %dma_start3A_664 = arith.constant 0 : i32
    %dma_start3A_665 = tpu.memref_slice %arg7[%add3A_658, %dma_start3A_664] : memref<16384x128xf32, #tpu.memory_space<hbm>> -> memref<64x128xf32, #tpu.memory_space<hbm>>
    %dma_start3A_666 = arith.constant 0 : i32
    %dma_start3A_667 = tpu.memref_slice %arg7[%add3A_658, %dma_start3A_666] : memref<16384x128xf32, #tpu.memory_space<hbm>> -> memref<64x128xf32, #tpu.memory_space<hbm>>
    %dma_start3A_668 = arith.constant 0 : i32
    %dma_start3A_669 = arith.constant 0 : i32
    %dma_start3A_670 = tpu.memref_slice %arg11[%dma_start3A_659, %dma_start3A_668, %dma_start3A_669] : memref<4x64x128xf32, #tpu.memory_space<vmem>> -> memref<1x64x128xf32, #tpu.memory_space<vmem>>
    %dma_start3A_671 = tpu.memref_squeeze %dma_start3A_670 : memref<1x64x128xf32, #tpu.memory_space<vmem>> -> memref<64x128xf32, #tpu.memory_space<vmem>>
    tpu.enqueue_dma source(%dma_start3A_671 : memref<64x128xf32, #tpu.memory_space<vmem>>) target(%dma_start3A_667 : memref<64x128xf32, #tpu.memory_space<hbm>>) target_semaphore(%arg25 : memref<!tpu.dma_semaphore, #tpu.memory_space<semaphore_mem>>)
    %dma_wait3A_672 = arith.constant 3 : i32
    %dma_wait3A_673 = arith.constant 0 : i32
    %dma_wait3A_674 = arith.constant 0 : i32
    %dma_wait3A_675 = tpu.memref_slice %arg11[%dma_wait3A_672, %dma_wait3A_673, %dma_wait3A_674] : memref<4x64x128xf32, #tpu.memory_space<vmem>> -> memref<1x64x128xf32, #tpu.memory_space<vmem>>
    %dma_wait3A_676 = tpu.memref_squeeze %dma_wait3A_675 : memref<1x64x128xf32, #tpu.memory_space<vmem>> -> memref<64x128xf32, #tpu.memory_space<vmem>>
    %dma_wait3A_677 = arith.constant 448 : i32
    %dma_wait3A_678 = tpu.memref_slice %arg8[%dma_wait3A_677] : memref<512xi32, #tpu.memory_space<vmem>> -> memref<64xi32, #tpu.memory_space<vmem>>
    %dma_wait3A_679 = arith.constant 0 : i32
    %dma_wait3A_680 = arith.constant 0 : i32
    %dma_wait3A_681 = tpu.memref_slice %arg5[%dma_wait3A_679, %dma_wait3A_680] : memref<100000x128xf32, #tpu.memory_space<hbm>> -> memref<100000x128xf32, #tpu.memory_space<hbm>>
    tpu.wait_indirect_dma semaphore(%arg18 : memref<!tpu.dma_semaphore, #tpu.memory_space<semaphore_mem>>) src(%dma_wait3A_681 : memref<100000x128xf32, #tpu.memory_space<hbm>>) dst(%dma_wait3A_676 : memref<64x128xf32, #tpu.memory_space<vmem>>)
    %dma_wait3A_682 = arith.constant 3 : i32
    %dma_wait3A_683 = arith.constant 0 : i32
    %dma_wait3A_684 = arith.constant 0 : i32
    %dma_wait3A_685 = tpu.memref_slice %arg12[%dma_wait3A_682, %dma_wait3A_683, %dma_wait3A_684] : memref<4x64x128xf32, #tpu.memory_space<vmem>> -> memref<1x64x128xf32, #tpu.memory_space<vmem>>
    %dma_wait3A_686 = tpu.memref_squeeze %dma_wait3A_685 : memref<1x64x128xf32, #tpu.memory_space<vmem>> -> memref<64x128xf32, #tpu.memory_space<vmem>>
    %dma_wait3A_687 = arith.constant 448 : i32
    %dma_wait3A_688 = tpu.memref_slice %arg9[%dma_wait3A_687] : memref<512xi32, #tpu.memory_space<vmem>> -> memref<64xi32, #tpu.memory_space<vmem>>
    %dma_wait3A_689 = arith.constant 0 : i32
    %dma_wait3A_690 = arith.constant 0 : i32
    %dma_wait3A_691 = tpu.memref_slice %arg14[%dma_wait3A_689, %dma_wait3A_690] : memref<1000x128xf32, #tpu.memory_space<vmem_shared>> -> memref<1000x128xf32, #tpu.memory_space<vmem_shared>>
    tpu.wait_indirect_dma semaphore(%arg22 : memref<!tpu.dma_semaphore, #tpu.memory_space<semaphore_mem>>) src(%dma_wait3A_691 : memref<1000x128xf32, #tpu.memory_space<vmem_shared>>) dst(%dma_wait3A_686 : memref<64x128xf32, #tpu.memory_space<vmem>>)
    %dma_wait3A_692 = arith.constant 3 : i32
    %dma_wait3A_693 = arith.constant 0 : i32
    %dma_wait3A_694 = arith.constant 0 : i32
    %dma_wait3A_695 = tpu.memref_slice %arg13[%dma_wait3A_692, %dma_wait3A_693, %dma_wait3A_694] : memref<4x64x128xf32, #tpu.memory_space<vmem>> -> memref<1x64x128xf32, #tpu.memory_space<vmem>>
    %dma_wait3A_696 = tpu.memref_squeeze %dma_wait3A_695 : memref<1x64x128xf32, #tpu.memory_space<vmem>> -> memref<64x128xf32, #tpu.memory_space<vmem>>
    %dma_wait3A_697 = arith.constant 448 : i32
    %dma_wait3A_698 = tpu.memref_slice %arg10[%dma_wait3A_697] : memref<512xi32, #tpu.memory_space<vmem>> -> memref<64xi32, #tpu.memory_space<vmem>>
    %dma_wait3A_699 = arith.constant 0 : i32
    %dma_wait3A_700 = arith.constant 0 : i32
    %dma_wait3A_701 = tpu.memref_slice %arg5[%dma_wait3A_699, %dma_wait3A_700] : memref<100000x128xf32, #tpu.memory_space<hbm>> -> memref<100000x128xf32, #tpu.memory_space<hbm>>
    tpu.wait_indirect_dma semaphore(%arg18 : memref<!tpu.dma_semaphore, #tpu.memory_space<semaphore_mem>>) src(%dma_wait3A_701 : memref<100000x128xf32, #tpu.memory_space<hbm>>) dst(%dma_wait3A_696 : memref<64x128xf32, #tpu.memory_space<vmem>>)
    %scan3A_702 = arith.constant 0 : i32
    %scan3A_703 = arith.constant 3 : i32
    %scan3A_704 = arith.constant 3 : i32
    %scan3A_705 = arith.constant 3 : i32
    %scan3A_706 = arith.constant 0 : i32
    %scan3A_707 = arith.constant 32 : i32
    %scan3A_708 = arith.addi %scan3A_706, %scan3A_707 : i32
    %scan3A_709 = arith.constant 1 : i32
    scf.for %scan3A_778 = %scan3A_706 to %scan3A_708 step %scan3A_709  : i32 {
      %mul3A_779 = arith.constant 2 : i32
      %mul3A_780 = arith.muli %scan3A_778, %mul3A_779 : i32
      %add3A_781 = arith.constant 0 : i32
      %add3A_782 = arith.addi %mul3A_780, %add3A_781 : i32
      %get3A = arith.constant 0 : i32
      %get3A_783 = arith.constant 0 : i32
      %get3A_784 = tpu.memref_slice %arg12[%scan3A_703, %get3A, %get3A_783] : memref<4x64x128xf32, #tpu.memory_space<vmem>> -> memref<1x64x128xf32, #tpu.memory_space<vmem>>
      %get3A_785 = tpu.memref_squeeze %get3A_784 : memref<1x64x128xf32, #tpu.memory_space<vmem>> -> memref<64x128xf32, #tpu.memory_space<vmem>>
      %get3A_786 = arith.index_cast %add3A_782 : i32 to index
      %get3A_787 = arith.constant 0 : index
      %get3A_788 = tpu.vector_load %get3A_785[%get3A_786, %get3A_787] {strides = array<i32>} : memref<64x128xf32, #tpu.memory_space<vmem>>, vector<1x16xf32>,
      %get3A_789 = vector.shape_cast %get3A_788 : vector<1x16xf32> to vector<16xf32>
      %get3A_790 = arith.constant 0 : i32
      %get3A_791 = arith.constant 0 : i32
      %get3A_792 = tpu.memref_slice %arg13[%scan3A_704, %get3A_790, %get3A_791] : memref<4x64x128xf32, #tpu.memory_space<vmem>> -> memref<1x64x128xf32, #tpu.memory_space<vmem>>
      %get3A_793 = tpu.memref_squeeze %get3A_792 : memref<1x64x128xf32, #tpu.memory_space<vmem>> -> memref<64x128xf32, #tpu.memory_space<vmem>>
      %get3A_794 = arith.index_cast %add3A_782 : i32 to index
      %get3A_795 = arith.constant 0 : index
      %get3A_796 = tpu.vector_load %get3A_793[%get3A_794, %get3A_795] {strides = array<i32>} : memref<64x128xf32, #tpu.memory_space<vmem>>, vector<1x16xf32>,
      %get3A_797 = vector.shape_cast %get3A_796 : vector<1x16xf32> to vector<16xf32>
      %sub3A = arith.subf %get3A_789, %get3A_797 : vector<16xf32>
      %swap3A = arith.constant 0 : i32
      %swap3A_798 = arith.constant 0 : i32
      %swap3A_799 = tpu.memref_slice %arg11[%scan3A_705, %swap3A, %swap3A_798] : memref<4x64x128xf32, #tpu.memory_space<vmem>> -> memref<1x64x128xf32, #tpu.memory_space<vmem>>
      %swap3A_800 = tpu.memref_squeeze %swap3A_799 : memref<1x64x128xf32, #tpu.memory_space<vmem>> -> memref<64x128xf32, #tpu.memory_space<vmem>>
      %swap3A_801 = arith.index_cast %add3A_782 : i32 to index
      %swap3A_802 = arith.constant 0 : index
      %swap3A_803 = tpu.vector_load %swap3A_800[%swap3A_801, %swap3A_802] {strides = array<i32>} : memref<64x128xf32, #tpu.memory_space<vmem>>, vector<1x16xf32>,
      %swap3A_804 = vector.shape_cast %swap3A_803 : vector<1x16xf32> to vector<16xf32>
      %swap3A_805 = vector.shape_cast %sub3A : vector<16xf32> to vector<1x16xf32>
      tpu.vector_store %swap3A_800[%swap3A_801, %swap3A_802], %swap3A_805 {add = true, strides = array<i32>} : memref<64x128xf32, #tpu.memory_space<vmem>>, vector<1x16xf32>,
      %get3A_806 = arith.constant 0 : i32
      %get3A_807 = arith.constant 0 : i32
      %get3A_808 = tpu.memref_slice %arg12[%scan3A_703, %get3A_806, %get3A_807] : memref<4x64x128xf32, #tpu.memory_space<vmem>> -> memref<1x64x128xf32, #tpu.memory_space<vmem>>
      %get3A_809 = tpu.memref_squeeze %get3A_808 : memref<1x64x128xf32, #tpu.memory_space<vmem>> -> memref<64x128xf32, #tpu.memory_space<vmem>>
      %get3A_810 = arith.index_cast %add3A_782 : i32 to index
      %get3A_811 = arith.constant 16 : index
      %get3A_812 = tpu.vector_load %get3A_809[%get3A_810, %get3A_811] {strides = array<i32>} : memref<64x128xf32, #tpu.memory_space<vmem>>, vector<1x16xf32>,
      %get3A_813 = vector.shape_cast %get3A_812 : vector<1x16xf32> to vector<16xf32>
      %get3A_814 = arith.constant 0 : i32
      %get3A_815 = arith.constant 0 : i32
      %get3A_816 = tpu.memref_slice %arg13[%scan3A_704, %get3A_814, %get3A_815] : memref<4x64x128xf32, #tpu.memory_space<vmem>> -> memref<1x64x128xf32, #tpu.memory_space<vmem>>
      %get3A_817 = tpu.memref_squeeze %get3A_816 : memref<1x64x128xf32, #tpu.memory_space<vmem>> -> memref<64x128xf32, #tpu.memory_space<vmem>>
      %get3A_818 = arith.index_cast %add3A_782 : i32 to index
      %get3A_819 = arith.constant 16 : index
      %get3A_820 = tpu.vector_load %get3A_817[%get3A_818, %get3A_819] {strides = array<i32>} : memref<64x128xf32, #tpu.memory_space<vmem>>, vector<1x16xf32>,
      %get3A_821 = vector.shape_cast %get3A_820 : vector<1x16xf32> to vector<16xf32>
      %sub3A_822 = arith.subf %get3A_813, %get3A_821 : vector<16xf32>
      %swap3A_823 = arith.constant 0 : i32
      %swap3A_824 = arith.constant 0 : i32
      %swap3A_825 = tpu.memref_slice %arg11[%scan3A_705, %swap3A_823, %swap3A_824] : memref<4x64x128xf32, #tpu.memory_space<vmem>> -> memref<1x64x128xf32, #tpu.memory_space<vmem>>
      %swap3A_826 = tpu.memref_squeeze %swap3A_825 : memref<1x64x128xf32, #tpu.memory_space<vmem>> -> memref<64x128xf32, #tpu.memory_space<vmem>>
      %swap3A_827 = arith.index_cast %add3A_782 : i32 to index
      %swap3A_828 = arith.constant 16 : index
      %swap3A_829 = tpu.vector_load %swap3A_826[%swap3A_827, %swap3A_828] {strides = array<i32>} : memref<64x128xf32, #tpu.memory_space<vmem>>, vector<1x16xf32>,
      %swap3A_830 = vector.shape_cast %swap3A_829 : vector<1x16xf32> to vector<16xf32>
      %swap3A_831 = vector.shape_cast %sub3A_822 : vector<16xf32> to vector<1x16xf32>
      tpu.vector_store %swap3A_826[%swap3A_827, %swap3A_828], %swap3A_831 {add = true, strides = array<i32>} : memref<64x128xf32, #tpu.memory_space<vmem>>, vector<1x16xf32>,
      %get3A_832 = arith.constant 0 : i32
      %get3A_833 = arith.constant 0 : i32
      %get3A_834 = tpu.memref_slice %arg12[%scan3A_703, %get3A_832, %get3A_833] : memref<4x64x128xf32, #tpu.memory_space<vmem>> -> memref<1x64x128xf32, #tpu.memory_space<vmem>>
      %get3A_835 = tpu.memref_squeeze %get3A_834 : memref<1x64x128xf32, #tpu.memory_space<vmem>> -> memref<64x128xf32, #tpu.memory_space<vmem>>
      %get3A_836 = arith.index_cast %add3A_782 : i32 to index
      %get3A_837 = arith.constant 32 : index
      %get3A_838 = tpu.vector_load %get3A_835[%get3A_836, %get3A_837] {strides = array<i32>} : memref<64x128xf32, #tpu.memory_space<vmem>>, vector<1x16xf32>,
      %get3A_839 = vector.shape_cast %get3A_838 : vector<1x16xf32> to vector<16xf32>
      %get3A_840 = arith.constant 0 : i32
      %get3A_841 = arith.constant 0 : i32
      %get3A_842 = tpu.memref_slice %arg13[%scan3A_704, %get3A_840, %get3A_841] : memref<4x64x128xf32, #tpu.memory_space<vmem>> -> memref<1x64x128xf32, #tpu.memory_space<vmem>>
      %get3A_843 = tpu.memref_squeeze %get3A_842 : memref<1x64x128xf32, #tpu.memory_space<vmem>> -> memref<64x128xf32, #tpu.memory_space<vmem>>
      %get3A_844 = arith.index_cast %add3A_782 : i32 to index
      %get3A_845 = arith.constant 32 : index
      %get3A_846 = tpu.vector_load %get3A_843[%get3A_844, %get3A_845] {strides = array<i32>} : memref<64x128xf32, #tpu.memory_space<vmem>>, vector<1x16xf32>,
      %get3A_847 = vector.shape_cast %get3A_846 : vector<1x16xf32> to vector<16xf32>
      %sub3A_848 = arith.subf %get3A_839, %get3A_847 : vector<16xf32>
      %swap3A_849 = arith.constant 0 : i32
      %swap3A_850 = arith.constant 0 : i32
      %swap3A_851 = tpu.memref_slice %arg11[%scan3A_705, %swap3A_849, %swap3A_850] : memref<4x64x128xf32, #tpu.memory_space<vmem>> -> memref<1x64x128xf32, #tpu.memory_space<vmem>>
      %swap3A_852 = tpu.memref_squeeze %swap3A_851 : memref<1x64x128xf32, #tpu.memory_space<vmem>> -> memref<64x128xf32, #tpu.memory_space<vmem>>
      %swap3A_853 = arith.index_cast %add3A_782 : i32 to index
      %swap3A_854 = arith.constant 32 : index
      %swap3A_855 = tpu.vector_load %swap3A_852[%swap3A_853, %swap3A_854] {strides = array<i32>} : memref<64x128xf32, #tpu.memory_space<vmem>>, vector<1x16xf32>,
      %swap3A_856 = vector.shape_cast %swap3A_855 : vector<1x16xf32> to vector<16xf32>
      %swap3A_857 = vector.shape_cast %sub3A_848 : vector<16xf32> to vector<1x16xf32>
      tpu.vector_store %swap3A_852[%swap3A_853, %swap3A_854], %swap3A_857 {add = true, strides = array<i32>} : memref<64x128xf32, #tpu.memory_space<vmem>>, vector<1x16xf32>,
      %get3A_858 = arith.constant 0 : i32
      %get3A_859 = arith.constant 0 : i32
      %get3A_860 = tpu.memref_slice %arg12[%scan3A_703, %get3A_858, %get3A_859] : memref<4x64x128xf32, #tpu.memory_space<vmem>> -> memref<1x64x128xf32, #tpu.memory_space<vmem>>
      %get3A_861 = tpu.memref_squeeze %get3A_860 : memref<1x64x128xf32, #tpu.memory_space<vmem>> -> memref<64x128xf32, #tpu.memory_space<vmem>>
      %get3A_862 = arith.index_cast %add3A_782 : i32 to index
      %get3A_863 = arith.constant 48 : index
      %get3A_864 = tpu.vector_load %get3A_861[%get3A_862, %get3A_863] {strides = array<i32>} : memref<64x128xf32, #tpu.memory_space<vmem>>, vector<1x16xf32>,
      %get3A_865 = vector.shape_cast %get3A_864 : vector<1x16xf32> to vector<16xf32>
      %get3A_866 = arith.constant 0 : i32
      %get3A_867 = arith.constant 0 : i32
      %get3A_868 = tpu.memref_slice %arg13[%scan3A_704, %get3A_866, %get3A_867] : memref<4x64x128xf32, #tpu.memory_space<vmem>> -> memref<1x64x128xf32, #tpu.memory_space<vmem>>
      %get3A_869 = tpu.memref_squeeze %get3A_868 : memref<1x64x128xf32, #tpu.memory_space<vmem>> -> memref<64x128xf32, #tpu.memory_space<vmem>>
      %get3A_870 = arith.index_cast %add3A_782 : i32 to index
      %get3A_871 = arith.constant 48 : index
      %get3A_872 = tpu.vector_load %get3A_869[%get3A_870, %get3A_871] {strides = array<i32>} : memref<64x128xf32, #tpu.memory_space<vmem>>, vector<1x16xf32>,
      %get3A_873 = vector.shape_cast %get3A_872 : vector<1x16xf32> to vector<16xf32>
      %sub3A_874 = arith.subf %get3A_865, %get3A_873 : vector<16xf32>
      %swap3A_875 = arith.constant 0 : i32
      %swap3A_876 = arith.constant 0 : i32
      %swap3A_877 = tpu.memref_slice %arg11[%scan3A_705, %swap3A_875, %swap3A_876] : memref<4x64x128xf32, #tpu.memory_space<vmem>> -> memref<1x64x128xf32, #tpu.memory_space<vmem>>
      %swap3A_878 = tpu.memref_squeeze %swap3A_877 : memref<1x64x128xf32, #tpu.memory_space<vmem>> -> memref<64x128xf32, #tpu.memory_space<vmem>>
      %swap3A_879 = arith.index_cast %add3A_782 : i32 to index
      %swap3A_880 = arith.constant 48 : index
      %swap3A_881 = tpu.vector_load %swap3A_878[%swap3A_879, %swap3A_880] {strides = array<i32>} : memref<64x128xf32, #tpu.memory_space<vmem>>, vector<1x16xf32>,
      %swap3A_882 = vector.shape_cast %swap3A_881 : vector<1x16xf32> to vector<16xf32>
      %swap3A_883 = vector.shape_cast %sub3A_874 : vector<16xf32> to vector<1x16xf32>
      tpu.vector_store %swap3A_878[%swap3A_879, %swap3A_880], %swap3A_883 {add = true, strides = array<i32>} : memref<64x128xf32, #tpu.memory_space<vmem>>, vector<1x16xf32>,
      %get3A_884 = arith.constant 0 : i32
      %get3A_885 = arith.constant 0 : i32
      %get3A_886 = tpu.memref_slice %arg12[%scan3A_703, %get3A_884, %get3A_885] : memref<4x64x128xf32, #tpu.memory_space<vmem>> -> memref<1x64x128xf32, #tpu.memory_space<vmem>>
      %get3A_887 = tpu.memref_squeeze %get3A_886 : memref<1x64x128xf32, #tpu.memory_space<vmem>> -> memref<64x128xf32, #tpu.memory_space<vmem>>
      %get3A_888 = arith.index_cast %add3A_782 : i32 to index
      %get3A_889 = arith.constant 64 : index
      %get3A_890 = tpu.vector_load %get3A_887[%get3A_888, %get3A_889] {strides = array<i32>} : memref<64x128xf32, #tpu.memory_space<vmem>>, vector<1x16xf32>,
      %get3A_891 = vector.shape_cast %get3A_890 : vector<1x16xf32> to vector<16xf32>
      %get3A_892 = arith.constant 0 : i32
      %get3A_893 = arith.constant 0 : i32
      %get3A_894 = tpu.memref_slice %arg13[%scan3A_704, %get3A_892, %get3A_893] : memref<4x64x128xf32, #tpu.memory_space<vmem>> -> memref<1x64x128xf32, #tpu.memory_space<vmem>>
      %get3A_895 = tpu.memref_squeeze %get3A_894 : memref<1x64x128xf32, #tpu.memory_space<vmem>> -> memref<64x128xf32, #tpu.memory_space<vmem>>
      %get3A_896 = arith.index_cast %add3A_782 : i32 to index
      %get3A_897 = arith.constant 64 : index
      %get3A_898 = tpu.vector_load %get3A_895[%get3A_896, %get3A_897] {strides = array<i32>} : memref<64x128xf32, #tpu.memory_space<vmem>>, vector<1x16xf32>,
      %get3A_899 = vector.shape_cast %get3A_898 : vector<1x16xf32> to vector<16xf32>
      %sub3A_900 = arith.subf %get3A_891, %get3A_899 : vector<16xf32>
      %swap3A_901 = arith.constant 0 : i32
      %swap3A_902 = arith.constant 0 : i32
      %swap3A_903 = tpu.memref_slice %arg11[%scan3A_705, %swap3A_901, %swap3A_902] : memref<4x64x128xf32, #tpu.memory_space<vmem>> -> memref<1x64x128xf32, #tpu.memory_space<vmem>>
      %swap3A_904 = tpu.memref_squeeze %swap3A_903 : memref<1x64x128xf32, #tpu.memory_space<vmem>> -> memref<64x128xf32, #tpu.memory_space<vmem>>
      %swap3A_905 = arith.index_cast %add3A_782 : i32 to index
      %swap3A_906 = arith.constant 64 : index
      %swap3A_907 = tpu.vector_load %swap3A_904[%swap3A_905, %swap3A_906] {strides = array<i32>} : memref<64x128xf32, #tpu.memory_space<vmem>>, vector<1x16xf32>,
      %swap3A_908 = vector.shape_cast %swap3A_907 : vector<1x16xf32> to vector<16xf32>
      %swap3A_909 = vector.shape_cast %sub3A_900 : vector<16xf32> to vector<1x16xf32>
      tpu.vector_store %swap3A_904[%swap3A_905, %swap3A_906], %swap3A_909 {add = true, strides = array<i32>} : memref<64x128xf32, #tpu.memory_space<vmem>>, vector<1x16xf32>,
      %get3A_910 = arith.constant 0 : i32
      %get3A_911 = arith.constant 0 : i32
      %get3A_912 = tpu.memref_slice %arg12[%scan3A_703, %get3A_910, %get3A_911] : memref<4x64x128xf32, #tpu.memory_space<vmem>> -> memref<1x64x128xf32, #tpu.memory_space<vmem>>
      %get3A_913 = tpu.memref_squeeze %get3A_912 : memref<1x64x128xf32, #tpu.memory_space<vmem>> -> memref<64x128xf32, #tpu.memory_space<vmem>>
      %get3A_914 = arith.index_cast %add3A_782 : i32 to index
      %get3A_915 = arith.constant 80 : index
      %get3A_916 = tpu.vector_load %get3A_913[%get3A_914, %get3A_915] {strides = array<i32>} : memref<64x128xf32, #tpu.memory_space<vmem>>, vector<1x16xf32>,
      %get3A_917 = vector.shape_cast %get3A_916 : vector<1x16xf32> to vector<16xf32>
      %get3A_918 = arith.constant 0 : i32
      %get3A_919 = arith.constant 0 : i32
      %get3A_920 = tpu.memref_slice %arg13[%scan3A_704, %get3A_918, %get3A_919] : memref<4x64x128xf32, #tpu.memory_space<vmem>> -> memref<1x64x128xf32, #tpu.memory_space<vmem>>
      %get3A_921 = tpu.memref_squeeze %get3A_920 : memref<1x64x128xf32, #tpu.memory_space<vmem>> -> memref<64x128xf32, #tpu.memory_space<vmem>>
      %get3A_922 = arith.index_cast %add3A_782 : i32 to index
      %get3A_923 = arith.constant 80 : index
      %get3A_924 = tpu.vector_load %get3A_921[%get3A_922, %get3A_923] {strides = array<i32>} : memref<64x128xf32, #tpu.memory_space<vmem>>, vector<1x16xf32>,
      %get3A_925 = vector.shape_cast %get3A_924 : vector<1x16xf32> to vector<16xf32>
      %sub3A_926 = arith.subf %get3A_917, %get3A_925 : vector<16xf32>
      %swap3A_927 = arith.constant 0 : i32
      %swap3A_928 = arith.constant 0 : i32
      %swap3A_929 = tpu.memref_slice %arg11[%scan3A_705, %swap3A_927, %swap3A_928] : memref<4x64x128xf32, #tpu.memory_space<vmem>> -> memref<1x64x128xf32, #tpu.memory_space<vmem>>
      %swap3A_930 = tpu.memref_squeeze %swap3A_929 : memref<1x64x128xf32, #tpu.memory_space<vmem>> -> memref<64x128xf32, #tpu.memory_space<vmem>>
      %swap3A_931 = arith.index_cast %add3A_782 : i32 to index
      %swap3A_932 = arith.constant 80 : index
      %swap3A_933 = tpu.vector_load %swap3A_930[%swap3A_931, %swap3A_932] {strides = array<i32>} : memref<64x128xf32, #tpu.memory_space<vmem>>, vector<1x16xf32>,
      %swap3A_934 = vector.shape_cast %swap3A_933 : vector<1x16xf32> to vector<16xf32>
      %swap3A_935 = vector.shape_cast %sub3A_926 : vector<16xf32> to vector<1x16xf32>
      tpu.vector_store %swap3A_930[%swap3A_931, %swap3A_932], %swap3A_935 {add = true, strides = array<i32>} : memref<64x128xf32, #tpu.memory_space<vmem>>, vector<1x16xf32>,
      %get3A_936 = arith.constant 0 : i32
      %get3A_937 = arith.constant 0 : i32
      %get3A_938 = tpu.memref_slice %arg12[%scan3A_703, %get3A_936, %get3A_937] : memref<4x64x128xf32, #tpu.memory_space<vmem>> -> memref<1x64x128xf32, #tpu.memory_space<vmem>>
      %get3A_939 = tpu.memref_squeeze %get3A_938 : memref<1x64x128xf32, #tpu.memory_space<vmem>> -> memref<64x128xf32, #tpu.memory_space<vmem>>
      %get3A_940 = arith.index_cast %add3A_782 : i32 to index
      %get3A_941 = arith.constant 96 : index
      %get3A_942 = tpu.vector_load %get3A_939[%get3A_940, %get3A_941] {strides = array<i32>} : memref<64x128xf32, #tpu.memory_space<vmem>>, vector<1x16xf32>,
      %get3A_943 = vector.shape_cast %get3A_942 : vector<1x16xf32> to vector<16xf32>
      %get3A_944 = arith.constant 0 : i32
      %get3A_945 = arith.constant 0 : i32
      %get3A_946 = tpu.memref_slice %arg13[%scan3A_704, %get3A_944, %get3A_945] : memref<4x64x128xf32, #tpu.memory_space<vmem>> -> memref<1x64x128xf32, #tpu.memory_space<vmem>>
      %get3A_947 = tpu.memref_squeeze %get3A_946 : memref<1x64x128xf32, #tpu.memory_space<vmem>> -> memref<64x128xf32, #tpu.memory_space<vmem>>
      %get3A_948 = arith.index_cast %add3A_782 : i32 to index
      %get3A_949 = arith.constant 96 : index
      %get3A_950 = tpu.vector_load %get3A_947[%get3A_948, %get3A_949] {strides = array<i32>} : memref<64x128xf32, #tpu.memory_space<vmem>>, vector<1x16xf32>,
      %get3A_951 = vector.shape_cast %get3A_950 : vector<1x16xf32> to vector<16xf32>
      %sub3A_952 = arith.subf %get3A_943, %get3A_951 : vector<16xf32>
      %swap3A_953 = arith.constant 0 : i32
      %swap3A_954 = arith.constant 0 : i32
      %swap3A_955 = tpu.memref_slice %arg11[%scan3A_705, %swap3A_953, %swap3A_954] : memref<4x64x128xf32, #tpu.memory_space<vmem>> -> memref<1x64x128xf32, #tpu.memory_space<vmem>>
      %swap3A_956 = tpu.memref_squeeze %swap3A_955 : memref<1x64x128xf32, #tpu.memory_space<vmem>> -> memref<64x128xf32, #tpu.memory_space<vmem>>
      %swap3A_957 = arith.index_cast %add3A_782 : i32 to index
      %swap3A_958 = arith.constant 96 : index
      %swap3A_959 = tpu.vector_load %swap3A_956[%swap3A_957, %swap3A_958] {strides = array<i32>} : memref<64x128xf32, #tpu.memory_space<vmem>>, vector<1x16xf32>,
      %swap3A_960 = vector.shape_cast %swap3A_959 : vector<1x16xf32> to vector<16xf32>
      %swap3A_961 = vector.shape_cast %sub3A_952 : vector<16xf32> to vector<1x16xf32>
      tpu.vector_store %swap3A_956[%swap3A_957, %swap3A_958], %swap3A_961 {add = true, strides = array<i32>} : memref<64x128xf32, #tpu.memory_space<vmem>>, vector<1x16xf32>,
      %get3A_962 = arith.constant 0 : i32
      %get3A_963 = arith.constant 0 : i32
      %get3A_964 = tpu.memref_slice %arg12[%scan3A_703, %get3A_962, %get3A_963] : memref<4x64x128xf32, #tpu.memory_space<vmem>> -> memref<1x64x128xf32, #tpu.memory_space<vmem>>
      %get3A_965 = tpu.memref_squeeze %get3A_964 : memref<1x64x128xf32, #tpu.memory_space<vmem>> -> memref<64x128xf32, #tpu.memory_space<vmem>>
      %get3A_966 = arith.index_cast %add3A_782 : i32 to index
      %get3A_967 = arith.constant 112 : index
      %get3A_968 = tpu.vector_load %get3A_965[%get3A_966, %get3A_967] {strides = array<i32>} : memref<64x128xf32, #tpu.memory_space<vmem>>, vector<1x16xf32>,
      %get3A_969 = vector.shape_cast %get3A_968 : vector<1x16xf32> to vector<16xf32>
      %get3A_970 = arith.constant 0 : i32
      %get3A_971 = arith.constant 0 : i32
      %get3A_972 = tpu.memref_slice %arg13[%scan3A_704, %get3A_970, %get3A_971] : memref<4x64x128xf32, #tpu.memory_space<vmem>> -> memref<1x64x128xf32, #tpu.memory_space<vmem>>
      %get3A_973 = tpu.memref_squeeze %get3A_972 : memref<1x64x128xf32, #tpu.memory_space<vmem>> -> memref<64x128xf32, #tpu.memory_space<vmem>>
      %get3A_974 = arith.index_cast %add3A_782 : i32 to index
      %get3A_975 = arith.constant 112 : index
      %get3A_976 = tpu.vector_load %get3A_973[%get3A_974, %get3A_975] {strides = array<i32>} : memref<64x128xf32, #tpu.memory_space<vmem>>, vector<1x16xf32>,
      %get3A_977 = vector.shape_cast %get3A_976 : vector<1x16xf32> to vector<16xf32>
      %sub3A_978 = arith.subf %get3A_969, %get3A_977 : vector<16xf32>
      %swap3A_979 = arith.constant 0 : i32
      %swap3A_980 = arith.constant 0 : i32
      %swap3A_981 = tpu.memref_slice %arg11[%scan3A_705, %swap3A_979, %swap3A_980] : memref<4x64x128xf32, #tpu.memory_space<vmem>> -> memref<1x64x128xf32, #tpu.memory_space<vmem>>
      %swap3A_982 = tpu.memref_squeeze %swap3A_981 : memref<1x64x128xf32, #tpu.memory_space<vmem>> -> memref<64x128xf32, #tpu.memory_space<vmem>>
      %swap3A_983 = arith.index_cast %add3A_782 : i32 to index
      %swap3A_984 = arith.constant 112 : index
      %swap3A_985 = tpu.vector_load %swap3A_982[%swap3A_983, %swap3A_984] {strides = array<i32>} : memref<64x128xf32, #tpu.memory_space<vmem>>, vector<1x16xf32>,
      %swap3A_986 = vector.shape_cast %swap3A_985 : vector<1x16xf32> to vector<16xf32>
      %swap3A_987 = vector.shape_cast %sub3A_978 : vector<16xf32> to vector<1x16xf32>
      tpu.vector_store %swap3A_982[%swap3A_983, %swap3A_984], %swap3A_987 {add = true, strides = array<i32>} : memref<64x128xf32, #tpu.memory_space<vmem>>, vector<1x16xf32>,
      %mul3A_988 = arith.constant 2 : i32
      %mul3A_989 = arith.muli %scan3A_778, %mul3A_988 : i32
      %add3A_990 = arith.constant 1 : i32
      %add3A_991 = arith.addi %mul3A_989, %add3A_990 : i32
      %get3A_992 = arith.constant 0 : i32
      %get3A_993 = arith.constant 0 : i32
      %get3A_994 = tpu.memref_slice %arg12[%scan3A_703, %get3A_992, %get3A_993] : memref<4x64x128xf32, #tpu.memory_space<vmem>> -> memref<1x64x128xf32, #tpu.memory_space<vmem>>
      %get3A_995 = tpu.memref_squeeze %get3A_994 : memref<1x64x128xf32, #tpu.memory_space<vmem>> -> memref<64x128xf32, #tpu.memory_space<vmem>>
      %get3A_996 = arith.index_cast %add3A_991 : i32 to index
      %get3A_997 = arith.constant 0 : index
      %get3A_998 = tpu.vector_load %get3A_995[%get3A_996, %get3A_997] {strides = array<i32>} : memref<64x128xf32, #tpu.memory_space<vmem>>, vector<1x16xf32>,
      %get3A_999 = vector.shape_cast %get3A_998 : vector<1x16xf32> to vector<16xf32>
      %get3A_1000 = arith.constant 0 : i32
      %get3A_1001 = arith.constant 0 : i32
      %get3A_1002 = tpu.memref_slice %arg13[%scan3A_704, %get3A_1000, %get3A_1001] : memref<4x64x128xf32, #tpu.memory_space<vmem>> -> memref<1x64x128xf32, #tpu.memory_space<vmem>>
      %get3A_1003 = tpu.memref_squeeze %get3A_1002 : memref<1x64x128xf32, #tpu.memory_space<vmem>> -> memref<64x128xf32, #tpu.memory_space<vmem>>
      %get3A_1004 = arith.index_cast %add3A_991 : i32 to index
      %get3A_1005 = arith.constant 0 : index
      %get3A_1006 = tpu.vector_load %get3A_1003[%get3A_1004, %get3A_1005] {strides = array<i32>} : memref<64x128xf32, #tpu.memory_space<vmem>>, vector<1x16xf32>,
      %get3A_1007 = vector.shape_cast %get3A_1006 : vector<1x16xf32> to vector<16xf32>
      %sub3A_1008 = arith.subf %get3A_999, %get3A_1007 : vector<16xf32>
      %swap3A_1009 = arith.constant 0 : i32
      %swap3A_1010 = arith.constant 0 : i32
      %swap3A_1011 = tpu.memref_slice %arg11[%scan3A_705, %swap3A_1009, %swap3A_1010] : memref<4x64x128xf32, #tpu.memory_space<vmem>> -> memref<1x64x128xf32, #tpu.memory_space<vmem>>
      %swap3A_1012 = tpu.memref_squeeze %swap3A_1011 : memref<1x64x128xf32, #tpu.memory_space<vmem>> -> memref<64x128xf32, #tpu.memory_space<vmem>>
      %swap3A_1013 = arith.index_cast %add3A_991 : i32 to index
      %swap3A_1014 = arith.constant 0 : index
      %swap3A_1015 = tpu.vector_load %swap3A_1012[%swap3A_1013, %swap3A_1014] {strides = array<i32>} : memref<64x128xf32, #tpu.memory_space<vmem>>, vector<1x16xf32>,
      %swap3A_1016 = vector.shape_cast %swap3A_1015 : vector<1x16xf32> to vector<16xf32>
      %swap3A_1017 = vector.shape_cast %sub3A_1008 : vector<16xf32> to vector<1x16xf32>
      tpu.vector_store %swap3A_1012[%swap3A_1013, %swap3A_1014], %swap3A_1017 {add = true, strides = array<i32>} : memref<64x128xf32, #tpu.memory_space<vmem>>, vector<1x16xf32>,
      %get3A_1018 = arith.constant 0 : i32
      %get3A_1019 = arith.constant 0 : i32
      %get3A_1020 = tpu.memref_slice %arg12[%scan3A_703, %get3A_1018, %get3A_1019] : memref<4x64x128xf32, #tpu.memory_space<vmem>> -> memref<1x64x128xf32, #tpu.memory_space<vmem>>
      %get3A_1021 = tpu.memref_squeeze %get3A_1020 : memref<1x64x128xf32, #tpu.memory_space<vmem>> -> memref<64x128xf32, #tpu.memory_space<vmem>>
      %get3A_1022 = arith.index_cast %add3A_991 : i32 to index
      %get3A_1023 = arith.constant 16 : index
      %get3A_1024 = tpu.vector_load %get3A_1021[%get3A_1022, %get3A_1023] {strides = array<i32>} : memref<64x128xf32, #tpu.memory_space<vmem>>, vector<1x16xf32>,
      %get3A_1025 = vector.shape_cast %get3A_1024 : vector<1x16xf32> to vector<16xf32>
      %get3A_1026 = arith.constant 0 : i32
      %get3A_1027 = arith.constant 0 : i32
      %get3A_1028 = tpu.memref_slice %arg13[%scan3A_704, %get3A_1026, %get3A_1027] : memref<4x64x128xf32, #tpu.memory_space<vmem>> -> memref<1x64x128xf32, #tpu.memory_space<vmem>>
      %get3A_1029 = tpu.memref_squeeze %get3A_1028 : memref<1x64x128xf32, #tpu.memory_space<vmem>> -> memref<64x128xf32, #tpu.memory_space<vmem>>
      %get3A_1030 = arith.index_cast %add3A_991 : i32 to index
      %get3A_1031 = arith.constant 16 : index
      %get3A_1032 = tpu.vector_load %get3A_1029[%get3A_1030, %get3A_1031] {strides = array<i32>} : memref<64x128xf32, #tpu.memory_space<vmem>>, vector<1x16xf32>,
      %get3A_1033 = vector.shape_cast %get3A_1032 : vector<1x16xf32> to vector<16xf32>
      %sub3A_1034 = arith.subf %get3A_1025, %get3A_1033 : vector<16xf32>
      %swap3A_1035 = arith.constant 0 : i32
      %swap3A_1036 = arith.constant 0 : i32
      %swap3A_1037 = tpu.memref_slice %arg11[%scan3A_705, %swap3A_1035, %swap3A_1036] : memref<4x64x128xf32, #tpu.memory_space<vmem>> -> memref<1x64x128xf32, #tpu.memory_space<vmem>>
      %swap3A_1038 = tpu.memref_squeeze %swap3A_1037 : memref<1x64x128xf32, #tpu.memory_space<vmem>> -> memref<64x128xf32, #tpu.memory_space<vmem>>
      %swap3A_1039 = arith.index_cast %add3A_991 : i32 to index
      %swap3A_1040 = arith.constant 16 : index
      %swap3A_1041 = tpu.vector_load %swap3A_1038[%swap3A_1039, %swap3A_1040] {strides = array<i32>} : memref<64x128xf32, #tpu.memory_space<vmem>>, vector<1x16xf32>,
      %swap3A_1042 = vector.shape_cast %swap3A_1041 : vector<1x16xf32> to vector<16xf32>
      %swap3A_1043 = vector.shape_cast %sub3A_1034 : vector<16xf32> to vector<1x16xf32>
      tpu.vector_store %swap3A_1038[%swap3A_1039, %swap3A_1040], %swap3A_1043 {add = true, strides = array<i32>} : memref<64x128xf32, #tpu.memory_space<vmem>>, vector<1x16xf32>,
      %get3A_1044 = arith.constant 0 : i32
      %get3A_1045 = arith.constant 0 : i32
      %get3A_1046 = tpu.memref_slice %arg12[%scan3A_703, %get3A_1044, %get3A_1045] : memref<4x64x128xf32, #tpu.memory_space<vmem>> -> memref<1x64x128xf32, #tpu.memory_space<vmem>>
      %get3A_1047 = tpu.memref_squeeze %get3A_1046 : memref<1x64x128xf32, #tpu.memory_space<vmem>> -> memref<64x128xf32, #tpu.memory_space<vmem>>
      %get3A_1048 = arith.index_cast %add3A_991 : i32 to index
      %get3A_1049 = arith.constant 32 : index
      %get3A_1050 = tpu.vector_load %get3A_1047[%get3A_1048, %get3A_1049] {strides = array<i32>} : memref<64x128xf32, #tpu.memory_space<vmem>>, vector<1x16xf32>,
      %get3A_1051 = vector.shape_cast %get3A_1050 : vector<1x16xf32> to vector<16xf32>
      %get3A_1052 = arith.constant 0 : i32
      %get3A_1053 = arith.constant 0 : i32
      %get3A_1054 = tpu.memref_slice %arg13[%scan3A_704, %get3A_1052, %get3A_1053] : memref<4x64x128xf32, #tpu.memory_space<vmem>> -> memref<1x64x128xf32, #tpu.memory_space<vmem>>
      %get3A_1055 = tpu.memref_squeeze %get3A_1054 : memref<1x64x128xf32, #tpu.memory_space<vmem>> -> memref<64x128xf32, #tpu.memory_space<vmem>>
      %get3A_1056 = arith.index_cast %add3A_991 : i32 to index
      %get3A_1057 = arith.constant 32 : index
      %get3A_1058 = tpu.vector_load %get3A_1055[%get3A_1056, %get3A_1057] {strides = array<i32>} : memref<64x128xf32, #tpu.memory_space<vmem>>, vector<1x16xf32>,
      %get3A_1059 = vector.shape_cast %get3A_1058 : vector<1x16xf32> to vector<16xf32>
      %sub3A_1060 = arith.subf %get3A_1051, %get3A_1059 : vector<16xf32>
      %swap3A_1061 = arith.constant 0 : i32
      %swap3A_1062 = arith.constant 0 : i32
      %swap3A_1063 = tpu.memref_slice %arg11[%scan3A_705, %swap3A_1061, %swap3A_1062] : memref<4x64x128xf32, #tpu.memory_space<vmem>> -> memref<1x64x128xf32, #tpu.memory_space<vmem>>
      %swap3A_1064 = tpu.memref_squeeze %swap3A_1063 : memref<1x64x128xf32, #tpu.memory_space<vmem>> -> memref<64x128xf32, #tpu.memory_space<vmem>>
      %swap3A_1065 = arith.index_cast %add3A_991 : i32 to index
      %swap3A_1066 = arith.constant 32 : index
      %swap3A_1067 = tpu.vector_load %swap3A_1064[%swap3A_1065, %swap3A_1066] {strides = array<i32>} : memref<64x128xf32, #tpu.memory_space<vmem>>, vector<1x16xf32>,
      %swap3A_1068 = vector.shape_cast %swap3A_1067 : vector<1x16xf32> to vector<16xf32>
      %swap3A_1069 = vector.shape_cast %sub3A_1060 : vector<16xf32> to vector<1x16xf32>
      tpu.vector_store %swap3A_1064[%swap3A_1065, %swap3A_1066], %swap3A_1069 {add = true, strides = array<i32>} : memref<64x128xf32, #tpu.memory_space<vmem>>, vector<1x16xf32>,
      %get3A_1070 = arith.constant 0 : i32
      %get3A_1071 = arith.constant 0 : i32
      %get3A_1072 = tpu.memref_slice %arg12[%scan3A_703, %get3A_1070, %get3A_1071] : memref<4x64x128xf32, #tpu.memory_space<vmem>> -> memref<1x64x128xf32, #tpu.memory_space<vmem>>
      %get3A_1073 = tpu.memref_squeeze %get3A_1072 : memref<1x64x128xf32, #tpu.memory_space<vmem>> -> memref<64x128xf32, #tpu.memory_space<vmem>>
      %get3A_1074 = arith.index_cast %add3A_991 : i32 to index
      %get3A_1075 = arith.constant 48 : index
      %get3A_1076 = tpu.vector_load %get3A_1073[%get3A_1074, %get3A_1075] {strides = array<i32>} : memref<64x128xf32, #tpu.memory_space<vmem>>, vector<1x16xf32>,
      %get3A_1077 = vector.shape_cast %get3A_1076 : vector<1x16xf32> to vector<16xf32>
      %get3A_1078 = arith.constant 0 : i32
      %get3A_1079 = arith.constant 0 : i32
      %get3A_1080 = tpu.memref_slice %arg13[%scan3A_704, %get3A_1078, %get3A_1079] : memref<4x64x128xf32, #tpu.memory_space<vmem>> -> memref<1x64x128xf32, #tpu.memory_space<vmem>>
      %get3A_1081 = tpu.memref_squeeze %get3A_1080 : memref<1x64x128xf32, #tpu.memory_space<vmem>> -> memref<64x128xf32, #tpu.memory_space<vmem>>
      %get3A_1082 = arith.index_cast %add3A_991 : i32 to index
      %get3A_1083 = arith.constant 48 : index
      %get3A_1084 = tpu.vector_load %get3A_1081[%get3A_1082, %get3A_1083] {strides = array<i32>} : memref<64x128xf32, #tpu.memory_space<vmem>>, vector<1x16xf32>,
      %get3A_1085 = vector.shape_cast %get3A_1084 : vector<1x16xf32> to vector<16xf32>
      %sub3A_1086 = arith.subf %get3A_1077, %get3A_1085 : vector<16xf32>
      %swap3A_1087 = arith.constant 0 : i32
      %swap3A_1088 = arith.constant 0 : i32
      %swap3A_1089 = tpu.memref_slice %arg11[%scan3A_705, %swap3A_1087, %swap3A_1088] : memref<4x64x128xf32, #tpu.memory_space<vmem>> -> memref<1x64x128xf32, #tpu.memory_space<vmem>>
      %swap3A_1090 = tpu.memref_squeeze %swap3A_1089 : memref<1x64x128xf32, #tpu.memory_space<vmem>> -> memref<64x128xf32, #tpu.memory_space<vmem>>
      %swap3A_1091 = arith.index_cast %add3A_991 : i32 to index
      %swap3A_1092 = arith.constant 48 : index
      %swap3A_1093 = tpu.vector_load %swap3A_1090[%swap3A_1091, %swap3A_1092] {strides = array<i32>} : memref<64x128xf32, #tpu.memory_space<vmem>>, vector<1x16xf32>,
      %swap3A_1094 = vector.shape_cast %swap3A_1093 : vector<1x16xf32> to vector<16xf32>
      %swap3A_1095 = vector.shape_cast %sub3A_1086 : vector<16xf32> to vector<1x16xf32>
      tpu.vector_store %swap3A_1090[%swap3A_1091, %swap3A_1092], %swap3A_1095 {add = true, strides = array<i32>} : memref<64x128xf32, #tpu.memory_space<vmem>>, vector<1x16xf32>,
      %get3A_1096 = arith.constant 0 : i32
      %get3A_1097 = arith.constant 0 : i32
      %get3A_1098 = tpu.memref_slice %arg12[%scan3A_703, %get3A_1096, %get3A_1097] : memref<4x64x128xf32, #tpu.memory_space<vmem>> -> memref<1x64x128xf32, #tpu.memory_space<vmem>>
      %get3A_1099 = tpu.memref_squeeze %get3A_1098 : memref<1x64x128xf32, #tpu.memory_space<vmem>> -> memref<64x128xf32, #tpu.memory_space<vmem>>
      %get3A_1100 = arith.index_cast %add3A_991 : i32 to index
      %get3A_1101 = arith.constant 64 : index
      %get3A_1102 = tpu.vector_load %get3A_1099[%get3A_1100, %get3A_1101] {strides = array<i32>} : memref<64x128xf32, #tpu.memory_space<vmem>>, vector<1x16xf32>,
      %get3A_1103 = vector.shape_cast %get3A_1102 : vector<1x16xf32> to vector<16xf32>
      %get3A_1104 = arith.constant 0 : i32
      %get3A_1105 = arith.constant 0 : i32
      %get3A_1106 = tpu.memref_slice %arg13[%scan3A_704, %get3A_1104, %get3A_1105] : memref<4x64x128xf32, #tpu.memory_space<vmem>> -> memref<1x64x128xf32, #tpu.memory_space<vmem>>
      %get3A_1107 = tpu.memref_squeeze %get3A_1106 : memref<1x64x128xf32, #tpu.memory_space<vmem>> -> memref<64x128xf32, #tpu.memory_space<vmem>>
      %get3A_1108 = arith.index_cast %add3A_991 : i32 to index
      %get3A_1109 = arith.constant 64 : index
      %get3A_1110 = tpu.vector_load %get3A_1107[%get3A_1108, %get3A_1109] {strides = array<i32>} : memref<64x128xf32, #tpu.memory_space<vmem>>, vector<1x16xf32>,
      %get3A_1111 = vector.shape_cast %get3A_1110 : vector<1x16xf32> to vector<16xf32>
      %sub3A_1112 = arith.subf %get3A_1103, %get3A_1111 : vector<16xf32>
      %swap3A_1113 = arith.constant 0 : i32
      %swap3A_1114 = arith.constant 0 : i32
      %swap3A_1115 = tpu.memref_slice %arg11[%scan3A_705, %swap3A_1113, %swap3A_1114] : memref<4x64x128xf32, #tpu.memory_space<vmem>> -> memref<1x64x128xf32, #tpu.memory_space<vmem>>
      %swap3A_1116 = tpu.memref_squeeze %swap3A_1115 : memref<1x64x128xf32, #tpu.memory_space<vmem>> -> memref<64x128xf32, #tpu.memory_space<vmem>>
      %swap3A_1117 = arith.index_cast %add3A_991 : i32 to index
      %swap3A_1118 = arith.constant 64 : index
      %swap3A_1119 = tpu.vector_load %swap3A_1116[%swap3A_1117, %swap3A_1118] {strides = array<i32>} : memref<64x128xf32, #tpu.memory_space<vmem>>, vector<1x16xf32>,
      %swap3A_1120 = vector.shape_cast %swap3A_1119 : vector<1x16xf32> to vector<16xf32>
      %swap3A_1121 = vector.shape_cast %sub3A_1112 : vector<16xf32> to vector<1x16xf32>
      tpu.vector_store %swap3A_1116[%swap3A_1117, %swap3A_1118], %swap3A_1121 {add = true, strides = array<i32>} : memref<64x128xf32, #tpu.memory_space<vmem>>, vector<1x16xf32>,
      %get3A_1122 = arith.constant 0 : i32
      %get3A_1123 = arith.constant 0 : i32
      %get3A_1124 = tpu.memref_slice %arg12[%scan3A_703, %get3A_1122, %get3A_1123] : memref<4x64x128xf32, #tpu.memory_space<vmem>> -> memref<1x64x128xf32, #tpu.memory_space<vmem>>
      %get3A_1125 = tpu.memref_squeeze %get3A_1124 : memref<1x64x128xf32, #tpu.memory_space<vmem>> -> memref<64x128xf32, #tpu.memory_space<vmem>>
      %get3A_1126 = arith.index_cast %add3A_991 : i32 to index
      %get3A_1127 = arith.constant 80 : index
      %get3A_1128 = tpu.vector_load %get3A_1125[%get3A_1126, %get3A_1127] {strides = array<i32>} : memref<64x128xf32, #tpu.memory_space<vmem>>, vector<1x16xf32>,
      %get3A_1129 = vector.shape_cast %get3A_1128 : vector<1x16xf32> to vector<16xf32>
      %get3A_1130 = arith.constant 0 : i32
      %get3A_1131 = arith.constant 0 : i32
      %get3A_1132 = tpu.memref_slice %arg13[%scan3A_704, %get3A_1130, %get3A_1131] : memref<4x64x128xf32, #tpu.memory_space<vmem>> -> memref<1x64x128xf32, #tpu.memory_space<vmem>>
      %get3A_1133 = tpu.memref_squeeze %get3A_1132 : memref<1x64x128xf32, #tpu.memory_space<vmem>> -> memref<64x128xf32, #tpu.memory_space<vmem>>
      %get3A_1134 = arith.index_cast %add3A_991 : i32 to index
      %get3A_1135 = arith.constant 80 : index
      %get3A_1136 = tpu.vector_load %get3A_1133[%get3A_1134, %get3A_1135] {strides = array<i32>} : memref<64x128xf32, #tpu.memory_space<vmem>>, vector<1x16xf32>,
      %get3A_1137 = vector.shape_cast %get3A_1136 : vector<1x16xf32> to vector<16xf32>
      %sub3A_1138 = arith.subf %get3A_1129, %get3A_1137 : vector<16xf32>
      %swap3A_1139 = arith.constant 0 : i32
      %swap3A_1140 = arith.constant 0 : i32
      %swap3A_1141 = tpu.memref_slice %arg11[%scan3A_705, %swap3A_1139, %swap3A_1140] : memref<4x64x128xf32, #tpu.memory_space<vmem>> -> memref<1x64x128xf32, #tpu.memory_space<vmem>>
      %swap3A_1142 = tpu.memref_squeeze %swap3A_1141 : memref<1x64x128xf32, #tpu.memory_space<vmem>> -> memref<64x128xf32, #tpu.memory_space<vmem>>
      %swap3A_1143 = arith.index_cast %add3A_991 : i32 to index
      %swap3A_1144 = arith.constant 80 : index
      %swap3A_1145 = tpu.vector_load %swap3A_1142[%swap3A_1143, %swap3A_1144] {strides = array<i32>} : memref<64x128xf32, #tpu.memory_space<vmem>>, vector<1x16xf32>,
      %swap3A_1146 = vector.shape_cast %swap3A_1145 : vector<1x16xf32> to vector<16xf32>
      %swap3A_1147 = vector.shape_cast %sub3A_1138 : vector<16xf32> to vector<1x16xf32>
      tpu.vector_store %swap3A_1142[%swap3A_1143, %swap3A_1144], %swap3A_1147 {add = true, strides = array<i32>} : memref<64x128xf32, #tpu.memory_space<vmem>>, vector<1x16xf32>,
      %get3A_1148 = arith.constant 0 : i32
      %get3A_1149 = arith.constant 0 : i32
      %get3A_1150 = tpu.memref_slice %arg12[%scan3A_703, %get3A_1148, %get3A_1149] : memref<4x64x128xf32, #tpu.memory_space<vmem>> -> memref<1x64x128xf32, #tpu.memory_space<vmem>>
      %get3A_1151 = tpu.memref_squeeze %get3A_1150 : memref<1x64x128xf32, #tpu.memory_space<vmem>> -> memref<64x128xf32, #tpu.memory_space<vmem>>
      %get3A_1152 = arith.index_cast %add3A_991 : i32 to index
      %get3A_1153 = arith.constant 96 : index
      %get3A_1154 = tpu.vector_load %get3A_1151[%get3A_1152, %get3A_1153] {strides = array<i32>} : memref<64x128xf32, #tpu.memory_space<vmem>>, vector<1x16xf32>,
      %get3A_1155 = vector.shape_cast %get3A_1154 : vector<1x16xf32> to vector<16xf32>
      %get3A_1156 = arith.constant 0 : i32
      %get3A_1157 = arith.constant 0 : i32
      %get3A_1158 = tpu.memref_slice %arg13[%scan3A_704, %get3A_1156, %get3A_1157] : memref<4x64x128xf32, #tpu.memory_space<vmem>> -> memref<1x64x128xf32, #tpu.memory_space<vmem>>
      %get3A_1159 = tpu.memref_squeeze %get3A_1158 : memref<1x64x128xf32, #tpu.memory_space<vmem>> -> memref<64x128xf32, #tpu.memory_space<vmem>>
      %get3A_1160 = arith.index_cast %add3A_991 : i32 to index
      %get3A_1161 = arith.constant 96 : index
      %get3A_1162 = tpu.vector_load %get3A_1159[%get3A_1160, %get3A_1161] {strides = array<i32>} : memref<64x128xf32, #tpu.memory_space<vmem>>, vector<1x16xf32>,
      %get3A_1163 = vector.shape_cast %get3A_1162 : vector<1x16xf32> to vector<16xf32>
      %sub3A_1164 = arith.subf %get3A_1155, %get3A_1163 : vector<16xf32>
      %swap3A_1165 = arith.constant 0 : i32
      %swap3A_1166 = arith.constant 0 : i32
      %swap3A_1167 = tpu.memref_slice %arg11[%scan3A_705, %swap3A_1165, %swap3A_1166] : memref<4x64x128xf32, #tpu.memory_space<vmem>> -> memref<1x64x128xf32, #tpu.memory_space<vmem>>
      %swap3A_1168 = tpu.memref_squeeze %swap3A_1167 : memref<1x64x128xf32, #tpu.memory_space<vmem>> -> memref<64x128xf32, #tpu.memory_space<vmem>>
      %swap3A_1169 = arith.index_cast %add3A_991 : i32 to index
      %swap3A_1170 = arith.constant 96 : index
      %swap3A_1171 = tpu.vector_load %swap3A_1168[%swap3A_1169, %swap3A_1170] {strides = array<i32>} : memref<64x128xf32, #tpu.memory_space<vmem>>, vector<1x16xf32>,
      %swap3A_1172 = vector.shape_cast %swap3A_1171 : vector<1x16xf32> to vector<16xf32>
      %swap3A_1173 = vector.shape_cast %sub3A_1164 : vector<16xf32> to vector<1x16xf32>
      tpu.vector_store %swap3A_1168[%swap3A_1169, %swap3A_1170], %swap3A_1173 {add = true, strides = array<i32>} : memref<64x128xf32, #tpu.memory_space<vmem>>, vector<1x16xf32>,
      %get3A_1174 = arith.constant 0 : i32
      %get3A_1175 = arith.constant 0 : i32
      %get3A_1176 = tpu.memref_slice %arg12[%scan3A_703, %get3A_1174, %get3A_1175] : memref<4x64x128xf32, #tpu.memory_space<vmem>> -> memref<1x64x128xf32, #tpu.memory_space<vmem>>
      %get3A_1177 = tpu.memref_squeeze %get3A_1176 : memref<1x64x128xf32, #tpu.memory_space<vmem>> -> memref<64x128xf32, #tpu.memory_space<vmem>>
      %get3A_1178 = arith.index_cast %add3A_991 : i32 to index
      %get3A_1179 = arith.constant 112 : index
      %get3A_1180 = tpu.vector_load %get3A_1177[%get3A_1178, %get3A_1179] {strides = array<i32>} : memref<64x128xf32, #tpu.memory_space<vmem>>, vector<1x16xf32>,
      %get3A_1181 = vector.shape_cast %get3A_1180 : vector<1x16xf32> to vector<16xf32>
      %get3A_1182 = arith.constant 0 : i32
      %get3A_1183 = arith.constant 0 : i32
      %get3A_1184 = tpu.memref_slice %arg13[%scan3A_704, %get3A_1182, %get3A_1183] : memref<4x64x128xf32, #tpu.memory_space<vmem>> -> memref<1x64x128xf32, #tpu.memory_space<vmem>>
      %get3A_1185 = tpu.memref_squeeze %get3A_1184 : memref<1x64x128xf32, #tpu.memory_space<vmem>> -> memref<64x128xf32, #tpu.memory_space<vmem>>
      %get3A_1186 = arith.index_cast %add3A_991 : i32 to index
      %get3A_1187 = arith.constant 112 : index
      %get3A_1188 = tpu.vector_load %get3A_1185[%get3A_1186, %get3A_1187] {strides = array<i32>} : memref<64x128xf32, #tpu.memory_space<vmem>>, vector<1x16xf32>,
      %get3A_1189 = vector.shape_cast %get3A_1188 : vector<1x16xf32> to vector<16xf32>
      %sub3A_1190 = arith.subf %get3A_1181, %get3A_1189 : vector<16xf32>
      %swap3A_1191 = arith.constant 0 : i32
      %swap3A_1192 = arith.constant 0 : i32
      %swap3A_1193 = tpu.memref_slice %arg11[%scan3A_705, %swap3A_1191, %swap3A_1192] : memref<4x64x128xf32, #tpu.memory_space<vmem>> -> memref<1x64x128xf32, #tpu.memory_space<vmem>>
      %swap3A_1194 = tpu.memref_squeeze %swap3A_1193 : memref<1x64x128xf32, #tpu.memory_space<vmem>> -> memref<64x128xf32, #tpu.memory_space<vmem>>
      %swap3A_1195 = arith.index_cast %add3A_991 : i32 to index
      %swap3A_1196 = arith.constant 112 : index
      %swap3A_1197 = tpu.vector_load %swap3A_1194[%swap3A_1195, %swap3A_1196] {strides = array<i32>} : memref<64x128xf32, #tpu.memory_space<vmem>>, vector<1x16xf32>,
      %swap3A_1198 = vector.shape_cast %swap3A_1197 : vector<1x16xf32> to vector<16xf32>
      %swap3A_1199 = vector.shape_cast %sub3A_1190 : vector<16xf32> to vector<1x16xf32>
      tpu.vector_store %swap3A_1194[%swap3A_1195, %swap3A_1196], %swap3A_1199 {add = true, strides = array<i32>} : memref<64x128xf32, #tpu.memory_space<vmem>>, vector<1x16xf32>,
    }
    %scan3A_710 = arith.constant 32 : i32
    %add3A_711 = arith.constant 448 : i32
    %add3A_712 = arith.addi %mul3A_2, %add3A_711 : i32
    %dma_start3A_713 = arith.constant 3 : i32
    %dma_start3A_714 = arith.constant 0 : i32
    %dma_start3A_715 = arith.constant 0 : i32
    %dma_start3A_716 = tpu.memref_slice %arg11[%dma_start3A_713, %dma_start3A_714, %dma_start3A_715] : memref<4x64x128xf32, #tpu.memory_space<vmem>> -> memref<1x64x128xf32, #tpu.memory_space<vmem>>
    %dma_start3A_717 = tpu.memref_squeeze %dma_start3A_716 : memref<1x64x128xf32, #tpu.memory_space<vmem>> -> memref<64x128xf32, #tpu.memory_space<vmem>>
    %dma_start3A_718 = arith.constant 0 : i32
    %dma_start3A_719 = tpu.memref_slice %arg7[%add3A_712, %dma_start3A_718] : memref<16384x128xf32, #tpu.memory_space<hbm>> -> memref<64x128xf32, #tpu.memory_space<hbm>>
    %dma_start3A_720 = arith.constant 0 : i32
    %dma_start3A_721 = tpu.memref_slice %arg7[%add3A_712, %dma_start3A_720] : memref<16384x128xf32, #tpu.memory_space<hbm>> -> memref<64x128xf32, #tpu.memory_space<hbm>>
    %dma_start3A_722 = arith.constant 0 : i32
    %dma_start3A_723 = arith.constant 0 : i32
    %dma_start3A_724 = tpu.memref_slice %arg11[%dma_start3A_713, %dma_start3A_722, %dma_start3A_723] : memref<4x64x128xf32, #tpu.memory_space<vmem>> -> memref<1x64x128xf32, #tpu.memory_space<vmem>>
    %dma_start3A_725 = tpu.memref_squeeze %dma_start3A_724 : memref<1x64x128xf32, #tpu.memory_space<vmem>> -> memref<64x128xf32, #tpu.memory_space<vmem>>
    tpu.enqueue_dma source(%dma_start3A_725 : memref<64x128xf32, #tpu.memory_space<vmem>>) target(%dma_start3A_721 : memref<64x128xf32, #tpu.memory_space<hbm>>) target_semaphore(%arg26 : memref<!tpu.dma_semaphore, #tpu.memory_space<semaphore_mem>>)
    %dma_wait3A_726 = arith.constant 0 : i32
    %dma_wait3A_727 = arith.constant 0 : i32
    %dma_wait3A_728 = arith.constant 0 : i32
    %dma_wait3A_729 = tpu.memref_slice %arg11[%dma_wait3A_726, %dma_wait3A_727, %dma_wait3A_728] : memref<4x64x128xf32, #tpu.memory_space<vmem>> -> memref<1x64x128xf32, #tpu.memory_space<vmem>>
    %dma_wait3A_730 = tpu.memref_squeeze %dma_wait3A_729 : memref<1x64x128xf32, #tpu.memory_space<vmem>> -> memref<64x128xf32, #tpu.memory_space<vmem>>
    %dma_wait3A_731 = arith.constant 0 : i32
    %dma_wait3A_732 = tpu.memref_slice %arg7[%add3A_507, %dma_wait3A_731] : memref<16384x128xf32, #tpu.memory_space<hbm>> -> memref<64x128xf32, #tpu.memory_space<hbm>>
    %dma_wait3A_733 = arith.constant 0 : i32
    %dma_wait3A_734 = tpu.memref_slice %arg7[%add3A_507, %dma_wait3A_733] : memref<16384x128xf32, #tpu.memory_space<hbm>> -> memref<64x128xf32, #tpu.memory_space<hbm>>
    %dma_wait3A_735 = arith.constant 0 : i32
    %dma_wait3A_736 = arith.constant 0 : i32
    %dma_wait3A_737 = tpu.memref_slice %arg11[%dma_wait3A_726, %dma_wait3A_735, %dma_wait3A_736] : memref<4x64x128xf32, #tpu.memory_space<vmem>> -> memref<1x64x128xf32, #tpu.memory_space<vmem>>
    %dma_wait3A_738 = tpu.memref_squeeze %dma_wait3A_737 : memref<1x64x128xf32, #tpu.memory_space<vmem>> -> memref<64x128xf32, #tpu.memory_space<vmem>>
    tpu.wait_dma2 semaphore(%arg23 : memref<!tpu.dma_semaphore, #tpu.memory_space<semaphore_mem>>) src(%dma_wait3A_738 : memref<64x128xf32, #tpu.memory_space<vmem>>) dst(%dma_wait3A_734 : memref<64x128xf32, #tpu.memory_space<hbm>>)
    %dma_wait3A_739 = arith.constant 1 : i32
    %dma_wait3A_740 = arith.constant 0 : i32
    %dma_wait3A_741 = arith.constant 0 : i32
    %dma_wait3A_742 = tpu.memref_slice %arg11[%dma_wait3A_739, %dma_wait3A_740, %dma_wait3A_741] : memref<4x64x128xf32, #tpu.memory_space<vmem>> -> memref<1x64x128xf32, #tpu.memory_space<vmem>>
    %dma_wait3A_743 = tpu.memref_squeeze %dma_wait3A_742 : memref<1x64x128xf32, #tpu.memory_space<vmem>> -> memref<64x128xf32, #tpu.memory_space<vmem>>
    %dma_wait3A_744 = arith.constant 0 : i32
    %dma_wait3A_745 = tpu.memref_slice %arg7[%add3A_604, %dma_wait3A_744] : memref<16384x128xf32, #tpu.memory_space<hbm>> -> memref<64x128xf32, #tpu.memory_space<hbm>>
    %dma_wait3A_746 = arith.constant 0 : i32
    %dma_wait3A_747 = tpu.memref_slice %arg7[%add3A_604, %dma_wait3A_746] : memref<16384x128xf32, #tpu.memory_space<hbm>> -> memref<64x128xf32, #tpu.memory_space<hbm>>
    %dma_wait3A_748 = arith.constant 0 : i32
    %dma_wait3A_749 = arith.constant 0 : i32
    %dma_wait3A_750 = tpu.memref_slice %arg11[%dma_wait3A_739, %dma_wait3A_748, %dma_wait3A_749] : memref<4x64x128xf32, #tpu.memory_space<vmem>> -> memref<1x64x128xf32, #tpu.memory_space<vmem>>
    %dma_wait3A_751 = tpu.memref_squeeze %dma_wait3A_750 : memref<1x64x128xf32, #tpu.memory_space<vmem>> -> memref<64x128xf32, #tpu.memory_space<vmem>>
    tpu.wait_dma2 semaphore(%arg24 : memref<!tpu.dma_semaphore, #tpu.memory_space<semaphore_mem>>) src(%dma_wait3A_751 : memref<64x128xf32, #tpu.memory_space<vmem>>) dst(%dma_wait3A_747 : memref<64x128xf32, #tpu.memory_space<hbm>>)
    %dma_wait3A_752 = arith.constant 2 : i32
    %dma_wait3A_753 = arith.constant 0 : i32
    %dma_wait3A_754 = arith.constant 0 : i32
    %dma_wait3A_755 = tpu.memref_slice %arg11[%dma_wait3A_752, %dma_wait3A_753, %dma_wait3A_754] : memref<4x64x128xf32, #tpu.memory_space<vmem>> -> memref<1x64x128xf32, #tpu.memory_space<vmem>>
    %dma_wait3A_756 = tpu.memref_squeeze %dma_wait3A_755 : memref<1x64x128xf32, #tpu.memory_space<vmem>> -> memref<64x128xf32, #tpu.memory_space<vmem>>
    %dma_wait3A_757 = arith.constant 0 : i32
    %dma_wait3A_758 = tpu.memref_slice %arg7[%add3A_658, %dma_wait3A_757] : memref<16384x128xf32, #tpu.memory_space<hbm>> -> memref<64x128xf32, #tpu.memory_space<hbm>>
    %dma_wait3A_759 = arith.constant 0 : i32
    %dma_wait3A_760 = tpu.memref_slice %arg7[%add3A_658, %dma_wait3A_759] : memref<16384x128xf32, #tpu.memory_space<hbm>> -> memref<64x128xf32, #tpu.memory_space<hbm>>
    %dma_wait3A_761 = arith.constant 0 : i32
    %dma_wait3A_762 = arith.constant 0 : i32
    %dma_wait3A_763 = tpu.memref_slice %arg11[%dma_wait3A_752, %dma_wait3A_761, %dma_wait3A_762] : memref<4x64x128xf32, #tpu.memory_space<vmem>> -> memref<1x64x128xf32, #tpu.memory_space<vmem>>
    %dma_wait3A_764 = tpu.memref_squeeze %dma_wait3A_763 : memref<1x64x128xf32, #tpu.memory_space<vmem>> -> memref<64x128xf32, #tpu.memory_space<vmem>>
    tpu.wait_dma2 semaphore(%arg25 : memref<!tpu.dma_semaphore, #tpu.memory_space<semaphore_mem>>) src(%dma_wait3A_764 : memref<64x128xf32, #tpu.memory_space<vmem>>) dst(%dma_wait3A_760 : memref<64x128xf32, #tpu.memory_space<hbm>>)
    %dma_wait3A_765 = arith.constant 3 : i32
    %dma_wait3A_766 = arith.constant 0 : i32
    %dma_wait3A_767 = arith.constant 0 : i32
    %dma_wait3A_768 = tpu.memref_slice %arg11[%dma_wait3A_765, %dma_wait3A_766, %dma_wait3A_767] : memref<4x64x128xf32, #tpu.memory_space<vmem>> -> memref<1x64x128xf32, #tpu.memory_space<vmem>>
    %dma_wait3A_769 = tpu.memref_squeeze %dma_wait3A_768 : memref<1x64x128xf32, #tpu.memory_space<vmem>> -> memref<64x128xf32, #tpu.memory_space<vmem>>
    %dma_wait3A_770 = arith.constant 0 : i32
    %dma_wait3A_771 = tpu.memref_slice %arg7[%add3A_712, %dma_wait3A_770] : memref<16384x128xf32, #tpu.memory_space<hbm>> -> memref<64x128xf32, #tpu.memory_space<hbm>>
    %dma_wait3A_772 = arith.constant 0 : i32
    %dma_wait3A_773 = tpu.memref_slice %arg7[%add3A_712, %dma_wait3A_772] : memref<16384x128xf32, #tpu.memory_space<hbm>> -> memref<64x128xf32, #tpu.memory_space<hbm>>
    %dma_wait3A_774 = arith.constant 0 : i32
    %dma_wait3A_775 = arith.constant 0 : i32
    %dma_wait3A_776 = tpu.memref_slice %arg11[%dma_wait3A_765, %dma_wait3A_774, %dma_wait3A_775] : memref<4x64x128xf32, #tpu.memory_space<vmem>> -> memref<1x64x128xf32, #tpu.memory_space<vmem>>
    %dma_wait3A_777 = tpu.memref_squeeze %dma_wait3A_776 : memref<1x64x128xf32, #tpu.memory_space<vmem>> -> memref<64x128xf32, #tpu.memory_space<vmem>>
    tpu.wait_dma2 semaphore(%arg26 : memref<!tpu.dma_semaphore, #tpu.memory_space<semaphore_mem>>) src(%dma_wait3A_777 : memref<64x128xf32, #tpu.memory_space<vmem>>) dst(%dma_wait3A_773 : memref<64x128xf32, #tpu.memory_space<hbm>>)
    return
  }
}

</mosaic_0001>

<sc_bundles>
// kernel: kernel.3.cloned.1.call-start
scs
__scs_entry_jumppad:
0x0: {  	(pc) =	sbr.rel $0x88, $3  }
0x1: {  	(tag) =	ssettag $0x0;
	lr =	simm.s32 $0x1  }
0x2: {  	[smem:$0x3F9C] =	sst lr;
	_ =	strace $0xD0000000  }
0x3: {  	_ = 	snop  }
0x4: {  	_ = 	snop  }
0x5: {  	_ = 	snop  }
0x6: {  	_ = 	snop  }
0x7: {  	_ = 	snop  }
__scs_overlays_trampoline_lowered:
0x8: {  	[smem:$0x3FAB] =	sst s0  }
0x9: {  	[smem:$0x3FAC] =	sst s1  }
0xa: {  	[smem:$0x3FAD] =	sst s2  }
0xb: {  	[smem:$0x3FAE] =	sst s3  }
0xc: {  	[smem:$0x3FAF] =	sst s4  }
0xd: {  	[smem:$0x3FB0] =	sst s5  }
0xe: {  	[smem:$0x3FB1] =	sst s6  }
0xf: {  	[smem:$0x3FB2] =	sst s7  }
0x10: {  	[smem:$0x3FB3] =	sst s8  }
0x11: {  	[smem:$0x3FB4] =	sst s9;
	s0 =	simm.s32 @!p0 $0x0  }
0x12: {  	s1 =	sld [smem:$0x3F9A];
	s0 =	simm.s32 @p0 $0x1  }
0x13: {  	[smem:$0x3FB5] =	sst s0;
	s0 =	simm.s32 @!p1 $0x0  }
0x14: {  	s2 =	sld [smem:$0x3F99];
	s0 =	simm.s32 @p1 $0x1  }
0x15: {  	[smem:$0x3FB6] =	sst s0;
	s0 =	simm.s32 @!p2 $0x0  }
0x16: {  	s3 =	sld [smem:$0x3FDB];
	s0 =	simm.s32 @p2 $0x1  }
0x17: {  	s4 =	simm.s32 $0x1BF5;
	[smem:$0x3FB8] =	sst s0  }
0x18: {  	s0 =	sld [smem:$0x3F9B];
	_ =	swait.ge [sflag:s4], $0x0  }
0x19: {  	s7 =	sld [smem:$0x3F9C]  }
0x1a: {  	s8 =	sadd.s32 $0xFFFFE003, lr  }
0x1b: {  	s9 =	sadd.s32 $0xFFFFFEF7, lr;
	s5 =	simm.s32 $0xFFFFFFFF;
	p2 =	slt.u32 s8, $0xFFFFF086  }
0x1c: {  	p1 =	slt.u32 s9, $0xF7A;
	s5 =	simm.s32 @!p2 $0x0  }
0x1d: {  	s5 =	simm.s32 @p1 $0x1;
	p0 =	seq.s32 s7, s2  }
0x1e: {  	s7 =	smul.u32 @!p0 $0xF7A, s2;
	p2 =	seq.s32 @!p0 s5, $0x0  }
0x1f: {  	s9 =	smul.u32 $0xF7A, s1;
	s8 =	simm.s32 @!p0 $0x1BF5;
	p2 =	por !p2, p0  }
0x20: {  	[sflag:s8] =	ssyncset.s32 @!p0 $0xFFFFF086;
	s6 =	sadd.s32 @!p0 s3, s7;
	s7 =	simm.s32 @!p0 $0x108  }
0x21: {  	s3 =	sadd.s32 s3, s9;
	s6 =	sadd.s32 @!p0 $0x88, s6;
	s7 =	simm.s32 @p2 $0x1082  }
0x22: {  	[simem:s7], [sflag:s8] =	dma.local @!p0 [hbm:s6], $0xF7A  }
0x23: {  	s9 =	sor.u32 $0xD0000000, s2;
	s6 =	simm.s32 $0x108;
	_ =	swait.ge @!p0 [sflag:s8], $0x0  }
0x24: {  	s3 =	sadd.s32 $0x88, s3;
	s6 =	simm.s32 @!p1 $0x1082;
	[sflag:s4] =	ssyncset.s32 $0xFFFFF086  }
0x25: {  	[simem:s6], [sflag:s4] =	dma.local [hbm:s3], $0xF7A  }
0x26: {  	[smem:$0x3F9C] =	sst s1;
	(tag) =	ssettag s2;
	_ =	strace s9  }
0x27: {  	s1 =	sld [smem:$0x3FAC]  }
0x28: {  	s2 =	sld [smem:$0x3FAD]  }
0x29: {  	s4 =	sld [smem:$0x3FAF]  }
0x2a: {  	p0 =	seq.s32 s5, $0x0;
	s5 =	sld [smem:$0x3FB0]  }
0x2b: {  	s6 =	sld [smem:$0x3FB1]  }
0x2c: {  	s7 =	sld [smem:$0x3FB2]  }
0x2d: {  	s3 =	simm.s32 $0x108;
	s8 =	sld [smem:$0x3FB3]  }
0x2e: {  	s3 =	simm.s32 @!p0 $0x1082;
	s9 =	sld [smem:$0x3FB4]  }
0x2f: {  	lr =	sadd.s32 s0, s3;
	s0 =	sld [smem:$0x3FAB]  }
0x30: {  	s3 =	sld [smem:$0x3FAE]  }
0x31: {  	[smem:$0x3FB7] =	sst s10  }
0x32: {  	s10 =	sld [smem:$0x3FB5];
	_ =	sdelay $0x3  }
0x33: {  	p0 =	seq.s32 s10, $0x1;
	s10 =	sld [smem:$0x3FB7];
	_ =	sdelay $0x3  }
0x34: {  	[smem:$0x3FB7] =	sst s10  }
0x35: {  	s10 =	sld [smem:$0x3FB6];
	_ =	sdelay $0x3  }
0x36: {  	p1 =	seq.s32 s10, $0x1;
	s10 =	sld [smem:$0x3FB7];
	_ =	sdelay $0x3  }
0x37: {  	[smem:$0x3FB7] =	sst s10  }
0x38: {  	s10 =	sld [smem:$0x3FB8]  }
0x39: {  	_ = 	snop;
	(pc) =	sbr.ind lr, $3  }
0x3a: {  	_ = 	snop  }
0x3b: {  	_ = 	snop  }
0x3c: {  	p2 =	seq.s32 s10, $0x1;
	s10 =	sld [smem:$0x3FB7]  }
0x3d: {  	_ =	shalt  }
0x3e: {  	_ =	shalt  }
0x3f: {  	_ =	shalt  }
0x40: {  	_ =	shalt  }
0x41: {  	_ =	shalt  }
0x42: {  	_ =	shalt  }
0x43: {  	_ =	shalt  }
0x44: {  	_ =	shalt  }
0x45: {  	_ =	shalt  }
0x46: {  	_ =	shalt  }
0x47: {  	_ =	shalt  }
0x48: {  	_ =	shalt  }
0x49: {  	_ =	shalt  }
0x4a: {  	_ =	shalt  }
0x4b: {  	_ =	shalt  }
0x4c: {  	_ =	shalt  }
0x4d: {  	_ =	shalt  }
0x4e: {  	_ =	shalt  }
0x4f: {  	_ =	shalt  }
0x50: {  	_ =	shalt  }
0x51: {  	_ =	shalt  }
0x52: {  	_ =	shalt  }
0x53: {  	_ =	shalt  }
0x54: {  	_ =	shalt  }
0x55: {  	_ =	shalt  }
0x56: {  	_ =	shalt  }
0x57: {  	_ =	shalt  }
0x58: {  	_ =	shalt  }
0x59: {  	_ =	shalt  }
0x5a: {  	_ =	shalt  }
0x5b: {  	_ =	shalt  }
0x5c: {  	_ =	shalt  }
0x5d: {  	_ =	shalt  }
0x5e: {  	_ =	shalt  }
0x5f: {  	_ =	shalt  }
0x60: {  	_ =	shalt  }
0x61: {  	_ =	shalt  }
0x62: {  	_ =	shalt  }
0x63: {  	_ =	shalt  }
0x64: {  	_ =	shalt  }
0x65: {  	_ =	shalt  }
0x66: {  	_ =	shalt  }
0x67: {  	_ =	shalt  }
0x68: {  	_ =	shalt  }
0x69: {  	_ =	shalt  }
0x6a: {  	_ =	shalt  }
0x6b: {  	_ =	shalt  }
0x6c: {  	_ =	shalt  }
0x6d: {  	_ =	shalt  }
0x6e: {  	_ =	shalt  }
0x6f: {  	_ =	shalt  }
0x70: {  	_ =	shalt  }
0x71: {  	_ =	shalt  }
0x72: {  	_ =	shalt  }
0x73: {  	_ =	shalt  }
0x74: {  	_ =	shalt  }
0x75: {  	_ =	shalt  }
0x76: {  	_ =	shalt  }
0x77: {  	_ =	shalt  }
0x78: {  	_ =	shalt  }
0x79: {  	_ =	shalt  }
0x7a: {  	_ =	shalt  }
0x7b: {  	_ =	shalt  }
0x7c: {  	_ =	shalt  }
0x7d: {  	_ =	shalt  }
0x7e: {  	_ =	shalt  }
0x7f: {  	_ =	shalt  }
0x80: {  	_ =	shalt  }
0x81: {  	_ =	shalt  }
0x82: {  	_ =	shalt  }
0x83: {  	_ =	shalt  }
0x84: {  	_ =	shalt  }
0x85: {  	_ =	shalt  }
0x86: {  	_ =	shalt  }
0x87: {  	_ =	shalt  }
.Lfunc_end0:
.L_simem_size_0:
called_computation_lowered:
.L_overlay_start_0:
0x88: {  	s2 =	sld [smem:$0x3FD9]  }
0x89: {  	s3 =	sld [smem:$0x3FFE];
	_ =	sdelay $0x1  }
0x8a: {  	s1 =	srdreg.scid  }
0x8b: {  	s0 =	sand.u32 $0x1, s1  }
0x8c: {  	s18 =	sshll.u32 s0, $0xA;
	s2 =	sadd.s32 s3, s2  }
0x8d: {  	s2 =	sadd.s32 s2, s18  }
0x8e: {  	[smem:$0x3FC3] =	sst s2  }
0x8f: {  	_ = 	snop  }
0x90: {  	s2 =	sld [smem:$0x3FC9]  }
0x91: {  	s19 =	sld [smem:$0x3FC8]  }
0x92: {  	s4 =	sld [smem:$0x3FC7]  }
0x93: {  	s5 =	sld [smem:$0x3FC6]  }
0x94: {  	s6 =	sld [smem:$0x3FC5]  }
0x95: {  	s7 =	sld [smem:$0x3FD0];
	(tm) =	ssettm $0x1  }
0x96: {  	s8 =	sld [smem:$0x3FFB];
	_ =	sdelay $0x3  }
0x97: {  	_ =	strace s8  }
0x98: {  	s8 =	sld [smem:$0x3FFC];
	_ =	sdelay $0x3  }
0x99: {  	_ =	strace s8  }
0x9a: {  	s8 =	sld [smem:$0x3FFD];
	_ =	sdelay $0x3  }
0x9b: {  	_ =	strace s8  }
0x9c: {  	_ =	strace $0x8FFFFFFF  }
0x9d: {  	s20 =	sld [smem:$0x3FDB];
	_ =	sdelay $0x1  }
0x9e: {  	s9 =	simm.s32 $_scs_section_size  }
0x9f: {  	s10 =	simm.s32 $_size__tile_overlayer_lowered;
	s11 =	simm.s32 $_tile_overlayer_lowered  }
0xa0: {  	s23 =	simm.s32 $0x1BFF;
	s22 =	sshll.u32 s11, $0x1;
	s8 =	sadd.s32 s9, s20  }
0xa1: {  	s12 =	simm.s32 $0x0;
	s21 =	sshll.u32 s10, $0x1;
	s10 =	sadd.s32 s22, s8  }
0xa2: {  	[timem:s12], [sflag:s23] =	dma.local [hbm:s10], s21  }
0xa3: {  	_ =	swait.ge [sflag:s23], s21  }
0xa4: {  	s9 =	ssub.s32 $0x0, s21;
	[sflag:s23] =	ssyncset.done $0x0  }
0xa5: {  	[sflag:s23] =	ssyncadd.s32 s9;
	_ =	sdelay $0x1  }
0xa6: {  	s24 =	simm.s32 $0x1B8B  }
0xa7: {  	_ =	swait.ge [sflag:s24], $0x1  }
0xa8: {  	[sflag:s24] =	ssyncset.done $0x0  }
0xa9: {  	s25 =	simm.s32 $0x1B8E;
	[sflag:s24] =	ssyncadd.s32 $0xFFFFFFFF  }
0xaa: {  	s26 =	simm.s32 $execute0_lowered;
	[smem:$0x3FD2] =	sst s25  }
0xab: {  	s9 =	sshll.u32 s26, $0x1;
	_ =	strace $0x80000046;
	[dreg:$0x1] =	wrdreg $0xFFFFFFFF  }
0xac: {  	s28 =	simm.s32 $_size_execute0_lowered;
	s8 =	sadd.s32 s8, s9;
	[dreg:$0x0] =	wrdreg $0x0  }
0xad: {  	s9 =	sshll.u32 s28, $0x1;
	[dreg:$0x2] =	wrdreg s8  }
0xae: {  	[dreg:$0x3] =	wrdreg s9  }
0xaf: {  	[dreg:$0x4] =	wrdreg $0xC0  }
0xb0: {  	_ =	task [dreg:s12], $0x5FFFF  }
0xb1: {  	[dreg:$0x1] =	wrdreg $0xFFFFFFFF  }
0xb2: {  	[dreg:$0x0] =	wrdreg $0x60  }
0xb3: {  	[dreg:$0x2] =	wrdreg s2  }
0xb4: {  	[dreg:$0x3] =	wrdreg s19  }
0xb5: {  	[dreg:$0x4] =	wrdreg s4  }
0xb6: {  	[dreg:$0x5] =	wrdreg s5  }
0xb7: {  	[dreg:$0x6] =	wrdreg s6  }
0xb8: {  	[dreg:$0x7] =	wrdreg s7  }
0xb9: {  	[dreg:$0x8] =	wrdreg $0x186000  }
0xba: {  	[dreg:$0x9] =	wrdreg $0x9  }
0xbb: {  	_ =	task.clear_ibuf [dreg:s12], $0xAFFFF;
	_ =	strace $0x90000046  }
0xbc: {  	s29 =	simm.s32 $0x9;
	_ =	strace $0x80000048  }
0xbd: {  	_ =	swait.ge [sflag:s29], $0x1  }
0xbe: {  	[sflag:s29] =	ssyncadd.s32 $0xFFFFFFFF  }
0xbf: {  	_ =	strace $0x90000048  }
0xc0: {  	_ =	sfence  }
0xc1: {  	s30 =	sld [smem:$0x0];
	_ =	sdelay $0x2  }
0xc2: {  	s31 =	sshll.u32 s1, $0xD;
	s1 =	sshrl.u32 s1, $0x2  }
0xc3: {  	s3 =	sand.u32 $0x4000, s31;
	s1 =	sadd.s32 s1, s30  }
0xc4: {  	s0 =	sor.u32 s3, s0;
	s1 =	sshll.u32 s1, $0x11  }
0xc5: {  	s0 =	sor.u32 s1, s0  }
0xc6: {  	s0 =	sadd.s32 $0x8F2B, s0  }
0xc7: {  	[sflag:s0] =	ssyncadd.remote.s32 $0x1  }
0xc8: {  	_ =	sfence.sel $0xFFFF  }
0xc9: {  	[dreg:$0x0] =	wrdreg $0xFFFFFFFF;
	(pc) =	sbr.abs _section_cstart, $3  }
0xca: {  	[dreg:$0x1] =	wrdreg $0xFFFFFFFF  }
0xcb: {  	_ =	task.clear_ibuf [dreg:s12], $0x2FFFF;
	_ =	strace $0x9FFFFFFF  }
0xcc: {  	(tm) =	ssettm $0x7FFFFFFF  }
0xcd: {  	_ =	shalt  }
tec
execute0_lowered:
.L_overlay_start_1:
0x0: {  	(tag) =	ssettag $0x1  }
0x1: {  	s0 =	rddreg [dreg:$0x0]  }
0x2: {  	s2 =	rddreg [dreg:$0x1]  }
0x3: {  	s5 =	rddreg [dreg:$0x2]  }
0x4: {  	s1 =	rddreg [dreg:$0x3]  }
0x5: {  	s6 =	rddreg [dreg:$0x5]  }
0x6: {  	s3 =	rddreg [dreg:$0x6];
	s4 =	simm.s32 $0x0;
	s7 =	srdreg.scid  }
0x7: {  	s8 =	stileid.u32;
	s31 =	simm.s32 $0x1;
	s28 =	simm.s32 $0x6  }
0x8: {  	s30 =	simm.s32 $0x9;
	s29 =	simm.s32 $0xA;
	s7 =	sand.u32 $0x1, s7  }
0x9: {  	s10 =	sshll.u32 s8, $0xA;
	s9 =	ssub.s32 $0x2, s7;
	s7 =	sshll.u32 s7, $0x9  }
0xa: {  	[smem:$0x7FF] =	sst s4;
	p0 =	sne.s32 s8, $0x0;
	s7 =	sor.u32 s7, s10  }
0xb: {  	s8 =	simm.s32 $0x4;
	s11 =	sshrl.u32 s9, $0x1;
	s10 =	sshrl.u32 s7, $0x3  }
0xc: {  	_ =	strace $0x80000047;
	s9 =	ssub.s32 s9, s11;
	s0 =	sadd.s32 s0, s10  }
0xd: {  	s7 =	sshll.u32 s7, $0x4;
	s17 =	sadd.s32 s2, s10;
	[dreg:$0x8] =	wrdreg s0  }
0xe: {  	s11 =	simm.s32 $0x0;
	s18 =	sadd.s32 s5, s10;
	[dreg:$0x9] =	wrdreg s17  }
0xf: {  	s7 =	sadd.s32 s6, s7;
	s26 =	smax.u32 s9, $0x1;
	[dreg:$0xa] =	wrdreg s18  }
0x10: {  	s2 =	simm.s32 $0x5;
	s19 =	sadd.s32 $0x400, s7;
	[dreg:$0x12] =	wrdreg s26  }
0x11: {  	s5 =	simm.s32 $0x3;
	s20 =	sadd.s32 $0x800, s7;
	[dreg:$0xb] =	wrdreg s19  }
0x12: {  	s6 =	simm.s32 $0x7;
	s21 =	sadd.s32 $0xC00, s7;
	[dreg:$0xc] =	wrdreg s20  }
0x13: {  	s9 =	simm.s32 $0x8;
	s22 =	sadd.s32 $0x1000, s7;
	[dreg:$0xd] =	wrdreg s21  }
0x14: {  	s10 =	simm.s32 $0xC;
	s23 =	sadd.s32 $0x1400, s7;
	[dreg:$0xe] =	wrdreg s22  }
0x15: {  	s24 =	sadd.s32 $0x1800, s7;
	s25 =	sadd.s32 $0x1C00, s7;
	[dreg:$0xf] =	wrdreg s23  }
0x16: {  	s17 =	sshrl.u32 @!p0 s3, $0x3;
	s18 =	simm.s32 $0xD;
	[dreg:$0x10] =	wrdreg s24  }
0x17: {  	s0 =	simm.s32 $0x4600;
	s26 =	simm.s32 $0xB;
	[dreg:$0x11] =	wrdreg s25  }
0x18: {  	s21 =	simm.s32 $0x40;
	s22 =	simm.s32 $0x600;
	s25 =	simm.s32 $0x2600  }
0x19: {  	s19 =	simm.s32 $0x6600;
	s23 =	simm.s32 $0x16600;
	s24 =	simm.s32 $0x2  }
.LBB2_1:
0x1a: {  	s12 =	simm.s32 @!p0 $0x1C0D;
	s13 =	rddreg [dreg:$0x4]  }
0x1b: {  	[spmem:s17], [sflag:s12] =	dma.local @!p0 [hbm:s13], $0x3E80  }
0x1c: {  	s12 =	simm.s32 @!p0 $0xD  }
0x1d: {  	_ =	swait.ge @!p0 [sflag:s12], $0x3E80  }
0x1e: {  	[sflag:s12] =	ssyncset.done @!p0 $0x0  }
0x1f: {  	s15 =	rddreg [dreg:$0x8];
	[sflag:s12] =	ssyncadd.s32 @!p0 $0xFFFFC180  }
0x20: {  	[tilespmem:s4], [sflag:$0xD] =	stream.linear.gather [hbm4b:s15+s4], $0x200, $0x38;
	[tilespmem:$0x1A540] =	vst v63  }
0x21: {  	_ =	swait.ge [sflag:s18], $0x200  }
0x22: {  	[sflag:s18] =	ssyncset.done $0x0  }
0x23: {  	s14 =	simm.s32 $0x200;
	s16 =	rddreg [dreg:$0x9];
	[sflag:s18] =	ssyncadd.s32 $0xFFFFFE00  }
0x24: {  	[tilespmem:s14], [sflag:$0xD] =	stream.linear.gather [hbm4b:s16+s4], $0x200, $0x38;
	[tilespmem:$0x1A540] =	vst v63  }
0x25: {  	_ =	swait.ge [sflag:s18], $0x200  }
0x26: {  	[sflag:s18] =	ssyncset.done $0x0  }
0x27: {  	s15 =	simm.s32 $0x400;
	s12 =	rddreg [dreg:$0xa];
	[sflag:s18] =	ssyncadd.s32 $0xFFFFFE00  }
0x28: {  	[tilespmem:s15], [sflag:$0xD] =	stream.linear.gather [hbm4b:s12+s4], $0x200, $0x38;
	[tilespmem:$0x1A540] =	vst v63  }
0x29: {  	_ =	swait.ge [sflag:s18], $0x200  }
0x2a: {  	[sflag:s18] =	ssyncset.done $0x0  }
0x2b: {  	[sflag:s18] =	ssyncadd.s32 $0xFFFFFE00  }
0x2c: {  	[tilespmem:s22], [sflag:$0x1] =	stream.indirect.gather [hbm4b:s1+s21], $0x80, s4, s21, $0xb8;
	[tilespmem:$0x1A540] =	vst v63  }
0x2d: {  	s20 =	simm.s32 $0x8600  }
0x2e: {  	[tilespmem:s20], [sflag:$0x5] =	stream.indirect.gather [hbm4b:s13+s21], $0x80, s14, s21, $0xb8;
	[tilespmem:$0x1A540] =	vst v63  }
0x2f: {  	s16 =	simm.s32 $0x10600  }
0x30: {  	[tilespmem:s16], [sflag:$0x1] =	stream.indirect.gather [hbm4b:s1+s21], $0x80, s15, s21, $0xb8;
	[tilespmem:$0x1A540] =	vst v63  }
0x31: {  	[bflag:$0x0] =	sbarrier.arrive $0xFFFF  }
0x32: {  	[tilespmem:s25], [sflag:$0x2] =	stream.indirect.gather [hbm4b:s1+s21], $0x80, s21, s21, $0xb8;
	[tilespmem:$0x1A540] =	vst v63  }
0x33: {  	s13 =	simm.s32 $0x240;
	s16 =	simm.s32 $0xA600  }
0x34: {  	[tilespmem:s16], [sflag:$0x6] =	stream.indirect.gather [spmem:s3], $0x80, s13, s21, $0xb8;
	[tilespmem:$0x1A540] =	vst v63  }
0x35: {  	s20 =	simm.s32 $0x12600;
	s13 =	simm.s32 $0x440  }
0x36: {  	[tilespmem:s20], [sflag:$0x2] =	stream.indirect.gather [hbm4b:s1+s21], $0x80, s13, s21, $0xb8;
	[tilespmem:$0x1A540] =	vst v63  }
0x37: {  	s13 =	simm.s32 $0x80  }
0x38: {  	[tilespmem:s0], [sflag:$0x3] =	stream.indirect.gather [hbm4b:s1+s21], $0x80, s13, s21, $0xb8;
	[tilespmem:$0x1A540] =	vst v63  }
0x39: {  	s12 =	simm.s32 $0x280;
	s13 =	simm.s32 $0xC600  }
0x3a: {  	[tilespmem:s13], [sflag:$0x7] =	stream.indirect.gather [spmem:s3], $0x80, s12, s21, $0xb8;
	[tilespmem:$0x1A540] =	vst v63  }
0x3b: {  	s12 =	simm.s32 $0x480;
	s13 =	simm.s32 $0x14600  }
0x3c: {  	[tilespmem:s13], [sflag:$0x3] =	stream.indirect.gather [hbm4b:s1+s21], $0x80, s12, s21, $0xb8;
	[tilespmem:$0x1A540] =	vst v63  }
0x3d: {  	_ =	swait.ge [sflag:s31], $0x2000  }
0x3e: {  	[sflag:s31] =	ssyncset.done $0x0  }
0x3f: {  	[sflag:s31] =	ssyncadd.s32 $0xFFFFE000  }
0x40: {  	_ =	swait.ge [sflag:s2], $0x2000  }
0x41: {  	[sflag:s2] =	ssyncset.done $0x0  }
0x42: {  	[sflag:s2] =	ssyncadd.s32 $0xFFFFE000  }
0x43: {  	_ =	swait.ge [sflag:s31], $0x2000  }
0x44: {  	[sflag:s31] =	ssyncset.done $0x0  }
0x45: {  	s12 =	simm.s32 $0x0;
	[sflag:s31] =	ssyncadd.s32 $0xFFFFE000  }
0x46: {  	s14 =	simm.s32 $0x8600;
	s15 =	simm.s32 $0x10600;
	s13 =	simm.s32 $0x400;
	v0 =	vld [tilespmem:s12+$0x86F0]  }
.LBB2_2:
0x47: {  	p1 =	sne.s32 s13, $0x7C00;
	v1 =	vld [tilespmem:s12+$0x106F0]  }
0x48: {  	v2 =	vld [tilespmem:s12+$0x8600]  }
0x49: {  	v3 =	vld [tilespmem:s12+$0x10600]  }
0x4a: {  	v4 =	vld [tilespmem:s12+$0x8610]  }
0x4b: {  	v5 =	vld [tilespmem:s12+$0x10610]  }
0x4c: {  	v6 =	vld [tilespmem:s12+$0x8620];
	v0 =	vsub.f32 v0, v1  }
0x4d: {  	v1 =	vld [tilespmem:s12+$0x10620]  }
0x4e: {  	v2 =	vsub.f32 v2, v3;
	[tilespmem:s12+$0x6F0] =	vst.add.f32.msk $0xffff, v0  }
0x4f: {  	v0 =	vld [tilespmem:s12+$0x8630]  }
0x50: {  	v3 =	vsub.f32 v4, v5;
	v4 =	vld [tilespmem:s12+$0x10630]  }
0x51: {  	v5 =	vld [tilespmem:s12+$0x8640]  }
0x52: {  	v1 =	vsub.f32 v6, v1;
	v6 =	vld [tilespmem:s12+$0x10640]  }
0x53: {  	v7 =	vld [tilespmem:s12+$0x8650]  }
0x54: {  	v8 =	vld [tilespmem:s12+$0x10650]  }
0x55: {  	v0 =	vsub.f32 v0, v4;
	v4 =	vld [tilespmem:s12+$0x8660]  }
0x56: {  	v9 =	vld [tilespmem:s12+$0x10660]  }
0x57: {  	v5 =	vsub.f32 v5, v6;
	v6 =	vld [tilespmem:s12+$0x8670]  }
0x58: {  	v10 =	vld [tilespmem:s12+$0x10670]  }
0x59: {  	v7 =	vsub.f32 v7, v8;
	v8 =	vld [tilespmem:s12+$0x8680]  }
0x5a: {  	v11 =	vld [tilespmem:s12+$0x10680]  }
0x5b: {  	v4 =	vsub.f32 v4, v9;
	v9 =	vld [tilespmem:s12+$0x8690]  }
0x5c: {  	v12 =	vld [tilespmem:s12+$0x10690]  }
0x5d: {  	v6 =	vsub.f32 v6, v10;
	v10 =	vld [tilespmem:s12+$0x86A0]  }
0x5e: {  	v13 =	vld [tilespmem:s12+$0x106A0]  }
0x5f: {  	v8 =	vsub.f32 v8, v11;
	v11 =	vld [tilespmem:s12+$0x86B0]  }
0x60: {  	v14 =	vld [tilespmem:s12+$0x106B0]  }
0x61: {  	v9 =	vsub.f32 v9, v12;
	v12 =	vld [tilespmem:s12+$0x86C0]  }
0x62: {  	v15 =	vld [tilespmem:s12+$0x106C0]  }
0x63: {  	v10 =	vsub.f32 v10, v13;
	v13 =	vld [tilespmem:s12+$0x86D0]  }
0x64: {  	v16 =	vld [tilespmem:s12+$0x106D0]  }
0x65: {  	v11 =	vsub.f32 v11, v14;
	v14 =	vld [tilespmem:s12+$0x86E0]  }
0x66: {  	v17 =	vld [tilespmem:s12+$0x106E0]  }
0x67: {  	[tilespmem:s12+$0x600] =	vst.add.f32.msk $0xffff, v2;
	v2 =	vsub.f32 v12, v15  }
0x68: {  	[tilespmem:s12+$0x610] =	vst.add.f32.msk $0xffff, v3  }
0x69: {  	[tilespmem:s12+$0x620] =	vst.add.f32.msk $0xffff, v1;
	v1 =	vsub.f32 v13, v16  }
0x6a: {  	[tilespmem:s12+$0x630] =	vst.add.f32.msk $0xffff, v0  }
0x6b: {  	[tilespmem:s12+$0x640] =	vst.add.f32.msk $0xffff, v5;
	v0 =	vsub.f32 v14, v17  }
0x6c: {  	[tilespmem:s12+$0x650] =	vst.add.f32.msk $0xffff, v7  }
0x6d: {  	[tilespmem:s12+$0x660] =	vst.add.f32.msk $0xffff, v4  }
0x6e: {  	[tilespmem:s12+$0x670] =	vst.add.f32.msk $0xffff, v6  }
0x6f: {  	[tilespmem:s12+$0x680] =	vst.add.f32.msk $0xffff, v8  }
0x70: {  	[tilespmem:s12+$0x690] =	vst.add.f32.msk $0xffff, v9  }
0x71: {  	[tilespmem:s12+$0x6A0] =	vst.add.f32.msk $0xffff, v10  }
.Ltmp0:
0x72: {  	[tilespmem:s12+$0x6B0] =	vst.add.f32.msk $0xffff, v11;
	(pc) =	sbr.rel @p1 .LBB2_2-.Ltmp0, $4  }
0x73: {  	[tilespmem:s12+$0x6C0] =	vst.add.f32.msk $0xffff, v2  }
0x74: {  	[tilespmem:s12+$0x6D0] =	vst.add.f32.msk $0xffff, v1  }
0x75: {  	[tilespmem:s12+$0x6E0] =	vst.add.f32.msk $0xffff, v0;
	s12 =	sshra.s32 s13, $0x2  }
0x76: {  	s13 =	sadd.s32 $0x400, s13;
	v0 =	vld [tilespmem:s12+$0x86F0]  }
0x77: {  	v1 =	vld [tilespmem:s12+$0x106F0]  }
0x78: {  	v2 =	vld [tilespmem:s12+$0x8600]  }
0x79: {  	v3 =	vld [tilespmem:s12+$0x10600]  }
0x7a: {  	v4 =	vld [tilespmem:s12+$0x8610]  }
0x7b: {  	v5 =	vld [tilespmem:s12+$0x10610]  }
0x7c: {  	v6 =	vld [tilespmem:s12+$0x8620]  }
0x7d: {  	v7 =	vld [tilespmem:s12+$0x10630]  }
0x7e: {  	v8 =	vld [tilespmem:s12+$0x8640]  }
0x7f: {  	v9 =	vld [tilespmem:s12+$0x10640]  }
0x80: {  	v10 =	vld [tilespmem:s12+$0x8650]  }
0x81: {  	v11 =	vld [tilespmem:s12+$0x10650]  }
0x82: {  	v12 =	vld [tilespmem:s12+$0x8660]  }
0x83: {  	v13 =	vld [tilespmem:s12+$0x10660]  }
0x84: {  	v14 =	vld [tilespmem:s12+$0x8670]  }
0x85: {  	v15 =	vld [tilespmem:s12+$0x10670]  }
0x86: {  	v16 =	vld [tilespmem:s12+$0x8680]  }
0x87: {  	v17 =	vld [tilespmem:s12+$0x10680]  }
0x88: {  	v18 =	vld [tilespmem:s12+$0x8690]  }
0x89: {  	v19 =	vld [tilespmem:s12+$0x10690]  }
0x8a: {  	v20 =	vld [tilespmem:s12+$0x86A0]  }
0x8b: {  	v21 =	vld [tilespmem:s12+$0x106A0]  }
0x8c: {  	v22 =	vld [tilespmem:s12+$0x86B0]  }
0x8d: {  	v23 =	vld [tilespmem:s12+$0x106B0]  }
0x8e: {  	v24 =	vld [tilespmem:s12+$0x86C0]  }
0x8f: {  	v25 =	vld [tilespmem:s12+$0x106C0]  }
0x90: {  	v26 =	vld [tilespmem:s12+$0x86D0]  }
0x91: {  	v27 =	vld [tilespmem:s12+$0x106D0]  }
0x92: {  	v63 =	vld [tilespmem:s12+$0x106E0];
	v0 =	vsub.f32 v0, v1  }
0x93: {  	v1 =	vld [tilespmem:s12+$0x10620]  }
0x94: {  	v2 =	vsub.f32 v2, v3;
	[tilespmem:s12+$0x6F0] =	vst.add.f32.msk $0xffff, v0  }
0x95: {  	v0 =	vld [tilespmem:s12+$0x8630]  }
0x96: {  	[tilespmem:s12+$0x600] =	vst.add.f32.msk $0xffff, v2;
	v2 =	vsub.f32 v8, v9  }
0x97: {  	v3 =	vld [tilespmem:s12+$0x86E0];
	v4 =	vsub.f32 v4, v5  }
0x98: {  	[tilespmem:s12+$0x640] =	vst.add.f32.msk $0xffff, v2;
	v2 =	vsub.f32 v14, v15  }
0x99: {  	[tilespmem:s12+$0x610] =	vst.add.f32.msk $0xffff, v4;
	v1 =	vsub.f32 v6, v1  }
0x9a: {  	[tilespmem:s12+$0x670] =	vst.add.f32.msk $0xffff, v2;
	v2 =	vsub.f32 v20, v21  }
0x9b: {  	v0 =	vsub.f32 v0, v7;
	[tilespmem:s12+$0x620] =	vst.add.f32.msk $0xffff, v1  }
0x9c: {  	v1 =	vsub.f32 v10, v11;
	[tilespmem:s12+$0x6A0] =	vst.add.f32.msk $0xffff, v2  }
0x9d: {  	v2 =	vsub.f32 v26, v27;
	[tilespmem:s12+$0x630] =	vst.add.f32.msk $0xffff, v0  }
0x9e: {  	v0 =	vsub.f32 v12, v13;
	[tilespmem:s12+$0x650] =	vst.add.f32.msk $0xffff, v1  }
0x9f: {  	v1 =	vsub.f32 v16, v17;
	[tilespmem:s12+$0x6D0] =	vst.add.f32.msk $0xffff, v2  }
0xa0: {  	[tilespmem:s12+$0x660] =	vst.add.f32.msk $0xffff, v0;
	v0 =	vsub.f32 v18, v19  }
0xa1: {  	[tilespmem:s12+$0x680] =	vst.add.f32.msk $0xffff, v1;
	v1 =	vsub.f32 v22, v23  }
0xa2: {  	[tilespmem:s12+$0x690] =	vst.add.f32.msk $0xffff, v0;
	v0 =	vsub.f32 v24, v25  }
0xa3: {  	[tilespmem:s12+$0x6B0] =	vst.add.f32.msk $0xffff, v1;
	v1 =	vsub.f32 v3, v63  }
0xa4: {  	[tilespmem:s12+$0x6C0] =	vst.add.f32.msk $0xffff, v0  }
0xa5: {  	s13 =	simm.s32 $0x0;
	[tilespmem:s12+$0x6E0] =	vst.add.f32.msk $0xffff, v1  }
0xa6: {  	[hbm4b:s7+s13] =	stream.linear.scatter [tilespmem:s22], [sflag:$0x9], $0x2000, $0x38;
	[tilespmem:$0x1A540] =	vst v63  }
0xa7: {  	s13 =	simm.s32 $0xC0  }
0xa8: {  	[tilespmem:s19], [sflag:$0x4] =	stream.indirect.gather [hbm4b:s1+s21], $0x80, s13, s21, $0xb8;
	[tilespmem:$0x1A540] =	vst v63  }
0xa9: {  	s12 =	simm.s32 $0x2C0;
	s13 =	simm.s32 $0xE600  }
0xaa: {  	[tilespmem:s13], [sflag:$0x8] =	stream.indirect.gather [spmem:s3], $0x80, s12, s21, $0xb8;
	[tilespmem:$0x1A540] =	vst v63  }
0xab: {  	s13 =	simm.s32 $0x4C0  }
0xac: {  	[tilespmem:s23], [sflag:$0x4] =	stream.indirect.gather [hbm4b:s1+s21], $0x80, s13, s21, $0xb8;
	[tilespmem:$0x1A540] =	vst v63  }
0xad: {  	_ =	swait.ge [sflag:s24], $0x2000  }
0xae: {  	[sflag:s24] =	ssyncset.done $0x0  }
0xaf: {  	[sflag:s24] =	ssyncadd.s32 $0xFFFFE000  }
0xb0: {  	_ =	swait.ge [sflag:s28], $0x2000  }
0xb1: {  	[sflag:s28] =	ssyncset.done $0x0  }
0xb2: {  	[sflag:s28] =	ssyncadd.s32 $0xFFFFE000  }
0xb3: {  	_ =	swait.ge [sflag:s24], $0x2000  }
0xb4: {  	[sflag:s24] =	ssyncset.done $0x0  }
0xb5: {  	s12 =	simm.s32 $0x0;
	[sflag:s24] =	ssyncadd.s32 $0xFFFFE000  }
0xb6: {  	s13 =	simm.s32 $0x400;
	v0 =	vld [tilespmem:s12+$0xA6F0]  }
.LBB2_4:
0xb7: {  	p1 =	sne.s32 s13, $0x7C00;
	v1 =	vld [tilespmem:s12+$0x126F0]  }
0xb8: {  	v2 =	vld [tilespmem:s12+$0xA600]  }
0xb9: {  	v3 =	vld [tilespmem:s12+$0x12600]  }
0xba: {  	v4 =	vld [tilespmem:s12+$0xA610]  }
0xbb: {  	v5 =	vld [tilespmem:s12+$0x12610]  }
0xbc: {  	v6 =	vld [tilespmem:s12+$0xA620];
	v0 =	vsub.f32 v0, v1  }
0xbd: {  	v1 =	vld [tilespmem:s12+$0x12620]  }
0xbe: {  	v2 =	vsub.f32 v2, v3;
	[tilespmem:s12+$0x26F0] =	vst.add.f32.msk $0xffff, v0  }
0xbf: {  	v0 =	vld [tilespmem:s12+$0xA630]  }
0xc0: {  	v3 =	vsub.f32 v4, v5;
	v4 =	vld [tilespmem:s12+$0x12630]  }
0xc1: {  	v5 =	vld [tilespmem:s12+$0xA640]  }
0xc2: {  	v1 =	vsub.f32 v6, v1;
	v6 =	vld [tilespmem:s12+$0x12640]  }
0xc3: {  	v7 =	vld [tilespmem:s12+$0xA650]  }
0xc4: {  	v8 =	vld [tilespmem:s12+$0x12650]  }
0xc5: {  	v0 =	vsub.f32 v0, v4;
	v4 =	vld [tilespmem:s12+$0xA660]  }
0xc6: {  	v9 =	vld [tilespmem:s12+$0x12660]  }
0xc7: {  	v5 =	vsub.f32 v5, v6;
	v6 =	vld [tilespmem:s12+$0xA670]  }
0xc8: {  	v10 =	vld [tilespmem:s12+$0x12670]  }
0xc9: {  	v7 =	vsub.f32 v7, v8;
	v8 =	vld [tilespmem:s12+$0xA680]  }
0xca: {  	v11 =	vld [tilespmem:s12+$0x12680]  }
0xcb: {  	v4 =	vsub.f32 v4, v9;
	v9 =	vld [tilespmem:s12+$0xA690]  }
0xcc: {  	v12 =	vld [tilespmem:s12+$0x12690]  }
0xcd: {  	v6 =	vsub.f32 v6, v10;
	v10 =	vld [tilespmem:s12+$0xA6A0]  }
0xce: {  	v13 =	vld [tilespmem:s12+$0x126A0]  }
0xcf: {  	v8 =	vsub.f32 v8, v11;
	v11 =	vld [tilespmem:s12+$0xA6B0]  }
0xd0: {  	v14 =	vld [tilespmem:s12+$0x126B0]  }
0xd1: {  	v9 =	vsub.f32 v9, v12;
	v12 =	vld [tilespmem:s12+$0xA6C0]  }
0xd2: {  	v15 =	vld [tilespmem:s12+$0x126C0]  }
0xd3: {  	v10 =	vsub.f32 v10, v13;
	v13 =	vld [tilespmem:s12+$0xA6D0]  }
0xd4: {  	v16 =	vld [tilespmem:s12+$0x126D0]  }
0xd5: {  	v11 =	vsub.f32 v11, v14;
	v14 =	vld [tilespmem:s12+$0xA6E0]  }
0xd6: {  	v17 =	vld [tilespmem:s12+$0x126E0]  }
0xd7: {  	[tilespmem:s12+$0x2600] =	vst.add.f32.msk $0xffff, v2;
	v2 =	vsub.f32 v12, v15  }
0xd8: {  	[tilespmem:s12+$0x2610] =	vst.add.f32.msk $0xffff, v3  }
0xd9: {  	[tilespmem:s12+$0x2620] =	vst.add.f32.msk $0xffff, v1;
	v1 =	vsub.f32 v13, v16  }
0xda: {  	[tilespmem:s12+$0x2630] =	vst.add.f32.msk $0xffff, v0  }
0xdb: {  	[tilespmem:s12+$0x2640] =	vst.add.f32.msk $0xffff, v5;
	v0 =	vsub.f32 v14, v17  }
0xdc: {  	[tilespmem:s12+$0x2650] =	vst.add.f32.msk $0xffff, v7  }
0xdd: {  	[tilespmem:s12+$0x2660] =	vst.add.f32.msk $0xffff, v4  }
0xde: {  	[tilespmem:s12+$0x2670] =	vst.add.f32.msk $0xffff, v6  }
0xdf: {  	[tilespmem:s12+$0x2680] =	vst.add.f32.msk $0xffff, v8  }
0xe0: {  	[tilespmem:s12+$0x2690] =	vst.add.f32.msk $0xffff, v9  }
0xe1: {  	[tilespmem:s12+$0x26A0] =	vst.add.f32.msk $0xffff, v10  }
.Ltmp1:
0xe2: {  	[tilespmem:s12+$0x26B0] =	vst.add.f32.msk $0xffff, v11;
	(pc) =	sbr.rel @p1 .LBB2_4-.Ltmp1, $4  }
0xe3: {  	[tilespmem:s12+$0x26C0] =	vst.add.f32.msk $0xffff, v2  }
0xe4: {  	[tilespmem:s12+$0x26D0] =	vst.add.f32.msk $0xffff, v1  }
0xe5: {  	[tilespmem:s12+$0x26E0] =	vst.add.f32.msk $0xffff, v0;
	s12 =	sshra.s32 s13, $0x2  }
0xe6: {  	s13 =	sadd.s32 $0x400, s13;
	v0 =	vld [tilespmem:s12+$0xA6F0]  }
0xe7: {  	v1 =	vld [tilespmem:s12+$0x126F0]  }
0xe8: {  	v2 =	vld [tilespmem:s12+$0xA600]  }
0xe9: {  	v3 =	vld [tilespmem:s12+$0x12600]  }
0xea: {  	v4 =	vld [tilespmem:s12+$0xA610]  }
0xeb: {  	v5 =	vld [tilespmem:s12+$0x12610]  }
0xec: {  	v6 =	vld [tilespmem:s12+$0xA620]  }
0xed: {  	v7 =	vld [tilespmem:s12+$0x12630]  }
0xee: {  	v8 =	vld [tilespmem:s12+$0xA640]  }
0xef: {  	v9 =	vld [tilespmem:s12+$0x12640]  }
0xf0: {  	v10 =	vld [tilespmem:s12+$0xA650]  }
0xf1: {  	v11 =	vld [tilespmem:s12+$0x12650]  }
0xf2: {  	v12 =	vld [tilespmem:s12+$0xA660]  }
0xf3: {  	v13 =	vld [tilespmem:s12+$0x12660]  }
0xf4: {  	v14 =	vld [tilespmem:s12+$0xA670]  }
0xf5: {  	v15 =	vld [tilespmem:s12+$0x12670]  }
0xf6: {  	v16 =	vld [tilespmem:s12+$0xA680]  }
0xf7: {  	v17 =	vld [tilespmem:s12+$0x12680]  }
0xf8: {  	v18 =	vld [tilespmem:s12+$0xA690]  }
0xf9: {  	v19 =	vld [tilespmem:s12+$0x12690]  }
0xfa: {  	v20 =	vld [tilespmem:s12+$0xA6A0]  }
0xfb: {  	v21 =	vld [tilespmem:s12+$0x126A0]  }
0xfc: {  	v22 =	vld [tilespmem:s12+$0xA6B0]  }
0xfd: {  	v23 =	vld [tilespmem:s12+$0x126B0]  }
0xfe: {  	v24 =	vld [tilespmem:s12+$0xA6C0]  }
0xff: {  	v25 =	vld [tilespmem:s12+$0x126C0]  }
0x100: {  	v26 =	vld [tilespmem:s12+$0xA6D0]  }
0x101: {  	v27 =	vld [tilespmem:s12+$0x126D0]  }
0x102: {  	v63 =	vld [tilespmem:s12+$0x126E0];
	v0 =	vsub.f32 v0, v1  }
0x103: {  	v1 =	vld [tilespmem:s12+$0x12620]  }
0x104: {  	v2 =	vsub.f32 v2, v3;
	[tilespmem:s12+$0x26F0] =	vst.add.f32.msk $0xffff, v0  }
0x105: {  	v0 =	vld [tilespmem:s12+$0xA630]  }
0x106: {  	[tilespmem:s12+$0x2600] =	vst.add.f32.msk $0xffff, v2;
	v2 =	vsub.f32 v8, v9  }
0x107: {  	v3 =	vld [tilespmem:s12+$0xA6E0];
	v4 =	vsub.f32 v4, v5  }
0x108: {  	[tilespmem:s12+$0x2640] =	vst.add.f32.msk $0xffff, v2;
	v2 =	vsub.f32 v14, v15  }
0x109: {  	[tilespmem:s12+$0x2610] =	vst.add.f32.msk $0xffff, v4;
	v1 =	vsub.f32 v6, v1  }
0x10a: {  	[tilespmem:s12+$0x2670] =	vst.add.f32.msk $0xffff, v2;
	v2 =	vsub.f32 v20, v21  }
0x10b: {  	v0 =	vsub.f32 v0, v7;
	[tilespmem:s12+$0x2620] =	vst.add.f32.msk $0xffff, v1  }
0x10c: {  	v1 =	vsub.f32 v10, v11;
	[tilespmem:s12+$0x26A0] =	vst.add.f32.msk $0xffff, v2  }
0x10d: {  	v2 =	vsub.f32 v26, v27;
	[tilespmem:s12+$0x2630] =	vst.add.f32.msk $0xffff, v0  }
0x10e: {  	v0 =	vsub.f32 v12, v13;
	[tilespmem:s12+$0x2650] =	vst.add.f32.msk $0xffff, v1  }
0x10f: {  	v1 =	vsub.f32 v16, v17;
	[tilespmem:s12+$0x26D0] =	vst.add.f32.msk $0xffff, v2  }
0x110: {  	[tilespmem:s12+$0x2660] =	vst.add.f32.msk $0xffff, v0;
	v0 =	vsub.f32 v18, v19  }
0x111: {  	[tilespmem:s12+$0x2680] =	vst.add.f32.msk $0xffff, v1;
	v1 =	vsub.f32 v22, v23  }
0x112: {  	[tilespmem:s12+$0x2690] =	vst.add.f32.msk $0xffff, v0;
	v0 =	vsub.f32 v24, v25  }
0x113: {  	[tilespmem:s12+$0x26B0] =	vst.add.f32.msk $0xffff, v1;
	v1 =	vsub.f32 v3, v63  }
0x114: {  	[tilespmem:s12+$0x26C0] =	vst.add.f32.msk $0xffff, v0  }
0x115: {  	s13 =	rddreg [dreg:$0xb];
	[tilespmem:s12+$0x26E0] =	vst.add.f32.msk $0xffff, v1;
	s12 =	simm.s32 $0x0  }
0x116: {  	[hbm4b:s13+s12] =	stream.linear.scatter [tilespmem:s25], [sflag:$0xA], $0x2000, $0x38;
	[tilespmem:$0x1A540] =	vst v63  }
0x117: {  	_ =	swait.ge [sflag:s30], $0x2000  }
0x118: {  	[sflag:s30] =	ssyncset.done $0x0  }
0x119: {  	s13 =	simm.s32 $0x100;
	[sflag:s30] =	ssyncadd.s32 $0xFFFFE000  }
0x11a: {  	[tilespmem:s22], [sflag:$0x1] =	stream.indirect.gather [hbm4b:s1+s21], $0x80, s13, s21, $0xb8;
	[tilespmem:$0x1A540] =	vst v63  }
0x11b: {  	s13 =	simm.s32 $0x300  }
0x11c: {  	[tilespmem:s14], [sflag:$0x5] =	stream.indirect.gather [spmem:s3], $0x80, s13, s21, $0xb8;
	[tilespmem:$0x1A540] =	vst v63  }
0x11d: {  	s14 =	simm.s32 $0x500  }
0x11e: {  	[tilespmem:s15], [sflag:$0x1] =	stream.indirect.gather [hbm4b:s1+s21], $0x80, s14, s21, $0xb8;
	[tilespmem:$0x1A540] =	vst v63  }
0x11f: {  	_ =	swait.ge [sflag:s5], $0x2000  }
0x120: {  	[sflag:s5] =	ssyncset.done $0x0  }
0x121: {  	[sflag:s5] =	ssyncadd.s32 $0xFFFFE000  }
0x122: {  	_ =	swait.ge [sflag:s6], $0x2000  }
0x123: {  	[sflag:s6] =	ssyncset.done $0x0  }
0x124: {  	[sflag:s6] =	ssyncadd.s32 $0xFFFFE000  }
0x125: {  	_ =	swait.ge [sflag:s5], $0x2000  }
0x126: {  	[sflag:s5] =	ssyncset.done $0x0  }
0x127: {  	s12 =	simm.s32 $0x0;
	[sflag:s5] =	ssyncadd.s32 $0xFFFFE000  }
0x128: {  	s13 =	simm.s32 $0x400;
	v0 =	vld [tilespmem:s12+$0xC6F0]  }
.LBB2_6:
0x129: {  	p1 =	sne.s32 s13, $0x7C00;
	v1 =	vld [tilespmem:s12+$0x146F0]  }
0x12a: {  	v2 =	vld [tilespmem:s12+$0xC600]  }
0x12b: {  	v3 =	vld [tilespmem:s12+$0x14600]  }
0x12c: {  	v4 =	vld [tilespmem:s12+$0xC610]  }
0x12d: {  	v5 =	vld [tilespmem:s12+$0x14610]  }
0x12e: {  	v6 =	vld [tilespmem:s12+$0xC620];
	v0 =	vsub.f32 v0, v1  }
0x12f: {  	v1 =	vld [tilespmem:s12+$0x14620]  }
0x130: {  	v2 =	vsub.f32 v2, v3;
	[tilespmem:s12+$0x46F0] =	vst.add.f32.msk $0xffff, v0  }
0x131: {  	v0 =	vld [tilespmem:s12+$0xC630]  }
0x132: {  	v3 =	vsub.f32 v4, v5;
	v4 =	vld [tilespmem:s12+$0x14630]  }
0x133: {  	v5 =	vld [tilespmem:s12+$0xC640]  }
0x134: {  	v1 =	vsub.f32 v6, v1;
	v6 =	vld [tilespmem:s12+$0x14640]  }
0x135: {  	v7 =	vld [tilespmem:s12+$0xC650]  }
0x136: {  	v8 =	vld [tilespmem:s12+$0x14650]  }
0x137: {  	v0 =	vsub.f32 v0, v4;
	v4 =	vld [tilespmem:s12+$0xC660]  }
0x138: {  	v9 =	vld [tilespmem:s12+$0x14660]  }
0x139: {  	v5 =	vsub.f32 v5, v6;
	v6 =	vld [tilespmem:s12+$0xC670]  }
0x13a: {  	v10 =	vld [tilespmem:s12+$0x14670]  }
0x13b: {  	v7 =	vsub.f32 v7, v8;
	v8 =	vld [tilespmem:s12+$0xC680]  }
0x13c: {  	v11 =	vld [tilespmem:s12+$0x14680]  }
0x13d: {  	v4 =	vsub.f32 v4, v9;
	v9 =	vld [tilespmem:s12+$0xC690]  }
0x13e: {  	v12 =	vld [tilespmem:s12+$0x14690]  }
0x13f: {  	v6 =	vsub.f32 v6, v10;
	v10 =	vld [tilespmem:s12+$0xC6A0]  }
0x140: {  	v13 =	vld [tilespmem:s12+$0x146A0]  }
0x141: {  	v8 =	vsub.f32 v8, v11;
	v11 =	vld [tilespmem:s12+$0xC6B0]  }
0x142: {  	v14 =	vld [tilespmem:s12+$0x146B0]  }
0x143: {  	v9 =	vsub.f32 v9, v12;
	v12 =	vld [tilespmem:s12+$0xC6C0]  }
0x144: {  	v15 =	vld [tilespmem:s12+$0x146C0]  }
0x145: {  	v10 =	vsub.f32 v10, v13;
	v13 =	vld [tilespmem:s12+$0xC6D0]  }
0x146: {  	v16 =	vld [tilespmem:s12+$0x146D0]  }
0x147: {  	v11 =	vsub.f32 v11, v14;
	v14 =	vld [tilespmem:s12+$0xC6E0]  }
0x148: {  	v17 =	vld [tilespmem:s12+$0x146E0]  }
0x149: {  	[tilespmem:s12+$0x4600] =	vst.add.f32.msk $0xffff, v2;
	v2 =	vsub.f32 v12, v15  }
0x14a: {  	[tilespmem:s12+$0x4610] =	vst.add.f32.msk $0xffff, v3  }
0x14b: {  	[tilespmem:s12+$0x4620] =	vst.add.f32.msk $0xffff, v1;
	v1 =	vsub.f32 v13, v16  }
0x14c: {  	[tilespmem:s12+$0x4630] =	vst.add.f32.msk $0xffff, v0  }
0x14d: {  	[tilespmem:s12+$0x4640] =	vst.add.f32.msk $0xffff, v5;
	v0 =	vsub.f32 v14, v17  }
0x14e: {  	[tilespmem:s12+$0x4650] =	vst.add.f32.msk $0xffff, v7  }
0x14f: {  	[tilespmem:s12+$0x4660] =	vst.add.f32.msk $0xffff, v4  }
0x150: {  	[tilespmem:s12+$0x4670] =	vst.add.f32.msk $0xffff, v6  }
0x151: {  	[tilespmem:s12+$0x4680] =	vst.add.f32.msk $0xffff, v8  }
0x152: {  	[tilespmem:s12+$0x4690] =	vst.add.f32.msk $0xffff, v9  }
0x153: {  	[tilespmem:s12+$0x46A0] =	vst.add.f32.msk $0xffff, v10  }
.Ltmp2:
0x154: {  	[tilespmem:s12+$0x46B0] =	vst.add.f32.msk $0xffff, v11;
	(pc) =	sbr.rel @p1 .LBB2_6-.Ltmp2, $4  }
0x155: {  	[tilespmem:s12+$0x46C0] =	vst.add.f32.msk $0xffff, v2  }
0x156: {  	[tilespmem:s12+$0x46D0] =	vst.add.f32.msk $0xffff, v1  }
0x157: {  	[tilespmem:s12+$0x46E0] =	vst.add.f32.msk $0xffff, v0;
	s12 =	sshra.s32 s13, $0x2  }
0x158: {  	s13 =	sadd.s32 $0x400, s13;
	v0 =	vld [tilespmem:s12+$0xC6F0]  }
0x159: {  	v1 =	vld [tilespmem:s12+$0x146F0]  }
0x15a: {  	v2 =	vld [tilespmem:s12+$0xC600]  }
0x15b: {  	v3 =	vld [tilespmem:s12+$0x14600]  }
0x15c: {  	v4 =	vld [tilespmem:s12+$0xC610]  }
0x15d: {  	v5 =	vld [tilespmem:s12+$0x14610]  }
0x15e: {  	v6 =	vld [tilespmem:s12+$0xC620]  }
0x15f: {  	v7 =	vld [tilespmem:s12+$0x14630]  }
0x160: {  	v8 =	vld [tilespmem:s12+$0xC640]  }
0x161: {  	v9 =	vld [tilespmem:s12+$0x14640]  }
0x162: {  	v10 =	vld [tilespmem:s12+$0xC650]  }
0x163: {  	v11 =	vld [tilespmem:s12+$0x14650]  }
0x164: {  	v12 =	vld [tilespmem:s12+$0xC660]  }
0x165: {  	v13 =	vld [tilespmem:s12+$0x14660]  }
0x166: {  	v14 =	vld [tilespmem:s12+$0xC670]  }
0x167: {  	v15 =	vld [tilespmem:s12+$0x14670]  }
0x168: {  	v16 =	vld [tilespmem:s12+$0xC680]  }
0x169: {  	v17 =	vld [tilespmem:s12+$0x14680]  }
0x16a: {  	v18 =	vld [tilespmem:s12+$0xC690]  }
0x16b: {  	v19 =	vld [tilespmem:s12+$0x14690]  }
0x16c: {  	v20 =	vld [tilespmem:s12+$0xC6A0]  }
0x16d: {  	v21 =	vld [tilespmem:s12+$0x146A0]  }
0x16e: {  	v22 =	vld [tilespmem:s12+$0xC6B0]  }
0x16f: {  	v23 =	vld [tilespmem:s12+$0x146B0]  }
0x170: {  	v24 =	vld [tilespmem:s12+$0xC6C0]  }
0x171: {  	v25 =	vld [tilespmem:s12+$0x146C0]  }
0x172: {  	v26 =	vld [tilespmem:s12+$0xC6D0]  }
0x173: {  	v27 =	vld [tilespmem:s12+$0x146D0]  }
0x174: {  	v63 =	vld [tilespmem:s12+$0x146E0];
	v0 =	vsub.f32 v0, v1  }
0x175: {  	v1 =	vld [tilespmem:s12+$0x14620]  }
0x176: {  	v2 =	vsub.f32 v2, v3;
	[tilespmem:s12+$0x46F0] =	vst.add.f32.msk $0xffff, v0  }
0x177: {  	v0 =	vld [tilespmem:s12+$0xC630]  }
0x178: {  	[tilespmem:s12+$0x4600] =	vst.add.f32.msk $0xffff, v2;
	v2 =	vsub.f32 v8, v9  }
0x179: {  	v3 =	vld [tilespmem:s12+$0xC6E0];
	v4 =	vsub.f32 v4, v5  }
0x17a: {  	[tilespmem:s12+$0x4640] =	vst.add.f32.msk $0xffff, v2;
	v2 =	vsub.f32 v14, v15  }
0x17b: {  	[tilespmem:s12+$0x4610] =	vst.add.f32.msk $0xffff, v4;
	v1 =	vsub.f32 v6, v1  }
0x17c: {  	[tilespmem:s12+$0x4670] =	vst.add.f32.msk $0xffff, v2;
	v2 =	vsub.f32 v20, v21  }
0x17d: {  	v0 =	vsub.f32 v0, v7;
	[tilespmem:s12+$0x4620] =	vst.add.f32.msk $0xffff, v1  }
0x17e: {  	v1 =	vsub.f32 v10, v11;
	[tilespmem:s12+$0x46A0] =	vst.add.f32.msk $0xffff, v2  }
0x17f: {  	v2 =	vsub.f32 v26, v27;
	[tilespmem:s12+$0x4630] =	vst.add.f32.msk $0xffff, v0  }
0x180: {  	v0 =	vsub.f32 v12, v13;
	[tilespmem:s12+$0x4650] =	vst.add.f32.msk $0xffff, v1  }
0x181: {  	v1 =	vsub.f32 v16, v17;
	[tilespmem:s12+$0x46D0] =	vst.add.f32.msk $0xffff, v2  }
0x182: {  	[tilespmem:s12+$0x4660] =	vst.add.f32.msk $0xffff, v0;
	v0 =	vsub.f32 v18, v19  }
0x183: {  	[tilespmem:s12+$0x4680] =	vst.add.f32.msk $0xffff, v1;
	v1 =	vsub.f32 v22, v23  }
0x184: {  	[tilespmem:s12+$0x4690] =	vst.add.f32.msk $0xffff, v0;
	v0 =	vsub.f32 v24, v25  }
0x185: {  	[tilespmem:s12+$0x46B0] =	vst.add.f32.msk $0xffff, v1;
	v1 =	vsub.f32 v3, v63  }
0x186: {  	[tilespmem:s12+$0x46C0] =	vst.add.f32.msk $0xffff, v0  }
0x187: {  	s15 =	simm.s32 $0x0;
	s13 =	rddreg [dreg:$0xc];
	[tilespmem:s12+$0x46E0] =	vst.add.f32.msk $0xffff, v1  }
0x188: {  	[hbm4b:s13+s15] =	stream.linear.scatter [tilespmem:s0], [sflag:$0xB], $0x2000, $0x38;
	[tilespmem:$0x1A540] =	vst v63  }
0x189: {  	_ =	swait.ge [sflag:s29], $0x2000  }
0x18a: {  	[sflag:s29] =	ssyncset.done $0x0  }
0x18b: {  	s14 =	simm.s32 $0x140;
	[sflag:s29] =	ssyncadd.s32 $0xFFFFE000  }
0x18c: {  	[tilespmem:s25], [sflag:$0x2] =	stream.indirect.gather [hbm4b:s1+s21], $0x80, s14, s21, $0xb8;
	[tilespmem:$0x1A540] =	vst v63  }
0x18d: {  	s15 =	simm.s32 $0x340  }
0x18e: {  	[tilespmem:s16], [sflag:$0x6] =	stream.indirect.gather [spmem:s3], $0x80, s15, s21, $0xb8;
	[tilespmem:$0x1A540] =	vst v63  }
0x18f: {  	s16 =	simm.s32 $0x540  }
0x190: {  	[tilespmem:s20], [sflag:$0x2] =	stream.indirect.gather [hbm4b:s1+s21], $0x80, s16, s21, $0xb8;
	[tilespmem:$0x1A540] =	vst v63  }
0x191: {  	_ =	swait.ge [sflag:s8], $0x2000  }
0x192: {  	[sflag:s8] =	ssyncset.done $0x0  }
0x193: {  	[sflag:s8] =	ssyncadd.s32 $0xFFFFE000  }
0x194: {  	_ =	swait.ge [sflag:s9], $0x2000  }
0x195: {  	[sflag:s9] =	ssyncset.done $0x0  }
0x196: {  	[sflag:s9] =	ssyncadd.s32 $0xFFFFE000  }
0x197: {  	_ =	swait.ge [sflag:s8], $0x2000  }
0x198: {  	[sflag:s8] =	ssyncset.done $0x0  }
0x199: {  	s12 =	simm.s32 $0x0;
	[sflag:s8] =	ssyncadd.s32 $0xFFFFE000  }
0x19a: {  	s13 =	simm.s32 $0x400;
	v0 =	vld [tilespmem:s12+$0xE6F0]  }
.LBB2_8:
0x19b: {  	p1 =	sne.s32 s13, $0x7C00;
	v1 =	vld [tilespmem:s12+$0x166F0]  }
0x19c: {  	v2 =	vld [tilespmem:s12+$0xE600]  }
0x19d: {  	v3 =	vld [tilespmem:s12+$0x16600]  }
0x19e: {  	v4 =	vld [tilespmem:s12+$0xE610]  }
0x19f: {  	v5 =	vld [tilespmem:s12+$0x16610]  }
0x1a0: {  	v6 =	vld [tilespmem:s12+$0xE620];
	v0 =	vsub.f32 v0, v1  }
0x1a1: {  	v1 =	vld [tilespmem:s12+$0x16620]  }
0x1a2: {  	v2 =	vsub.f32 v2, v3;
	[tilespmem:s12+$0x66F0] =	vst.add.f32.msk $0xffff, v0  }
0x1a3: {  	v0 =	vld [tilespmem:s12+$0xE630]  }
0x1a4: {  	v3 =	vsub.f32 v4, v5;
	v4 =	vld [tilespmem:s12+$0x16630]  }
0x1a5: {  	v5 =	vld [tilespmem:s12+$0xE640]  }
0x1a6: {  	v1 =	vsub.f32 v6, v1;
	v6 =	vld [tilespmem:s12+$0x16640]  }
0x1a7: {  	v7 =	vld [tilespmem:s12+$0xE650]  }
0x1a8: {  	v8 =	vld [tilespmem:s12+$0x16650]  }
0x1a9: {  	v0 =	vsub.f32 v0, v4;
	v4 =	vld [tilespmem:s12+$0xE660]  }
0x1aa: {  	v9 =	vld [tilespmem:s12+$0x16660]  }
0x1ab: {  	v5 =	vsub.f32 v5, v6;
	v6 =	vld [tilespmem:s12+$0xE670]  }
0x1ac: {  	v10 =	vld [tilespmem:s12+$0x16670]  }
0x1ad: {  	v7 =	vsub.f32 v7, v8;
	v8 =	vld [tilespmem:s12+$0xE680]  }
0x1ae: {  	v11 =	vld [tilespmem:s12+$0x16680]  }
0x1af: {  	v4 =	vsub.f32 v4, v9;
	v9 =	vld [tilespmem:s12+$0xE690]  }
0x1b0: {  	v12 =	vld [tilespmem:s12+$0x16690]  }
0x1b1: {  	v6 =	vsub.f32 v6, v10;
	v10 =	vld [tilespmem:s12+$0xE6A0]  }
0x1b2: {  	v13 =	vld [tilespmem:s12+$0x166A0]  }
0x1b3: {  	v8 =	vsub.f32 v8, v11;
	v11 =	vld [tilespmem:s12+$0xE6B0]  }
0x1b4: {  	v14 =	vld [tilespmem:s12+$0x166B0]  }
0x1b5: {  	v9 =	vsub.f32 v9, v12;
	v12 =	vld [tilespmem:s12+$0xE6C0]  }
0x1b6: {  	v15 =	vld [tilespmem:s12+$0x166C0]  }
0x1b7: {  	v10 =	vsub.f32 v10, v13;
	v13 =	vld [tilespmem:s12+$0xE6D0]  }
0x1b8: {  	v16 =	vld [tilespmem:s12+$0x166D0]  }
0x1b9: {  	v11 =	vsub.f32 v11, v14;
	v14 =	vld [tilespmem:s12+$0xE6E0]  }
0x1ba: {  	v17 =	vld [tilespmem:s12+$0x166E0]  }
0x1bb: {  	[tilespmem:s12+$0x6600] =	vst.add.f32.msk $0xffff, v2;
	v2 =	vsub.f32 v12, v15  }
0x1bc: {  	[tilespmem:s12+$0x6610] =	vst.add.f32.msk $0xffff, v3  }
0x1bd: {  	[tilespmem:s12+$0x6620] =	vst.add.f32.msk $0xffff, v1;
	v1 =	vsub.f32 v13, v16  }
0x1be: {  	[tilespmem:s12+$0x6630] =	vst.add.f32.msk $0xffff, v0  }
0x1bf: {  	[tilespmem:s12+$0x6640] =	vst.add.f32.msk $0xffff, v5;
	v0 =	vsub.f32 v14, v17  }
0x1c0: {  	[tilespmem:s12+$0x6650] =	vst.add.f32.msk $0xffff, v7  }
0x1c1: {  	[tilespmem:s12+$0x6660] =	vst.add.f32.msk $0xffff, v4  }
0x1c2: {  	[tilespmem:s12+$0x6670] =	vst.add.f32.msk $0xffff, v6  }
0x1c3: {  	[tilespmem:s12+$0x6680] =	vst.add.f32.msk $0xffff, v8  }
0x1c4: {  	[tilespmem:s12+$0x6690] =	vst.add.f32.msk $0xffff, v9  }
0x1c5: {  	[tilespmem:s12+$0x66A0] =	vst.add.f32.msk $0xffff, v10  }
.Ltmp3:
0x1c6: {  	[tilespmem:s12+$0x66B0] =	vst.add.f32.msk $0xffff, v11;
	(pc) =	sbr.rel @p1 .LBB2_8-.Ltmp3, $4  }
0x1c7: {  	[tilespmem:s12+$0x66C0] =	vst.add.f32.msk $0xffff, v2  }
0x1c8: {  	[tilespmem:s12+$0x66D0] =	vst.add.f32.msk $0xffff, v1  }
0x1c9: {  	[tilespmem:s12+$0x66E0] =	vst.add.f32.msk $0xffff, v0;
	s12 =	sshra.s32 s13, $0x2  }
0x1ca: {  	s13 =	sadd.s32 $0x400, s13;
	v0 =	vld [tilespmem:s12+$0xE6F0]  }
0x1cb: {  	v1 =	vld [tilespmem:s12+$0x166F0]  }
0x1cc: {  	v2 =	vld [tilespmem:s12+$0xE600]  }
0x1cd: {  	v3 =	vld [tilespmem:s12+$0x16600]  }
0x1ce: {  	v4 =	vld [tilespmem:s12+$0xE610]  }
0x1cf: {  	v5 =	vld [tilespmem:s12+$0x16610]  }
0x1d0: {  	v6 =	vld [tilespmem:s12+$0xE620]  }
0x1d1: {  	v7 =	vld [tilespmem:s12+$0x16630]  }
0x1d2: {  	v8 =	vld [tilespmem:s12+$0xE640]  }
0x1d3: {  	v9 =	vld [tilespmem:s12+$0x16640]  }
0x1d4: {  	v10 =	vld [tilespmem:s12+$0xE650]  }
0x1d5: {  	v11 =	vld [tilespmem:s12+$0x16650]  }
0x1d6: {  	v12 =	vld [tilespmem:s12+$0xE660]  }
0x1d7: {  	v13 =	vld [tilespmem:s12+$0x16660]  }
0x1d8: {  	v14 =	vld [tilespmem:s12+$0xE670]  }
0x1d9: {  	v15 =	vld [tilespmem:s12+$0x16670]  }
0x1da: {  	v16 =	vld [tilespmem:s12+$0xE680]  }
0x1db: {  	v17 =	vld [tilespmem:s12+$0x16680]  }
0x1dc: {  	v18 =	vld [tilespmem:s12+$0xE690]  }
0x1dd: {  	v19 =	vld [tilespmem:s12+$0x16690]  }
0x1de: {  	v20 =	vld [tilespmem:s12+$0xE6A0]  }
0x1df: {  	v21 =	vld [tilespmem:s12+$0x166A0]  }
0x1e0: {  	v22 =	vld [tilespmem:s12+$0xE6B0]  }
0x1e1: {  	v23 =	vld [tilespmem:s12+$0x166B0]  }
0x1e2: {  	v24 =	vld [tilespmem:s12+$0xE6C0]  }
0x1e3: {  	v25 =	vld [tilespmem:s12+$0x166C0]  }
0x1e4: {  	v26 =	vld [tilespmem:s12+$0xE6D0]  }
0x1e5: {  	v27 =	vld [tilespmem:s12+$0x166D0]  }
0x1e6: {  	v63 =	vld [tilespmem:s12+$0x166E0];
	v0 =	vsub.f32 v0, v1  }
0x1e7: {  	v1 =	vld [tilespmem:s12+$0x16620]  }
0x1e8: {  	v2 =	vsub.f32 v2, v3;
	[tilespmem:s12+$0x66F0] =	vst.add.f32.msk $0xffff, v0  }
0x1e9: {  	v0 =	vld [tilespmem:s12+$0xE630]  }
0x1ea: {  	[tilespmem:s12+$0x6600] =	vst.add.f32.msk $0xffff, v2;
	v2 =	vsub.f32 v8, v9  }
0x1eb: {  	v3 =	vld [tilespmem:s12+$0xE6E0];
	v4 =	vsub.f32 v4, v5  }
0x1ec: {  	[tilespmem:s12+$0x6640] =	vst.add.f32.msk $0xffff, v2;
	v2 =	vsub.f32 v14, v15  }
0x1ed: {  	[tilespmem:s12+$0x6610] =	vst.add.f32.msk $0xffff, v4;
	v1 =	vsub.f32 v6, v1  }
0x1ee: {  	[tilespmem:s12+$0x6670] =	vst.add.f32.msk $0xffff, v2;
	v2 =	vsub.f32 v20, v21  }
0x1ef: {  	v0 =	vsub.f32 v0, v7;
	[tilespmem:s12+$0x6620] =	vst.add.f32.msk $0xffff, v1  }
0x1f0: {  	v1 =	vsub.f32 v10, v11;
	[tilespmem:s12+$0x66A0] =	vst.add.f32.msk $0xffff, v2  }
0x1f1: {  	v2 =	vsub.f32 v26, v27;
	[tilespmem:s12+$0x6630] =	vst.add.f32.msk $0xffff, v0  }
0x1f2: {  	v0 =	vsub.f32 v12, v13;
	[tilespmem:s12+$0x6650] =	vst.add.f32.msk $0xffff, v1  }
0x1f3: {  	v1 =	vsub.f32 v16, v17;
	[tilespmem:s12+$0x66D0] =	vst.add.f32.msk $0xffff, v2  }
0x1f4: {  	[tilespmem:s12+$0x6660] =	vst.add.f32.msk $0xffff, v0;
	v0 =	vsub.f32 v18, v19  }
0x1f5: {  	[tilespmem:s12+$0x6680] =	vst.add.f32.msk $0xffff, v1;
	v1 =	vsub.f32 v22, v23  }
0x1f6: {  	[tilespmem:s12+$0x6690] =	vst.add.f32.msk $0xffff, v0;
	v0 =	vsub.f32 v24, v25  }
0x1f7: {  	[tilespmem:s12+$0x66B0] =	vst.add.f32.msk $0xffff, v1;
	v1 =	vsub.f32 v3, v63  }
0x1f8: {  	[tilespmem:s12+$0x66C0] =	vst.add.f32.msk $0xffff, v0  }
0x1f9: {  	s20 =	simm.s32 $0x0;
	s13 =	rddreg [dreg:$0xd];
	[tilespmem:s12+$0x66E0] =	vst.add.f32.msk $0xffff, v1  }
0x1fa: {  	[hbm4b:s13+s20] =	stream.linear.scatter [tilespmem:s19], [sflag:$0xC], $0x2000, $0x38;
	[tilespmem:$0x1A540] =	vst v63  }
0x1fb: {  	_ =	swait.ge [sflag:s26], $0x2000  }
0x1fc: {  	[sflag:s26] =	ssyncset.done $0x0  }
0x1fd: {  	s13 =	simm.s32 $0x180;
	[sflag:s26] =	ssyncadd.s32 $0xFFFFE000  }
0x1fe: {  	[tilespmem:s0], [sflag:$0x3] =	stream.indirect.gather [hbm4b:s1+s21], $0x80, s13, s21, $0xb8;
	[tilespmem:$0x1A540] =	vst v63  }
0x1ff: {  	s14 =	simm.s32 $0xC600;
	s15 =	simm.s32 $0x380  }
0x200: {  	[tilespmem:s14], [sflag:$0x7] =	stream.indirect.gather [spmem:s3], $0x80, s15, s21, $0xb8;
	[tilespmem:$0x1A540] =	vst v63  }
0x201: {  	s16 =	simm.s32 $0x14600;
	s20 =	simm.s32 $0x580  }
0x202: {  	[tilespmem:s16], [sflag:$0x3] =	stream.indirect.gather [hbm4b:s1+s21], $0x80, s20, s21, $0xb8;
	[tilespmem:$0x1A540] =	vst v63  }
0x203: {  	_ =	swait.ge [sflag:s31], $0x2000  }
0x204: {  	[sflag:s31] =	ssyncset.done $0x0  }
0x205: {  	[sflag:s31] =	ssyncadd.s32 $0xFFFFE000  }
0x206: {  	_ =	swait.ge [sflag:s2], $0x2000  }
0x207: {  	[sflag:s2] =	ssyncset.done $0x0  }
0x208: {  	[sflag:s2] =	ssyncadd.s32 $0xFFFFE000  }
0x209: {  	_ =	swait.ge [sflag:s31], $0x2000  }
0x20a: {  	[sflag:s31] =	ssyncset.done $0x0  }
0x20b: {  	s12 =	simm.s32 $0x0;
	[sflag:s31] =	ssyncadd.s32 $0xFFFFE000  }
0x20c: {  	s13 =	simm.s32 $0x400;
	v0 =	vld [tilespmem:s12+$0x86F0]  }
.LBB2_10:
0x20d: {  	p1 =	sne.s32 s13, $0x7C00;
	v1 =	vld [tilespmem:s12+$0x106F0]  }
0x20e: {  	v2 =	vld [tilespmem:s12+$0x8600]  }
0x20f: {  	v3 =	vld [tilespmem:s12+$0x10600]  }
0x210: {  	v4 =	vld [tilespmem:s12+$0x8610]  }
0x211: {  	v5 =	vld [tilespmem:s12+$0x10610]  }
0x212: {  	v6 =	vld [tilespmem:s12+$0x8620];
	v0 =	vsub.f32 v0, v1  }
0x213: {  	v1 =	vld [tilespmem:s12+$0x10620]  }
0x214: {  	v2 =	vsub.f32 v2, v3;
	[tilespmem:s12+$0x6F0] =	vst.add.f32.msk $0xffff, v0  }
0x215: {  	v0 =	vld [tilespmem:s12+$0x8630]  }
0x216: {  	v3 =	vsub.f32 v4, v5;
	v4 =	vld [tilespmem:s12+$0x10630]  }
0x217: {  	v5 =	vld [tilespmem:s12+$0x8640]  }
0x218: {  	v1 =	vsub.f32 v6, v1;
	v6 =	vld [tilespmem:s12+$0x10640]  }
0x219: {  	v7 =	vld [tilespmem:s12+$0x8650]  }
0x21a: {  	v8 =	vld [tilespmem:s12+$0x10650]  }
0x21b: {  	v0 =	vsub.f32 v0, v4;
	v4 =	vld [tilespmem:s12+$0x8660]  }
0x21c: {  	v9 =	vld [tilespmem:s12+$0x10660]  }
0x21d: {  	v5 =	vsub.f32 v5, v6;
	v6 =	vld [tilespmem:s12+$0x8670]  }
0x21e: {  	v10 =	vld [tilespmem:s12+$0x10670]  }
0x21f: {  	v7 =	vsub.f32 v7, v8;
	v8 =	vld [tilespmem:s12+$0x8680]  }
0x220: {  	v11 =	vld [tilespmem:s12+$0x10680]  }
0x221: {  	v4 =	vsub.f32 v4, v9;
	v9 =	vld [tilespmem:s12+$0x8690]  }
0x222: {  	v12 =	vld [tilespmem:s12+$0x10690]  }
0x223: {  	v6 =	vsub.f32 v6, v10;
	v10 =	vld [tilespmem:s12+$0x86A0]  }
0x224: {  	v13 =	vld [tilespmem:s12+$0x106A0]  }
0x225: {  	v8 =	vsub.f32 v8, v11;
	v11 =	vld [tilespmem:s12+$0x86B0]  }
0x226: {  	v14 =	vld [tilespmem:s12+$0x106B0]  }
0x227: {  	v9 =	vsub.f32 v9, v12;
	v12 =	vld [tilespmem:s12+$0x86C0]  }
0x228: {  	v15 =	vld [tilespmem:s12+$0x106C0]  }
0x229: {  	v10 =	vsub.f32 v10, v13;
	v13 =	vld [tilespmem:s12+$0x86D0]  }
0x22a: {  	v16 =	vld [tilespmem:s12+$0x106D0]  }
0x22b: {  	v11 =	vsub.f32 v11, v14;
	v14 =	vld [tilespmem:s12+$0x86E0]  }
0x22c: {  	v17 =	vld [tilespmem:s12+$0x106E0]  }
0x22d: {  	[tilespmem:s12+$0x600] =	vst.add.f32.msk $0xffff, v2;
	v2 =	vsub.f32 v12, v15  }
0x22e: {  	[tilespmem:s12+$0x610] =	vst.add.f32.msk $0xffff, v3  }
0x22f: {  	[tilespmem:s12+$0x620] =	vst.add.f32.msk $0xffff, v1;
	v1 =	vsub.f32 v13, v16  }
0x230: {  	[tilespmem:s12+$0x630] =	vst.add.f32.msk $0xffff, v0  }
0x231: {  	[tilespmem:s12+$0x640] =	vst.add.f32.msk $0xffff, v5;
	v0 =	vsub.f32 v14, v17  }
0x232: {  	[tilespmem:s12+$0x650] =	vst.add.f32.msk $0xffff, v7  }
0x233: {  	[tilespmem:s12+$0x660] =	vst.add.f32.msk $0xffff, v4  }
0x234: {  	[tilespmem:s12+$0x670] =	vst.add.f32.msk $0xffff, v6  }
0x235: {  	[tilespmem:s12+$0x680] =	vst.add.f32.msk $0xffff, v8  }
0x236: {  	[tilespmem:s12+$0x690] =	vst.add.f32.msk $0xffff, v9  }
0x237: {  	[tilespmem:s12+$0x6A0] =	vst.add.f32.msk $0xffff, v10  }
.Ltmp4:
0x238: {  	[tilespmem:s12+$0x6B0] =	vst.add.f32.msk $0xffff, v11;
	(pc) =	sbr.rel @p1 .LBB2_10-.Ltmp4, $4  }
0x239: {  	[tilespmem:s12+$0x6C0] =	vst.add.f32.msk $0xffff, v2  }
0x23a: {  	[tilespmem:s12+$0x6D0] =	vst.add.f32.msk $0xffff, v1  }
0x23b: {  	[tilespmem:s12+$0x6E0] =	vst.add.f32.msk $0xffff, v0;
	s12 =	sshra.s32 s13, $0x2  }
0x23c: {  	s13 =	sadd.s32 $0x400, s13;
	v0 =	vld [tilespmem:s12+$0x86F0]  }
0x23d: {  	v1 =	vld [tilespmem:s12+$0x106F0]  }
0x23e: {  	v2 =	vld [tilespmem:s12+$0x8600]  }
0x23f: {  	v3 =	vld [tilespmem:s12+$0x10600]  }
0x240: {  	v4 =	vld [tilespmem:s12+$0x8610]  }
0x241: {  	v5 =	vld [tilespmem:s12+$0x10610]  }
0x242: {  	v6 =	vld [tilespmem:s12+$0x8620]  }
0x243: {  	v7 =	vld [tilespmem:s12+$0x10630]  }
0x244: {  	v8 =	vld [tilespmem:s12+$0x8640]  }
0x245: {  	v9 =	vld [tilespmem:s12+$0x10640]  }
0x246: {  	v10 =	vld [tilespmem:s12+$0x8650]  }
0x247: {  	v11 =	vld [tilespmem:s12+$0x10650]  }
0x248: {  	v12 =	vld [tilespmem:s12+$0x8660]  }
0x249: {  	v13 =	vld [tilespmem:s12+$0x10660]  }
0x24a: {  	v14 =	vld [tilespmem:s12+$0x8670]  }
0x24b: {  	v15 =	vld [tilespmem:s12+$0x10670]  }
0x24c: {  	v16 =	vld [tilespmem:s12+$0x8680]  }
0x24d: {  	v17 =	vld [tilespmem:s12+$0x10680]  }
0x24e: {  	v18 =	vld [tilespmem:s12+$0x8690]  }
0x24f: {  	v19 =	vld [tilespmem:s12+$0x10690]  }
0x250: {  	v20 =	vld [tilespmem:s12+$0x86A0]  }
0x251: {  	v21 =	vld [tilespmem:s12+$0x106A0]  }
0x252: {  	v22 =	vld [tilespmem:s12+$0x86B0]  }
0x253: {  	v23 =	vld [tilespmem:s12+$0x106B0]  }
0x254: {  	v24 =	vld [tilespmem:s12+$0x86C0]  }
0x255: {  	v25 =	vld [tilespmem:s12+$0x106C0]  }
0x256: {  	v26 =	vld [tilespmem:s12+$0x86D0]  }
0x257: {  	v27 =	vld [tilespmem:s12+$0x106D0]  }
0x258: {  	v63 =	vld [tilespmem:s12+$0x106E0];
	v0 =	vsub.f32 v0, v1  }
0x259: {  	v1 =	vld [tilespmem:s12+$0x10620]  }
0x25a: {  	v2 =	vsub.f32 v2, v3;
	[tilespmem:s12+$0x6F0] =	vst.add.f32.msk $0xffff, v0  }
0x25b: {  	v0 =	vld [tilespmem:s12+$0x8630]  }
0x25c: {  	[tilespmem:s12+$0x600] =	vst.add.f32.msk $0xffff, v2;
	v2 =	vsub.f32 v8, v9  }
0x25d: {  	v3 =	vld [tilespmem:s12+$0x86E0];
	v4 =	vsub.f32 v4, v5  }
0x25e: {  	[tilespmem:s12+$0x640] =	vst.add.f32.msk $0xffff, v2;
	v2 =	vsub.f32 v14, v15  }
0x25f: {  	[tilespmem:s12+$0x610] =	vst.add.f32.msk $0xffff, v4;
	v1 =	vsub.f32 v6, v1  }
0x260: {  	[tilespmem:s12+$0x670] =	vst.add.f32.msk $0xffff, v2;
	v2 =	vsub.f32 v20, v21  }
0x261: {  	v0 =	vsub.f32 v0, v7;
	[tilespmem:s12+$0x620] =	vst.add.f32.msk $0xffff, v1  }
0x262: {  	v1 =	vsub.f32 v10, v11;
	[tilespmem:s12+$0x6A0] =	vst.add.f32.msk $0xffff, v2  }
0x263: {  	v2 =	vsub.f32 v26, v27;
	[tilespmem:s12+$0x630] =	vst.add.f32.msk $0xffff, v0  }
0x264: {  	v0 =	vsub.f32 v12, v13;
	[tilespmem:s12+$0x650] =	vst.add.f32.msk $0xffff, v1  }
0x265: {  	v1 =	vsub.f32 v16, v17;
	[tilespmem:s12+$0x6D0] =	vst.add.f32.msk $0xffff, v2  }
0x266: {  	[tilespmem:s12+$0x660] =	vst.add.f32.msk $0xffff, v0;
	v0 =	vsub.f32 v18, v19  }
0x267: {  	[tilespmem:s12+$0x680] =	vst.add.f32.msk $0xffff, v1;
	v1 =	vsub.f32 v22, v23  }
0x268: {  	[tilespmem:s12+$0x690] =	vst.add.f32.msk $0xffff, v0;
	v0 =	vsub.f32 v24, v25  }
0x269: {  	[tilespmem:s12+$0x6B0] =	vst.add.f32.msk $0xffff, v1;
	v1 =	vsub.f32 v3, v63  }
0x26a: {  	[tilespmem:s12+$0x6C0] =	vst.add.f32.msk $0xffff, v0  }
0x26b: {  	s20 =	simm.s32 $0x0;
	s13 =	rddreg [dreg:$0xe];
	[tilespmem:s12+$0x6E0] =	vst.add.f32.msk $0xffff, v1  }
0x26c: {  	[hbm4b:s13+s20] =	stream.linear.scatter [tilespmem:s22], [sflag:$0x9], $0x2000, $0x38;
	[tilespmem:$0x1A540] =	vst v63  }
0x26d: {  	_ =	swait.ge [sflag:s10], $0x2000  }
0x26e: {  	[sflag:s10] =	ssyncset.done $0x0  }
0x26f: {  	s14 =	simm.s32 $0x1C0;
	[sflag:s10] =	ssyncadd.s32 $0xFFFFE000  }
0x270: {  	[tilespmem:s19], [sflag:$0x4] =	stream.indirect.gather [hbm4b:s1+s21], $0x80, s14, s21, $0xb8;
	[tilespmem:$0x1A540] =	vst v63  }
0x271: {  	s15 =	simm.s32 $0xE600;
	s16 =	simm.s32 $0x3C0  }
0x272: {  	[tilespmem:s15], [sflag:$0x8] =	stream.indirect.gather [spmem:s3], $0x80, s16, s21, $0xb8;
	[tilespmem:$0x1A540] =	vst v63  }
0x273: {  	s20 =	simm.s32 $0x5C0  }
0x274: {  	[tilespmem:s23], [sflag:$0x4] =	stream.indirect.gather [hbm4b:s1+s21], $0x80, s20, s21, $0xb8;
	[tilespmem:$0x1A540] =	vst v63  }
0x275: {  	_ =	swait.ge [sflag:s24], $0x2000  }
0x276: {  	[sflag:s24] =	ssyncset.done $0x0  }
0x277: {  	[sflag:s24] =	ssyncadd.s32 $0xFFFFE000  }
0x278: {  	_ =	swait.ge [sflag:s28], $0x2000  }
0x279: {  	[sflag:s28] =	ssyncset.done $0x0  }
0x27a: {  	[sflag:s28] =	ssyncadd.s32 $0xFFFFE000  }
0x27b: {  	_ =	swait.ge [sflag:s24], $0x2000  }
0x27c: {  	[sflag:s24] =	ssyncset.done $0x0  }
0x27d: {  	s12 =	simm.s32 $0x0;
	[sflag:s24] =	ssyncadd.s32 $0xFFFFE000  }
0x27e: {  	s13 =	simm.s32 $0x400;
	v0 =	vld [tilespmem:s12+$0xA6F0]  }
.LBB2_12:
0x27f: {  	p1 =	sne.s32 s13, $0x7C00;
	v1 =	vld [tilespmem:s12+$0x126F0]  }
0x280: {  	v2 =	vld [tilespmem:s12+$0xA600]  }
0x281: {  	v3 =	vld [tilespmem:s12+$0x12600]  }
0x282: {  	v4 =	vld [tilespmem:s12+$0xA610]  }
0x283: {  	v5 =	vld [tilespmem:s12+$0x12610]  }
0x284: {  	v6 =	vld [tilespmem:s12+$0xA620];
	v0 =	vsub.f32 v0, v1  }
0x285: {  	v1 =	vld [tilespmem:s12+$0x12620]  }
0x286: {  	v2 =	vsub.f32 v2, v3;
	[tilespmem:s12+$0x26F0] =	vst.add.f32.msk $0xffff, v0  }
0x287: {  	v0 =	vld [tilespmem:s12+$0xA630]  }
0x288: {  	v3 =	vsub.f32 v4, v5;
	v4 =	vld [tilespmem:s12+$0x12630]  }
0x289: {  	v5 =	vld [tilespmem:s12+$0xA640]  }
0x28a: {  	v1 =	vsub.f32 v6, v1;
	v6 =	vld [tilespmem:s12+$0x12640]  }
0x28b: {  	v7 =	vld [tilespmem:s12+$0xA650]  }
0x28c: {  	v8 =	vld [tilespmem:s12+$0x12650]  }
0x28d: {  	v0 =	vsub.f32 v0, v4;
	v4 =	vld [tilespmem:s12+$0xA660]  }
0x28e: {  	v9 =	vld [tilespmem:s12+$0x12660]  }
0x28f: {  	v5 =	vsub.f32 v5, v6;
	v6 =	vld [tilespmem:s12+$0xA670]  }
0x290: {  	v10 =	vld [tilespmem:s12+$0x12670]  }
0x291: {  	v7 =	vsub.f32 v7, v8;
	v8 =	vld [tilespmem:s12+$0xA680]  }
0x292: {  	v11 =	vld [tilespmem:s12+$0x12680]  }
0x293: {  	v4 =	vsub.f32 v4, v9;
	v9 =	vld [tilespmem:s12+$0xA690]  }
0x294: {  	v12 =	vld [tilespmem:s12+$0x12690]  }
0x295: {  	v6 =	vsub.f32 v6, v10;
	v10 =	vld [tilespmem:s12+$0xA6A0]  }
0x296: {  	v13 =	vld [tilespmem:s12+$0x126A0]  }
0x297: {  	v8 =	vsub.f32 v8, v11;
	v11 =	vld [tilespmem:s12+$0xA6B0]  }
0x298: {  	v14 =	vld [tilespmem:s12+$0x126B0]  }
0x299: {  	v9 =	vsub.f32 v9, v12;
	v12 =	vld [tilespmem:s12+$0xA6C0]  }
0x29a: {  	v15 =	vld [tilespmem:s12+$0x126C0]  }
0x29b: {  	v10 =	vsub.f32 v10, v13;
	v13 =	vld [tilespmem:s12+$0xA6D0]  }
0x29c: {  	v16 =	vld [tilespmem:s12+$0x126D0]  }
0x29d: {  	v11 =	vsub.f32 v11, v14;
	v14 =	vld [tilespmem:s12+$0xA6E0]  }
0x29e: {  	v17 =	vld [tilespmem:s12+$0x126E0]  }
0x29f: {  	[tilespmem:s12+$0x2600] =	vst.add.f32.msk $0xffff, v2;
	v2 =	vsub.f32 v12, v15  }
0x2a0: {  	[tilespmem:s12+$0x2610] =	vst.add.f32.msk $0xffff, v3  }
0x2a1: {  	[tilespmem:s12+$0x2620] =	vst.add.f32.msk $0xffff, v1;
	v1 =	vsub.f32 v13, v16  }
0x2a2: {  	[tilespmem:s12+$0x2630] =	vst.add.f32.msk $0xffff, v0  }
0x2a3: {  	[tilespmem:s12+$0x2640] =	vst.add.f32.msk $0xffff, v5;
	v0 =	vsub.f32 v14, v17  }
0x2a4: {  	[tilespmem:s12+$0x2650] =	vst.add.f32.msk $0xffff, v7  }
0x2a5: {  	[tilespmem:s12+$0x2660] =	vst.add.f32.msk $0xffff, v4  }
0x2a6: {  	[tilespmem:s12+$0x2670] =	vst.add.f32.msk $0xffff, v6  }
0x2a7: {  	[tilespmem:s12+$0x2680] =	vst.add.f32.msk $0xffff, v8  }
0x2a8: {  	[tilespmem:s12+$0x2690] =	vst.add.f32.msk $0xffff, v9  }
0x2a9: {  	[tilespmem:s12+$0x26A0] =	vst.add.f32.msk $0xffff, v10  }
.Ltmp5:
0x2aa: {  	[tilespmem:s12+$0x26B0] =	vst.add.f32.msk $0xffff, v11;
	(pc) =	sbr.rel @p1 .LBB2_12-.Ltmp5, $4  }
0x2ab: {  	[tilespmem:s12+$0x26C0] =	vst.add.f32.msk $0xffff, v2  }
0x2ac: {  	[tilespmem:s12+$0x26D0] =	vst.add.f32.msk $0xffff, v1  }
0x2ad: {  	[tilespmem:s12+$0x26E0] =	vst.add.f32.msk $0xffff, v0;
	s12 =	sshra.s32 s13, $0x2  }
0x2ae: {  	s13 =	sadd.s32 $0x400, s13;
	v0 =	vld [tilespmem:s12+$0xA6F0]  }
0x2af: {  	v1 =	vld [tilespmem:s12+$0x126F0]  }
0x2b0: {  	v2 =	vld [tilespmem:s12+$0xA600]  }
0x2b1: {  	v3 =	vld [tilespmem:s12+$0x12600]  }
0x2b2: {  	v4 =	vld [tilespmem:s12+$0xA610]  }
0x2b3: {  	v5 =	vld [tilespmem:s12+$0x12610]  }
0x2b4: {  	v6 =	vld [tilespmem:s12+$0xA620]  }
0x2b5: {  	v7 =	vld [tilespmem:s12+$0x12630]  }
0x2b6: {  	v8 =	vld [tilespmem:s12+$0xA640]  }
0x2b7: {  	v9 =	vld [tilespmem:s12+$0x12640]  }
0x2b8: {  	v10 =	vld [tilespmem:s12+$0xA650]  }
0x2b9: {  	v11 =	vld [tilespmem:s12+$0x12650]  }
0x2ba: {  	v12 =	vld [tilespmem:s12+$0xA660]  }
0x2bb: {  	v13 =	vld [tilespmem:s12+$0x12660]  }
0x2bc: {  	v14 =	vld [tilespmem:s12+$0xA670]  }
0x2bd: {  	v15 =	vld [tilespmem:s12+$0x12670]  }
0x2be: {  	v16 =	vld [tilespmem:s12+$0xA680]  }
0x2bf: {  	v17 =	vld [tilespmem:s12+$0x12680]  }
0x2c0: {  	v18 =	vld [tilespmem:s12+$0xA690]  }
0x2c1: {  	v19 =	vld [tilespmem:s12+$0x12690]  }
0x2c2: {  	v20 =	vld [tilespmem:s12+$0xA6A0]  }
0x2c3: {  	v21 =	vld [tilespmem:s12+$0x126A0]  }
0x2c4: {  	v22 =	vld [tilespmem:s12+$0xA6B0]  }
0x2c5: {  	v23 =	vld [tilespmem:s12+$0x126B0]  }
0x2c6: {  	v24 =	vld [tilespmem:s12+$0xA6C0]  }
0x2c7: {  	v25 =	vld [tilespmem:s12+$0x126C0]  }
0x2c8: {  	v26 =	vld [tilespmem:s12+$0xA6D0]  }
0x2c9: {  	v27 =	vld [tilespmem:s12+$0x126D0]  }
0x2ca: {  	v63 =	vld [tilespmem:s12+$0x126E0];
	v0 =	vsub.f32 v0, v1  }
0x2cb: {  	v1 =	vld [tilespmem:s12+$0x12620]  }
0x2cc: {  	v2 =	vsub.f32 v2, v3;
	[tilespmem:s12+$0x26F0] =	vst.add.f32.msk $0xffff, v0  }
0x2cd: {  	v0 =	vld [tilespmem:s12+$0xA630]  }
0x2ce: {  	[tilespmem:s12+$0x2600] =	vst.add.f32.msk $0xffff, v2;
	v2 =	vsub.f32 v8, v9  }
0x2cf: {  	v3 =	vld [tilespmem:s12+$0xA6E0];
	v4 =	vsub.f32 v4, v5  }
0x2d0: {  	[tilespmem:s12+$0x2640] =	vst.add.f32.msk $0xffff, v2;
	v2 =	vsub.f32 v14, v15  }
0x2d1: {  	[tilespmem:s12+$0x2610] =	vst.add.f32.msk $0xffff, v4;
	v1 =	vsub.f32 v6, v1  }
0x2d2: {  	[tilespmem:s12+$0x2670] =	vst.add.f32.msk $0xffff, v2;
	v2 =	vsub.f32 v20, v21  }
0x2d3: {  	v0 =	vsub.f32 v0, v7;
	[tilespmem:s12+$0x2620] =	vst.add.f32.msk $0xffff, v1  }
0x2d4: {  	v1 =	vsub.f32 v10, v11;
	[tilespmem:s12+$0x26A0] =	vst.add.f32.msk $0xffff, v2  }
0x2d5: {  	v2 =	vsub.f32 v26, v27;
	[tilespmem:s12+$0x2630] =	vst.add.f32.msk $0xffff, v0  }
0x2d6: {  	v0 =	vsub.f32 v12, v13;
	[tilespmem:s12+$0x2650] =	vst.add.f32.msk $0xffff, v1  }
0x2d7: {  	v1 =	vsub.f32 v16, v17;
	[tilespmem:s12+$0x26D0] =	vst.add.f32.msk $0xffff, v2  }
0x2d8: {  	[tilespmem:s12+$0x2660] =	vst.add.f32.msk $0xffff, v0;
	v0 =	vsub.f32 v18, v19  }
0x2d9: {  	[tilespmem:s12+$0x2680] =	vst.add.f32.msk $0xffff, v1;
	v1 =	vsub.f32 v22, v23  }
0x2da: {  	[tilespmem:s12+$0x2690] =	vst.add.f32.msk $0xffff, v0;
	v0 =	vsub.f32 v24, v25  }
0x2db: {  	[tilespmem:s12+$0x26B0] =	vst.add.f32.msk $0xffff, v1;
	v1 =	vsub.f32 v3, v63  }
0x2dc: {  	[tilespmem:s12+$0x26C0] =	vst.add.f32.msk $0xffff, v0  }
0x2dd: {  	s20 =	simm.s32 $0x0;
	s13 =	rddreg [dreg:$0xf];
	[tilespmem:s12+$0x26E0] =	vst.add.f32.msk $0xffff, v1  }
0x2de: {  	[hbm4b:s13+s20] =	stream.linear.scatter [tilespmem:s25], [sflag:$0xA], $0x2000, $0x38;
	[tilespmem:$0x1A540] =	vst v63  }
0x2df: {  	_ =	swait.ge [sflag:s5], $0x2000  }
0x2e0: {  	[sflag:s5] =	ssyncset.done $0x0  }
0x2e1: {  	[sflag:s5] =	ssyncadd.s32 $0xFFFFE000  }
0x2e2: {  	_ =	swait.ge [sflag:s6], $0x2000  }
0x2e3: {  	[sflag:s6] =	ssyncset.done $0x0  }
0x2e4: {  	[sflag:s6] =	ssyncadd.s32 $0xFFFFE000  }
0x2e5: {  	_ =	swait.ge [sflag:s5], $0x2000  }
0x2e6: {  	[sflag:s5] =	ssyncset.done $0x0  }
0x2e7: {  	s12 =	simm.s32 $0x0;
	[sflag:s5] =	ssyncadd.s32 $0xFFFFE000  }
0x2e8: {  	s13 =	simm.s32 $0x400;
	v0 =	vld [tilespmem:s12+$0xC6F0]  }
.LBB2_14:
0x2e9: {  	p1 =	sne.s32 s13, $0x7C00;
	v1 =	vld [tilespmem:s12+$0x146F0]  }
0x2ea: {  	v2 =	vld [tilespmem:s12+$0xC600]  }
0x2eb: {  	v3 =	vld [tilespmem:s12+$0x14600]  }
0x2ec: {  	v4 =	vld [tilespmem:s12+$0xC610]  }
0x2ed: {  	v5 =	vld [tilespmem:s12+$0x14610]  }
0x2ee: {  	v6 =	vld [tilespmem:s12+$0xC620];
	v0 =	vsub.f32 v0, v1  }
0x2ef: {  	v1 =	vld [tilespmem:s12+$0x14620]  }
0x2f0: {  	v2 =	vsub.f32 v2, v3;
	[tilespmem:s12+$0x46F0] =	vst.add.f32.msk $0xffff, v0  }
0x2f1: {  	v0 =	vld [tilespmem:s12+$0xC630]  }
0x2f2: {  	v3 =	vsub.f32 v4, v5;
	v4 =	vld [tilespmem:s12+$0x14630]  }
0x2f3: {  	v5 =	vld [tilespmem:s12+$0xC640]  }
0x2f4: {  	v1 =	vsub.f32 v6, v1;
	v6 =	vld [tilespmem:s12+$0x14640]  }
0x2f5: {  	v7 =	vld [tilespmem:s12+$0xC650]  }
0x2f6: {  	v8 =	vld [tilespmem:s12+$0x14650]  }
0x2f7: {  	v0 =	vsub.f32 v0, v4;
	v4 =	vld [tilespmem:s12+$0xC660]  }
0x2f8: {  	v9 =	vld [tilespmem:s12+$0x14660]  }
0x2f9: {  	v5 =	vsub.f32 v5, v6;
	v6 =	vld [tilespmem:s12+$0xC670]  }
0x2fa: {  	v10 =	vld [tilespmem:s12+$0x14670]  }
0x2fb: {  	v7 =	vsub.f32 v7, v8;
	v8 =	vld [tilespmem:s12+$0xC680]  }
0x2fc: {  	v11 =	vld [tilespmem:s12+$0x14680]  }
0x2fd: {  	v4 =	vsub.f32 v4, v9;
	v9 =	vld [tilespmem:s12+$0xC690]  }
0x2fe: {  	v12 =	vld [tilespmem:s12+$0x14690]  }
0x2ff: {  	v6 =	vsub.f32 v6, v10;
	v10 =	vld [tilespmem:s12+$0xC6A0]  }
0x300: {  	v13 =	vld [tilespmem:s12+$0x146A0]  }
0x301: {  	v8 =	vsub.f32 v8, v11;
	v11 =	vld [tilespmem:s12+$0xC6B0]  }
0x302: {  	v14 =	vld [tilespmem:s12+$0x146B0]  }
0x303: {  	v9 =	vsub.f32 v9, v12;
	v12 =	vld [tilespmem:s12+$0xC6C0]  }
0x304: {  	v15 =	vld [tilespmem:s12+$0x146C0]  }
0x305: {  	v10 =	vsub.f32 v10, v13;
	v13 =	vld [tilespmem:s12+$0xC6D0]  }
0x306: {  	v16 =	vld [tilespmem:s12+$0x146D0]  }
0x307: {  	v11 =	vsub.f32 v11, v14;
	v14 =	vld [tilespmem:s12+$0xC6E0]  }
0x308: {  	v17 =	vld [tilespmem:s12+$0x146E0]  }
0x309: {  	[tilespmem:s12+$0x4600] =	vst.add.f32.msk $0xffff, v2;
	v2 =	vsub.f32 v12, v15  }
0x30a: {  	[tilespmem:s12+$0x4610] =	vst.add.f32.msk $0xffff, v3  }
0x30b: {  	[tilespmem:s12+$0x4620] =	vst.add.f32.msk $0xffff, v1;
	v1 =	vsub.f32 v13, v16  }
0x30c: {  	[tilespmem:s12+$0x4630] =	vst.add.f32.msk $0xffff, v0  }
0x30d: {  	[tilespmem:s12+$0x4640] =	vst.add.f32.msk $0xffff, v5;
	v0 =	vsub.f32 v14, v17  }
0x30e: {  	[tilespmem:s12+$0x4650] =	vst.add.f32.msk $0xffff, v7  }
0x30f: {  	[tilespmem:s12+$0x4660] =	vst.add.f32.msk $0xffff, v4  }
0x310: {  	[tilespmem:s12+$0x4670] =	vst.add.f32.msk $0xffff, v6  }
0x311: {  	[tilespmem:s12+$0x4680] =	vst.add.f32.msk $0xffff, v8  }
0x312: {  	[tilespmem:s12+$0x4690] =	vst.add.f32.msk $0xffff, v9  }
0x313: {  	[tilespmem:s12+$0x46A0] =	vst.add.f32.msk $0xffff, v10  }
.Ltmp6:
0x314: {  	[tilespmem:s12+$0x46B0] =	vst.add.f32.msk $0xffff, v11;
	(pc) =	sbr.rel @p1 .LBB2_14-.Ltmp6, $4  }
0x315: {  	[tilespmem:s12+$0x46C0] =	vst.add.f32.msk $0xffff, v2  }
0x316: {  	[tilespmem:s12+$0x46D0] =	vst.add.f32.msk $0xffff, v1  }
0x317: {  	[tilespmem:s12+$0x46E0] =	vst.add.f32.msk $0xffff, v0;
	s12 =	sshra.s32 s13, $0x2  }
0x318: {  	s13 =	sadd.s32 $0x400, s13;
	v0 =	vld [tilespmem:s12+$0xC6F0]  }
0x319: {  	v1 =	vld [tilespmem:s12+$0x146F0]  }
0x31a: {  	v2 =	vld [tilespmem:s12+$0xC600]  }
0x31b: {  	v3 =	vld [tilespmem:s12+$0x14600]  }
0x31c: {  	v4 =	vld [tilespmem:s12+$0xC610]  }
0x31d: {  	v5 =	vld [tilespmem:s12+$0x14610]  }
0x31e: {  	v6 =	vld [tilespmem:s12+$0xC620]  }
0x31f: {  	v7 =	vld [tilespmem:s12+$0x14630]  }
0x320: {  	v8 =	vld [tilespmem:s12+$0xC640]  }
0x321: {  	v9 =	vld [tilespmem:s12+$0x14640]  }
0x322: {  	v10 =	vld [tilespmem:s12+$0xC650]  }
0x323: {  	v11 =	vld [tilespmem:s12+$0x14650]  }
0x324: {  	v12 =	vld [tilespmem:s12+$0xC660]  }
0x325: {  	v13 =	vld [tilespmem:s12+$0x14660]  }
0x326: {  	v14 =	vld [tilespmem:s12+$0xC670]  }
0x327: {  	v15 =	vld [tilespmem:s12+$0x14670]  }
0x328: {  	v16 =	vld [tilespmem:s12+$0xC680]  }
0x329: {  	v17 =	vld [tilespmem:s12+$0x14680]  }
0x32a: {  	v18 =	vld [tilespmem:s12+$0xC690]  }
0x32b: {  	v19 =	vld [tilespmem:s12+$0x14690]  }
0x32c: {  	v20 =	vld [tilespmem:s12+$0xC6A0]  }
0x32d: {  	v21 =	vld [tilespmem:s12+$0x146A0]  }
0x32e: {  	v22 =	vld [tilespmem:s12+$0xC6B0]  }
0x32f: {  	v23 =	vld [tilespmem:s12+$0x146B0]  }
0x330: {  	v24 =	vld [tilespmem:s12+$0xC6C0]  }
0x331: {  	v25 =	vld [tilespmem:s12+$0x146C0]  }
0x332: {  	v26 =	vld [tilespmem:s12+$0xC6D0]  }
0x333: {  	v27 =	vld [tilespmem:s12+$0x146D0]  }
0x334: {  	v63 =	vld [tilespmem:s12+$0x146E0];
	v0 =	vsub.f32 v0, v1  }
0x335: {  	v1 =	vld [tilespmem:s12+$0x14620]  }
0x336: {  	v2 =	vsub.f32 v2, v3;
	[tilespmem:s12+$0x46F0] =	vst.add.f32.msk $0xffff, v0  }
0x337: {  	v0 =	vld [tilespmem:s12+$0xC630]  }
0x338: {  	[tilespmem:s12+$0x4600] =	vst.add.f32.msk $0xffff, v2;
	v2 =	vsub.f32 v8, v9  }
0x339: {  	v3 =	vld [tilespmem:s12+$0xC6E0];
	v4 =	vsub.f32 v4, v5  }
0x33a: {  	[tilespmem:s12+$0x4640] =	vst.add.f32.msk $0xffff, v2;
	v2 =	vsub.f32 v14, v15  }
0x33b: {  	[tilespmem:s12+$0x4610] =	vst.add.f32.msk $0xffff, v4;
	v1 =	vsub.f32 v6, v1  }
0x33c: {  	[tilespmem:s12+$0x4670] =	vst.add.f32.msk $0xffff, v2;
	v2 =	vsub.f32 v20, v21  }
0x33d: {  	v0 =	vsub.f32 v0, v7;
	[tilespmem:s12+$0x4620] =	vst.add.f32.msk $0xffff, v1  }
0x33e: {  	v1 =	vsub.f32 v10, v11;
	[tilespmem:s12+$0x46A0] =	vst.add.f32.msk $0xffff, v2  }
0x33f: {  	v2 =	vsub.f32 v26, v27;
	[tilespmem:s12+$0x4630] =	vst.add.f32.msk $0xffff, v0  }
0x340: {  	v0 =	vsub.f32 v12, v13;
	[tilespmem:s12+$0x4650] =	vst.add.f32.msk $0xffff, v1  }
0x341: {  	v1 =	vsub.f32 v16, v17;
	[tilespmem:s12+$0x46D0] =	vst.add.f32.msk $0xffff, v2  }
0x342: {  	[tilespmem:s12+$0x4660] =	vst.add.f32.msk $0xffff, v0;
	v0 =	vsub.f32 v18, v19  }
0x343: {  	[tilespmem:s12+$0x4680] =	vst.add.f32.msk $0xffff, v1;
	v1 =	vsub.f32 v22, v23  }
0x344: {  	[tilespmem:s12+$0x4690] =	vst.add.f32.msk $0xffff, v0;
	v0 =	vsub.f32 v24, v25  }
0x345: {  	[tilespmem:s12+$0x46B0] =	vst.add.f32.msk $0xffff, v1;
	v1 =	vsub.f32 v3, v63  }
0x346: {  	[tilespmem:s12+$0x46C0] =	vst.add.f32.msk $0xffff, v0  }
0x347: {  	s20 =	simm.s32 $0x0;
	s13 =	rddreg [dreg:$0x10];
	[tilespmem:s12+$0x46E0] =	vst.add.f32.msk $0xffff, v1  }
0x348: {  	[hbm4b:s13+s20] =	stream.linear.scatter [tilespmem:s0], [sflag:$0xB], $0x2000, $0x38;
	[tilespmem:$0x1A540] =	vst v63  }
0x349: {  	_ =	swait.ge [sflag:s8], $0x2000  }
0x34a: {  	[sflag:s8] =	ssyncset.done $0x0  }
0x34b: {  	[sflag:s8] =	ssyncadd.s32 $0xFFFFE000  }
0x34c: {  	_ =	swait.ge [sflag:s9], $0x2000  }
0x34d: {  	[sflag:s9] =	ssyncset.done $0x0  }
0x34e: {  	[sflag:s9] =	ssyncadd.s32 $0xFFFFE000  }
0x34f: {  	_ =	swait.ge [sflag:s8], $0x2000  }
0x350: {  	[sflag:s8] =	ssyncset.done $0x0  }
0x351: {  	s12 =	simm.s32 $0x0;
	[sflag:s8] =	ssyncadd.s32 $0xFFFFE000  }
0x352: {  	s13 =	simm.s32 $0x400;
	v0 =	vld [tilespmem:s12+$0xE6F0]  }
.LBB2_16:
0x353: {  	p1 =	sne.s32 s13, $0x7C00;
	v1 =	vld [tilespmem:s12+$0x166F0]  }
0x354: {  	v2 =	vld [tilespmem:s12+$0xE600]  }
0x355: {  	v3 =	vld [tilespmem:s12+$0x16600]  }
0x356: {  	v4 =	vld [tilespmem:s12+$0xE610]  }
0x357: {  	v5 =	vld [tilespmem:s12+$0x16610]  }
0x358: {  	v6 =	vld [tilespmem:s12+$0xE620];
	v0 =	vsub.f32 v0, v1  }
0x359: {  	v1 =	vld [tilespmem:s12+$0x16620]  }
0x35a: {  	v2 =	vsub.f32 v2, v3;
	[tilespmem:s12+$0x66F0] =	vst.add.f32.msk $0xffff, v0  }
0x35b: {  	v0 =	vld [tilespmem:s12+$0xE630]  }
0x35c: {  	v3 =	vsub.f32 v4, v5;
	v4 =	vld [tilespmem:s12+$0x16630]  }
0x35d: {  	v5 =	vld [tilespmem:s12+$0xE640]  }
0x35e: {  	v1 =	vsub.f32 v6, v1;
	v6 =	vld [tilespmem:s12+$0x16640]  }
0x35f: {  	v7 =	vld [tilespmem:s12+$0xE650]  }
0x360: {  	v8 =	vld [tilespmem:s12+$0x16650]  }
0x361: {  	v0 =	vsub.f32 v0, v4;
	v4 =	vld [tilespmem:s12+$0xE660]  }
0x362: {  	v9 =	vld [tilespmem:s12+$0x16660]  }
0x363: {  	v5 =	vsub.f32 v5, v6;
	v6 =	vld [tilespmem:s12+$0xE670]  }
0x364: {  	v10 =	vld [tilespmem:s12+$0x16670]  }
0x365: {  	v7 =	vsub.f32 v7, v8;
	v8 =	vld [tilespmem:s12+$0xE680]  }
0x366: {  	v11 =	vld [tilespmem:s12+$0x16680]  }
0x367: {  	v4 =	vsub.f32 v4, v9;
	v9 =	vld [tilespmem:s12+$0xE690]  }
0x368: {  	v12 =	vld [tilespmem:s12+$0x16690]  }
0x369: {  	v6 =	vsub.f32 v6, v10;
	v10 =	vld [tilespmem:s12+$0xE6A0]  }
0x36a: {  	v13 =	vld [tilespmem:s12+$0x166A0]  }
0x36b: {  	v8 =	vsub.f32 v8, v11;
	v11 =	vld [tilespmem:s12+$0xE6B0]  }
0x36c: {  	v14 =	vld [tilespmem:s12+$0x166B0]  }
0x36d: {  	v9 =	vsub.f32 v9, v12;
	v12 =	vld [tilespmem:s12+$0xE6C0]  }
0x36e: {  	v15 =	vld [tilespmem:s12+$0x166C0]  }
0x36f: {  	v10 =	vsub.f32 v10, v13;
	v13 =	vld [tilespmem:s12+$0xE6D0]  }
0x370: {  	v16 =	vld [tilespmem:s12+$0x166D0]  }
0x371: {  	v11 =	vsub.f32 v11, v14;
	v14 =	vld [tilespmem:s12+$0xE6E0]  }
0x372: {  	v17 =	vld [tilespmem:s12+$0x166E0]  }
0x373: {  	[tilespmem:s12+$0x6600] =	vst.add.f32.msk $0xffff, v2;
	v2 =	vsub.f32 v12, v15  }
0x374: {  	[tilespmem:s12+$0x6610] =	vst.add.f32.msk $0xffff, v3  }
0x375: {  	[tilespmem:s12+$0x6620] =	vst.add.f32.msk $0xffff, v1;
	v1 =	vsub.f32 v13, v16  }
0x376: {  	[tilespmem:s12+$0x6630] =	vst.add.f32.msk $0xffff, v0  }
0x377: {  	[tilespmem:s12+$0x6640] =	vst.add.f32.msk $0xffff, v5;
	v0 =	vsub.f32 v14, v17  }
0x378: {  	[tilespmem:s12+$0x6650] =	vst.add.f32.msk $0xffff, v7  }
0x379: {  	[tilespmem:s12+$0x6660] =	vst.add.f32.msk $0xffff, v4  }
0x37a: {  	[tilespmem:s12+$0x6670] =	vst.add.f32.msk $0xffff, v6  }
0x37b: {  	[tilespmem:s12+$0x6680] =	vst.add.f32.msk $0xffff, v8  }
0x37c: {  	[tilespmem:s12+$0x6690] =	vst.add.f32.msk $0xffff, v9  }
0x37d: {  	[tilespmem:s12+$0x66A0] =	vst.add.f32.msk $0xffff, v10  }
.Ltmp7:
0x37e: {  	[tilespmem:s12+$0x66B0] =	vst.add.f32.msk $0xffff, v11;
	(pc) =	sbr.rel @p1 .LBB2_16-.Ltmp7, $4  }
0x37f: {  	[tilespmem:s12+$0x66C0] =	vst.add.f32.msk $0xffff, v2  }
0x380: {  	[tilespmem:s12+$0x66D0] =	vst.add.f32.msk $0xffff, v1  }
0x381: {  	[tilespmem:s12+$0x66E0] =	vst.add.f32.msk $0xffff, v0;
	s12 =	sshra.s32 s13, $0x2  }
0x382: {  	s13 =	sadd.s32 $0x400, s13;
	v0 =	vld [tilespmem:s12+$0xE6F0]  }
0x383: {  	v1 =	vld [tilespmem:s12+$0x166F0]  }
0x384: {  	v2 =	vld [tilespmem:s12+$0xE600]  }
0x385: {  	v3 =	vld [tilespmem:s12+$0x16600]  }
0x386: {  	v4 =	vld [tilespmem:s12+$0xE610]  }
0x387: {  	v5 =	vld [tilespmem:s12+$0x16610]  }
0x388: {  	v6 =	vld [tilespmem:s12+$0xE620]  }
0x389: {  	v49 =	vld [tilespmem:s12+$0x16620]  }
0x38a: {  	v50 =	vld [tilespmem:s12+$0xE630]  }
0x38b: {  	v7 =	vld [tilespmem:s12+$0x16630]  }
0x38c: {  	v8 =	vld [tilespmem:s12+$0xE640]  }
0x38d: {  	v9 =	vld [tilespmem:s12+$0x16640]  }
0x38e: {  	v10 =	vld [tilespmem:s12+$0xE650]  }
0x38f: {  	v11 =	vld [tilespmem:s12+$0x16650]  }
0x390: {  	v12 =	vld [tilespmem:s12+$0xE660]  }
0x391: {  	v13 =	vld [tilespmem:s12+$0x16660]  }
0x392: {  	v14 =	vld [tilespmem:s12+$0xE670]  }
0x393: {  	v15 =	vld [tilespmem:s12+$0x16670]  }
0x394: {  	v16 =	vld [tilespmem:s12+$0xE680]  }
0x395: {  	v17 =	vld [tilespmem:s12+$0x16680]  }
0x396: {  	v18 =	vld [tilespmem:s12+$0xE690]  }
0x397: {  	v19 =	vld [tilespmem:s12+$0x16690]  }
0x398: {  	v20 =	vld [tilespmem:s12+$0xE6A0]  }
0x399: {  	v21 =	vld [tilespmem:s12+$0x166A0]  }
0x39a: {  	v22 =	vld [tilespmem:s12+$0xE6B0]  }
0x39b: {  	v23 =	vld [tilespmem:s12+$0x166B0]  }
0x39c: {  	v24 =	vld [tilespmem:s12+$0xE6C0]  }
0x39d: {  	v25 =	vld [tilespmem:s12+$0x166C0]  }
0x39e: {  	v26 =	vld [tilespmem:s12+$0xE6D0]  }
0x39f: {  	v27 =	vld [tilespmem:s12+$0x166D0]  }
0x3a0: {  	v51 =	vld [tilespmem:s12+$0xE6E0];
	v0 =	vsub.f32 v0, v1  }
0x3a1: {  	v52 =	vld [tilespmem:s12+$0x166E0];
	v2 =	vsub.f32 v2, v3  }
0x3a2: {  	v4 =	vsub.f32 v4, v5;
	[tilespmem:s12+$0x66F0] =	vst.add.f32.msk $0xffff, v0  }
0x3a3: {  	v1 =	vsub.f32 v6, v49;
	[tilespmem:s12+$0x6600] =	vst.add.f32.msk $0xffff, v2  }
0x3a4: {  	v53 =	vsub.f32 v8, v9;
	[tilespmem:s12+$0x6610] =	vst.add.f32.msk $0xffff, v4  }
0x3a5: {  	v54 =	vsub.f32 v10, v11;
	[tilespmem:s12+$0x6620] =	vst.add.f32.msk $0xffff, v1  }
0x3a6: {  	v55 =	vsub.f32 v12, v13;
	[tilespmem:s12+$0x6640] =	vst.add.f32.msk $0xffff, v53  }
0x3a7: {  	v56 =	vsub.f32 v14, v15;
	[tilespmem:s12+$0x6650] =	vst.add.f32.msk $0xffff, v54  }
0x3a8: {  	v57 =	vsub.f32 v16, v17;
	[tilespmem:s12+$0x6660] =	vst.add.f32.msk $0xffff, v55  }
0x3a9: {  	v58 =	vsub.f32 v18, v19;
	[tilespmem:s12+$0x6670] =	vst.add.f32.msk $0xffff, v56  }
0x3aa: {  	v59 =	vsub.f32 v20, v21;
	[tilespmem:s12+$0x6680] =	vst.add.f32.msk $0xffff, v57  }
0x3ab: {  	v60 =	vsub.f32 v22, v23;
	[tilespmem:s12+$0x6690] =	vst.add.f32.msk $0xffff, v58  }
0x3ac: {  	v61 =	vsub.f32 v24, v25;
	[tilespmem:s12+$0x66A0] =	vst.add.f32.msk $0xffff, v59  }
0x3ad: {  	v62 =	vsub.f32 v26, v27;
	[tilespmem:s12+$0x66B0] =	vst.add.f32.msk $0xffff, v60  }
0x3ae: {  	v63 =	vsub.f32 v51, v52;
	[tilespmem:s12+$0x66C0] =	vst.add.f32.msk $0xffff, v61  }
0x3af: {  	v0 =	vsub.f32 v50, v7;
	[tilespmem:s12+$0x66D0] =	vst.add.f32.msk $0xffff, v62  }
0x3b0: {  	[tilespmem:s12+$0x66E0] =	vst.add.f32.msk $0xffff, v63  }
0x3b1: {  	s16 =	rddreg [dreg:$0x11];
	[tilespmem:s12+$0x6630] =	vst.add.f32.msk $0xffff, v0  }
0x3b2: {  	[hbm4b:s16+s4] =	stream.linear.scatter [tilespmem:s19], [sflag:$0xC], $0x2000, $0x38;
	[tilespmem:$0x1A540] =	vst v63  }
0x3b3: {  	_ =	swait.ge [sflag:s30], $0x2000  }
0x3b4: {  	[sflag:s30] =	ssyncset.done $0x0  }
0x3b5: {  	[sflag:s30] =	ssyncadd.s32 $0xFFFFE000  }
0x3b6: {  	_ =	swait.ge [sflag:s29], $0x2000  }
0x3b7: {  	[sflag:s29] =	ssyncset.done $0x0  }
0x3b8: {  	[sflag:s29] =	ssyncadd.s32 $0xFFFFE000  }
0x3b9: {  	_ =	swait.ge [sflag:s26], $0x2000  }
0x3ba: {  	[sflag:s26] =	ssyncset.done $0x0  }
0x3bb: {  	[sflag:s26] =	ssyncadd.s32 $0xFFFFE000  }
0x3bc: {  	_ =	swait.ge [sflag:s10], $0x2000  }
0x3bd: {  	s11 =	sadd.s32 $0x1, s11;
	s20 =	rddreg [dreg:$0x12]  }
0x3be: {  	p1 =	sne.s32 s11, s20  }
.Ltmp8:
0x3bf: {  	_ = 	snop;
	(pc) =	sbr.rel @p1 .LBB2_1-.Ltmp8, $3  }
0x3c0: {  	_ =	sdelay $0x1  }
0x3c1: {  	[sflag:s10] =	ssyncset.done $0x0  }
0x3c2: {  	[sflag:s10] =	ssyncadd.s32 $0xFFFFE000  }
0x3c3: {  	_ =	sfence.sel $0x180000  }
0x3c4: {  	[bflag:$0x0] =	sbarrier.arrive $0xFFFF  }
0x3c5: {  	_ =	strace $0x90000047  }
0x3c6: {  	[bflag:$0x2] =	sbarrier.arrive $0xFFFF  }
0x3c7: {  	s0 =	rddreg [dreg:$0x7]  }
0x3c8: {  	s0 =	sadd.s32 @!p0 $0x100000, s0  }
0x3c9: {  	[sflag:s0] =	ssyncadd.tile.s32 @!p0 $0x1;
	_ =	shalt  }
.Lfunc_end2:
_tile_overlayer_lowered:
.L_overlay_start_2:
0x3ca: {  	(tag) =	ssettag $0x2  }
0x3cb: {  	s0 =	rddreg [dreg:$0x0];
	s2 =	stileid.u32  }
0x3cc: {  	s1 =	rddreg [dreg:$0x1];
	p0 =	sne.s32 s2, $0x0  }
0x3cd: {  	s3 =	rddreg [dreg:$0x2];
	[bflag:$0x3] =	sbarrier.arrive $0xFFFF;
	s2 =	simm.s32 @!p0 $0x1C0D  }
0x3ce: {  	[timem:s3], [sflag:s2] =	dma.local @!p0 [hbm:s0], s1  }
0x3cf: {  	s0 =	simm.s32 @!p0 $0xD  }
0x3d0: {  	_ =	swait.ge @!p0 [sflag:s0], s1  }
0x3d1: {  	s1 =	ssub.s32 @!p0 $0x0, s1;
	[sflag:s0] =	ssyncset.done @!p0 $0x0  }
0x3d2: {  	[sflag:s0] =	ssyncadd.s32 @!p0 s1  }
0x3d3: {  	[bflag:$0x3] =	sbarrier.arrive $0xFFFF  }
0x3d4: {  	_ =	shalt  }

</sc_bundles>
